<compile_context>
chip_gen: v7x
topology: tpu7x:2x2x1
jax: 0.10.2.dev20260603
libtpu: 0.0.44.dev20260713+nightly
codegen_flags: <defaults>
</compile_context>

<pallas_src>
import jax
import jax.numpy as jnp
from jax import lax
from jax.experimental import pallas as pl
from jax.experimental.pallas import tpu as pltpu
from jax.experimental.pallas import tpu_sc as plsc

B = 16384
K = 32
NC = 2
NS = 16
NW = NC * NS
BPW = B // NW
CH = 128
NCH = BPW // CH
PAD = 17


def _mf_body(du_hbm, di_hbm, ue_hbm, ie_hbm, ub_hbm, ib_hbm, out_hbm,
             idx_u, idx_i, urows, irows, ubv, ibv, spad, outv, sem):
    wid = lax.axis_index("s") * NC + lax.axis_index("c")

    pltpu.sync_copy(du_hbm.at[wid], idx_u)
    pltpu.sync_copy(di_hbm.at[wid], idx_i)

    copies = []
    for c in range(NCH):
        copies.append(pltpu.async_copy(ue_hbm.at[idx_u.at[c]], urows.at[c], sem))
        copies.append(pltpu.async_copy(ie_hbm.at[idx_i.at[c]], irows.at[c], sem))
        copies.append(pltpu.async_copy(ub_hbm.at[idx_u.at[c]], ubv.at[c], sem))
        copies.append(pltpu.async_copy(ib_hbm.at[idx_i.at[c]], ibv.at[c], sem))
    for cp in copies:
        cp.wait()

    lane = jnp.arange(16, dtype=jnp.int32)
    for c in range(NCH):
        @pl.loop(0, CH, unroll=4)
        def _(rr):
            u0 = urows[c, rr, pl.ds(0, 16)]
            u1 = urows[c, rr, pl.ds(16, 16)]
            i0 = irows[c, rr, pl.ds(0, 16)]
            i1 = irows[c, rr, pl.ds(16, 16)]
            t = u0 * i0 + u1 * i1
            plsc.store_scatter(spad, [(c * CH + rr) * PAD + lane], t)

    gpc = CH // 16
    for g in range(BPW // 16):
        base = (g * 16 + lane) * PAD
        acc = (ubv[g // gpc, pl.ds((g % gpc) * 16, 16)] +
               ibv[g // gpc, pl.ds((g % gpc) * 16, 16)])
        for j in range(16):
            acc = acc + plsc.load_gather(spad, [base + j])
        outv[pl.ds(g * 16, 16)] = acc

    pltpu.sync_copy(outv, out_hbm.at[pl.ds(wid * BPW, BPW)])


@jax.jit
def _mf(du, di, u_emb, i_emb, ub, ib):
    mesh = plsc.VectorSubcoreMesh(core_axis_name="c", subcore_axis_name="s")
    return pl.kernel(
        _mf_body,
        out_type=jax.ShapeDtypeStruct((B,), jnp.float32),
        mesh=mesh,
        compiler_params=pltpu.CompilerParams(
            needs_layout_passes=False, use_tc_tiling_on_sc=False),
        scratch_types=[
            pltpu.VMEM((NCH, CH), jnp.int32),
            pltpu.VMEM((NCH, CH), jnp.int32),
            pltpu.VMEM((NCH, CH, K), jnp.float32),
            pltpu.VMEM((NCH, CH, K), jnp.float32),
            pltpu.VMEM((NCH, CH), jnp.float32),
            pltpu.VMEM((NCH, CH), jnp.float32),
            pltpu.VMEM((BPW * PAD,), jnp.float32),
            pltpu.VMEM((BPW,), jnp.float32),
            pltpu.SemaphoreType.DMA,
        ],
    )(du, di, u_emb, i_emb, ub, ib)


def kernel(data_u, data_i, u_emb, i_emb, user_b, item_b):
    du = data_u.astype(jnp.int32).reshape(NW, NCH, CH)
    di = data_i.astype(jnp.int32).reshape(NW, NCH, CH)
    ub = user_b.reshape(-1)
    ib = item_b.reshape(-1)
    return _mf(du, di, u_emb, i_emb, ub, ib)

# --- scband reference (transcript-rebuilt; emitter-appended) ---
"""Pipeline reference for scband-mf-37623913513294 (READ-ONLY COPY).

The authoritative reference and input builder live on the scoring server;
editing this copy changes nothing except your own understanding.
"""

import jax, jax.numpy as jnp
import numpy as np

N_USERS = 1000000
N_ITEMS = 1000000
K = 32
BATCH = 16384


def setup_inputs(seed: int = 0) -> dict:
    key = jax.random.key(seed)
    k1, k2, k3, k4, k5, k6 = jax.random.split(key, 6)
    stdv = 1.0 / np.sqrt(K)
    data_u = jax.random.randint(k1, (BATCH,), 0, N_USERS, dtype=jnp.int64 if jax.config.jax_enable_x64 else jnp.int32)
    data_i = jax.random.randint(k2, (BATCH,), 0, N_ITEMS, dtype=jnp.int64 if jax.config.jax_enable_x64 else jnp.int32)
    u_emb = jax.random.uniform(k3, (N_USERS, K), minval=-stdv, maxval=stdv, dtype=jnp.float32)
    i_emb = jax.random.uniform(k4, (N_ITEMS, K), minval=-stdv, maxval=stdv, dtype=jnp.float32)
    user_b = jax.random.uniform(k5, (N_USERS, 1), minval=-stdv, maxval=stdv, dtype=jnp.float32)
    item_b = jax.random.uniform(k6, (N_ITEMS, 1), minval=-stdv, maxval=stdv, dtype=jnp.float32)
    return {"data_u": data_u, "data_i": data_i, "u_emb": u_emb, "i_emb": i_emb, "user_b": user_b, "item_b": item_b}


def reference(data_u, data_i, u_emb, i_emb, user_b, item_b):
    # user_emb: [B, 1, K], item_emb: [B, K, 1]
    user_emb = jnp.take(u_emb, data_u, axis=0)[:, None, :]
    item_emb = jnp.take(i_emb, data_i, axis=0)[:, :, None]
    outputs = jnp.matmul(user_emb, item_emb)  # [B, 1, 1]
    outputs = jnp.squeeze(outputs) + jnp.squeeze(jnp.take(user_b, data_u, axis=0)) + jnp.squeeze(jnp.take(item_b, data_i, axis=0))
    return jnp.squeeze(outputs)

if __name__ == "__main__":
    import jax
    _d = setup_inputs()
    print(jax.jit(kernel)(*tuple(_d.values())))

</pallas_src>

<mosaic_0001>
#map = affine_map<(d0, d1) -> (0, 0, 0)>
#map1 = affine_map<(d0, d1) -> (0, 0)>
#map2 = affine_map<(d0, d1) -> (0)>
module attributes {stable_mosaic.version = 14 : i64} {
  func.func @_mf_body(%arg0: i32, %arg1: i32, %arg2: memref<32x4x128xi32, #tpu.memory_space<hbm>>, %arg3: memref<32x4x128xi32, #tpu.memory_space<hbm>>, %arg4: memref<1000000x32xf32, #tpu.memory_space<hbm>>, %arg5: memref<1000000x32xf32, #tpu.memory_space<hbm>>, %arg6: memref<1000000xf32, #tpu.memory_space<hbm>>, %arg7: memref<1000000xf32, #tpu.memory_space<hbm>>, %arg8: memref<16384xf32, #tpu.memory_space<hbm>>, %arg9: memref<4x128xi32, #tpu.memory_space<vmem>>, %arg10: memref<4x128xi32, #tpu.memory_space<vmem>>, %arg11: memref<4x128x32xf32, #tpu.memory_space<vmem>>, %arg12: memref<4x128x32xf32, #tpu.memory_space<vmem>>, %arg13: memref<4x128xf32, #tpu.memory_space<vmem>>, %arg14: memref<4x128xf32, #tpu.memory_space<vmem>>, %arg15: memref<8704xf32, #tpu.memory_space<vmem>>, %arg16: memref<512xf32, #tpu.memory_space<vmem>>, %arg17: memref<!tpu.dma_semaphore, #tpu.memory_space<semaphore_mem>>) attributes {dimension_semantics = [#tpu.dimension_semantics<core_parallel>, #tpu.dimension_semantics<subcore_parallel>], iteration_bounds = array<i64: 2, 16>, scalar_prefetch = 0 : i64, scratch_operands = 9 : i64, tpu.core_type = #tpu.core_type<sc_vector_subcore>, window_params = [{transform_indices = #map}, {transform_indices = #map}, {transform_indices = #map1}, {transform_indices = #map1}, {transform_indices = #map2}, {transform_indices = #map2}, {transform_indices = #map2}]} {
    %mul3A = arith.constant 2 : i32
    %mul3A_0 = arith.muli %arg1, %mul3A : i32
    %add3A = arith.addi %mul3A_0, %arg0 : i32
    "tpu.region"() ({
      %run_scoped3A = tpu.sem_alloc : memref<!tpu.dma_semaphore, #tpu.memory_space<semaphore_mem>>
      %dma_start3A_3473 = arith.constant 0 : i32
      %dma_start3A_3474 = arith.constant 0 : i32
      %dma_start3A_3475 = tpu.memref_slice %arg2[%add3A, %dma_start3A_3473, %dma_start3A_3474] : memref<32x4x128xi32, #tpu.memory_space<hbm>> -> memref<1x4x128xi32, #tpu.memory_space<hbm>>
      %dma_start3A_3476 = tpu.memref_squeeze %dma_start3A_3475 : memref<1x4x128xi32, #tpu.memory_space<hbm>> -> memref<4x128xi32, #tpu.memory_space<hbm>>
      %dma_start3A_3477 = arith.constant 0 : i32
      %dma_start3A_3478 = arith.constant 0 : i32
      %dma_start3A_3479 = tpu.memref_slice %arg2[%add3A, %dma_start3A_3477, %dma_start3A_3478] : memref<32x4x128xi32, #tpu.memory_space<hbm>> -> memref<1x4x128xi32, #tpu.memory_space<hbm>>
      %dma_start3A_3480 = tpu.memref_squeeze %dma_start3A_3479 : memref<1x4x128xi32, #tpu.memory_space<hbm>> -> memref<4x128xi32, #tpu.memory_space<hbm>>
      tpu.enqueue_dma source(%dma_start3A_3480 : memref<4x128xi32, #tpu.memory_space<hbm>>) target(%arg9 : memref<4x128xi32, #tpu.memory_space<vmem>>) target_semaphore(%run_scoped3A : memref<!tpu.dma_semaphore, #tpu.memory_space<semaphore_mem>>)
      %dma_wait3A_3481 = arith.constant 0 : i32
      %dma_wait3A_3482 = arith.constant 0 : i32
      %dma_wait3A_3483 = tpu.memref_slice %arg2[%add3A, %dma_wait3A_3481, %dma_wait3A_3482] : memref<32x4x128xi32, #tpu.memory_space<hbm>> -> memref<1x4x128xi32, #tpu.memory_space<hbm>>
      %dma_wait3A_3484 = tpu.memref_squeeze %dma_wait3A_3483 : memref<1x4x128xi32, #tpu.memory_space<hbm>> -> memref<4x128xi32, #tpu.memory_space<hbm>>
      %dma_wait3A_3485 = arith.constant 0 : i32
      %dma_wait3A_3486 = arith.constant 0 : i32
      %dma_wait3A_3487 = tpu.memref_slice %arg2[%add3A, %dma_wait3A_3485, %dma_wait3A_3486] : memref<32x4x128xi32, #tpu.memory_space<hbm>> -> memref<1x4x128xi32, #tpu.memory_space<hbm>>
      %dma_wait3A_3488 = tpu.memref_squeeze %dma_wait3A_3487 : memref<1x4x128xi32, #tpu.memory_space<hbm>> -> memref<4x128xi32, #tpu.memory_space<hbm>>
      tpu.wait_dma2 semaphore(%run_scoped3A : memref<!tpu.dma_semaphore, #tpu.memory_space<semaphore_mem>>) src(%dma_wait3A_3488 : memref<4x128xi32, #tpu.memory_space<hbm>>) dst(%arg9 : memref<4x128xi32, #tpu.memory_space<vmem>>)
      tpu.yield
    }) : () -> ()
    "tpu.region"() ({
      %run_scoped3A = tpu.sem_alloc : memref<!tpu.dma_semaphore, #tpu.memory_space<semaphore_mem>>
      %dma_start3A_3473 = arith.constant 0 : i32
      %dma_start3A_3474 = arith.constant 0 : i32
      %dma_start3A_3475 = tpu.memref_slice %arg3[%add3A, %dma_start3A_3473, %dma_start3A_3474] : memref<32x4x128xi32, #tpu.memory_space<hbm>> -> memref<1x4x128xi32, #tpu.memory_space<hbm>>
      %dma_start3A_3476 = tpu.memref_squeeze %dma_start3A_3475 : memref<1x4x128xi32, #tpu.memory_space<hbm>> -> memref<4x128xi32, #tpu.memory_space<hbm>>
      %dma_start3A_3477 = arith.constant 0 : i32
      %dma_start3A_3478 = arith.constant 0 : i32
      %dma_start3A_3479 = tpu.memref_slice %arg3[%add3A, %dma_start3A_3477, %dma_start3A_3478] : memref<32x4x128xi32, #tpu.memory_space<hbm>> -> memref<1x4x128xi32, #tpu.memory_space<hbm>>
      %dma_start3A_3480 = tpu.memref_squeeze %dma_start3A_3479 : memref<1x4x128xi32, #tpu.memory_space<hbm>> -> memref<4x128xi32, #tpu.memory_space<hbm>>
      tpu.enqueue_dma source(%dma_start3A_3480 : memref<4x128xi32, #tpu.memory_space<hbm>>) target(%arg10 : memref<4x128xi32, #tpu.memory_space<vmem>>) target_semaphore(%run_scoped3A : memref<!tpu.dma_semaphore, #tpu.memory_space<semaphore_mem>>)
      %dma_wait3A_3481 = arith.constant 0 : i32
      %dma_wait3A_3482 = arith.constant 0 : i32
      %dma_wait3A_3483 = tpu.memref_slice %arg3[%add3A, %dma_wait3A_3481, %dma_wait3A_3482] : memref<32x4x128xi32, #tpu.memory_space<hbm>> -> memref<1x4x128xi32, #tpu.memory_space<hbm>>
      %dma_wait3A_3484 = tpu.memref_squeeze %dma_wait3A_3483 : memref<1x4x128xi32, #tpu.memory_space<hbm>> -> memref<4x128xi32, #tpu.memory_space<hbm>>
      %dma_wait3A_3485 = arith.constant 0 : i32
      %dma_wait3A_3486 = arith.constant 0 : i32
      %dma_wait3A_3487 = tpu.memref_slice %arg3[%add3A, %dma_wait3A_3485, %dma_wait3A_3486] : memref<32x4x128xi32, #tpu.memory_space<hbm>> -> memref<1x4x128xi32, #tpu.memory_space<hbm>>
      %dma_wait3A_3488 = tpu.memref_squeeze %dma_wait3A_3487 : memref<1x4x128xi32, #tpu.memory_space<hbm>> -> memref<4x128xi32, #tpu.memory_space<hbm>>
      tpu.wait_dma2 semaphore(%run_scoped3A : memref<!tpu.dma_semaphore, #tpu.memory_space<semaphore_mem>>) src(%dma_wait3A_3488 : memref<4x128xi32, #tpu.memory_space<hbm>>) dst(%arg10 : memref<4x128xi32, #tpu.memory_space<vmem>>)
      tpu.yield
    }) : () -> ()
    %dma_start3A = arith.constant 0 : i32
    %dma_start3A_1 = arith.constant 0 : i32
    %dma_start3A_2 = arith.constant 0 : i32
    %dma_start3A_3 = arith.constant 0 : i32
    %dma_start3A_4 = tpu.memref_slice %arg11[%dma_start3A_1, %dma_start3A_2, %dma_start3A_3] : memref<4x128x32xf32, #tpu.memory_space<vmem>> -> memref<1x128x32xf32, #tpu.memory_space<vmem>>
    %dma_start3A_5 = tpu.memref_squeeze %dma_start3A_4 : memref<1x128x32xf32, #tpu.memory_space<vmem>> -> memref<128x32xf32, #tpu.memory_space<vmem>>
    %dma_start3A_6 = arith.constant 0 : i32
    %dma_start3A_7 = tpu.memref_slice %arg9[%dma_start3A, %dma_start3A_6] : memref<4x128xi32, #tpu.memory_space<vmem>> -> memref<1x128xi32, #tpu.memory_space<vmem>>
    %dma_start3A_8 = tpu.memref_squeeze %dma_start3A_7 : memref<1x128xi32, #tpu.memory_space<vmem>> -> memref<128xi32, #tpu.memory_space<vmem>>
    %dma_start3A_9 = arith.constant 0 : i32
    %dma_start3A_10 = arith.constant 0 : i32
    %dma_start3A_11 = tpu.memref_slice %arg4[%dma_start3A_9, %dma_start3A_10] : memref<1000000x32xf32, #tpu.memory_space<hbm>> -> memref<1000000x32xf32, #tpu.memory_space<hbm>>
    tpu.enqueue_indirect_dma source(%dma_start3A_11 : memref<1000000x32xf32, #tpu.memory_space<hbm>>) target(%dma_start3A_5 : memref<128x32xf32, #tpu.memory_space<vmem>>) offsets(%dma_start3A_8 : memref<128xi32, #tpu.memory_space<vmem>>) semaphore(%arg17 : memref<!tpu.dma_semaphore, #tpu.memory_space<semaphore_mem>>)
    %dma_start3A_12 = arith.constant 0 : i32
    %dma_start3A_13 = arith.constant 0 : i32
    %dma_start3A_14 = arith.constant 0 : i32
    %dma_start3A_15 = arith.constant 0 : i32
    %dma_start3A_16 = tpu.memref_slice %arg12[%dma_start3A_13, %dma_start3A_14, %dma_start3A_15] : memref<4x128x32xf32, #tpu.memory_space<vmem>> -> memref<1x128x32xf32, #tpu.memory_space<vmem>>
    %dma_start3A_17 = tpu.memref_squeeze %dma_start3A_16 : memref<1x128x32xf32, #tpu.memory_space<vmem>> -> memref<128x32xf32, #tpu.memory_space<vmem>>
    %dma_start3A_18 = arith.constant 0 : i32
    %dma_start3A_19 = tpu.memref_slice %arg10[%dma_start3A_12, %dma_start3A_18] : memref<4x128xi32, #tpu.memory_space<vmem>> -> memref<1x128xi32, #tpu.memory_space<vmem>>
    %dma_start3A_20 = tpu.memref_squeeze %dma_start3A_19 : memref<1x128xi32, #tpu.memory_space<vmem>> -> memref<128xi32, #tpu.memory_space<vmem>>
    %dma_start3A_21 = arith.constant 0 : i32
    %dma_start3A_22 = arith.constant 0 : i32
    %dma_start3A_23 = tpu.memref_slice %arg5[%dma_start3A_21, %dma_start3A_22] : memref<1000000x32xf32, #tpu.memory_space<hbm>> -> memref<1000000x32xf32, #tpu.memory_space<hbm>>
    tpu.enqueue_indirect_dma source(%dma_start3A_23 : memref<1000000x32xf32, #tpu.memory_space<hbm>>) target(%dma_start3A_17 : memref<128x32xf32, #tpu.memory_space<vmem>>) offsets(%dma_start3A_20 : memref<128xi32, #tpu.memory_space<vmem>>) semaphore(%arg17 : memref<!tpu.dma_semaphore, #tpu.memory_space<semaphore_mem>>)
    %dma_start3A_24 = arith.constant 0 : i32
    %dma_start3A_25 = arith.constant 0 : i32
    %dma_start3A_26 = arith.constant 0 : i32
    %dma_start3A_27 = tpu.memref_slice %arg13[%dma_start3A_25, %dma_start3A_26] : memref<4x128xf32, #tpu.memory_space<vmem>> -> memref<1x128xf32, #tpu.memory_space<vmem>>
    %dma_start3A_28 = tpu.memref_squeeze %dma_start3A_27 : memref<1x128xf32, #tpu.memory_space<vmem>> -> memref<128xf32, #tpu.memory_space<vmem>>
    %dma_start3A_29 = arith.constant 0 : i32
    %dma_start3A_30 = tpu.memref_slice %arg9[%dma_start3A_24, %dma_start3A_29] : memref<4x128xi32, #tpu.memory_space<vmem>> -> memref<1x128xi32, #tpu.memory_space<vmem>>
    %dma_start3A_31 = tpu.memref_squeeze %dma_start3A_30 : memref<1x128xi32, #tpu.memory_space<vmem>> -> memref<128xi32, #tpu.memory_space<vmem>>
    %dma_start3A_32 = arith.constant 0 : i32
    %dma_start3A_33 = tpu.memref_slice %arg6[%dma_start3A_32] : memref<1000000xf32, #tpu.memory_space<hbm>> -> memref<1000000xf32, #tpu.memory_space<hbm>>
    tpu.enqueue_indirect_dma source(%dma_start3A_33 : memref<1000000xf32, #tpu.memory_space<hbm>>) target(%dma_start3A_28 : memref<128xf32, #tpu.memory_space<vmem>>) offsets(%dma_start3A_31 : memref<128xi32, #tpu.memory_space<vmem>>) semaphore(%arg17 : memref<!tpu.dma_semaphore, #tpu.memory_space<semaphore_mem>>)
    %dma_start3A_34 = arith.constant 0 : i32
    %dma_start3A_35 = arith.constant 0 : i32
    %dma_start3A_36 = arith.constant 0 : i32
    %dma_start3A_37 = tpu.memref_slice %arg14[%dma_start3A_35, %dma_start3A_36] : memref<4x128xf32, #tpu.memory_space<vmem>> -> memref<1x128xf32, #tpu.memory_space<vmem>>
    %dma_start3A_38 = tpu.memref_squeeze %dma_start3A_37 : memref<1x128xf32, #tpu.memory_space<vmem>> -> memref<128xf32, #tpu.memory_space<vmem>>
    %dma_start3A_39 = arith.constant 0 : i32
    %dma_start3A_40 = tpu.memref_slice %arg10[%dma_start3A_34, %dma_start3A_39] : memref<4x128xi32, #tpu.memory_space<vmem>> -> memref<1x128xi32, #tpu.memory_space<vmem>>
    %dma_start3A_41 = tpu.memref_squeeze %dma_start3A_40 : memref<1x128xi32, #tpu.memory_space<vmem>> -> memref<128xi32, #tpu.memory_space<vmem>>
    %dma_start3A_42 = arith.constant 0 : i32
    %dma_start3A_43 = tpu.memref_slice %arg7[%dma_start3A_42] : memref<1000000xf32, #tpu.memory_space<hbm>> -> memref<1000000xf32, #tpu.memory_space<hbm>>
    tpu.enqueue_indirect_dma source(%dma_start3A_43 : memref<1000000xf32, #tpu.memory_space<hbm>>) target(%dma_start3A_38 : memref<128xf32, #tpu.memory_space<vmem>>) offsets(%dma_start3A_41 : memref<128xi32, #tpu.memory_space<vmem>>) semaphore(%arg17 : memref<!tpu.dma_semaphore, #tpu.memory_space<semaphore_mem>>)
    %dma_start3A_44 = arith.constant 1 : i32
    %dma_start3A_45 = arith.constant 1 : i32
    %dma_start3A_46 = arith.constant 0 : i32
    %dma_start3A_47 = arith.constant 0 : i32
    %dma_start3A_48 = tpu.memref_slice %arg11[%dma_start3A_45, %dma_start3A_46, %dma_start3A_47] : memref<4x128x32xf32, #tpu.memory_space<vmem>> -> memref<1x128x32xf32, #tpu.memory_space<vmem>>
    %dma_start3A_49 = tpu.memref_squeeze %dma_start3A_48 : memref<1x128x32xf32, #tpu.memory_space<vmem>> -> memref<128x32xf32, #tpu.memory_space<vmem>>
    %dma_start3A_50 = arith.constant 0 : i32
    %dma_start3A_51 = tpu.memref_slice %arg9[%dma_start3A_44, %dma_start3A_50] : memref<4x128xi32, #tpu.memory_space<vmem>> -> memref<1x128xi32, #tpu.memory_space<vmem>>
    %dma_start3A_52 = tpu.memref_squeeze %dma_start3A_51 : memref<1x128xi32, #tpu.memory_space<vmem>> -> memref<128xi32, #tpu.memory_space<vmem>>
    %dma_start3A_53 = arith.constant 0 : i32
    %dma_start3A_54 = arith.constant 0 : i32
    %dma_start3A_55 = tpu.memref_slice %arg4[%dma_start3A_53, %dma_start3A_54] : memref<1000000x32xf32, #tpu.memory_space<hbm>> -> memref<1000000x32xf32, #tpu.memory_space<hbm>>
    tpu.enqueue_indirect_dma source(%dma_start3A_55 : memref<1000000x32xf32, #tpu.memory_space<hbm>>) target(%dma_start3A_49 : memref<128x32xf32, #tpu.memory_space<vmem>>) offsets(%dma_start3A_52 : memref<128xi32, #tpu.memory_space<vmem>>) semaphore(%arg17 : memref<!tpu.dma_semaphore, #tpu.memory_space<semaphore_mem>>)
    %dma_start3A_56 = arith.constant 1 : i32
    %dma_start3A_57 = arith.constant 1 : i32
    %dma_start3A_58 = arith.constant 0 : i32
    %dma_start3A_59 = arith.constant 0 : i32
    %dma_start3A_60 = tpu.memref_slice %arg12[%dma_start3A_57, %dma_start3A_58, %dma_start3A_59] : memref<4x128x32xf32, #tpu.memory_space<vmem>> -> memref<1x128x32xf32, #tpu.memory_space<vmem>>
    %dma_start3A_61 = tpu.memref_squeeze %dma_start3A_60 : memref<1x128x32xf32, #tpu.memory_space<vmem>> -> memref<128x32xf32, #tpu.memory_space<vmem>>
    %dma_start3A_62 = arith.constant 0 : i32
    %dma_start3A_63 = tpu.memref_slice %arg10[%dma_start3A_56, %dma_start3A_62] : memref<4x128xi32, #tpu.memory_space<vmem>> -> memref<1x128xi32, #tpu.memory_space<vmem>>
    %dma_start3A_64 = tpu.memref_squeeze %dma_start3A_63 : memref<1x128xi32, #tpu.memory_space<vmem>> -> memref<128xi32, #tpu.memory_space<vmem>>
    %dma_start3A_65 = arith.constant 0 : i32
    %dma_start3A_66 = arith.constant 0 : i32
    %dma_start3A_67 = tpu.memref_slice %arg5[%dma_start3A_65, %dma_start3A_66] : memref<1000000x32xf32, #tpu.memory_space<hbm>> -> memref<1000000x32xf32, #tpu.memory_space<hbm>>
    tpu.enqueue_indirect_dma source(%dma_start3A_67 : memref<1000000x32xf32, #tpu.memory_space<hbm>>) target(%dma_start3A_61 : memref<128x32xf32, #tpu.memory_space<vmem>>) offsets(%dma_start3A_64 : memref<128xi32, #tpu.memory_space<vmem>>) semaphore(%arg17 : memref<!tpu.dma_semaphore, #tpu.memory_space<semaphore_mem>>)
    %dma_start3A_68 = arith.constant 1 : i32
    %dma_start3A_69 = arith.constant 1 : i32
    %dma_start3A_70 = arith.constant 0 : i32
    %dma_start3A_71 = tpu.memref_slice %arg13[%dma_start3A_69, %dma_start3A_70] : memref<4x128xf32, #tpu.memory_space<vmem>> -> memref<1x128xf32, #tpu.memory_space<vmem>>
    %dma_start3A_72 = tpu.memref_squeeze %dma_start3A_71 : memref<1x128xf32, #tpu.memory_space<vmem>> -> memref<128xf32, #tpu.memory_space<vmem>>
    %dma_start3A_73 = arith.constant 0 : i32
    %dma_start3A_74 = tpu.memref_slice %arg9[%dma_start3A_68, %dma_start3A_73] : memref<4x128xi32, #tpu.memory_space<vmem>> -> memref<1x128xi32, #tpu.memory_space<vmem>>
    %dma_start3A_75 = tpu.memref_squeeze %dma_start3A_74 : memref<1x128xi32, #tpu.memory_space<vmem>> -> memref<128xi32, #tpu.memory_space<vmem>>
    %dma_start3A_76 = arith.constant 0 : i32
    %dma_start3A_77 = tpu.memref_slice %arg6[%dma_start3A_76] : memref<1000000xf32, #tpu.memory_space<hbm>> -> memref<1000000xf32, #tpu.memory_space<hbm>>
    tpu.enqueue_indirect_dma source(%dma_start3A_77 : memref<1000000xf32, #tpu.memory_space<hbm>>) target(%dma_start3A_72 : memref<128xf32, #tpu.memory_space<vmem>>) offsets(%dma_start3A_75 : memref<128xi32, #tpu.memory_space<vmem>>) semaphore(%arg17 : memref<!tpu.dma_semaphore, #tpu.memory_space<semaphore_mem>>)
    %dma_start3A_78 = arith.constant 1 : i32
    %dma_start3A_79 = arith.constant 1 : i32
    %dma_start3A_80 = arith.constant 0 : i32
    %dma_start3A_81 = tpu.memref_slice %arg14[%dma_start3A_79, %dma_start3A_80] : memref<4x128xf32, #tpu.memory_space<vmem>> -> memref<1x128xf32, #tpu.memory_space<vmem>>
    %dma_start3A_82 = tpu.memref_squeeze %dma_start3A_81 : memref<1x128xf32, #tpu.memory_space<vmem>> -> memref<128xf32, #tpu.memory_space<vmem>>
    %dma_start3A_83 = arith.constant 0 : i32
    %dma_start3A_84 = tpu.memref_slice %arg10[%dma_start3A_78, %dma_start3A_83] : memref<4x128xi32, #tpu.memory_space<vmem>> -> memref<1x128xi32, #tpu.memory_space<vmem>>
    %dma_start3A_85 = tpu.memref_squeeze %dma_start3A_84 : memref<1x128xi32, #tpu.memory_space<vmem>> -> memref<128xi32, #tpu.memory_space<vmem>>
    %dma_start3A_86 = arith.constant 0 : i32
    %dma_start3A_87 = tpu.memref_slice %arg7[%dma_start3A_86] : memref<1000000xf32, #tpu.memory_space<hbm>> -> memref<1000000xf32, #tpu.memory_space<hbm>>
    tpu.enqueue_indirect_dma source(%dma_start3A_87 : memref<1000000xf32, #tpu.memory_space<hbm>>) target(%dma_start3A_82 : memref<128xf32, #tpu.memory_space<vmem>>) offsets(%dma_start3A_85 : memref<128xi32, #tpu.memory_space<vmem>>) semaphore(%arg17 : memref<!tpu.dma_semaphore, #tpu.memory_space<semaphore_mem>>)
    %dma_start3A_88 = arith.constant 2 : i32
    %dma_start3A_89 = arith.constant 2 : i32
    %dma_start3A_90 = arith.constant 0 : i32
    %dma_start3A_91 = arith.constant 0 : i32
    %dma_start3A_92 = tpu.memref_slice %arg11[%dma_start3A_89, %dma_start3A_90, %dma_start3A_91] : memref<4x128x32xf32, #tpu.memory_space<vmem>> -> memref<1x128x32xf32, #tpu.memory_space<vmem>>
    %dma_start3A_93 = tpu.memref_squeeze %dma_start3A_92 : memref<1x128x32xf32, #tpu.memory_space<vmem>> -> memref<128x32xf32, #tpu.memory_space<vmem>>
    %dma_start3A_94 = arith.constant 0 : i32
    %dma_start3A_95 = tpu.memref_slice %arg9[%dma_start3A_88, %dma_start3A_94] : memref<4x128xi32, #tpu.memory_space<vmem>> -> memref<1x128xi32, #tpu.memory_space<vmem>>
    %dma_start3A_96 = tpu.memref_squeeze %dma_start3A_95 : memref<1x128xi32, #tpu.memory_space<vmem>> -> memref<128xi32, #tpu.memory_space<vmem>>
    %dma_start3A_97 = arith.constant 0 : i32
    %dma_start3A_98 = arith.constant 0 : i32
    %dma_start3A_99 = tpu.memref_slice %arg4[%dma_start3A_97, %dma_start3A_98] : memref<1000000x32xf32, #tpu.memory_space<hbm>> -> memref<1000000x32xf32, #tpu.memory_space<hbm>>
    tpu.enqueue_indirect_dma source(%dma_start3A_99 : memref<1000000x32xf32, #tpu.memory_space<hbm>>) target(%dma_start3A_93 : memref<128x32xf32, #tpu.memory_space<vmem>>) offsets(%dma_start3A_96 : memref<128xi32, #tpu.memory_space<vmem>>) semaphore(%arg17 : memref<!tpu.dma_semaphore, #tpu.memory_space<semaphore_mem>>)
    %dma_start3A_100 = arith.constant 2 : i32
    %dma_start3A_101 = arith.constant 2 : i32
    %dma_start3A_102 = arith.constant 0 : i32
    %dma_start3A_103 = arith.constant 0 : i32
    %dma_start3A_104 = tpu.memref_slice %arg12[%dma_start3A_101, %dma_start3A_102, %dma_start3A_103] : memref<4x128x32xf32, #tpu.memory_space<vmem>> -> memref<1x128x32xf32, #tpu.memory_space<vmem>>
    %dma_start3A_105 = tpu.memref_squeeze %dma_start3A_104 : memref<1x128x32xf32, #tpu.memory_space<vmem>> -> memref<128x32xf32, #tpu.memory_space<vmem>>
    %dma_start3A_106 = arith.constant 0 : i32
    %dma_start3A_107 = tpu.memref_slice %arg10[%dma_start3A_100, %dma_start3A_106] : memref<4x128xi32, #tpu.memory_space<vmem>> -> memref<1x128xi32, #tpu.memory_space<vmem>>
    %dma_start3A_108 = tpu.memref_squeeze %dma_start3A_107 : memref<1x128xi32, #tpu.memory_space<vmem>> -> memref<128xi32, #tpu.memory_space<vmem>>
    %dma_start3A_109 = arith.constant 0 : i32
    %dma_start3A_110 = arith.constant 0 : i32
    %dma_start3A_111 = tpu.memref_slice %arg5[%dma_start3A_109, %dma_start3A_110] : memref<1000000x32xf32, #tpu.memory_space<hbm>> -> memref<1000000x32xf32, #tpu.memory_space<hbm>>
    tpu.enqueue_indirect_dma source(%dma_start3A_111 : memref<1000000x32xf32, #tpu.memory_space<hbm>>) target(%dma_start3A_105 : memref<128x32xf32, #tpu.memory_space<vmem>>) offsets(%dma_start3A_108 : memref<128xi32, #tpu.memory_space<vmem>>) semaphore(%arg17 : memref<!tpu.dma_semaphore, #tpu.memory_space<semaphore_mem>>)
    %dma_start3A_112 = arith.constant 2 : i32
    %dma_start3A_113 = arith.constant 2 : i32
    %dma_start3A_114 = arith.constant 0 : i32
    %dma_start3A_115 = tpu.memref_slice %arg13[%dma_start3A_113, %dma_start3A_114] : memref<4x128xf32, #tpu.memory_space<vmem>> -> memref<1x128xf32, #tpu.memory_space<vmem>>
    %dma_start3A_116 = tpu.memref_squeeze %dma_start3A_115 : memref<1x128xf32, #tpu.memory_space<vmem>> -> memref<128xf32, #tpu.memory_space<vmem>>
    %dma_start3A_117 = arith.constant 0 : i32
    %dma_start3A_118 = tpu.memref_slice %arg9[%dma_start3A_112, %dma_start3A_117] : memref<4x128xi32, #tpu.memory_space<vmem>> -> memref<1x128xi32, #tpu.memory_space<vmem>>
    %dma_start3A_119 = tpu.memref_squeeze %dma_start3A_118 : memref<1x128xi32, #tpu.memory_space<vmem>> -> memref<128xi32, #tpu.memory_space<vmem>>
    %dma_start3A_120 = arith.constant 0 : i32
    %dma_start3A_121 = tpu.memref_slice %arg6[%dma_start3A_120] : memref<1000000xf32, #tpu.memory_space<hbm>> -> memref<1000000xf32, #tpu.memory_space<hbm>>
    tpu.enqueue_indirect_dma source(%dma_start3A_121 : memref<1000000xf32, #tpu.memory_space<hbm>>) target(%dma_start3A_116 : memref<128xf32, #tpu.memory_space<vmem>>) offsets(%dma_start3A_119 : memref<128xi32, #tpu.memory_space<vmem>>) semaphore(%arg17 : memref<!tpu.dma_semaphore, #tpu.memory_space<semaphore_mem>>)
    %dma_start3A_122 = arith.constant 2 : i32
    %dma_start3A_123 = arith.constant 2 : i32
    %dma_start3A_124 = arith.constant 0 : i32
    %dma_start3A_125 = tpu.memref_slice %arg14[%dma_start3A_123, %dma_start3A_124] : memref<4x128xf32, #tpu.memory_space<vmem>> -> memref<1x128xf32, #tpu.memory_space<vmem>>
    %dma_start3A_126 = tpu.memref_squeeze %dma_start3A_125 : memref<1x128xf32, #tpu.memory_space<vmem>> -> memref<128xf32, #tpu.memory_space<vmem>>
    %dma_start3A_127 = arith.constant 0 : i32
    %dma_start3A_128 = tpu.memref_slice %arg10[%dma_start3A_122, %dma_start3A_127] : memref<4x128xi32, #tpu.memory_space<vmem>> -> memref<1x128xi32, #tpu.memory_space<vmem>>
    %dma_start3A_129 = tpu.memref_squeeze %dma_start3A_128 : memref<1x128xi32, #tpu.memory_space<vmem>> -> memref<128xi32, #tpu.memory_space<vmem>>
    %dma_start3A_130 = arith.constant 0 : i32
    %dma_start3A_131 = tpu.memref_slice %arg7[%dma_start3A_130] : memref<1000000xf32, #tpu.memory_space<hbm>> -> memref<1000000xf32, #tpu.memory_space<hbm>>
    tpu.enqueue_indirect_dma source(%dma_start3A_131 : memref<1000000xf32, #tpu.memory_space<hbm>>) target(%dma_start3A_126 : memref<128xf32, #tpu.memory_space<vmem>>) offsets(%dma_start3A_129 : memref<128xi32, #tpu.memory_space<vmem>>) semaphore(%arg17 : memref<!tpu.dma_semaphore, #tpu.memory_space<semaphore_mem>>)
    %dma_start3A_132 = arith.constant 3 : i32
    %dma_start3A_133 = arith.constant 3 : i32
    %dma_start3A_134 = arith.constant 0 : i32
    %dma_start3A_135 = arith.constant 0 : i32
    %dma_start3A_136 = tpu.memref_slice %arg11[%dma_start3A_133, %dma_start3A_134, %dma_start3A_135] : memref<4x128x32xf32, #tpu.memory_space<vmem>> -> memref<1x128x32xf32, #tpu.memory_space<vmem>>
    %dma_start3A_137 = tpu.memref_squeeze %dma_start3A_136 : memref<1x128x32xf32, #tpu.memory_space<vmem>> -> memref<128x32xf32, #tpu.memory_space<vmem>>
    %dma_start3A_138 = arith.constant 0 : i32
    %dma_start3A_139 = tpu.memref_slice %arg9[%dma_start3A_132, %dma_start3A_138] : memref<4x128xi32, #tpu.memory_space<vmem>> -> memref<1x128xi32, #tpu.memory_space<vmem>>
    %dma_start3A_140 = tpu.memref_squeeze %dma_start3A_139 : memref<1x128xi32, #tpu.memory_space<vmem>> -> memref<128xi32, #tpu.memory_space<vmem>>
    %dma_start3A_141 = arith.constant 0 : i32
    %dma_start3A_142 = arith.constant 0 : i32
    %dma_start3A_143 = tpu.memref_slice %arg4[%dma_start3A_141, %dma_start3A_142] : memref<1000000x32xf32, #tpu.memory_space<hbm>> -> memref<1000000x32xf32, #tpu.memory_space<hbm>>
    tpu.enqueue_indirect_dma source(%dma_start3A_143 : memref<1000000x32xf32, #tpu.memory_space<hbm>>) target(%dma_start3A_137 : memref<128x32xf32, #tpu.memory_space<vmem>>) offsets(%dma_start3A_140 : memref<128xi32, #tpu.memory_space<vmem>>) semaphore(%arg17 : memref<!tpu.dma_semaphore, #tpu.memory_space<semaphore_mem>>)
    %dma_start3A_144 = arith.constant 3 : i32
    %dma_start3A_145 = arith.constant 3 : i32
    %dma_start3A_146 = arith.constant 0 : i32
    %dma_start3A_147 = arith.constant 0 : i32
    %dma_start3A_148 = tpu.memref_slice %arg12[%dma_start3A_145, %dma_start3A_146, %dma_start3A_147] : memref<4x128x32xf32, #tpu.memory_space<vmem>> -> memref<1x128x32xf32, #tpu.memory_space<vmem>>
    %dma_start3A_149 = tpu.memref_squeeze %dma_start3A_148 : memref<1x128x32xf32, #tpu.memory_space<vmem>> -> memref<128x32xf32, #tpu.memory_space<vmem>>
    %dma_start3A_150 = arith.constant 0 : i32
    %dma_start3A_151 = tpu.memref_slice %arg10[%dma_start3A_144, %dma_start3A_150] : memref<4x128xi32, #tpu.memory_space<vmem>> -> memref<1x128xi32, #tpu.memory_space<vmem>>
    %dma_start3A_152 = tpu.memref_squeeze %dma_start3A_151 : memref<1x128xi32, #tpu.memory_space<vmem>> -> memref<128xi32, #tpu.memory_space<vmem>>
    %dma_start3A_153 = arith.constant 0 : i32
    %dma_start3A_154 = arith.constant 0 : i32
    %dma_start3A_155 = tpu.memref_slice %arg5[%dma_start3A_153, %dma_start3A_154] : memref<1000000x32xf32, #tpu.memory_space<hbm>> -> memref<1000000x32xf32, #tpu.memory_space<hbm>>
    tpu.enqueue_indirect_dma source(%dma_start3A_155 : memref<1000000x32xf32, #tpu.memory_space<hbm>>) target(%dma_start3A_149 : memref<128x32xf32, #tpu.memory_space<vmem>>) offsets(%dma_start3A_152 : memref<128xi32, #tpu.memory_space<vmem>>) semaphore(%arg17 : memref<!tpu.dma_semaphore, #tpu.memory_space<semaphore_mem>>)
    %dma_start3A_156 = arith.constant 3 : i32
    %dma_start3A_157 = arith.constant 3 : i32
    %dma_start3A_158 = arith.constant 0 : i32
    %dma_start3A_159 = tpu.memref_slice %arg13[%dma_start3A_157, %dma_start3A_158] : memref<4x128xf32, #tpu.memory_space<vmem>> -> memref<1x128xf32, #tpu.memory_space<vmem>>
    %dma_start3A_160 = tpu.memref_squeeze %dma_start3A_159 : memref<1x128xf32, #tpu.memory_space<vmem>> -> memref<128xf32, #tpu.memory_space<vmem>>
    %dma_start3A_161 = arith.constant 0 : i32
    %dma_start3A_162 = tpu.memref_slice %arg9[%dma_start3A_156, %dma_start3A_161] : memref<4x128xi32, #tpu.memory_space<vmem>> -> memref<1x128xi32, #tpu.memory_space<vmem>>
    %dma_start3A_163 = tpu.memref_squeeze %dma_start3A_162 : memref<1x128xi32, #tpu.memory_space<vmem>> -> memref<128xi32, #tpu.memory_space<vmem>>
    %dma_start3A_164 = arith.constant 0 : i32
    %dma_start3A_165 = tpu.memref_slice %arg6[%dma_start3A_164] : memref<1000000xf32, #tpu.memory_space<hbm>> -> memref<1000000xf32, #tpu.memory_space<hbm>>
    tpu.enqueue_indirect_dma source(%dma_start3A_165 : memref<1000000xf32, #tpu.memory_space<hbm>>) target(%dma_start3A_160 : memref<128xf32, #tpu.memory_space<vmem>>) offsets(%dma_start3A_163 : memref<128xi32, #tpu.memory_space<vmem>>) semaphore(%arg17 : memref<!tpu.dma_semaphore, #tpu.memory_space<semaphore_mem>>)
    %dma_start3A_166 = arith.constant 3 : i32
    %dma_start3A_167 = arith.constant 3 : i32
    %dma_start3A_168 = arith.constant 0 : i32
    %dma_start3A_169 = tpu.memref_slice %arg14[%dma_start3A_167, %dma_start3A_168] : memref<4x128xf32, #tpu.memory_space<vmem>> -> memref<1x128xf32, #tpu.memory_space<vmem>>
    %dma_start3A_170 = tpu.memref_squeeze %dma_start3A_169 : memref<1x128xf32, #tpu.memory_space<vmem>> -> memref<128xf32, #tpu.memory_space<vmem>>
    %dma_start3A_171 = arith.constant 0 : i32
    %dma_start3A_172 = tpu.memref_slice %arg10[%dma_start3A_166, %dma_start3A_171] : memref<4x128xi32, #tpu.memory_space<vmem>> -> memref<1x128xi32, #tpu.memory_space<vmem>>
    %dma_start3A_173 = tpu.memref_squeeze %dma_start3A_172 : memref<1x128xi32, #tpu.memory_space<vmem>> -> memref<128xi32, #tpu.memory_space<vmem>>
    %dma_start3A_174 = arith.constant 0 : i32
    %dma_start3A_175 = tpu.memref_slice %arg7[%dma_start3A_174] : memref<1000000xf32, #tpu.memory_space<hbm>> -> memref<1000000xf32, #tpu.memory_space<hbm>>
    tpu.enqueue_indirect_dma source(%dma_start3A_175 : memref<1000000xf32, #tpu.memory_space<hbm>>) target(%dma_start3A_170 : memref<128xf32, #tpu.memory_space<vmem>>) offsets(%dma_start3A_173 : memref<128xi32, #tpu.memory_space<vmem>>) semaphore(%arg17 : memref<!tpu.dma_semaphore, #tpu.memory_space<semaphore_mem>>)
    %dma_wait3A = arith.constant 0 : i32
    %dma_wait3A_176 = arith.constant 0 : i32
    %dma_wait3A_177 = arith.constant 0 : i32
    %dma_wait3A_178 = arith.constant 0 : i32
    %dma_wait3A_179 = tpu.memref_slice %arg11[%dma_wait3A_176, %dma_wait3A_177, %dma_wait3A_178] : memref<4x128x32xf32, #tpu.memory_space<vmem>> -> memref<1x128x32xf32, #tpu.memory_space<vmem>>
    %dma_wait3A_180 = tpu.memref_squeeze %dma_wait3A_179 : memref<1x128x32xf32, #tpu.memory_space<vmem>> -> memref<128x32xf32, #tpu.memory_space<vmem>>
    %dma_wait3A_181 = arith.constant 0 : i32
    %dma_wait3A_182 = tpu.memref_slice %arg9[%dma_wait3A, %dma_wait3A_181] : memref<4x128xi32, #tpu.memory_space<vmem>> -> memref<1x128xi32, #tpu.memory_space<vmem>>
    %dma_wait3A_183 = tpu.memref_squeeze %dma_wait3A_182 : memref<1x128xi32, #tpu.memory_space<vmem>> -> memref<128xi32, #tpu.memory_space<vmem>>
    %dma_wait3A_184 = arith.constant 0 : i32
    %dma_wait3A_185 = arith.constant 0 : i32
    %dma_wait3A_186 = tpu.memref_slice %arg4[%dma_wait3A_184, %dma_wait3A_185] : memref<1000000x32xf32, #tpu.memory_space<hbm>> -> memref<1000000x32xf32, #tpu.memory_space<hbm>>
    tpu.wait_indirect_dma semaphore(%arg17 : memref<!tpu.dma_semaphore, #tpu.memory_space<semaphore_mem>>) src(%dma_wait3A_186 : memref<1000000x32xf32, #tpu.memory_space<hbm>>) dst(%dma_wait3A_180 : memref<128x32xf32, #tpu.memory_space<vmem>>)
    %dma_wait3A_187 = arith.constant 0 : i32
    %dma_wait3A_188 = arith.constant 0 : i32
    %dma_wait3A_189 = arith.constant 0 : i32
    %dma_wait3A_190 = arith.constant 0 : i32
    %dma_wait3A_191 = tpu.memref_slice %arg12[%dma_wait3A_188, %dma_wait3A_189, %dma_wait3A_190] : memref<4x128x32xf32, #tpu.memory_space<vmem>> -> memref<1x128x32xf32, #tpu.memory_space<vmem>>
    %dma_wait3A_192 = tpu.memref_squeeze %dma_wait3A_191 : memref<1x128x32xf32, #tpu.memory_space<vmem>> -> memref<128x32xf32, #tpu.memory_space<vmem>>
    %dma_wait3A_193 = arith.constant 0 : i32
    %dma_wait3A_194 = tpu.memref_slice %arg10[%dma_wait3A_187, %dma_wait3A_193] : memref<4x128xi32, #tpu.memory_space<vmem>> -> memref<1x128xi32, #tpu.memory_space<vmem>>
    %dma_wait3A_195 = tpu.memref_squeeze %dma_wait3A_194 : memref<1x128xi32, #tpu.memory_space<vmem>> -> memref<128xi32, #tpu.memory_space<vmem>>
    %dma_wait3A_196 = arith.constant 0 : i32
    %dma_wait3A_197 = arith.constant 0 : i32
    %dma_wait3A_198 = tpu.memref_slice %arg5[%dma_wait3A_196, %dma_wait3A_197] : memref<1000000x32xf32, #tpu.memory_space<hbm>> -> memref<1000000x32xf32, #tpu.memory_space<hbm>>
    tpu.wait_indirect_dma semaphore(%arg17 : memref<!tpu.dma_semaphore, #tpu.memory_space<semaphore_mem>>) src(%dma_wait3A_198 : memref<1000000x32xf32, #tpu.memory_space<hbm>>) dst(%dma_wait3A_192 : memref<128x32xf32, #tpu.memory_space<vmem>>)
    %dma_wait3A_199 = arith.constant 0 : i32
    %dma_wait3A_200 = arith.constant 0 : i32
    %dma_wait3A_201 = arith.constant 0 : i32
    %dma_wait3A_202 = tpu.memref_slice %arg13[%dma_wait3A_200, %dma_wait3A_201] : memref<4x128xf32, #tpu.memory_space<vmem>> -> memref<1x128xf32, #tpu.memory_space<vmem>>
    %dma_wait3A_203 = tpu.memref_squeeze %dma_wait3A_202 : memref<1x128xf32, #tpu.memory_space<vmem>> -> memref<128xf32, #tpu.memory_space<vmem>>
    %dma_wait3A_204 = arith.constant 0 : i32
    %dma_wait3A_205 = tpu.memref_slice %arg9[%dma_wait3A_199, %dma_wait3A_204] : memref<4x128xi32, #tpu.memory_space<vmem>> -> memref<1x128xi32, #tpu.memory_space<vmem>>
    %dma_wait3A_206 = tpu.memref_squeeze %dma_wait3A_205 : memref<1x128xi32, #tpu.memory_space<vmem>> -> memref<128xi32, #tpu.memory_space<vmem>>
    %dma_wait3A_207 = arith.constant 0 : i32
    %dma_wait3A_208 = tpu.memref_slice %arg6[%dma_wait3A_207] : memref<1000000xf32, #tpu.memory_space<hbm>> -> memref<1000000xf32, #tpu.memory_space<hbm>>
    tpu.wait_indirect_dma semaphore(%arg17 : memref<!tpu.dma_semaphore, #tpu.memory_space<semaphore_mem>>) src(%dma_wait3A_208 : memref<1000000xf32, #tpu.memory_space<hbm>>) dst(%dma_wait3A_203 : memref<128xf32, #tpu.memory_space<vmem>>)
    %dma_wait3A_209 = arith.constant 0 : i32
    %dma_wait3A_210 = arith.constant 0 : i32
    %dma_wait3A_211 = arith.constant 0 : i32
    %dma_wait3A_212 = tpu.memref_slice %arg14[%dma_wait3A_210, %dma_wait3A_211] : memref<4x128xf32, #tpu.memory_space<vmem>> -> memref<1x128xf32, #tpu.memory_space<vmem>>
    %dma_wait3A_213 = tpu.memref_squeeze %dma_wait3A_212 : memref<1x128xf32, #tpu.memory_space<vmem>> -> memref<128xf32, #tpu.memory_space<vmem>>
    %dma_wait3A_214 = arith.constant 0 : i32
    %dma_wait3A_215 = tpu.memref_slice %arg10[%dma_wait3A_209, %dma_wait3A_214] : memref<4x128xi32, #tpu.memory_space<vmem>> -> memref<1x128xi32, #tpu.memory_space<vmem>>
    %dma_wait3A_216 = tpu.memref_squeeze %dma_wait3A_215 : memref<1x128xi32, #tpu.memory_space<vmem>> -> memref<128xi32, #tpu.memory_space<vmem>>
    %dma_wait3A_217 = arith.constant 0 : i32
    %dma_wait3A_218 = tpu.memref_slice %arg7[%dma_wait3A_217] : memref<1000000xf32, #tpu.memory_space<hbm>> -> memref<1000000xf32, #tpu.memory_space<hbm>>
    tpu.wait_indirect_dma semaphore(%arg17 : memref<!tpu.dma_semaphore, #tpu.memory_space<semaphore_mem>>) src(%dma_wait3A_218 : memref<1000000xf32, #tpu.memory_space<hbm>>) dst(%dma_wait3A_213 : memref<128xf32, #tpu.memory_space<vmem>>)
    %dma_wait3A_219 = arith.constant 1 : i32
    %dma_wait3A_220 = arith.constant 1 : i32
    %dma_wait3A_221 = arith.constant 0 : i32
    %dma_wait3A_222 = arith.constant 0 : i32
    %dma_wait3A_223 = tpu.memref_slice %arg11[%dma_wait3A_220, %dma_wait3A_221, %dma_wait3A_222] : memref<4x128x32xf32, #tpu.memory_space<vmem>> -> memref<1x128x32xf32, #tpu.memory_space<vmem>>
    %dma_wait3A_224 = tpu.memref_squeeze %dma_wait3A_223 : memref<1x128x32xf32, #tpu.memory_space<vmem>> -> memref<128x32xf32, #tpu.memory_space<vmem>>
    %dma_wait3A_225 = arith.constant 0 : i32
    %dma_wait3A_226 = tpu.memref_slice %arg9[%dma_wait3A_219, %dma_wait3A_225] : memref<4x128xi32, #tpu.memory_space<vmem>> -> memref<1x128xi32, #tpu.memory_space<vmem>>
    %dma_wait3A_227 = tpu.memref_squeeze %dma_wait3A_226 : memref<1x128xi32, #tpu.memory_space<vmem>> -> memref<128xi32, #tpu.memory_space<vmem>>
    %dma_wait3A_228 = arith.constant 0 : i32
    %dma_wait3A_229 = arith.constant 0 : i32
    %dma_wait3A_230 = tpu.memref_slice %arg4[%dma_wait3A_228, %dma_wait3A_229] : memref<1000000x32xf32, #tpu.memory_space<hbm>> -> memref<1000000x32xf32, #tpu.memory_space<hbm>>
    tpu.wait_indirect_dma semaphore(%arg17 : memref<!tpu.dma_semaphore, #tpu.memory_space<semaphore_mem>>) src(%dma_wait3A_230 : memref<1000000x32xf32, #tpu.memory_space<hbm>>) dst(%dma_wait3A_224 : memref<128x32xf32, #tpu.memory_space<vmem>>)
    %dma_wait3A_231 = arith.constant 1 : i32
    %dma_wait3A_232 = arith.constant 1 : i32
    %dma_wait3A_233 = arith.constant 0 : i32
    %dma_wait3A_234 = arith.constant 0 : i32
    %dma_wait3A_235 = tpu.memref_slice %arg12[%dma_wait3A_232, %dma_wait3A_233, %dma_wait3A_234] : memref<4x128x32xf32, #tpu.memory_space<vmem>> -> memref<1x128x32xf32, #tpu.memory_space<vmem>>
    %dma_wait3A_236 = tpu.memref_squeeze %dma_wait3A_235 : memref<1x128x32xf32, #tpu.memory_space<vmem>> -> memref<128x32xf32, #tpu.memory_space<vmem>>
    %dma_wait3A_237 = arith.constant 0 : i32
    %dma_wait3A_238 = tpu.memref_slice %arg10[%dma_wait3A_231, %dma_wait3A_237] : memref<4x128xi32, #tpu.memory_space<vmem>> -> memref<1x128xi32, #tpu.memory_space<vmem>>
    %dma_wait3A_239 = tpu.memref_squeeze %dma_wait3A_238 : memref<1x128xi32, #tpu.memory_space<vmem>> -> memref<128xi32, #tpu.memory_space<vmem>>
    %dma_wait3A_240 = arith.constant 0 : i32
    %dma_wait3A_241 = arith.constant 0 : i32
    %dma_wait3A_242 = tpu.memref_slice %arg5[%dma_wait3A_240, %dma_wait3A_241] : memref<1000000x32xf32, #tpu.memory_space<hbm>> -> memref<1000000x32xf32, #tpu.memory_space<hbm>>
    tpu.wait_indirect_dma semaphore(%arg17 : memref<!tpu.dma_semaphore, #tpu.memory_space<semaphore_mem>>) src(%dma_wait3A_242 : memref<1000000x32xf32, #tpu.memory_space<hbm>>) dst(%dma_wait3A_236 : memref<128x32xf32, #tpu.memory_space<vmem>>)
    %dma_wait3A_243 = arith.constant 1 : i32
    %dma_wait3A_244 = arith.constant 1 : i32
    %dma_wait3A_245 = arith.constant 0 : i32
    %dma_wait3A_246 = tpu.memref_slice %arg13[%dma_wait3A_244, %dma_wait3A_245] : memref<4x128xf32, #tpu.memory_space<vmem>> -> memref<1x128xf32, #tpu.memory_space<vmem>>
    %dma_wait3A_247 = tpu.memref_squeeze %dma_wait3A_246 : memref<1x128xf32, #tpu.memory_space<vmem>> -> memref<128xf32, #tpu.memory_space<vmem>>
    %dma_wait3A_248 = arith.constant 0 : i32
    %dma_wait3A_249 = tpu.memref_slice %arg9[%dma_wait3A_243, %dma_wait3A_248] : memref<4x128xi32, #tpu.memory_space<vmem>> -> memref<1x128xi32, #tpu.memory_space<vmem>>
    %dma_wait3A_250 = tpu.memref_squeeze %dma_wait3A_249 : memref<1x128xi32, #tpu.memory_space<vmem>> -> memref<128xi32, #tpu.memory_space<vmem>>
    %dma_wait3A_251 = arith.constant 0 : i32
    %dma_wait3A_252 = tpu.memref_slice %arg6[%dma_wait3A_251] : memref<1000000xf32, #tpu.memory_space<hbm>> -> memref<1000000xf32, #tpu.memory_space<hbm>>
    tpu.wait_indirect_dma semaphore(%arg17 : memref<!tpu.dma_semaphore, #tpu.memory_space<semaphore_mem>>) src(%dma_wait3A_252 : memref<1000000xf32, #tpu.memory_space<hbm>>) dst(%dma_wait3A_247 : memref<128xf32, #tpu.memory_space<vmem>>)
    %dma_wait3A_253 = arith.constant 1 : i32
    %dma_wait3A_254 = arith.constant 1 : i32
    %dma_wait3A_255 = arith.constant 0 : i32
    %dma_wait3A_256 = tpu.memref_slice %arg14[%dma_wait3A_254, %dma_wait3A_255] : memref<4x128xf32, #tpu.memory_space<vmem>> -> memref<1x128xf32, #tpu.memory_space<vmem>>
    %dma_wait3A_257 = tpu.memref_squeeze %dma_wait3A_256 : memref<1x128xf32, #tpu.memory_space<vmem>> -> memref<128xf32, #tpu.memory_space<vmem>>
    %dma_wait3A_258 = arith.constant 0 : i32
    %dma_wait3A_259 = tpu.memref_slice %arg10[%dma_wait3A_253, %dma_wait3A_258] : memref<4x128xi32, #tpu.memory_space<vmem>> -> memref<1x128xi32, #tpu.memory_space<vmem>>
    %dma_wait3A_260 = tpu.memref_squeeze %dma_wait3A_259 : memref<1x128xi32, #tpu.memory_space<vmem>> -> memref<128xi32, #tpu.memory_space<vmem>>
    %dma_wait3A_261 = arith.constant 0 : i32
    %dma_wait3A_262 = tpu.memref_slice %arg7[%dma_wait3A_261] : memref<1000000xf32, #tpu.memory_space<hbm>> -> memref<1000000xf32, #tpu.memory_space<hbm>>
    tpu.wait_indirect_dma semaphore(%arg17 : memref<!tpu.dma_semaphore, #tpu.memory_space<semaphore_mem>>) src(%dma_wait3A_262 : memref<1000000xf32, #tpu.memory_space<hbm>>) dst(%dma_wait3A_257 : memref<128xf32, #tpu.memory_space<vmem>>)
    %dma_wait3A_263 = arith.constant 2 : i32
    %dma_wait3A_264 = arith.constant 2 : i32
    %dma_wait3A_265 = arith.constant 0 : i32
    %dma_wait3A_266 = arith.constant 0 : i32
    %dma_wait3A_267 = tpu.memref_slice %arg11[%dma_wait3A_264, %dma_wait3A_265, %dma_wait3A_266] : memref<4x128x32xf32, #tpu.memory_space<vmem>> -> memref<1x128x32xf32, #tpu.memory_space<vmem>>
    %dma_wait3A_268 = tpu.memref_squeeze %dma_wait3A_267 : memref<1x128x32xf32, #tpu.memory_space<vmem>> -> memref<128x32xf32, #tpu.memory_space<vmem>>
    %dma_wait3A_269 = arith.constant 0 : i32
    %dma_wait3A_270 = tpu.memref_slice %arg9[%dma_wait3A_263, %dma_wait3A_269] : memref<4x128xi32, #tpu.memory_space<vmem>> -> memref<1x128xi32, #tpu.memory_space<vmem>>
    %dma_wait3A_271 = tpu.memref_squeeze %dma_wait3A_270 : memref<1x128xi32, #tpu.memory_space<vmem>> -> memref<128xi32, #tpu.memory_space<vmem>>
    %dma_wait3A_272 = arith.constant 0 : i32
    %dma_wait3A_273 = arith.constant 0 : i32
    %dma_wait3A_274 = tpu.memref_slice %arg4[%dma_wait3A_272, %dma_wait3A_273] : memref<1000000x32xf32, #tpu.memory_space<hbm>> -> memref<1000000x32xf32, #tpu.memory_space<hbm>>
    tpu.wait_indirect_dma semaphore(%arg17 : memref<!tpu.dma_semaphore, #tpu.memory_space<semaphore_mem>>) src(%dma_wait3A_274 : memref<1000000x32xf32, #tpu.memory_space<hbm>>) dst(%dma_wait3A_268 : memref<128x32xf32, #tpu.memory_space<vmem>>)
    %dma_wait3A_275 = arith.constant 2 : i32
    %dma_wait3A_276 = arith.constant 2 : i32
    %dma_wait3A_277 = arith.constant 0 : i32
    %dma_wait3A_278 = arith.constant 0 : i32
    %dma_wait3A_279 = tpu.memref_slice %arg12[%dma_wait3A_276, %dma_wait3A_277, %dma_wait3A_278] : memref<4x128x32xf32, #tpu.memory_space<vmem>> -> memref<1x128x32xf32, #tpu.memory_space<vmem>>
    %dma_wait3A_280 = tpu.memref_squeeze %dma_wait3A_279 : memref<1x128x32xf32, #tpu.memory_space<vmem>> -> memref<128x32xf32, #tpu.memory_space<vmem>>
    %dma_wait3A_281 = arith.constant 0 : i32
    %dma_wait3A_282 = tpu.memref_slice %arg10[%dma_wait3A_275, %dma_wait3A_281] : memref<4x128xi32, #tpu.memory_space<vmem>> -> memref<1x128xi32, #tpu.memory_space<vmem>>
    %dma_wait3A_283 = tpu.memref_squeeze %dma_wait3A_282 : memref<1x128xi32, #tpu.memory_space<vmem>> -> memref<128xi32, #tpu.memory_space<vmem>>
    %dma_wait3A_284 = arith.constant 0 : i32
    %dma_wait3A_285 = arith.constant 0 : i32
    %dma_wait3A_286 = tpu.memref_slice %arg5[%dma_wait3A_284, %dma_wait3A_285] : memref<1000000x32xf32, #tpu.memory_space<hbm>> -> memref<1000000x32xf32, #tpu.memory_space<hbm>>
    tpu.wait_indirect_dma semaphore(%arg17 : memref<!tpu.dma_semaphore, #tpu.memory_space<semaphore_mem>>) src(%dma_wait3A_286 : memref<1000000x32xf32, #tpu.memory_space<hbm>>) dst(%dma_wait3A_280 : memref<128x32xf32, #tpu.memory_space<vmem>>)
    %dma_wait3A_287 = arith.constant 2 : i32
    %dma_wait3A_288 = arith.constant 2 : i32
    %dma_wait3A_289 = arith.constant 0 : i32
    %dma_wait3A_290 = tpu.memref_slice %arg13[%dma_wait3A_288, %dma_wait3A_289] : memref<4x128xf32, #tpu.memory_space<vmem>> -> memref<1x128xf32, #tpu.memory_space<vmem>>
    %dma_wait3A_291 = tpu.memref_squeeze %dma_wait3A_290 : memref<1x128xf32, #tpu.memory_space<vmem>> -> memref<128xf32, #tpu.memory_space<vmem>>
    %dma_wait3A_292 = arith.constant 0 : i32
    %dma_wait3A_293 = tpu.memref_slice %arg9[%dma_wait3A_287, %dma_wait3A_292] : memref<4x128xi32, #tpu.memory_space<vmem>> -> memref<1x128xi32, #tpu.memory_space<vmem>>
    %dma_wait3A_294 = tpu.memref_squeeze %dma_wait3A_293 : memref<1x128xi32, #tpu.memory_space<vmem>> -> memref<128xi32, #tpu.memory_space<vmem>>
    %dma_wait3A_295 = arith.constant 0 : i32
    %dma_wait3A_296 = tpu.memref_slice %arg6[%dma_wait3A_295] : memref<1000000xf32, #tpu.memory_space<hbm>> -> memref<1000000xf32, #tpu.memory_space<hbm>>
    tpu.wait_indirect_dma semaphore(%arg17 : memref<!tpu.dma_semaphore, #tpu.memory_space<semaphore_mem>>) src(%dma_wait3A_296 : memref<1000000xf32, #tpu.memory_space<hbm>>) dst(%dma_wait3A_291 : memref<128xf32, #tpu.memory_space<vmem>>)
    %dma_wait3A_297 = arith.constant 2 : i32
    %dma_wait3A_298 = arith.constant 2 : i32
    %dma_wait3A_299 = arith.constant 0 : i32
    %dma_wait3A_300 = tpu.memref_slice %arg14[%dma_wait3A_298, %dma_wait3A_299] : memref<4x128xf32, #tpu.memory_space<vmem>> -> memref<1x128xf32, #tpu.memory_space<vmem>>
    %dma_wait3A_301 = tpu.memref_squeeze %dma_wait3A_300 : memref<1x128xf32, #tpu.memory_space<vmem>> -> memref<128xf32, #tpu.memory_space<vmem>>
    %dma_wait3A_302 = arith.constant 0 : i32
    %dma_wait3A_303 = tpu.memref_slice %arg10[%dma_wait3A_297, %dma_wait3A_302] : memref<4x128xi32, #tpu.memory_space<vmem>> -> memref<1x128xi32, #tpu.memory_space<vmem>>
    %dma_wait3A_304 = tpu.memref_squeeze %dma_wait3A_303 : memref<1x128xi32, #tpu.memory_space<vmem>> -> memref<128xi32, #tpu.memory_space<vmem>>
    %dma_wait3A_305 = arith.constant 0 : i32
    %dma_wait3A_306 = tpu.memref_slice %arg7[%dma_wait3A_305] : memref<1000000xf32, #tpu.memory_space<hbm>> -> memref<1000000xf32, #tpu.memory_space<hbm>>
    tpu.wait_indirect_dma semaphore(%arg17 : memref<!tpu.dma_semaphore, #tpu.memory_space<semaphore_mem>>) src(%dma_wait3A_306 : memref<1000000xf32, #tpu.memory_space<hbm>>) dst(%dma_wait3A_301 : memref<128xf32, #tpu.memory_space<vmem>>)
    %dma_wait3A_307 = arith.constant 3 : i32
    %dma_wait3A_308 = arith.constant 3 : i32
    %dma_wait3A_309 = arith.constant 0 : i32
    %dma_wait3A_310 = arith.constant 0 : i32
    %dma_wait3A_311 = tpu.memref_slice %arg11[%dma_wait3A_308, %dma_wait3A_309, %dma_wait3A_310] : memref<4x128x32xf32, #tpu.memory_space<vmem>> -> memref<1x128x32xf32, #tpu.memory_space<vmem>>
    %dma_wait3A_312 = tpu.memref_squeeze %dma_wait3A_311 : memref<1x128x32xf32, #tpu.memory_space<vmem>> -> memref<128x32xf32, #tpu.memory_space<vmem>>
    %dma_wait3A_313 = arith.constant 0 : i32
    %dma_wait3A_314 = tpu.memref_slice %arg9[%dma_wait3A_307, %dma_wait3A_313] : memref<4x128xi32, #tpu.memory_space<vmem>> -> memref<1x128xi32, #tpu.memory_space<vmem>>
    %dma_wait3A_315 = tpu.memref_squeeze %dma_wait3A_314 : memref<1x128xi32, #tpu.memory_space<vmem>> -> memref<128xi32, #tpu.memory_space<vmem>>
    %dma_wait3A_316 = arith.constant 0 : i32
    %dma_wait3A_317 = arith.constant 0 : i32
    %dma_wait3A_318 = tpu.memref_slice %arg4[%dma_wait3A_316, %dma_wait3A_317] : memref<1000000x32xf32, #tpu.memory_space<hbm>> -> memref<1000000x32xf32, #tpu.memory_space<hbm>>
    tpu.wait_indirect_dma semaphore(%arg17 : memref<!tpu.dma_semaphore, #tpu.memory_space<semaphore_mem>>) src(%dma_wait3A_318 : memref<1000000x32xf32, #tpu.memory_space<hbm>>) dst(%dma_wait3A_312 : memref<128x32xf32, #tpu.memory_space<vmem>>)
    %dma_wait3A_319 = arith.constant 3 : i32
    %dma_wait3A_320 = arith.constant 3 : i32
    %dma_wait3A_321 = arith.constant 0 : i32
    %dma_wait3A_322 = arith.constant 0 : i32
    %dma_wait3A_323 = tpu.memref_slice %arg12[%dma_wait3A_320, %dma_wait3A_321, %dma_wait3A_322] : memref<4x128x32xf32, #tpu.memory_space<vmem>> -> memref<1x128x32xf32, #tpu.memory_space<vmem>>
    %dma_wait3A_324 = tpu.memref_squeeze %dma_wait3A_323 : memref<1x128x32xf32, #tpu.memory_space<vmem>> -> memref<128x32xf32, #tpu.memory_space<vmem>>
    %dma_wait3A_325 = arith.constant 0 : i32
    %dma_wait3A_326 = tpu.memref_slice %arg10[%dma_wait3A_319, %dma_wait3A_325] : memref<4x128xi32, #tpu.memory_space<vmem>> -> memref<1x128xi32, #tpu.memory_space<vmem>>
    %dma_wait3A_327 = tpu.memref_squeeze %dma_wait3A_326 : memref<1x128xi32, #tpu.memory_space<vmem>> -> memref<128xi32, #tpu.memory_space<vmem>>
    %dma_wait3A_328 = arith.constant 0 : i32
    %dma_wait3A_329 = arith.constant 0 : i32
    %dma_wait3A_330 = tpu.memref_slice %arg5[%dma_wait3A_328, %dma_wait3A_329] : memref<1000000x32xf32, #tpu.memory_space<hbm>> -> memref<1000000x32xf32, #tpu.memory_space<hbm>>
    tpu.wait_indirect_dma semaphore(%arg17 : memref<!tpu.dma_semaphore, #tpu.memory_space<semaphore_mem>>) src(%dma_wait3A_330 : memref<1000000x32xf32, #tpu.memory_space<hbm>>) dst(%dma_wait3A_324 : memref<128x32xf32, #tpu.memory_space<vmem>>)
    %dma_wait3A_331 = arith.constant 3 : i32
    %dma_wait3A_332 = arith.constant 3 : i32
    %dma_wait3A_333 = arith.constant 0 : i32
    %dma_wait3A_334 = tpu.memref_slice %arg13[%dma_wait3A_332, %dma_wait3A_333] : memref<4x128xf32, #tpu.memory_space<vmem>> -> memref<1x128xf32, #tpu.memory_space<vmem>>
    %dma_wait3A_335 = tpu.memref_squeeze %dma_wait3A_334 : memref<1x128xf32, #tpu.memory_space<vmem>> -> memref<128xf32, #tpu.memory_space<vmem>>
    %dma_wait3A_336 = arith.constant 0 : i32
    %dma_wait3A_337 = tpu.memref_slice %arg9[%dma_wait3A_331, %dma_wait3A_336] : memref<4x128xi32, #tpu.memory_space<vmem>> -> memref<1x128xi32, #tpu.memory_space<vmem>>
    %dma_wait3A_338 = tpu.memref_squeeze %dma_wait3A_337 : memref<1x128xi32, #tpu.memory_space<vmem>> -> memref<128xi32, #tpu.memory_space<vmem>>
    %dma_wait3A_339 = arith.constant 0 : i32
    %dma_wait3A_340 = tpu.memref_slice %arg6[%dma_wait3A_339] : memref<1000000xf32, #tpu.memory_space<hbm>> -> memref<1000000xf32, #tpu.memory_space<hbm>>
    tpu.wait_indirect_dma semaphore(%arg17 : memref<!tpu.dma_semaphore, #tpu.memory_space<semaphore_mem>>) src(%dma_wait3A_340 : memref<1000000xf32, #tpu.memory_space<hbm>>) dst(%dma_wait3A_335 : memref<128xf32, #tpu.memory_space<vmem>>)
    %dma_wait3A_341 = arith.constant 3 : i32
    %dma_wait3A_342 = arith.constant 3 : i32
    %dma_wait3A_343 = arith.constant 0 : i32
    %dma_wait3A_344 = tpu.memref_slice %arg14[%dma_wait3A_342, %dma_wait3A_343] : memref<4x128xf32, #tpu.memory_space<vmem>> -> memref<1x128xf32, #tpu.memory_space<vmem>>
    %dma_wait3A_345 = tpu.memref_squeeze %dma_wait3A_344 : memref<1x128xf32, #tpu.memory_space<vmem>> -> memref<128xf32, #tpu.memory_space<vmem>>
    %dma_wait3A_346 = arith.constant 0 : i32
    %dma_wait3A_347 = tpu.memref_slice %arg10[%dma_wait3A_341, %dma_wait3A_346] : memref<4x128xi32, #tpu.memory_space<vmem>> -> memref<1x128xi32, #tpu.memory_space<vmem>>
    %dma_wait3A_348 = tpu.memref_squeeze %dma_wait3A_347 : memref<1x128xi32, #tpu.memory_space<vmem>> -> memref<128xi32, #tpu.memory_space<vmem>>
    %dma_wait3A_349 = arith.constant 0 : i32
    %dma_wait3A_350 = tpu.memref_slice %arg7[%dma_wait3A_349] : memref<1000000xf32, #tpu.memory_space<hbm>> -> memref<1000000xf32, #tpu.memory_space<hbm>>
    tpu.wait_indirect_dma semaphore(%arg17 : memref<!tpu.dma_semaphore, #tpu.memory_space<semaphore_mem>>) src(%dma_wait3A_350 : memref<1000000xf32, #tpu.memory_space<hbm>>) dst(%dma_wait3A_345 : memref<128xf32, #tpu.memory_space<vmem>>)
    %iota3A = tpu.iota {dimensions = array<i32: 0>} : vector<16xi32>
    %scan3A = arith.constant 0 : i32
    %scan3A_351 = arith.constant 128 : i32
    %scan3A_352 = arith.addi %scan3A, %scan3A_351 : i32
    %scan3A_353 = arith.constant 4 : i32
    scf.for %scan3A_3473 = %scan3A to %scan3A_352 step %scan3A_353  : i32 {
      %mul3A_3474 = arith.constant 1 : i32
      %mul3A_3475 = arith.muli %scan3A_3473, %mul3A_3474 : i32
      %add3A_3476 = arith.constant 0 : i32
      %add3A_3477 = arith.addi %add3A_3476, %mul3A_3475 : i32
      %get3A_3478 = arith.constant 0 : i32
      %get3A_3479 = arith.index_cast %get3A_3478 : i32 to index
      %get3A_3480 = arith.index_cast %add3A_3477 : i32 to index
      %get3A_3481 = arith.constant 0 : index
      %get3A_3482 = tpu.vector_load %arg11[%get3A_3479, %get3A_3480, %get3A_3481] {strides = array<i32>} : memref<4x128x32xf32, #tpu.memory_space<vmem>>, vector<16xf32>,
      %get3A_3483 = arith.constant 0 : i32
      %get3A_3484 = arith.index_cast %get3A_3483 : i32 to index
      %get3A_3485 = arith.index_cast %add3A_3477 : i32 to index
      %get3A_3486 = arith.constant 16 : index
      %get3A_3487 = tpu.vector_load %arg11[%get3A_3484, %get3A_3485, %get3A_3486] {strides = array<i32>} : memref<4x128x32xf32, #tpu.memory_space<vmem>>, vector<16xf32>,
      %get3A_3488 = arith.constant 0 : i32
      %get3A_3489 = arith.index_cast %get3A_3488 : i32 to index
      %get3A_3490 = arith.index_cast %add3A_3477 : i32 to index
      %get3A_3491 = arith.constant 0 : index
      %get3A_3492 = tpu.vector_load %arg12[%get3A_3489, %get3A_3490, %get3A_3491] {strides = array<i32>} : memref<4x128x32xf32, #tpu.memory_space<vmem>>, vector<16xf32>,
      %get3A_3493 = arith.constant 0 : i32
      %get3A_3494 = arith.index_cast %get3A_3493 : i32 to index
      %get3A_3495 = arith.index_cast %add3A_3477 : i32 to index
      %get3A_3496 = arith.constant 16 : index
      %get3A_3497 = tpu.vector_load %arg12[%get3A_3494, %get3A_3495, %get3A_3496] {strides = array<i32>} : memref<4x128x32xf32, #tpu.memory_space<vmem>>, vector<16xf32>,
      %mul3A_3498 = arith.mulf %get3A_3482, %get3A_3492 : vector<16xf32>
      %mul3A_3499 = arith.mulf %get3A_3487, %get3A_3497 : vector<16xf32>
      %add3A_3500 = arith.addf %mul3A_3498, %mul3A_3499 : vector<16xf32>
      %add3A_3501 = arith.constant 0 : i32
      %add3A_3502 = arith.addi %add3A_3501, %add3A_3477 : i32
      %mul3A_3503 = arith.constant 17 : i32
      %mul3A_3504 = arith.muli %add3A_3502, %mul3A_3503 : i32
      %add3A_3505 = vector.broadcast %mul3A_3504 : i32 to vector<16xi32>
      %add3A_3506 = arith.addi %add3A_3505, %iota3A : vector<16xi32>
      tpu.vector_store_idx %arg15[%add3A_3506], %add3A_3500 : memref<8704xf32, #tpu.memory_space<vmem>>[vector<16xi32>], vector<16xf32>,
      %scan3A_3507 = arith.constant 1 : i32
      %scan3A_3508 = arith.addi %scan3A_3473, %scan3A_3507 : i32
      %mul3A_3509 = arith.constant 1 : i32
      %mul3A_3510 = arith.muli %scan3A_3508, %mul3A_3509 : i32
      %add3A_3511 = arith.constant 0 : i32
      %add3A_3512 = arith.addi %add3A_3511, %mul3A_3510 : i32
      %get3A_3513 = arith.constant 0 : i32
      %get3A_3514 = arith.index_cast %get3A_3513 : i32 to index
      %get3A_3515 = arith.index_cast %add3A_3512 : i32 to index
      %get3A_3516 = arith.constant 0 : index
      %get3A_3517 = tpu.vector_load %arg11[%get3A_3514, %get3A_3515, %get3A_3516] {strides = array<i32>} : memref<4x128x32xf32, #tpu.memory_space<vmem>>, vector<16xf32>,
      %get3A_3518 = arith.constant 0 : i32
      %get3A_3519 = arith.index_cast %get3A_3518 : i32 to index
      %get3A_3520 = arith.index_cast %add3A_3512 : i32 to index
      %get3A_3521 = arith.constant 16 : index
      %get3A_3522 = tpu.vector_load %arg11[%get3A_3519, %get3A_3520, %get3A_3521] {strides = array<i32>} : memref<4x128x32xf32, #tpu.memory_space<vmem>>, vector<16xf32>,
      %get3A_3523 = arith.constant 0 : i32
      %get3A_3524 = arith.index_cast %get3A_3523 : i32 to index
      %get3A_3525 = arith.index_cast %add3A_3512 : i32 to index
      %get3A_3526 = arith.constant 0 : index
      %get3A_3527 = tpu.vector_load %arg12[%get3A_3524, %get3A_3525, %get3A_3526] {strides = array<i32>} : memref<4x128x32xf32, #tpu.memory_space<vmem>>, vector<16xf32>,
      %get3A_3528 = arith.constant 0 : i32
      %get3A_3529 = arith.index_cast %get3A_3528 : i32 to index
      %get3A_3530 = arith.index_cast %add3A_3512 : i32 to index
      %get3A_3531 = arith.constant 16 : index
      %get3A_3532 = tpu.vector_load %arg12[%get3A_3529, %get3A_3530, %get3A_3531] {strides = array<i32>} : memref<4x128x32xf32, #tpu.memory_space<vmem>>, vector<16xf32>,
      %mul3A_3533 = arith.mulf %get3A_3517, %get3A_3527 : vector<16xf32>
      %mul3A_3534 = arith.mulf %get3A_3522, %get3A_3532 : vector<16xf32>
      %add3A_3535 = arith.addf %mul3A_3533, %mul3A_3534 : vector<16xf32>
      %add3A_3536 = arith.constant 0 : i32
      %add3A_3537 = arith.addi %add3A_3536, %add3A_3512 : i32
      %mul3A_3538 = arith.constant 17 : i32
      %mul3A_3539 = arith.muli %add3A_3537, %mul3A_3538 : i32
      %add3A_3540 = vector.broadcast %mul3A_3539 : i32 to vector<16xi32>
      %add3A_3541 = arith.addi %add3A_3540, %iota3A : vector<16xi32>
      tpu.vector_store_idx %arg15[%add3A_3541], %add3A_3535 : memref<8704xf32, #tpu.memory_space<vmem>>[vector<16xi32>], vector<16xf32>,
      %scan3A_3542 = arith.constant 2 : i32
      %scan3A_3543 = arith.addi %scan3A_3473, %scan3A_3542 : i32
      %mul3A_3544 = arith.constant 1 : i32
      %mul3A_3545 = arith.muli %scan3A_3543, %mul3A_3544 : i32
      %add3A_3546 = arith.constant 0 : i32
      %add3A_3547 = arith.addi %add3A_3546, %mul3A_3545 : i32
      %get3A_3548 = arith.constant 0 : i32
      %get3A_3549 = arith.index_cast %get3A_3548 : i32 to index
      %get3A_3550 = arith.index_cast %add3A_3547 : i32 to index
      %get3A_3551 = arith.constant 0 : index
      %get3A_3552 = tpu.vector_load %arg11[%get3A_3549, %get3A_3550, %get3A_3551] {strides = array<i32>} : memref<4x128x32xf32, #tpu.memory_space<vmem>>, vector<16xf32>,
      %get3A_3553 = arith.constant 0 : i32
      %get3A_3554 = arith.index_cast %get3A_3553 : i32 to index
      %get3A_3555 = arith.index_cast %add3A_3547 : i32 to index
      %get3A_3556 = arith.constant 16 : index
      %get3A_3557 = tpu.vector_load %arg11[%get3A_3554, %get3A_3555, %get3A_3556] {strides = array<i32>} : memref<4x128x32xf32, #tpu.memory_space<vmem>>, vector<16xf32>,
      %get3A_3558 = arith.constant 0 : i32
      %get3A_3559 = arith.index_cast %get3A_3558 : i32 to index
      %get3A_3560 = arith.index_cast %add3A_3547 : i32 to index
      %get3A_3561 = arith.constant 0 : index
      %get3A_3562 = tpu.vector_load %arg12[%get3A_3559, %get3A_3560, %get3A_3561] {strides = array<i32>} : memref<4x128x32xf32, #tpu.memory_space<vmem>>, vector<16xf32>,
      %get3A_3563 = arith.constant 0 : i32
      %get3A_3564 = arith.index_cast %get3A_3563 : i32 to index
      %get3A_3565 = arith.index_cast %add3A_3547 : i32 to index
      %get3A_3566 = arith.constant 16 : index
      %get3A_3567 = tpu.vector_load %arg12[%get3A_3564, %get3A_3565, %get3A_3566] {strides = array<i32>} : memref<4x128x32xf32, #tpu.memory_space<vmem>>, vector<16xf32>,
      %mul3A_3568 = arith.mulf %get3A_3552, %get3A_3562 : vector<16xf32>
      %mul3A_3569 = arith.mulf %get3A_3557, %get3A_3567 : vector<16xf32>
      %add3A_3570 = arith.addf %mul3A_3568, %mul3A_3569 : vector<16xf32>
      %add3A_3571 = arith.constant 0 : i32
      %add3A_3572 = arith.addi %add3A_3571, %add3A_3547 : i32
      %mul3A_3573 = arith.constant 17 : i32
      %mul3A_3574 = arith.muli %add3A_3572, %mul3A_3573 : i32
      %add3A_3575 = vector.broadcast %mul3A_3574 : i32 to vector<16xi32>
      %add3A_3576 = arith.addi %add3A_3575, %iota3A : vector<16xi32>
      tpu.vector_store_idx %arg15[%add3A_3576], %add3A_3570 : memref<8704xf32, #tpu.memory_space<vmem>>[vector<16xi32>], vector<16xf32>,
      %scan3A_3577 = arith.constant 3 : i32
      %scan3A_3578 = arith.addi %scan3A_3473, %scan3A_3577 : i32
      %mul3A_3579 = arith.constant 1 : i32
      %mul3A_3580 = arith.muli %scan3A_3578, %mul3A_3579 : i32
      %add3A_3581 = arith.constant 0 : i32
      %add3A_3582 = arith.addi %add3A_3581, %mul3A_3580 : i32
      %get3A_3583 = arith.constant 0 : i32
      %get3A_3584 = arith.index_cast %get3A_3583 : i32 to index
      %get3A_3585 = arith.index_cast %add3A_3582 : i32 to index
      %get3A_3586 = arith.constant 0 : index
      %get3A_3587 = tpu.vector_load %arg11[%get3A_3584, %get3A_3585, %get3A_3586] {strides = array<i32>} : memref<4x128x32xf32, #tpu.memory_space<vmem>>, vector<16xf32>,
      %get3A_3588 = arith.constant 0 : i32
      %get3A_3589 = arith.index_cast %get3A_3588 : i32 to index
      %get3A_3590 = arith.index_cast %add3A_3582 : i32 to index
      %get3A_3591 = arith.constant 16 : index
      %get3A_3592 = tpu.vector_load %arg11[%get3A_3589, %get3A_3590, %get3A_3591] {strides = array<i32>} : memref<4x128x32xf32, #tpu.memory_space<vmem>>, vector<16xf32>,
      %get3A_3593 = arith.constant 0 : i32
      %get3A_3594 = arith.index_cast %get3A_3593 : i32 to index
      %get3A_3595 = arith.index_cast %add3A_3582 : i32 to index
      %get3A_3596 = arith.constant 0 : index
      %get3A_3597 = tpu.vector_load %arg12[%get3A_3594, %get3A_3595, %get3A_3596] {strides = array<i32>} : memref<4x128x32xf32, #tpu.memory_space<vmem>>, vector<16xf32>,
      %get3A_3598 = arith.constant 0 : i32
      %get3A_3599 = arith.index_cast %get3A_3598 : i32 to index
      %get3A_3600 = arith.index_cast %add3A_3582 : i32 to index
      %get3A_3601 = arith.constant 16 : index
      %get3A_3602 = tpu.vector_load %arg12[%get3A_3599, %get3A_3600, %get3A_3601] {strides = array<i32>} : memref<4x128x32xf32, #tpu.memory_space<vmem>>, vector<16xf32>,
      %mul3A_3603 = arith.mulf %get3A_3587, %get3A_3597 : vector<16xf32>
      %mul3A_3604 = arith.mulf %get3A_3592, %get3A_3602 : vector<16xf32>
      %add3A_3605 = arith.addf %mul3A_3603, %mul3A_3604 : vector<16xf32>
      %add3A_3606 = arith.constant 0 : i32
      %add3A_3607 = arith.addi %add3A_3606, %add3A_3582 : i32
      %mul3A_3608 = arith.constant 17 : i32
      %mul3A_3609 = arith.muli %add3A_3607, %mul3A_3608 : i32
      %add3A_3610 = vector.broadcast %mul3A_3609 : i32 to vector<16xi32>
      %add3A_3611 = arith.addi %add3A_3610, %iota3A : vector<16xi32>
      tpu.vector_store_idx %arg15[%add3A_3611], %add3A_3605 : memref<8704xf32, #tpu.memory_space<vmem>>[vector<16xi32>], vector<16xf32>,
    }
    %scan3A_354 = arith.constant 128 : i32
    %scan3A_355 = arith.constant 0 : i32
    %scan3A_356 = arith.constant 128 : i32
    %scan3A_357 = arith.addi %scan3A_355, %scan3A_356 : i32
    %scan3A_358 = arith.constant 4 : i32
    scf.for %scan3A_3473 = %scan3A_355 to %scan3A_357 step %scan3A_358  : i32 {
      %mul3A_3474 = arith.constant 1 : i32
      %mul3A_3475 = arith.muli %scan3A_3473, %mul3A_3474 : i32
      %add3A_3476 = arith.constant 0 : i32
      %add3A_3477 = arith.addi %add3A_3476, %mul3A_3475 : i32
      %get3A_3478 = arith.constant 1 : i32
      %get3A_3479 = arith.index_cast %get3A_3478 : i32 to index
      %get3A_3480 = arith.index_cast %add3A_3477 : i32 to index
      %get3A_3481 = arith.constant 0 : index
      %get3A_3482 = tpu.vector_load %arg11[%get3A_3479, %get3A_3480, %get3A_3481] {strides = array<i32>} : memref<4x128x32xf32, #tpu.memory_space<vmem>>, vector<16xf32>,
      %get3A_3483 = arith.constant 1 : i32
      %get3A_3484 = arith.index_cast %get3A_3483 : i32 to index
      %get3A_3485 = arith.index_cast %add3A_3477 : i32 to index
      %get3A_3486 = arith.constant 16 : index
      %get3A_3487 = tpu.vector_load %arg11[%get3A_3484, %get3A_3485, %get3A_3486] {strides = array<i32>} : memref<4x128x32xf32, #tpu.memory_space<vmem>>, vector<16xf32>,
      %get3A_3488 = arith.constant 1 : i32
      %get3A_3489 = arith.index_cast %get3A_3488 : i32 to index
      %get3A_3490 = arith.index_cast %add3A_3477 : i32 to index
      %get3A_3491 = arith.constant 0 : index
      %get3A_3492 = tpu.vector_load %arg12[%get3A_3489, %get3A_3490, %get3A_3491] {strides = array<i32>} : memref<4x128x32xf32, #tpu.memory_space<vmem>>, vector<16xf32>,
      %get3A_3493 = arith.constant 1 : i32
      %get3A_3494 = arith.index_cast %get3A_3493 : i32 to index
      %get3A_3495 = arith.index_cast %add3A_3477 : i32 to index
      %get3A_3496 = arith.constant 16 : index
      %get3A_3497 = tpu.vector_load %arg12[%get3A_3494, %get3A_3495, %get3A_3496] {strides = array<i32>} : memref<4x128x32xf32, #tpu.memory_space<vmem>>, vector<16xf32>,
      %mul3A_3498 = arith.mulf %get3A_3482, %get3A_3492 : vector<16xf32>
      %mul3A_3499 = arith.mulf %get3A_3487, %get3A_3497 : vector<16xf32>
      %add3A_3500 = arith.addf %mul3A_3498, %mul3A_3499 : vector<16xf32>
      %add3A_3501 = arith.constant 128 : i32
      %add3A_3502 = arith.addi %add3A_3501, %add3A_3477 : i32
      %mul3A_3503 = arith.constant 17 : i32
      %mul3A_3504 = arith.muli %add3A_3502, %mul3A_3503 : i32
      %add3A_3505 = vector.broadcast %mul3A_3504 : i32 to vector<16xi32>
      %add3A_3506 = arith.addi %add3A_3505, %iota3A : vector<16xi32>
      tpu.vector_store_idx %arg15[%add3A_3506], %add3A_3500 : memref<8704xf32, #tpu.memory_space<vmem>>[vector<16xi32>], vector<16xf32>,
      %scan3A_3507 = arith.constant 1 : i32
      %scan3A_3508 = arith.addi %scan3A_3473, %scan3A_3507 : i32
      %mul3A_3509 = arith.constant 1 : i32
      %mul3A_3510 = arith.muli %scan3A_3508, %mul3A_3509 : i32
      %add3A_3511 = arith.constant 0 : i32
      %add3A_3512 = arith.addi %add3A_3511, %mul3A_3510 : i32
      %get3A_3513 = arith.constant 1 : i32
      %get3A_3514 = arith.index_cast %get3A_3513 : i32 to index
      %get3A_3515 = arith.index_cast %add3A_3512 : i32 to index
      %get3A_3516 = arith.constant 0 : index
      %get3A_3517 = tpu.vector_load %arg11[%get3A_3514, %get3A_3515, %get3A_3516] {strides = array<i32>} : memref<4x128x32xf32, #tpu.memory_space<vmem>>, vector<16xf32>,
      %get3A_3518 = arith.constant 1 : i32
      %get3A_3519 = arith.index_cast %get3A_3518 : i32 to index
      %get3A_3520 = arith.index_cast %add3A_3512 : i32 to index
      %get3A_3521 = arith.constant 16 : index
      %get3A_3522 = tpu.vector_load %arg11[%get3A_3519, %get3A_3520, %get3A_3521] {strides = array<i32>} : memref<4x128x32xf32, #tpu.memory_space<vmem>>, vector<16xf32>,
      %get3A_3523 = arith.constant 1 : i32
      %get3A_3524 = arith.index_cast %get3A_3523 : i32 to index
      %get3A_3525 = arith.index_cast %add3A_3512 : i32 to index
      %get3A_3526 = arith.constant 0 : index
      %get3A_3527 = tpu.vector_load %arg12[%get3A_3524, %get3A_3525, %get3A_3526] {strides = array<i32>} : memref<4x128x32xf32, #tpu.memory_space<vmem>>, vector<16xf32>,
      %get3A_3528 = arith.constant 1 : i32
      %get3A_3529 = arith.index_cast %get3A_3528 : i32 to index
      %get3A_3530 = arith.index_cast %add3A_3512 : i32 to index
      %get3A_3531 = arith.constant 16 : index
      %get3A_3532 = tpu.vector_load %arg12[%get3A_3529, %get3A_3530, %get3A_3531] {strides = array<i32>} : memref<4x128x32xf32, #tpu.memory_space<vmem>>, vector<16xf32>,
      %mul3A_3533 = arith.mulf %get3A_3517, %get3A_3527 : vector<16xf32>
      %mul3A_3534 = arith.mulf %get3A_3522, %get3A_3532 : vector<16xf32>
      %add3A_3535 = arith.addf %mul3A_3533, %mul3A_3534 : vector<16xf32>
      %add3A_3536 = arith.constant 128 : i32
      %add3A_3537 = arith.addi %add3A_3536, %add3A_3512 : i32
      %mul3A_3538 = arith.constant 17 : i32
      %mul3A_3539 = arith.muli %add3A_3537, %mul3A_3538 : i32
      %add3A_3540 = vector.broadcast %mul3A_3539 : i32 to vector<16xi32>
      %add3A_3541 = arith.addi %add3A_3540, %iota3A : vector<16xi32>
      tpu.vector_store_idx %arg15[%add3A_3541], %add3A_3535 : memref<8704xf32, #tpu.memory_space<vmem>>[vector<16xi32>], vector<16xf32>,
      %scan3A_3542 = arith.constant 2 : i32
      %scan3A_3543 = arith.addi %scan3A_3473, %scan3A_3542 : i32
      %mul3A_3544 = arith.constant 1 : i32
      %mul3A_3545 = arith.muli %scan3A_3543, %mul3A_3544 : i32
      %add3A_3546 = arith.constant 0 : i32
      %add3A_3547 = arith.addi %add3A_3546, %mul3A_3545 : i32
      %get3A_3548 = arith.constant 1 : i32
      %get3A_3549 = arith.index_cast %get3A_3548 : i32 to index
      %get3A_3550 = arith.index_cast %add3A_3547 : i32 to index
      %get3A_3551 = arith.constant 0 : index
      %get3A_3552 = tpu.vector_load %arg11[%get3A_3549, %get3A_3550, %get3A_3551] {strides = array<i32>} : memref<4x128x32xf32, #tpu.memory_space<vmem>>, vector<16xf32>,
      %get3A_3553 = arith.constant 1 : i32
      %get3A_3554 = arith.index_cast %get3A_3553 : i32 to index
      %get3A_3555 = arith.index_cast %add3A_3547 : i32 to index
      %get3A_3556 = arith.constant 16 : index
      %get3A_3557 = tpu.vector_load %arg11[%get3A_3554, %get3A_3555, %get3A_3556] {strides = array<i32>} : memref<4x128x32xf32, #tpu.memory_space<vmem>>, vector<16xf32>,
      %get3A_3558 = arith.constant 1 : i32
      %get3A_3559 = arith.index_cast %get3A_3558 : i32 to index
      %get3A_3560 = arith.index_cast %add3A_3547 : i32 to index
      %get3A_3561 = arith.constant 0 : index
      %get3A_3562 = tpu.vector_load %arg12[%get3A_3559, %get3A_3560, %get3A_3561] {strides = array<i32>} : memref<4x128x32xf32, #tpu.memory_space<vmem>>, vector<16xf32>,
      %get3A_3563 = arith.constant 1 : i32
      %get3A_3564 = arith.index_cast %get3A_3563 : i32 to index
      %get3A_3565 = arith.index_cast %add3A_3547 : i32 to index
      %get3A_3566 = arith.constant 16 : index
      %get3A_3567 = tpu.vector_load %arg12[%get3A_3564, %get3A_3565, %get3A_3566] {strides = array<i32>} : memref<4x128x32xf32, #tpu.memory_space<vmem>>, vector<16xf32>,
      %mul3A_3568 = arith.mulf %get3A_3552, %get3A_3562 : vector<16xf32>
      %mul3A_3569 = arith.mulf %get3A_3557, %get3A_3567 : vector<16xf32>
      %add3A_3570 = arith.addf %mul3A_3568, %mul3A_3569 : vector<16xf32>
      %add3A_3571 = arith.constant 128 : i32
      %add3A_3572 = arith.addi %add3A_3571, %add3A_3547 : i32
      %mul3A_3573 = arith.constant 17 : i32
      %mul3A_3574 = arith.muli %add3A_3572, %mul3A_3573 : i32
      %add3A_3575 = vector.broadcast %mul3A_3574 : i32 to vector<16xi32>
      %add3A_3576 = arith.addi %add3A_3575, %iota3A : vector<16xi32>
      tpu.vector_store_idx %arg15[%add3A_3576], %add3A_3570 : memref<8704xf32, #tpu.memory_space<vmem>>[vector<16xi32>], vector<16xf32>,
      %scan3A_3577 = arith.constant 3 : i32
      %scan3A_3578 = arith.addi %scan3A_3473, %scan3A_3577 : i32
      %mul3A_3579 = arith.constant 1 : i32
      %mul3A_3580 = arith.muli %scan3A_3578, %mul3A_3579 : i32
      %add3A_3581 = arith.constant 0 : i32
      %add3A_3582 = arith.addi %add3A_3581, %mul3A_3580 : i32
      %get3A_3583 = arith.constant 1 : i32
      %get3A_3584 = arith.index_cast %get3A_3583 : i32 to index
      %get3A_3585 = arith.index_cast %add3A_3582 : i32 to index
      %get3A_3586 = arith.constant 0 : index
      %get3A_3587 = tpu.vector_load %arg11[%get3A_3584, %get3A_3585, %get3A_3586] {strides = array<i32>} : memref<4x128x32xf32, #tpu.memory_space<vmem>>, vector<16xf32>,
      %get3A_3588 = arith.constant 1 : i32
      %get3A_3589 = arith.index_cast %get3A_3588 : i32 to index
      %get3A_3590 = arith.index_cast %add3A_3582 : i32 to index
      %get3A_3591 = arith.constant 16 : index
      %get3A_3592 = tpu.vector_load %arg11[%get3A_3589, %get3A_3590, %get3A_3591] {strides = array<i32>} : memref<4x128x32xf32, #tpu.memory_space<vmem>>, vector<16xf32>,
      %get3A_3593 = arith.constant 1 : i32
      %get3A_3594 = arith.index_cast %get3A_3593 : i32 to index
      %get3A_3595 = arith.index_cast %add3A_3582 : i32 to index
      %get3A_3596 = arith.constant 0 : index
      %get3A_3597 = tpu.vector_load %arg12[%get3A_3594, %get3A_3595, %get3A_3596] {strides = array<i32>} : memref<4x128x32xf32, #tpu.memory_space<vmem>>, vector<16xf32>,
      %get3A_3598 = arith.constant 1 : i32
      %get3A_3599 = arith.index_cast %get3A_3598 : i32 to index
      %get3A_3600 = arith.index_cast %add3A_3582 : i32 to index
      %get3A_3601 = arith.constant 16 : index
      %get3A_3602 = tpu.vector_load %arg12[%get3A_3599, %get3A_3600, %get3A_3601] {strides = array<i32>} : memref<4x128x32xf32, #tpu.memory_space<vmem>>, vector<16xf32>,
      %mul3A_3603 = arith.mulf %get3A_3587, %get3A_3597 : vector<16xf32>
      %mul3A_3604 = arith.mulf %get3A_3592, %get3A_3602 : vector<16xf32>
      %add3A_3605 = arith.addf %mul3A_3603, %mul3A_3604 : vector<16xf32>
      %add3A_3606 = arith.constant 128 : i32
      %add3A_3607 = arith.addi %add3A_3606, %add3A_3582 : i32
      %mul3A_3608 = arith.constant 17 : i32
      %mul3A_3609 = arith.muli %add3A_3607, %mul3A_3608 : i32
      %add3A_3610 = vector.broadcast %mul3A_3609 : i32 to vector<16xi32>
      %add3A_3611 = arith.addi %add3A_3610, %iota3A : vector<16xi32>
      tpu.vector_store_idx %arg15[%add3A_3611], %add3A_3605 : memref<8704xf32, #tpu.memory_space<vmem>>[vector<16xi32>], vector<16xf32>,
    }
    %scan3A_359 = arith.constant 128 : i32
    %scan3A_360 = arith.constant 0 : i32
    %scan3A_361 = arith.constant 128 : i32
    %scan3A_362 = arith.addi %scan3A_360, %scan3A_361 : i32
    %scan3A_363 = arith.constant 4 : i32
    scf.for %scan3A_3473 = %scan3A_360 to %scan3A_362 step %scan3A_363  : i32 {
      %mul3A_3474 = arith.constant 1 : i32
      %mul3A_3475 = arith.muli %scan3A_3473, %mul3A_3474 : i32
      %add3A_3476 = arith.constant 0 : i32
      %add3A_3477 = arith.addi %add3A_3476, %mul3A_3475 : i32
      %get3A_3478 = arith.constant 2 : i32
      %get3A_3479 = arith.index_cast %get3A_3478 : i32 to index
      %get3A_3480 = arith.index_cast %add3A_3477 : i32 to index
      %get3A_3481 = arith.constant 0 : index
      %get3A_3482 = tpu.vector_load %arg11[%get3A_3479, %get3A_3480, %get3A_3481] {strides = array<i32>} : memref<4x128x32xf32, #tpu.memory_space<vmem>>, vector<16xf32>,
      %get3A_3483 = arith.constant 2 : i32
      %get3A_3484 = arith.index_cast %get3A_3483 : i32 to index
      %get3A_3485 = arith.index_cast %add3A_3477 : i32 to index
      %get3A_3486 = arith.constant 16 : index
      %get3A_3487 = tpu.vector_load %arg11[%get3A_3484, %get3A_3485, %get3A_3486] {strides = array<i32>} : memref<4x128x32xf32, #tpu.memory_space<vmem>>, vector<16xf32>,
      %get3A_3488 = arith.constant 2 : i32
      %get3A_3489 = arith.index_cast %get3A_3488 : i32 to index
      %get3A_3490 = arith.index_cast %add3A_3477 : i32 to index
      %get3A_3491 = arith.constant 0 : index
      %get3A_3492 = tpu.vector_load %arg12[%get3A_3489, %get3A_3490, %get3A_3491] {strides = array<i32>} : memref<4x128x32xf32, #tpu.memory_space<vmem>>, vector<16xf32>,
      %get3A_3493 = arith.constant 2 : i32
      %get3A_3494 = arith.index_cast %get3A_3493 : i32 to index
      %get3A_3495 = arith.index_cast %add3A_3477 : i32 to index
      %get3A_3496 = arith.constant 16 : index
      %get3A_3497 = tpu.vector_load %arg12[%get3A_3494, %get3A_3495, %get3A_3496] {strides = array<i32>} : memref<4x128x32xf32, #tpu.memory_space<vmem>>, vector<16xf32>,
      %mul3A_3498 = arith.mulf %get3A_3482, %get3A_3492 : vector<16xf32>
      %mul3A_3499 = arith.mulf %get3A_3487, %get3A_3497 : vector<16xf32>
      %add3A_3500 = arith.addf %mul3A_3498, %mul3A_3499 : vector<16xf32>
      %add3A_3501 = arith.constant 256 : i32
      %add3A_3502 = arith.addi %add3A_3501, %add3A_3477 : i32
      %mul3A_3503 = arith.constant 17 : i32
      %mul3A_3504 = arith.muli %add3A_3502, %mul3A_3503 : i32
      %add3A_3505 = vector.broadcast %mul3A_3504 : i32 to vector<16xi32>
      %add3A_3506 = arith.addi %add3A_3505, %iota3A : vector<16xi32>
      tpu.vector_store_idx %arg15[%add3A_3506], %add3A_3500 : memref<8704xf32, #tpu.memory_space<vmem>>[vector<16xi32>], vector<16xf32>,
      %scan3A_3507 = arith.constant 1 : i32
      %scan3A_3508 = arith.addi %scan3A_3473, %scan3A_3507 : i32
      %mul3A_3509 = arith.constant 1 : i32
      %mul3A_3510 = arith.muli %scan3A_3508, %mul3A_3509 : i32
      %add3A_3511 = arith.constant 0 : i32
      %add3A_3512 = arith.addi %add3A_3511, %mul3A_3510 : i32
      %get3A_3513 = arith.constant 2 : i32
      %get3A_3514 = arith.index_cast %get3A_3513 : i32 to index
      %get3A_3515 = arith.index_cast %add3A_3512 : i32 to index
      %get3A_3516 = arith.constant 0 : index
      %get3A_3517 = tpu.vector_load %arg11[%get3A_3514, %get3A_3515, %get3A_3516] {strides = array<i32>} : memref<4x128x32xf32, #tpu.memory_space<vmem>>, vector<16xf32>,
      %get3A_3518 = arith.constant 2 : i32
      %get3A_3519 = arith.index_cast %get3A_3518 : i32 to index
      %get3A_3520 = arith.index_cast %add3A_3512 : i32 to index
      %get3A_3521 = arith.constant 16 : index
      %get3A_3522 = tpu.vector_load %arg11[%get3A_3519, %get3A_3520, %get3A_3521] {strides = array<i32>} : memref<4x128x32xf32, #tpu.memory_space<vmem>>, vector<16xf32>,
      %get3A_3523 = arith.constant 2 : i32
      %get3A_3524 = arith.index_cast %get3A_3523 : i32 to index
      %get3A_3525 = arith.index_cast %add3A_3512 : i32 to index
      %get3A_3526 = arith.constant 0 : index
      %get3A_3527 = tpu.vector_load %arg12[%get3A_3524, %get3A_3525, %get3A_3526] {strides = array<i32>} : memref<4x128x32xf32, #tpu.memory_space<vmem>>, vector<16xf32>,
      %get3A_3528 = arith.constant 2 : i32
      %get3A_3529 = arith.index_cast %get3A_3528 : i32 to index
      %get3A_3530 = arith.index_cast %add3A_3512 : i32 to index
      %get3A_3531 = arith.constant 16 : index
      %get3A_3532 = tpu.vector_load %arg12[%get3A_3529, %get3A_3530, %get3A_3531] {strides = array<i32>} : memref<4x128x32xf32, #tpu.memory_space<vmem>>, vector<16xf32>,
      %mul3A_3533 = arith.mulf %get3A_3517, %get3A_3527 : vector<16xf32>
      %mul3A_3534 = arith.mulf %get3A_3522, %get3A_3532 : vector<16xf32>
      %add3A_3535 = arith.addf %mul3A_3533, %mul3A_3534 : vector<16xf32>
      %add3A_3536 = arith.constant 256 : i32
      %add3A_3537 = arith.addi %add3A_3536, %add3A_3512 : i32
      %mul3A_3538 = arith.constant 17 : i32
      %mul3A_3539 = arith.muli %add3A_3537, %mul3A_3538 : i32
      %add3A_3540 = vector.broadcast %mul3A_3539 : i32 to vector<16xi32>
      %add3A_3541 = arith.addi %add3A_3540, %iota3A : vector<16xi32>
      tpu.vector_store_idx %arg15[%add3A_3541], %add3A_3535 : memref<8704xf32, #tpu.memory_space<vmem>>[vector<16xi32>], vector<16xf32>,
      %scan3A_3542 = arith.constant 2 : i32
      %scan3A_3543 = arith.addi %scan3A_3473, %scan3A_3542 : i32
      %mul3A_3544 = arith.constant 1 : i32
      %mul3A_3545 = arith.muli %scan3A_3543, %mul3A_3544 : i32
      %add3A_3546 = arith.constant 0 : i32
      %add3A_3547 = arith.addi %add3A_3546, %mul3A_3545 : i32
      %get3A_3548 = arith.constant 2 : i32
      %get3A_3549 = arith.index_cast %get3A_3548 : i32 to index
      %get3A_3550 = arith.index_cast %add3A_3547 : i32 to index
      %get3A_3551 = arith.constant 0 : index
      %get3A_3552 = tpu.vector_load %arg11[%get3A_3549, %get3A_3550, %get3A_3551] {strides = array<i32>} : memref<4x128x32xf32, #tpu.memory_space<vmem>>, vector<16xf32>,
      %get3A_3553 = arith.constant 2 : i32
      %get3A_3554 = arith.index_cast %get3A_3553 : i32 to index
      %get3A_3555 = arith.index_cast %add3A_3547 : i32 to index
      %get3A_3556 = arith.constant 16 : index
      %get3A_3557 = tpu.vector_load %arg11[%get3A_3554, %get3A_3555, %get3A_3556] {strides = array<i32>} : memref<4x128x32xf32, #tpu.memory_space<vmem>>, vector<16xf32>,
      %get3A_3558 = arith.constant 2 : i32
      %get3A_3559 = arith.index_cast %get3A_3558 : i32 to index
      %get3A_3560 = arith.index_cast %add3A_3547 : i32 to index
      %get3A_3561 = arith.constant 0 : index
      %get3A_3562 = tpu.vector_load %arg12[%get3A_3559, %get3A_3560, %get3A_3561] {strides = array<i32>} : memref<4x128x32xf32, #tpu.memory_space<vmem>>, vector<16xf32>,
      %get3A_3563 = arith.constant 2 : i32
      %get3A_3564 = arith.index_cast %get3A_3563 : i32 to index
      %get3A_3565 = arith.index_cast %add3A_3547 : i32 to index
      %get3A_3566 = arith.constant 16 : index
      %get3A_3567 = tpu.vector_load %arg12[%get3A_3564, %get3A_3565, %get3A_3566] {strides = array<i32>} : memref<4x128x32xf32, #tpu.memory_space<vmem>>, vector<16xf32>,
      %mul3A_3568 = arith.mulf %get3A_3552, %get3A_3562 : vector<16xf32>
      %mul3A_3569 = arith.mulf %get3A_3557, %get3A_3567 : vector<16xf32>
      %add3A_3570 = arith.addf %mul3A_3568, %mul3A_3569 : vector<16xf32>
      %add3A_3571 = arith.constant 256 : i32
      %add3A_3572 = arith.addi %add3A_3571, %add3A_3547 : i32
      %mul3A_3573 = arith.constant 17 : i32
      %mul3A_3574 = arith.muli %add3A_3572, %mul3A_3573 : i32
      %add3A_3575 = vector.broadcast %mul3A_3574 : i32 to vector<16xi32>
      %add3A_3576 = arith.addi %add3A_3575, %iota3A : vector<16xi32>
      tpu.vector_store_idx %arg15[%add3A_3576], %add3A_3570 : memref<8704xf32, #tpu.memory_space<vmem>>[vector<16xi32>], vector<16xf32>,
      %scan3A_3577 = arith.constant 3 : i32
      %scan3A_3578 = arith.addi %scan3A_3473, %scan3A_3577 : i32
      %mul3A_3579 = arith.constant 1 : i32
      %mul3A_3580 = arith.muli %scan3A_3578, %mul3A_3579 : i32
      %add3A_3581 = arith.constant 0 : i32
      %add3A_3582 = arith.addi %add3A_3581, %mul3A_3580 : i32
      %get3A_3583 = arith.constant 2 : i32
      %get3A_3584 = arith.index_cast %get3A_3583 : i32 to index
      %get3A_3585 = arith.index_cast %add3A_3582 : i32 to index
      %get3A_3586 = arith.constant 0 : index
      %get3A_3587 = tpu.vector_load %arg11[%get3A_3584, %get3A_3585, %get3A_3586] {strides = array<i32>} : memref<4x128x32xf32, #tpu.memory_space<vmem>>, vector<16xf32>,
      %get3A_3588 = arith.constant 2 : i32
      %get3A_3589 = arith.index_cast %get3A_3588 : i32 to index
      %get3A_3590 = arith.index_cast %add3A_3582 : i32 to index
      %get3A_3591 = arith.constant 16 : index
      %get3A_3592 = tpu.vector_load %arg11[%get3A_3589, %get3A_3590, %get3A_3591] {strides = array<i32>} : memref<4x128x32xf32, #tpu.memory_space<vmem>>, vector<16xf32>,
      %get3A_3593 = arith.constant 2 : i32
      %get3A_3594 = arith.index_cast %get3A_3593 : i32 to index
      %get3A_3595 = arith.index_cast %add3A_3582 : i32 to index
      %get3A_3596 = arith.constant 0 : index
      %get3A_3597 = tpu.vector_load %arg12[%get3A_3594, %get3A_3595, %get3A_3596] {strides = array<i32>} : memref<4x128x32xf32, #tpu.memory_space<vmem>>, vector<16xf32>,
      %get3A_3598 = arith.constant 2 : i32
      %get3A_3599 = arith.index_cast %get3A_3598 : i32 to index
      %get3A_3600 = arith.index_cast %add3A_3582 : i32 to index
      %get3A_3601 = arith.constant 16 : index
      %get3A_3602 = tpu.vector_load %arg12[%get3A_3599, %get3A_3600, %get3A_3601] {strides = array<i32>} : memref<4x128x32xf32, #tpu.memory_space<vmem>>, vector<16xf32>,
      %mul3A_3603 = arith.mulf %get3A_3587, %get3A_3597 : vector<16xf32>
      %mul3A_3604 = arith.mulf %get3A_3592, %get3A_3602 : vector<16xf32>
      %add3A_3605 = arith.addf %mul3A_3603, %mul3A_3604 : vector<16xf32>
      %add3A_3606 = arith.constant 256 : i32
      %add3A_3607 = arith.addi %add3A_3606, %add3A_3582 : i32
      %mul3A_3608 = arith.constant 17 : i32
      %mul3A_3609 = arith.muli %add3A_3607, %mul3A_3608 : i32
      %add3A_3610 = vector.broadcast %mul3A_3609 : i32 to vector<16xi32>
      %add3A_3611 = arith.addi %add3A_3610, %iota3A : vector<16xi32>
      tpu.vector_store_idx %arg15[%add3A_3611], %add3A_3605 : memref<8704xf32, #tpu.memory_space<vmem>>[vector<16xi32>], vector<16xf32>,
    }
    %scan3A_364 = arith.constant 128 : i32
    %scan3A_365 = arith.constant 0 : i32
    %scan3A_366 = arith.constant 128 : i32
    %scan3A_367 = arith.addi %scan3A_365, %scan3A_366 : i32
    %scan3A_368 = arith.constant 4 : i32
    scf.for %scan3A_3473 = %scan3A_365 to %scan3A_367 step %scan3A_368  : i32 {
      %mul3A_3474 = arith.constant 1 : i32
      %mul3A_3475 = arith.muli %scan3A_3473, %mul3A_3474 : i32
      %add3A_3476 = arith.constant 0 : i32
      %add3A_3477 = arith.addi %add3A_3476, %mul3A_3475 : i32
      %get3A_3478 = arith.constant 3 : i32
      %get3A_3479 = arith.index_cast %get3A_3478 : i32 to index
      %get3A_3480 = arith.index_cast %add3A_3477 : i32 to index
      %get3A_3481 = arith.constant 0 : index
      %get3A_3482 = tpu.vector_load %arg11[%get3A_3479, %get3A_3480, %get3A_3481] {strides = array<i32>} : memref<4x128x32xf32, #tpu.memory_space<vmem>>, vector<16xf32>,
      %get3A_3483 = arith.constant 3 : i32
      %get3A_3484 = arith.index_cast %get3A_3483 : i32 to index
      %get3A_3485 = arith.index_cast %add3A_3477 : i32 to index
      %get3A_3486 = arith.constant 16 : index
      %get3A_3487 = tpu.vector_load %arg11[%get3A_3484, %get3A_3485, %get3A_3486] {strides = array<i32>} : memref<4x128x32xf32, #tpu.memory_space<vmem>>, vector<16xf32>,
      %get3A_3488 = arith.constant 3 : i32
      %get3A_3489 = arith.index_cast %get3A_3488 : i32 to index
      %get3A_3490 = arith.index_cast %add3A_3477 : i32 to index
      %get3A_3491 = arith.constant 0 : index
      %get3A_3492 = tpu.vector_load %arg12[%get3A_3489, %get3A_3490, %get3A_3491] {strides = array<i32>} : memref<4x128x32xf32, #tpu.memory_space<vmem>>, vector<16xf32>,
      %get3A_3493 = arith.constant 3 : i32
      %get3A_3494 = arith.index_cast %get3A_3493 : i32 to index
      %get3A_3495 = arith.index_cast %add3A_3477 : i32 to index
      %get3A_3496 = arith.constant 16 : index
      %get3A_3497 = tpu.vector_load %arg12[%get3A_3494, %get3A_3495, %get3A_3496] {strides = array<i32>} : memref<4x128x32xf32, #tpu.memory_space<vmem>>, vector<16xf32>,
      %mul3A_3498 = arith.mulf %get3A_3482, %get3A_3492 : vector<16xf32>
      %mul3A_3499 = arith.mulf %get3A_3487, %get3A_3497 : vector<16xf32>
      %add3A_3500 = arith.addf %mul3A_3498, %mul3A_3499 : vector<16xf32>
      %add3A_3501 = arith.constant 384 : i32
      %add3A_3502 = arith.addi %add3A_3501, %add3A_3477 : i32
      %mul3A_3503 = arith.constant 17 : i32
      %mul3A_3504 = arith.muli %add3A_3502, %mul3A_3503 : i32
      %add3A_3505 = vector.broadcast %mul3A_3504 : i32 to vector<16xi32>
      %add3A_3506 = arith.addi %add3A_3505, %iota3A : vector<16xi32>
      tpu.vector_store_idx %arg15[%add3A_3506], %add3A_3500 : memref<8704xf32, #tpu.memory_space<vmem>>[vector<16xi32>], vector<16xf32>,
      %scan3A_3507 = arith.constant 1 : i32
      %scan3A_3508 = arith.addi %scan3A_3473, %scan3A_3507 : i32
      %mul3A_3509 = arith.constant 1 : i32
      %mul3A_3510 = arith.muli %scan3A_3508, %mul3A_3509 : i32
      %add3A_3511 = arith.constant 0 : i32
      %add3A_3512 = arith.addi %add3A_3511, %mul3A_3510 : i32
      %get3A_3513 = arith.constant 3 : i32
      %get3A_3514 = arith.index_cast %get3A_3513 : i32 to index
      %get3A_3515 = arith.index_cast %add3A_3512 : i32 to index
      %get3A_3516 = arith.constant 0 : index
      %get3A_3517 = tpu.vector_load %arg11[%get3A_3514, %get3A_3515, %get3A_3516] {strides = array<i32>} : memref<4x128x32xf32, #tpu.memory_space<vmem>>, vector<16xf32>,
      %get3A_3518 = arith.constant 3 : i32
      %get3A_3519 = arith.index_cast %get3A_3518 : i32 to index
      %get3A_3520 = arith.index_cast %add3A_3512 : i32 to index
      %get3A_3521 = arith.constant 16 : index
      %get3A_3522 = tpu.vector_load %arg11[%get3A_3519, %get3A_3520, %get3A_3521] {strides = array<i32>} : memref<4x128x32xf32, #tpu.memory_space<vmem>>, vector<16xf32>,
      %get3A_3523 = arith.constant 3 : i32
      %get3A_3524 = arith.index_cast %get3A_3523 : i32 to index
      %get3A_3525 = arith.index_cast %add3A_3512 : i32 to index
      %get3A_3526 = arith.constant 0 : index
      %get3A_3527 = tpu.vector_load %arg12[%get3A_3524, %get3A_3525, %get3A_3526] {strides = array<i32>} : memref<4x128x32xf32, #tpu.memory_space<vmem>>, vector<16xf32>,
      %get3A_3528 = arith.constant 3 : i32
      %get3A_3529 = arith.index_cast %get3A_3528 : i32 to index
      %get3A_3530 = arith.index_cast %add3A_3512 : i32 to index
      %get3A_3531 = arith.constant 16 : index
      %get3A_3532 = tpu.vector_load %arg12[%get3A_3529, %get3A_3530, %get3A_3531] {strides = array<i32>} : memref<4x128x32xf32, #tpu.memory_space<vmem>>, vector<16xf32>,
      %mul3A_3533 = arith.mulf %get3A_3517, %get3A_3527 : vector<16xf32>
      %mul3A_3534 = arith.mulf %get3A_3522, %get3A_3532 : vector<16xf32>
      %add3A_3535 = arith.addf %mul3A_3533, %mul3A_3534 : vector<16xf32>
      %add3A_3536 = arith.constant 384 : i32
      %add3A_3537 = arith.addi %add3A_3536, %add3A_3512 : i32
      %mul3A_3538 = arith.constant 17 : i32
      %mul3A_3539 = arith.muli %add3A_3537, %mul3A_3538 : i32
      %add3A_3540 = vector.broadcast %mul3A_3539 : i32 to vector<16xi32>
      %add3A_3541 = arith.addi %add3A_3540, %iota3A : vector<16xi32>
      tpu.vector_store_idx %arg15[%add3A_3541], %add3A_3535 : memref<8704xf32, #tpu.memory_space<vmem>>[vector<16xi32>], vector<16xf32>,
      %scan3A_3542 = arith.constant 2 : i32
      %scan3A_3543 = arith.addi %scan3A_3473, %scan3A_3542 : i32
      %mul3A_3544 = arith.constant 1 : i32
      %mul3A_3545 = arith.muli %scan3A_3543, %mul3A_3544 : i32
      %add3A_3546 = arith.constant 0 : i32
      %add3A_3547 = arith.addi %add3A_3546, %mul3A_3545 : i32
      %get3A_3548 = arith.constant 3 : i32
      %get3A_3549 = arith.index_cast %get3A_3548 : i32 to index
      %get3A_3550 = arith.index_cast %add3A_3547 : i32 to index
      %get3A_3551 = arith.constant 0 : index
      %get3A_3552 = tpu.vector_load %arg11[%get3A_3549, %get3A_3550, %get3A_3551] {strides = array<i32>} : memref<4x128x32xf32, #tpu.memory_space<vmem>>, vector<16xf32>,
      %get3A_3553 = arith.constant 3 : i32
      %get3A_3554 = arith.index_cast %get3A_3553 : i32 to index
      %get3A_3555 = arith.index_cast %add3A_3547 : i32 to index
      %get3A_3556 = arith.constant 16 : index
      %get3A_3557 = tpu.vector_load %arg11[%get3A_3554, %get3A_3555, %get3A_3556] {strides = array<i32>} : memref<4x128x32xf32, #tpu.memory_space<vmem>>, vector<16xf32>,
      %get3A_3558 = arith.constant 3 : i32
      %get3A_3559 = arith.index_cast %get3A_3558 : i32 to index
      %get3A_3560 = arith.index_cast %add3A_3547 : i32 to index
      %get3A_3561 = arith.constant 0 : index
      %get3A_3562 = tpu.vector_load %arg12[%get3A_3559, %get3A_3560, %get3A_3561] {strides = array<i32>} : memref<4x128x32xf32, #tpu.memory_space<vmem>>, vector<16xf32>,
      %get3A_3563 = arith.constant 3 : i32
      %get3A_3564 = arith.index_cast %get3A_3563 : i32 to index
      %get3A_3565 = arith.index_cast %add3A_3547 : i32 to index
      %get3A_3566 = arith.constant 16 : index
      %get3A_3567 = tpu.vector_load %arg12[%get3A_3564, %get3A_3565, %get3A_3566] {strides = array<i32>} : memref<4x128x32xf32, #tpu.memory_space<vmem>>, vector<16xf32>,
      %mul3A_3568 = arith.mulf %get3A_3552, %get3A_3562 : vector<16xf32>
      %mul3A_3569 = arith.mulf %get3A_3557, %get3A_3567 : vector<16xf32>
      %add3A_3570 = arith.addf %mul3A_3568, %mul3A_3569 : vector<16xf32>
      %add3A_3571 = arith.constant 384 : i32
      %add3A_3572 = arith.addi %add3A_3571, %add3A_3547 : i32
      %mul3A_3573 = arith.constant 17 : i32
      %mul3A_3574 = arith.muli %add3A_3572, %mul3A_3573 : i32
      %add3A_3575 = vector.broadcast %mul3A_3574 : i32 to vector<16xi32>
      %add3A_3576 = arith.addi %add3A_3575, %iota3A : vector<16xi32>
      tpu.vector_store_idx %arg15[%add3A_3576], %add3A_3570 : memref<8704xf32, #tpu.memory_space<vmem>>[vector<16xi32>], vector<16xf32>,
      %scan3A_3577 = arith.constant 3 : i32
      %scan3A_3578 = arith.addi %scan3A_3473, %scan3A_3577 : i32
      %mul3A_3579 = arith.constant 1 : i32
      %mul3A_3580 = arith.muli %scan3A_3578, %mul3A_3579 : i32
      %add3A_3581 = arith.constant 0 : i32
      %add3A_3582 = arith.addi %add3A_3581, %mul3A_3580 : i32
      %get3A_3583 = arith.constant 3 : i32
      %get3A_3584 = arith.index_cast %get3A_3583 : i32 to index
      %get3A_3585 = arith.index_cast %add3A_3582 : i32 to index
      %get3A_3586 = arith.constant 0 : index
      %get3A_3587 = tpu.vector_load %arg11[%get3A_3584, %get3A_3585, %get3A_3586] {strides = array<i32>} : memref<4x128x32xf32, #tpu.memory_space<vmem>>, vector<16xf32>,
      %get3A_3588 = arith.constant 3 : i32
      %get3A_3589 = arith.index_cast %get3A_3588 : i32 to index
      %get3A_3590 = arith.index_cast %add3A_3582 : i32 to index
      %get3A_3591 = arith.constant 16 : index
      %get3A_3592 = tpu.vector_load %arg11[%get3A_3589, %get3A_3590, %get3A_3591] {strides = array<i32>} : memref<4x128x32xf32, #tpu.memory_space<vmem>>, vector<16xf32>,
      %get3A_3593 = arith.constant 3 : i32
      %get3A_3594 = arith.index_cast %get3A_3593 : i32 to index
      %get3A_3595 = arith.index_cast %add3A_3582 : i32 to index
      %get3A_3596 = arith.constant 0 : index
      %get3A_3597 = tpu.vector_load %arg12[%get3A_3594, %get3A_3595, %get3A_3596] {strides = array<i32>} : memref<4x128x32xf32, #tpu.memory_space<vmem>>, vector<16xf32>,
      %get3A_3598 = arith.constant 3 : i32
      %get3A_3599 = arith.index_cast %get3A_3598 : i32 to index
      %get3A_3600 = arith.index_cast %add3A_3582 : i32 to index
      %get3A_3601 = arith.constant 16 : index
      %get3A_3602 = tpu.vector_load %arg12[%get3A_3599, %get3A_3600, %get3A_3601] {strides = array<i32>} : memref<4x128x32xf32, #tpu.memory_space<vmem>>, vector<16xf32>,
      %mul3A_3603 = arith.mulf %get3A_3587, %get3A_3597 : vector<16xf32>
      %mul3A_3604 = arith.mulf %get3A_3592, %get3A_3602 : vector<16xf32>
      %add3A_3605 = arith.addf %mul3A_3603, %mul3A_3604 : vector<16xf32>
      %add3A_3606 = arith.constant 384 : i32
      %add3A_3607 = arith.addi %add3A_3606, %add3A_3582 : i32
      %mul3A_3608 = arith.constant 17 : i32
      %mul3A_3609 = arith.muli %add3A_3607, %mul3A_3608 : i32
      %add3A_3610 = vector.broadcast %mul3A_3609 : i32 to vector<16xi32>
      %add3A_3611 = arith.addi %add3A_3610, %iota3A : vector<16xi32>
      tpu.vector_store_idx %arg15[%add3A_3611], %add3A_3605 : memref<8704xf32, #tpu.memory_space<vmem>>[vector<16xi32>], vector<16xf32>,
    }
    %scan3A_369 = arith.constant 128 : i32
    %add3A_370 = arith.constant 0 : i32
    %add3A_371 = vector.broadcast %add3A_370 : i32 to vector<16xi32>
    %add3A_372 = arith.addi %add3A_371, %iota3A : vector<16xi32>
    %mul3A_373 = arith.constant 17 : i32
    %mul3A_374 = vector.broadcast %mul3A_373 : i32 to vector<16xi32>
    %mul3A_375 = arith.muli %add3A_372, %mul3A_374 : vector<16xi32>
    %get3A = arith.constant 0 : i32
    %get3A_376 = arith.index_cast %get3A : i32 to index
    %get3A_377 = arith.constant 0 : index
    %get3A_378 = tpu.vector_load %arg13[%get3A_376, %get3A_377] {strides = array<i32>} : memref<4x128xf32, #tpu.memory_space<vmem>>, vector<16xf32>,
    %get3A_379 = arith.constant 0 : i32
    %get3A_380 = arith.index_cast %get3A_379 : i32 to index
    %get3A_381 = arith.constant 0 : index
    %get3A_382 = tpu.vector_load %arg14[%get3A_380, %get3A_381] {strides = array<i32>} : memref<4x128xf32, #tpu.memory_space<vmem>>, vector<16xf32>,
    %add3A_383 = arith.addf %get3A_378, %get3A_382 : vector<16xf32>
    %add3A_384 = arith.constant 0 : i32
    %add3A_385 = vector.broadcast %add3A_384 : i32 to vector<16xi32>
    %add3A_386 = arith.addi %mul3A_375, %add3A_385 : vector<16xi32>
    %gather3A = tpu.vector_load_idx %arg15[%add3A_386] : memref<8704xf32, #tpu.memory_space<vmem>>[vector<16xi32>], vector<16xf32>,
    %add3A_387 = arith.addf %add3A_383, %gather3A : vector<16xf32>
    %add3A_388 = arith.constant 1 : i32
    %add3A_389 = vector.broadcast %add3A_388 : i32 to vector<16xi32>
    %add3A_390 = arith.addi %mul3A_375, %add3A_389 : vector<16xi32>
    %gather3A_391 = tpu.vector_load_idx %arg15[%add3A_390] : memref<8704xf32, #tpu.memory_space<vmem>>[vector<16xi32>], vector<16xf32>,
    %add3A_392 = arith.addf %add3A_387, %gather3A_391 : vector<16xf32>
    %add3A_393 = arith.constant 2 : i32
    %add3A_394 = vector.broadcast %add3A_393 : i32 to vector<16xi32>
    %add3A_395 = arith.addi %mul3A_375, %add3A_394 : vector<16xi32>
    %gather3A_396 = tpu.vector_load_idx %arg15[%add3A_395] : memref<8704xf32, #tpu.memory_space<vmem>>[vector<16xi32>], vector<16xf32>,
    %add3A_397 = arith.addf %add3A_392, %gather3A_396 : vector<16xf32>
    %add3A_398 = arith.constant 3 : i32
    %add3A_399 = vector.broadcast %add3A_398 : i32 to vector<16xi32>
    %add3A_400 = arith.addi %mul3A_375, %add3A_399 : vector<16xi32>
    %gather3A_401 = tpu.vector_load_idx %arg15[%add3A_400] : memref<8704xf32, #tpu.memory_space<vmem>>[vector<16xi32>], vector<16xf32>,
    %add3A_402 = arith.addf %add3A_397, %gather3A_401 : vector<16xf32>
    %add3A_403 = arith.constant 4 : i32
    %add3A_404 = vector.broadcast %add3A_403 : i32 to vector<16xi32>
    %add3A_405 = arith.addi %mul3A_375, %add3A_404 : vector<16xi32>
    %gather3A_406 = tpu.vector_load_idx %arg15[%add3A_405] : memref<8704xf32, #tpu.memory_space<vmem>>[vector<16xi32>], vector<16xf32>,
    %add3A_407 = arith.addf %add3A_402, %gather3A_406 : vector<16xf32>
    %add3A_408 = arith.constant 5 : i32
    %add3A_409 = vector.broadcast %add3A_408 : i32 to vector<16xi32>
    %add3A_410 = arith.addi %mul3A_375, %add3A_409 : vector<16xi32>
    %gather3A_411 = tpu.vector_load_idx %arg15[%add3A_410] : memref<8704xf32, #tpu.memory_space<vmem>>[vector<16xi32>], vector<16xf32>,
    %add3A_412 = arith.addf %add3A_407, %gather3A_411 : vector<16xf32>
    %add3A_413 = arith.constant 6 : i32
    %add3A_414 = vector.broadcast %add3A_413 : i32 to vector<16xi32>
    %add3A_415 = arith.addi %mul3A_375, %add3A_414 : vector<16xi32>
    %gather3A_416 = tpu.vector_load_idx %arg15[%add3A_415] : memref<8704xf32, #tpu.memory_space<vmem>>[vector<16xi32>], vector<16xf32>,
    %add3A_417 = arith.addf %add3A_412, %gather3A_416 : vector<16xf32>
    %add3A_418 = arith.constant 7 : i32
    %add3A_419 = vector.broadcast %add3A_418 : i32 to vector<16xi32>
    %add3A_420 = arith.addi %mul3A_375, %add3A_419 : vector<16xi32>
    %gather3A_421 = tpu.vector_load_idx %arg15[%add3A_420] : memref<8704xf32, #tpu.memory_space<vmem>>[vector<16xi32>], vector<16xf32>,
    %add3A_422 = arith.addf %add3A_417, %gather3A_421 : vector<16xf32>
    %add3A_423 = arith.constant 8 : i32
    %add3A_424 = vector.broadcast %add3A_423 : i32 to vector<16xi32>
    %add3A_425 = arith.addi %mul3A_375, %add3A_424 : vector<16xi32>
    %gather3A_426 = tpu.vector_load_idx %arg15[%add3A_425] : memref<8704xf32, #tpu.memory_space<vmem>>[vector<16xi32>], vector<16xf32>,
    %add3A_427 = arith.addf %add3A_422, %gather3A_426 : vector<16xf32>
    %add3A_428 = arith.constant 9 : i32
    %add3A_429 = vector.broadcast %add3A_428 : i32 to vector<16xi32>
    %add3A_430 = arith.addi %mul3A_375, %add3A_429 : vector<16xi32>
    %gather3A_431 = tpu.vector_load_idx %arg15[%add3A_430] : memref<8704xf32, #tpu.memory_space<vmem>>[vector<16xi32>], vector<16xf32>,
    %add3A_432 = arith.addf %add3A_427, %gather3A_431 : vector<16xf32>
    %add3A_433 = arith.constant 10 : i32
    %add3A_434 = vector.broadcast %add3A_433 : i32 to vector<16xi32>
    %add3A_435 = arith.addi %mul3A_375, %add3A_434 : vector<16xi32>
    %gather3A_436 = tpu.vector_load_idx %arg15[%add3A_435] : memref<8704xf32, #tpu.memory_space<vmem>>[vector<16xi32>], vector<16xf32>,
    %add3A_437 = arith.addf %add3A_432, %gather3A_436 : vector<16xf32>
    %add3A_438 = arith.constant 11 : i32
    %add3A_439 = vector.broadcast %add3A_438 : i32 to vector<16xi32>
    %add3A_440 = arith.addi %mul3A_375, %add3A_439 : vector<16xi32>
    %gather3A_441 = tpu.vector_load_idx %arg15[%add3A_440] : memref<8704xf32, #tpu.memory_space<vmem>>[vector<16xi32>], vector<16xf32>,
    %add3A_442 = arith.addf %add3A_437, %gather3A_441 : vector<16xf32>
    %add3A_443 = arith.constant 12 : i32
    %add3A_444 = vector.broadcast %add3A_443 : i32 to vector<16xi32>
    %add3A_445 = arith.addi %mul3A_375, %add3A_444 : vector<16xi32>
    %gather3A_446 = tpu.vector_load_idx %arg15[%add3A_445] : memref<8704xf32, #tpu.memory_space<vmem>>[vector<16xi32>], vector<16xf32>,
    %add3A_447 = arith.addf %add3A_442, %gather3A_446 : vector<16xf32>
    %add3A_448 = arith.constant 13 : i32
    %add3A_449 = vector.broadcast %add3A_448 : i32 to vector<16xi32>
    %add3A_450 = arith.addi %mul3A_375, %add3A_449 : vector<16xi32>
    %gather3A_451 = tpu.vector_load_idx %arg15[%add3A_450] : memref<8704xf32, #tpu.memory_space<vmem>>[vector<16xi32>], vector<16xf32>,
    %add3A_452 = arith.addf %add3A_447, %gather3A_451 : vector<16xf32>
    %add3A_453 = arith.constant 14 : i32
    %add3A_454 = vector.broadcast %add3A_453 : i32 to vector<16xi32>
    %add3A_455 = arith.addi %mul3A_375, %add3A_454 : vector<16xi32>
    %gather3A_456 = tpu.vector_load_idx %arg15[%add3A_455] : memref<8704xf32, #tpu.memory_space<vmem>>[vector<16xi32>], vector<16xf32>,
    %add3A_457 = arith.addf %add3A_452, %gather3A_456 : vector<16xf32>
    %add3A_458 = arith.constant 15 : i32
    %add3A_459 = vector.broadcast %add3A_458 : i32 to vector<16xi32>
    %add3A_460 = arith.addi %mul3A_375, %add3A_459 : vector<16xi32>
    %gather3A_461 = tpu.vector_load_idx %arg15[%add3A_460] : memref<8704xf32, #tpu.memory_space<vmem>>[vector<16xi32>], vector<16xf32>,
    %add3A_462 = arith.addf %add3A_457, %gather3A_461 : vector<16xf32>
    %swap3A = arith.constant 0 : index
    %swap3A_463 = tpu.vector_load %arg16[%swap3A] {strides = array<i32>} : memref<512xf32, #tpu.memory_space<vmem>>, vector<16xf32>,
    tpu.vector_store %arg16[%swap3A], %add3A_462 {strides = array<i32>} : memref<512xf32, #tpu.memory_space<vmem>>, vector<16xf32>,
    %add3A_464 = arith.constant 16 : i32
    %add3A_465 = vector.broadcast %add3A_464 : i32 to vector<16xi32>
    %add3A_466 = arith.addi %add3A_465, %iota3A : vector<16xi32>
    %mul3A_467 = arith.constant 17 : i32
    %mul3A_468 = vector.broadcast %mul3A_467 : i32 to vector<16xi32>
    %mul3A_469 = arith.muli %add3A_466, %mul3A_468 : vector<16xi32>
    %get3A_470 = arith.constant 0 : i32
    %get3A_471 = arith.index_cast %get3A_470 : i32 to index
    %get3A_472 = arith.constant 16 : index
    %get3A_473 = tpu.vector_load %arg13[%get3A_471, %get3A_472] {strides = array<i32>} : memref<4x128xf32, #tpu.memory_space<vmem>>, vector<16xf32>,
    %get3A_474 = arith.constant 0 : i32
    %get3A_475 = arith.index_cast %get3A_474 : i32 to index
    %get3A_476 = arith.constant 16 : index
    %get3A_477 = tpu.vector_load %arg14[%get3A_475, %get3A_476] {strides = array<i32>} : memref<4x128xf32, #tpu.memory_space<vmem>>, vector<16xf32>,
    %add3A_478 = arith.addf %get3A_473, %get3A_477 : vector<16xf32>
    %add3A_479 = arith.constant 0 : i32
    %add3A_480 = vector.broadcast %add3A_479 : i32 to vector<16xi32>
    %add3A_481 = arith.addi %mul3A_469, %add3A_480 : vector<16xi32>
    %gather3A_482 = tpu.vector_load_idx %arg15[%add3A_481] : memref<8704xf32, #tpu.memory_space<vmem>>[vector<16xi32>], vector<16xf32>,
    %add3A_483 = arith.addf %add3A_478, %gather3A_482 : vector<16xf32>
    %add3A_484 = arith.constant 1 : i32
    %add3A_485 = vector.broadcast %add3A_484 : i32 to vector<16xi32>
    %add3A_486 = arith.addi %mul3A_469, %add3A_485 : vector<16xi32>
    %gather3A_487 = tpu.vector_load_idx %arg15[%add3A_486] : memref<8704xf32, #tpu.memory_space<vmem>>[vector<16xi32>], vector<16xf32>,
    %add3A_488 = arith.addf %add3A_483, %gather3A_487 : vector<16xf32>
    %add3A_489 = arith.constant 2 : i32
    %add3A_490 = vector.broadcast %add3A_489 : i32 to vector<16xi32>
    %add3A_491 = arith.addi %mul3A_469, %add3A_490 : vector<16xi32>
    %gather3A_492 = tpu.vector_load_idx %arg15[%add3A_491] : memref<8704xf32, #tpu.memory_space<vmem>>[vector<16xi32>], vector<16xf32>,
    %add3A_493 = arith.addf %add3A_488, %gather3A_492 : vector<16xf32>
    %add3A_494 = arith.constant 3 : i32
    %add3A_495 = vector.broadcast %add3A_494 : i32 to vector<16xi32>
    %add3A_496 = arith.addi %mul3A_469, %add3A_495 : vector<16xi32>
    %gather3A_497 = tpu.vector_load_idx %arg15[%add3A_496] : memref<8704xf32, #tpu.memory_space<vmem>>[vector<16xi32>], vector<16xf32>,
    %add3A_498 = arith.addf %add3A_493, %gather3A_497 : vector<16xf32>
    %add3A_499 = arith.constant 4 : i32
    %add3A_500 = vector.broadcast %add3A_499 : i32 to vector<16xi32>
    %add3A_501 = arith.addi %mul3A_469, %add3A_500 : vector<16xi32>
    %gather3A_502 = tpu.vector_load_idx %arg15[%add3A_501] : memref<8704xf32, #tpu.memory_space<vmem>>[vector<16xi32>], vector<16xf32>,
    %add3A_503 = arith.addf %add3A_498, %gather3A_502 : vector<16xf32>
    %add3A_504 = arith.constant 5 : i32
    %add3A_505 = vector.broadcast %add3A_504 : i32 to vector<16xi32>
    %add3A_506 = arith.addi %mul3A_469, %add3A_505 : vector<16xi32>
    %gather3A_507 = tpu.vector_load_idx %arg15[%add3A_506] : memref<8704xf32, #tpu.memory_space<vmem>>[vector<16xi32>], vector<16xf32>,
    %add3A_508 = arith.addf %add3A_503, %gather3A_507 : vector<16xf32>
    %add3A_509 = arith.constant 6 : i32
    %add3A_510 = vector.broadcast %add3A_509 : i32 to vector<16xi32>
    %add3A_511 = arith.addi %mul3A_469, %add3A_510 : vector<16xi32>
    %gather3A_512 = tpu.vector_load_idx %arg15[%add3A_511] : memref<8704xf32, #tpu.memory_space<vmem>>[vector<16xi32>], vector<16xf32>,
    %add3A_513 = arith.addf %add3A_508, %gather3A_512 : vector<16xf32>
    %add3A_514 = arith.constant 7 : i32
    %add3A_515 = vector.broadcast %add3A_514 : i32 to vector<16xi32>
    %add3A_516 = arith.addi %mul3A_469, %add3A_515 : vector<16xi32>
    %gather3A_517 = tpu.vector_load_idx %arg15[%add3A_516] : memref<8704xf32, #tpu.memory_space<vmem>>[vector<16xi32>], vector<16xf32>,
    %add3A_518 = arith.addf %add3A_513, %gather3A_517 : vector<16xf32>
    %add3A_519 = arith.constant 8 : i32
    %add3A_520 = vector.broadcast %add3A_519 : i32 to vector<16xi32>
    %add3A_521 = arith.addi %mul3A_469, %add3A_520 : vector<16xi32>
    %gather3A_522 = tpu.vector_load_idx %arg15[%add3A_521] : memref<8704xf32, #tpu.memory_space<vmem>>[vector<16xi32>], vector<16xf32>,
    %add3A_523 = arith.addf %add3A_518, %gather3A_522 : vector<16xf32>
    %add3A_524 = arith.constant 9 : i32
    %add3A_525 = vector.broadcast %add3A_524 : i32 to vector<16xi32>
    %add3A_526 = arith.addi %mul3A_469, %add3A_525 : vector<16xi32>
    %gather3A_527 = tpu.vector_load_idx %arg15[%add3A_526] : memref<8704xf32, #tpu.memory_space<vmem>>[vector<16xi32>], vector<16xf32>,
    %add3A_528 = arith.addf %add3A_523, %gather3A_527 : vector<16xf32>
    %add3A_529 = arith.constant 10 : i32
    %add3A_530 = vector.broadcast %add3A_529 : i32 to vector<16xi32>
    %add3A_531 = arith.addi %mul3A_469, %add3A_530 : vector<16xi32>
    %gather3A_532 = tpu.vector_load_idx %arg15[%add3A_531] : memref<8704xf32, #tpu.memory_space<vmem>>[vector<16xi32>], vector<16xf32>,
    %add3A_533 = arith.addf %add3A_528, %gather3A_532 : vector<16xf32>
    %add3A_534 = arith.constant 11 : i32
    %add3A_535 = vector.broadcast %add3A_534 : i32 to vector<16xi32>
    %add3A_536 = arith.addi %mul3A_469, %add3A_535 : vector<16xi32>
    %gather3A_537 = tpu.vector_load_idx %arg15[%add3A_536] : memref<8704xf32, #tpu.memory_space<vmem>>[vector<16xi32>], vector<16xf32>,
    %add3A_538 = arith.addf %add3A_533, %gather3A_537 : vector<16xf32>
    %add3A_539 = arith.constant 12 : i32
    %add3A_540 = vector.broadcast %add3A_539 : i32 to vector<16xi32>
    %add3A_541 = arith.addi %mul3A_469, %add3A_540 : vector<16xi32>
    %gather3A_542 = tpu.vector_load_idx %arg15[%add3A_541] : memref<8704xf32, #tpu.memory_space<vmem>>[vector<16xi32>], vector<16xf32>,
    %add3A_543 = arith.addf %add3A_538, %gather3A_542 : vector<16xf32>
    %add3A_544 = arith.constant 13 : i32
    %add3A_545 = vector.broadcast %add3A_544 : i32 to vector<16xi32>
    %add3A_546 = arith.addi %mul3A_469, %add3A_545 : vector<16xi32>
    %gather3A_547 = tpu.vector_load_idx %arg15[%add3A_546] : memref<8704xf32, #tpu.memory_space<vmem>>[vector<16xi32>], vector<16xf32>,
    %add3A_548 = arith.addf %add3A_543, %gather3A_547 : vector<16xf32>
    %add3A_549 = arith.constant 14 : i32
    %add3A_550 = vector.broadcast %add3A_549 : i32 to vector<16xi32>
    %add3A_551 = arith.addi %mul3A_469, %add3A_550 : vector<16xi32>
    %gather3A_552 = tpu.vector_load_idx %arg15[%add3A_551] : memref<8704xf32, #tpu.memory_space<vmem>>[vector<16xi32>], vector<16xf32>,
    %add3A_553 = arith.addf %add3A_548, %gather3A_552 : vector<16xf32>
    %add3A_554 = arith.constant 15 : i32
    %add3A_555 = vector.broadcast %add3A_554 : i32 to vector<16xi32>
    %add3A_556 = arith.addi %mul3A_469, %add3A_555 : vector<16xi32>
    %gather3A_557 = tpu.vector_load_idx %arg15[%add3A_556] : memref<8704xf32, #tpu.memory_space<vmem>>[vector<16xi32>], vector<16xf32>,
    %add3A_558 = arith.addf %add3A_553, %gather3A_557 : vector<16xf32>
    %swap3A_559 = arith.constant 16 : index
    %swap3A_560 = tpu.vector_load %arg16[%swap3A_559] {strides = array<i32>} : memref<512xf32, #tpu.memory_space<vmem>>, vector<16xf32>,
    tpu.vector_store %arg16[%swap3A_559], %add3A_558 {strides = array<i32>} : memref<512xf32, #tpu.memory_space<vmem>>, vector<16xf32>,
    %add3A_561 = arith.constant 32 : i32
    %add3A_562 = vector.broadcast %add3A_561 : i32 to vector<16xi32>
    %add3A_563 = arith.addi %add3A_562, %iota3A : vector<16xi32>
    %mul3A_564 = arith.constant 17 : i32
    %mul3A_565 = vector.broadcast %mul3A_564 : i32 to vector<16xi32>
    %mul3A_566 = arith.muli %add3A_563, %mul3A_565 : vector<16xi32>
    %get3A_567 = arith.constant 0 : i32
    %get3A_568 = arith.index_cast %get3A_567 : i32 to index
    %get3A_569 = arith.constant 32 : index
    %get3A_570 = tpu.vector_load %arg13[%get3A_568, %get3A_569] {strides = array<i32>} : memref<4x128xf32, #tpu.memory_space<vmem>>, vector<16xf32>,
    %get3A_571 = arith.constant 0 : i32
    %get3A_572 = arith.index_cast %get3A_571 : i32 to index
    %get3A_573 = arith.constant 32 : index
    %get3A_574 = tpu.vector_load %arg14[%get3A_572, %get3A_573] {strides = array<i32>} : memref<4x128xf32, #tpu.memory_space<vmem>>, vector<16xf32>,
    %add3A_575 = arith.addf %get3A_570, %get3A_574 : vector<16xf32>
    %add3A_576 = arith.constant 0 : i32
    %add3A_577 = vector.broadcast %add3A_576 : i32 to vector<16xi32>
    %add3A_578 = arith.addi %mul3A_566, %add3A_577 : vector<16xi32>
    %gather3A_579 = tpu.vector_load_idx %arg15[%add3A_578] : memref<8704xf32, #tpu.memory_space<vmem>>[vector<16xi32>], vector<16xf32>,
    %add3A_580 = arith.addf %add3A_575, %gather3A_579 : vector<16xf32>
    %add3A_581 = arith.constant 1 : i32
    %add3A_582 = vector.broadcast %add3A_581 : i32 to vector<16xi32>
    %add3A_583 = arith.addi %mul3A_566, %add3A_582 : vector<16xi32>
    %gather3A_584 = tpu.vector_load_idx %arg15[%add3A_583] : memref<8704xf32, #tpu.memory_space<vmem>>[vector<16xi32>], vector<16xf32>,
    %add3A_585 = arith.addf %add3A_580, %gather3A_584 : vector<16xf32>
    %add3A_586 = arith.constant 2 : i32
    %add3A_587 = vector.broadcast %add3A_586 : i32 to vector<16xi32>
    %add3A_588 = arith.addi %mul3A_566, %add3A_587 : vector<16xi32>
    %gather3A_589 = tpu.vector_load_idx %arg15[%add3A_588] : memref<8704xf32, #tpu.memory_space<vmem>>[vector<16xi32>], vector<16xf32>,
    %add3A_590 = arith.addf %add3A_585, %gather3A_589 : vector<16xf32>
    %add3A_591 = arith.constant 3 : i32
    %add3A_592 = vector.broadcast %add3A_591 : i32 to vector<16xi32>
    %add3A_593 = arith.addi %mul3A_566, %add3A_592 : vector<16xi32>
    %gather3A_594 = tpu.vector_load_idx %arg15[%add3A_593] : memref<8704xf32, #tpu.memory_space<vmem>>[vector<16xi32>], vector<16xf32>,
    %add3A_595 = arith.addf %add3A_590, %gather3A_594 : vector<16xf32>
    %add3A_596 = arith.constant 4 : i32
    %add3A_597 = vector.broadcast %add3A_596 : i32 to vector<16xi32>
    %add3A_598 = arith.addi %mul3A_566, %add3A_597 : vector<16xi32>
    %gather3A_599 = tpu.vector_load_idx %arg15[%add3A_598] : memref<8704xf32, #tpu.memory_space<vmem>>[vector<16xi32>], vector<16xf32>,
    %add3A_600 = arith.addf %add3A_595, %gather3A_599 : vector<16xf32>
    %add3A_601 = arith.constant 5 : i32
    %add3A_602 = vector.broadcast %add3A_601 : i32 to vector<16xi32>
    %add3A_603 = arith.addi %mul3A_566, %add3A_602 : vector<16xi32>
    %gather3A_604 = tpu.vector_load_idx %arg15[%add3A_603] : memref<8704xf32, #tpu.memory_space<vmem>>[vector<16xi32>], vector<16xf32>,
    %add3A_605 = arith.addf %add3A_600, %gather3A_604 : vector<16xf32>
    %add3A_606 = arith.constant 6 : i32
    %add3A_607 = vector.broadcast %add3A_606 : i32 to vector<16xi32>
    %add3A_608 = arith.addi %mul3A_566, %add3A_607 : vector<16xi32>
    %gather3A_609 = tpu.vector_load_idx %arg15[%add3A_608] : memref<8704xf32, #tpu.memory_space<vmem>>[vector<16xi32>], vector<16xf32>,
    %add3A_610 = arith.addf %add3A_605, %gather3A_609 : vector<16xf32>
    %add3A_611 = arith.constant 7 : i32
    %add3A_612 = vector.broadcast %add3A_611 : i32 to vector<16xi32>
    %add3A_613 = arith.addi %mul3A_566, %add3A_612 : vector<16xi32>
    %gather3A_614 = tpu.vector_load_idx %arg15[%add3A_613] : memref<8704xf32, #tpu.memory_space<vmem>>[vector<16xi32>], vector<16xf32>,
    %add3A_615 = arith.addf %add3A_610, %gather3A_614 : vector<16xf32>
    %add3A_616 = arith.constant 8 : i32
    %add3A_617 = vector.broadcast %add3A_616 : i32 to vector<16xi32>
    %add3A_618 = arith.addi %mul3A_566, %add3A_617 : vector<16xi32>
    %gather3A_619 = tpu.vector_load_idx %arg15[%add3A_618] : memref<8704xf32, #tpu.memory_space<vmem>>[vector<16xi32>], vector<16xf32>,
    %add3A_620 = arith.addf %add3A_615, %gather3A_619 : vector<16xf32>
    %add3A_621 = arith.constant 9 : i32
    %add3A_622 = vector.broadcast %add3A_621 : i32 to vector<16xi32>
    %add3A_623 = arith.addi %mul3A_566, %add3A_622 : vector<16xi32>
    %gather3A_624 = tpu.vector_load_idx %arg15[%add3A_623] : memref<8704xf32, #tpu.memory_space<vmem>>[vector<16xi32>], vector<16xf32>,
    %add3A_625 = arith.addf %add3A_620, %gather3A_624 : vector<16xf32>
    %add3A_626 = arith.constant 10 : i32
    %add3A_627 = vector.broadcast %add3A_626 : i32 to vector<16xi32>
    %add3A_628 = arith.addi %mul3A_566, %add3A_627 : vector<16xi32>
    %gather3A_629 = tpu.vector_load_idx %arg15[%add3A_628] : memref<8704xf32, #tpu.memory_space<vmem>>[vector<16xi32>], vector<16xf32>,
    %add3A_630 = arith.addf %add3A_625, %gather3A_629 : vector<16xf32>
    %add3A_631 = arith.constant 11 : i32
    %add3A_632 = vector.broadcast %add3A_631 : i32 to vector<16xi32>
    %add3A_633 = arith.addi %mul3A_566, %add3A_632 : vector<16xi32>
    %gather3A_634 = tpu.vector_load_idx %arg15[%add3A_633] : memref<8704xf32, #tpu.memory_space<vmem>>[vector<16xi32>], vector<16xf32>,
    %add3A_635 = arith.addf %add3A_630, %gather3A_634 : vector<16xf32>
    %add3A_636 = arith.constant 12 : i32
    %add3A_637 = vector.broadcast %add3A_636 : i32 to vector<16xi32>
    %add3A_638 = arith.addi %mul3A_566, %add3A_637 : vector<16xi32>
    %gather3A_639 = tpu.vector_load_idx %arg15[%add3A_638] : memref<8704xf32, #tpu.memory_space<vmem>>[vector<16xi32>], vector<16xf32>,
    %add3A_640 = arith.addf %add3A_635, %gather3A_639 : vector<16xf32>
    %add3A_641 = arith.constant 13 : i32
    %add3A_642 = vector.broadcast %add3A_641 : i32 to vector<16xi32>
    %add3A_643 = arith.addi %mul3A_566, %add3A_642 : vector<16xi32>
    %gather3A_644 = tpu.vector_load_idx %arg15[%add3A_643] : memref<8704xf32, #tpu.memory_space<vmem>>[vector<16xi32>], vector<16xf32>,
    %add3A_645 = arith.addf %add3A_640, %gather3A_644 : vector<16xf32>
    %add3A_646 = arith.constant 14 : i32
    %add3A_647 = vector.broadcast %add3A_646 : i32 to vector<16xi32>
    %add3A_648 = arith.addi %mul3A_566, %add3A_647 : vector<16xi32>
    %gather3A_649 = tpu.vector_load_idx %arg15[%add3A_648] : memref<8704xf32, #tpu.memory_space<vmem>>[vector<16xi32>], vector<16xf32>,
    %add3A_650 = arith.addf %add3A_645, %gather3A_649 : vector<16xf32>
    %add3A_651 = arith.constant 15 : i32
    %add3A_652 = vector.broadcast %add3A_651 : i32 to vector<16xi32>
    %add3A_653 = arith.addi %mul3A_566, %add3A_652 : vector<16xi32>
    %gather3A_654 = tpu.vector_load_idx %arg15[%add3A_653] : memref<8704xf32, #tpu.memory_space<vmem>>[vector<16xi32>], vector<16xf32>,
    %add3A_655 = arith.addf %add3A_650, %gather3A_654 : vector<16xf32>
    %swap3A_656 = arith.constant 32 : index
    %swap3A_657 = tpu.vector_load %arg16[%swap3A_656] {strides = array<i32>} : memref<512xf32, #tpu.memory_space<vmem>>, vector<16xf32>,
    tpu.vector_store %arg16[%swap3A_656], %add3A_655 {strides = array<i32>} : memref<512xf32, #tpu.memory_space<vmem>>, vector<16xf32>,
    %add3A_658 = arith.constant 48 : i32
    %add3A_659 = vector.broadcast %add3A_658 : i32 to vector<16xi32>
    %add3A_660 = arith.addi %add3A_659, %iota3A : vector<16xi32>
    %mul3A_661 = arith.constant 17 : i32
    %mul3A_662 = vector.broadcast %mul3A_661 : i32 to vector<16xi32>
    %mul3A_663 = arith.muli %add3A_660, %mul3A_662 : vector<16xi32>
    %get3A_664 = arith.constant 0 : i32
    %get3A_665 = arith.index_cast %get3A_664 : i32 to index
    %get3A_666 = arith.constant 48 : index
    %get3A_667 = tpu.vector_load %arg13[%get3A_665, %get3A_666] {strides = array<i32>} : memref<4x128xf32, #tpu.memory_space<vmem>>, vector<16xf32>,
    %get3A_668 = arith.constant 0 : i32
    %get3A_669 = arith.index_cast %get3A_668 : i32 to index
    %get3A_670 = arith.constant 48 : index
    %get3A_671 = tpu.vector_load %arg14[%get3A_669, %get3A_670] {strides = array<i32>} : memref<4x128xf32, #tpu.memory_space<vmem>>, vector<16xf32>,
    %add3A_672 = arith.addf %get3A_667, %get3A_671 : vector<16xf32>
    %add3A_673 = arith.constant 0 : i32
    %add3A_674 = vector.broadcast %add3A_673 : i32 to vector<16xi32>
    %add3A_675 = arith.addi %mul3A_663, %add3A_674 : vector<16xi32>
    %gather3A_676 = tpu.vector_load_idx %arg15[%add3A_675] : memref<8704xf32, #tpu.memory_space<vmem>>[vector<16xi32>], vector<16xf32>,
    %add3A_677 = arith.addf %add3A_672, %gather3A_676 : vector<16xf32>
    %add3A_678 = arith.constant 1 : i32
    %add3A_679 = vector.broadcast %add3A_678 : i32 to vector<16xi32>
    %add3A_680 = arith.addi %mul3A_663, %add3A_679 : vector<16xi32>
    %gather3A_681 = tpu.vector_load_idx %arg15[%add3A_680] : memref<8704xf32, #tpu.memory_space<vmem>>[vector<16xi32>], vector<16xf32>,
    %add3A_682 = arith.addf %add3A_677, %gather3A_681 : vector<16xf32>
    %add3A_683 = arith.constant 2 : i32
    %add3A_684 = vector.broadcast %add3A_683 : i32 to vector<16xi32>
    %add3A_685 = arith.addi %mul3A_663, %add3A_684 : vector<16xi32>
    %gather3A_686 = tpu.vector_load_idx %arg15[%add3A_685] : memref<8704xf32, #tpu.memory_space<vmem>>[vector<16xi32>], vector<16xf32>,
    %add3A_687 = arith.addf %add3A_682, %gather3A_686 : vector<16xf32>
    %add3A_688 = arith.constant 3 : i32
    %add3A_689 = vector.broadcast %add3A_688 : i32 to vector<16xi32>
    %add3A_690 = arith.addi %mul3A_663, %add3A_689 : vector<16xi32>
    %gather3A_691 = tpu.vector_load_idx %arg15[%add3A_690] : memref<8704xf32, #tpu.memory_space<vmem>>[vector<16xi32>], vector<16xf32>,
    %add3A_692 = arith.addf %add3A_687, %gather3A_691 : vector<16xf32>
    %add3A_693 = arith.constant 4 : i32
    %add3A_694 = vector.broadcast %add3A_693 : i32 to vector<16xi32>
    %add3A_695 = arith.addi %mul3A_663, %add3A_694 : vector<16xi32>
    %gather3A_696 = tpu.vector_load_idx %arg15[%add3A_695] : memref<8704xf32, #tpu.memory_space<vmem>>[vector<16xi32>], vector<16xf32>,
    %add3A_697 = arith.addf %add3A_692, %gather3A_696 : vector<16xf32>
    %add3A_698 = arith.constant 5 : i32
    %add3A_699 = vector.broadcast %add3A_698 : i32 to vector<16xi32>
    %add3A_700 = arith.addi %mul3A_663, %add3A_699 : vector<16xi32>
    %gather3A_701 = tpu.vector_load_idx %arg15[%add3A_700] : memref<8704xf32, #tpu.memory_space<vmem>>[vector<16xi32>], vector<16xf32>,
    %add3A_702 = arith.addf %add3A_697, %gather3A_701 : vector<16xf32>
    %add3A_703 = arith.constant 6 : i32
    %add3A_704 = vector.broadcast %add3A_703 : i32 to vector<16xi32>
    %add3A_705 = arith.addi %mul3A_663, %add3A_704 : vector<16xi32>
    %gather3A_706 = tpu.vector_load_idx %arg15[%add3A_705] : memref<8704xf32, #tpu.memory_space<vmem>>[vector<16xi32>], vector<16xf32>,
    %add3A_707 = arith.addf %add3A_702, %gather3A_706 : vector<16xf32>
    %add3A_708 = arith.constant 7 : i32
    %add3A_709 = vector.broadcast %add3A_708 : i32 to vector<16xi32>
    %add3A_710 = arith.addi %mul3A_663, %add3A_709 : vector<16xi32>
    %gather3A_711 = tpu.vector_load_idx %arg15[%add3A_710] : memref<8704xf32, #tpu.memory_space<vmem>>[vector<16xi32>], vector<16xf32>,
    %add3A_712 = arith.addf %add3A_707, %gather3A_711 : vector<16xf32>
    %add3A_713 = arith.constant 8 : i32
    %add3A_714 = vector.broadcast %add3A_713 : i32 to vector<16xi32>
    %add3A_715 = arith.addi %mul3A_663, %add3A_714 : vector<16xi32>
    %gather3A_716 = tpu.vector_load_idx %arg15[%add3A_715] : memref<8704xf32, #tpu.memory_space<vmem>>[vector<16xi32>], vector<16xf32>,
    %add3A_717 = arith.addf %add3A_712, %gather3A_716 : vector<16xf32>
    %add3A_718 = arith.constant 9 : i32
    %add3A_719 = vector.broadcast %add3A_718 : i32 to vector<16xi32>
    %add3A_720 = arith.addi %mul3A_663, %add3A_719 : vector<16xi32>
    %gather3A_721 = tpu.vector_load_idx %arg15[%add3A_720] : memref<8704xf32, #tpu.memory_space<vmem>>[vector<16xi32>], vector<16xf32>,
    %add3A_722 = arith.addf %add3A_717, %gather3A_721 : vector<16xf32>
    %add3A_723 = arith.constant 10 : i32
    %add3A_724 = vector.broadcast %add3A_723 : i32 to vector<16xi32>
    %add3A_725 = arith.addi %mul3A_663, %add3A_724 : vector<16xi32>
    %gather3A_726 = tpu.vector_load_idx %arg15[%add3A_725] : memref<8704xf32, #tpu.memory_space<vmem>>[vector<16xi32>], vector<16xf32>,
    %add3A_727 = arith.addf %add3A_722, %gather3A_726 : vector<16xf32>
    %add3A_728 = arith.constant 11 : i32
    %add3A_729 = vector.broadcast %add3A_728 : i32 to vector<16xi32>
    %add3A_730 = arith.addi %mul3A_663, %add3A_729 : vector<16xi32>
    %gather3A_731 = tpu.vector_load_idx %arg15[%add3A_730] : memref<8704xf32, #tpu.memory_space<vmem>>[vector<16xi32>], vector<16xf32>,
    %add3A_732 = arith.addf %add3A_727, %gather3A_731 : vector<16xf32>
    %add3A_733 = arith.constant 12 : i32
    %add3A_734 = vector.broadcast %add3A_733 : i32 to vector<16xi32>
    %add3A_735 = arith.addi %mul3A_663, %add3A_734 : vector<16xi32>
    %gather3A_736 = tpu.vector_load_idx %arg15[%add3A_735] : memref<8704xf32, #tpu.memory_space<vmem>>[vector<16xi32>], vector<16xf32>,
    %add3A_737 = arith.addf %add3A_732, %gather3A_736 : vector<16xf32>
    %add3A_738 = arith.constant 13 : i32
    %add3A_739 = vector.broadcast %add3A_738 : i32 to vector<16xi32>
    %add3A_740 = arith.addi %mul3A_663, %add3A_739 : vector<16xi32>
    %gather3A_741 = tpu.vector_load_idx %arg15[%add3A_740] : memref<8704xf32, #tpu.memory_space<vmem>>[vector<16xi32>], vector<16xf32>,
    %add3A_742 = arith.addf %add3A_737, %gather3A_741 : vector<16xf32>
    %add3A_743 = arith.constant 14 : i32
    %add3A_744 = vector.broadcast %add3A_743 : i32 to vector<16xi32>
    %add3A_745 = arith.addi %mul3A_663, %add3A_744 : vector<16xi32>
    %gather3A_746 = tpu.vector_load_idx %arg15[%add3A_745] : memref<8704xf32, #tpu.memory_space<vmem>>[vector<16xi32>], vector<16xf32>,
    %add3A_747 = arith.addf %add3A_742, %gather3A_746 : vector<16xf32>
    %add3A_748 = arith.constant 15 : i32
    %add3A_749 = vector.broadcast %add3A_748 : i32 to vector<16xi32>
    %add3A_750 = arith.addi %mul3A_663, %add3A_749 : vector<16xi32>
    %gather3A_751 = tpu.vector_load_idx %arg15[%add3A_750] : memref<8704xf32, #tpu.memory_space<vmem>>[vector<16xi32>], vector<16xf32>,
    %add3A_752 = arith.addf %add3A_747, %gather3A_751 : vector<16xf32>
    %swap3A_753 = arith.constant 48 : index
    %swap3A_754 = tpu.vector_load %arg16[%swap3A_753] {strides = array<i32>} : memref<512xf32, #tpu.memory_space<vmem>>, vector<16xf32>,
    tpu.vector_store %arg16[%swap3A_753], %add3A_752 {strides = array<i32>} : memref<512xf32, #tpu.memory_space<vmem>>, vector<16xf32>,
    %add3A_755 = arith.constant 64 : i32
    %add3A_756 = vector.broadcast %add3A_755 : i32 to vector<16xi32>
    %add3A_757 = arith.addi %add3A_756, %iota3A : vector<16xi32>
    %mul3A_758 = arith.constant 17 : i32
    %mul3A_759 = vector.broadcast %mul3A_758 : i32 to vector<16xi32>
    %mul3A_760 = arith.muli %add3A_757, %mul3A_759 : vector<16xi32>
    %get3A_761 = arith.constant 0 : i32
    %get3A_762 = arith.index_cast %get3A_761 : i32 to index
    %get3A_763 = arith.constant 64 : index
    %get3A_764 = tpu.vector_load %arg13[%get3A_762, %get3A_763] {strides = array<i32>} : memref<4x128xf32, #tpu.memory_space<vmem>>, vector<16xf32>,
    %get3A_765 = arith.constant 0 : i32
    %get3A_766 = arith.index_cast %get3A_765 : i32 to index
    %get3A_767 = arith.constant 64 : index
    %get3A_768 = tpu.vector_load %arg14[%get3A_766, %get3A_767] {strides = array<i32>} : memref<4x128xf32, #tpu.memory_space<vmem>>, vector<16xf32>,
    %add3A_769 = arith.addf %get3A_764, %get3A_768 : vector<16xf32>
    %add3A_770 = arith.constant 0 : i32
    %add3A_771 = vector.broadcast %add3A_770 : i32 to vector<16xi32>
    %add3A_772 = arith.addi %mul3A_760, %add3A_771 : vector<16xi32>
    %gather3A_773 = tpu.vector_load_idx %arg15[%add3A_772] : memref<8704xf32, #tpu.memory_space<vmem>>[vector<16xi32>], vector<16xf32>,
    %add3A_774 = arith.addf %add3A_769, %gather3A_773 : vector<16xf32>
    %add3A_775 = arith.constant 1 : i32
    %add3A_776 = vector.broadcast %add3A_775 : i32 to vector<16xi32>
    %add3A_777 = arith.addi %mul3A_760, %add3A_776 : vector<16xi32>
    %gather3A_778 = tpu.vector_load_idx %arg15[%add3A_777] : memref<8704xf32, #tpu.memory_space<vmem>>[vector<16xi32>], vector<16xf32>,
    %add3A_779 = arith.addf %add3A_774, %gather3A_778 : vector<16xf32>
    %add3A_780 = arith.constant 2 : i32
    %add3A_781 = vector.broadcast %add3A_780 : i32 to vector<16xi32>
    %add3A_782 = arith.addi %mul3A_760, %add3A_781 : vector<16xi32>
    %gather3A_783 = tpu.vector_load_idx %arg15[%add3A_782] : memref<8704xf32, #tpu.memory_space<vmem>>[vector<16xi32>], vector<16xf32>,
    %add3A_784 = arith.addf %add3A_779, %gather3A_783 : vector<16xf32>
    %add3A_785 = arith.constant 3 : i32
    %add3A_786 = vector.broadcast %add3A_785 : i32 to vector<16xi32>
    %add3A_787 = arith.addi %mul3A_760, %add3A_786 : vector<16xi32>
    %gather3A_788 = tpu.vector_load_idx %arg15[%add3A_787] : memref<8704xf32, #tpu.memory_space<vmem>>[vector<16xi32>], vector<16xf32>,
    %add3A_789 = arith.addf %add3A_784, %gather3A_788 : vector<16xf32>
    %add3A_790 = arith.constant 4 : i32
    %add3A_791 = vector.broadcast %add3A_790 : i32 to vector<16xi32>
    %add3A_792 = arith.addi %mul3A_760, %add3A_791 : vector<16xi32>
    %gather3A_793 = tpu.vector_load_idx %arg15[%add3A_792] : memref<8704xf32, #tpu.memory_space<vmem>>[vector<16xi32>], vector<16xf32>,
    %add3A_794 = arith.addf %add3A_789, %gather3A_793 : vector<16xf32>
    %add3A_795 = arith.constant 5 : i32
    %add3A_796 = vector.broadcast %add3A_795 : i32 to vector<16xi32>
    %add3A_797 = arith.addi %mul3A_760, %add3A_796 : vector<16xi32>
    %gather3A_798 = tpu.vector_load_idx %arg15[%add3A_797] : memref<8704xf32, #tpu.memory_space<vmem>>[vector<16xi32>], vector<16xf32>,
    %add3A_799 = arith.addf %add3A_794, %gather3A_798 : vector<16xf32>
    %add3A_800 = arith.constant 6 : i32
    %add3A_801 = vector.broadcast %add3A_800 : i32 to vector<16xi32>
    %add3A_802 = arith.addi %mul3A_760, %add3A_801 : vector<16xi32>
    %gather3A_803 = tpu.vector_load_idx %arg15[%add3A_802] : memref<8704xf32, #tpu.memory_space<vmem>>[vector<16xi32>], vector<16xf32>,
    %add3A_804 = arith.addf %add3A_799, %gather3A_803 : vector<16xf32>
    %add3A_805 = arith.constant 7 : i32
    %add3A_806 = vector.broadcast %add3A_805 : i32 to vector<16xi32>
    %add3A_807 = arith.addi %mul3A_760, %add3A_806 : vector<16xi32>
    %gather3A_808 = tpu.vector_load_idx %arg15[%add3A_807] : memref<8704xf32, #tpu.memory_space<vmem>>[vector<16xi32>], vector<16xf32>,
    %add3A_809 = arith.addf %add3A_804, %gather3A_808 : vector<16xf32>
    %add3A_810 = arith.constant 8 : i32
    %add3A_811 = vector.broadcast %add3A_810 : i32 to vector<16xi32>
    %add3A_812 = arith.addi %mul3A_760, %add3A_811 : vector<16xi32>
    %gather3A_813 = tpu.vector_load_idx %arg15[%add3A_812] : memref<8704xf32, #tpu.memory_space<vmem>>[vector<16xi32>], vector<16xf32>,
    %add3A_814 = arith.addf %add3A_809, %gather3A_813 : vector<16xf32>
    %add3A_815 = arith.constant 9 : i32
    %add3A_816 = vector.broadcast %add3A_815 : i32 to vector<16xi32>
    %add3A_817 = arith.addi %mul3A_760, %add3A_816 : vector<16xi32>
    %gather3A_818 = tpu.vector_load_idx %arg15[%add3A_817] : memref<8704xf32, #tpu.memory_space<vmem>>[vector<16xi32>], vector<16xf32>,
    %add3A_819 = arith.addf %add3A_814, %gather3A_818 : vector<16xf32>
    %add3A_820 = arith.constant 10 : i32
    %add3A_821 = vector.broadcast %add3A_820 : i32 to vector<16xi32>
    %add3A_822 = arith.addi %mul3A_760, %add3A_821 : vector<16xi32>
    %gather3A_823 = tpu.vector_load_idx %arg15[%add3A_822] : memref<8704xf32, #tpu.memory_space<vmem>>[vector<16xi32>], vector<16xf32>,
    %add3A_824 = arith.addf %add3A_819, %gather3A_823 : vector<16xf32>
    %add3A_825 = arith.constant 11 : i32
    %add3A_826 = vector.broadcast %add3A_825 : i32 to vector<16xi32>
    %add3A_827 = arith.addi %mul3A_760, %add3A_826 : vector<16xi32>
    %gather3A_828 = tpu.vector_load_idx %arg15[%add3A_827] : memref<8704xf32, #tpu.memory_space<vmem>>[vector<16xi32>], vector<16xf32>,
    %add3A_829 = arith.addf %add3A_824, %gather3A_828 : vector<16xf32>
    %add3A_830 = arith.constant 12 : i32
    %add3A_831 = vector.broadcast %add3A_830 : i32 to vector<16xi32>
    %add3A_832 = arith.addi %mul3A_760, %add3A_831 : vector<16xi32>
    %gather3A_833 = tpu.vector_load_idx %arg15[%add3A_832] : memref<8704xf32, #tpu.memory_space<vmem>>[vector<16xi32>], vector<16xf32>,
    %add3A_834 = arith.addf %add3A_829, %gather3A_833 : vector<16xf32>
    %add3A_835 = arith.constant 13 : i32
    %add3A_836 = vector.broadcast %add3A_835 : i32 to vector<16xi32>
    %add3A_837 = arith.addi %mul3A_760, %add3A_836 : vector<16xi32>
    %gather3A_838 = tpu.vector_load_idx %arg15[%add3A_837] : memref<8704xf32, #tpu.memory_space<vmem>>[vector<16xi32>], vector<16xf32>,
    %add3A_839 = arith.addf %add3A_834, %gather3A_838 : vector<16xf32>
    %add3A_840 = arith.constant 14 : i32
    %add3A_841 = vector.broadcast %add3A_840 : i32 to vector<16xi32>
    %add3A_842 = arith.addi %mul3A_760, %add3A_841 : vector<16xi32>
    %gather3A_843 = tpu.vector_load_idx %arg15[%add3A_842] : memref<8704xf32, #tpu.memory_space<vmem>>[vector<16xi32>], vector<16xf32>,
    %add3A_844 = arith.addf %add3A_839, %gather3A_843 : vector<16xf32>
    %add3A_845 = arith.constant 15 : i32
    %add3A_846 = vector.broadcast %add3A_845 : i32 to vector<16xi32>
    %add3A_847 = arith.addi %mul3A_760, %add3A_846 : vector<16xi32>
    %gather3A_848 = tpu.vector_load_idx %arg15[%add3A_847] : memref<8704xf32, #tpu.memory_space<vmem>>[vector<16xi32>], vector<16xf32>,
    %add3A_849 = arith.addf %add3A_844, %gather3A_848 : vector<16xf32>
    %swap3A_850 = arith.constant 64 : index
    %swap3A_851 = tpu.vector_load %arg16[%swap3A_850] {strides = array<i32>} : memref<512xf32, #tpu.memory_space<vmem>>, vector<16xf32>,
    tpu.vector_store %arg16[%swap3A_850], %add3A_849 {strides = array<i32>} : memref<512xf32, #tpu.memory_space<vmem>>, vector<16xf32>,
    %add3A_852 = arith.constant 80 : i32
    %add3A_853 = vector.broadcast %add3A_852 : i32 to vector<16xi32>
    %add3A_854 = arith.addi %add3A_853, %iota3A : vector<16xi32>
    %mul3A_855 = arith.constant 17 : i32
    %mul3A_856 = vector.broadcast %mul3A_855 : i32 to vector<16xi32>
    %mul3A_857 = arith.muli %add3A_854, %mul3A_856 : vector<16xi32>
    %get3A_858 = arith.constant 0 : i32
    %get3A_859 = arith.index_cast %get3A_858 : i32 to index
    %get3A_860 = arith.constant 80 : index
    %get3A_861 = tpu.vector_load %arg13[%get3A_859, %get3A_860] {strides = array<i32>} : memref<4x128xf32, #tpu.memory_space<vmem>>, vector<16xf32>,
    %get3A_862 = arith.constant 0 : i32
    %get3A_863 = arith.index_cast %get3A_862 : i32 to index
    %get3A_864 = arith.constant 80 : index
    %get3A_865 = tpu.vector_load %arg14[%get3A_863, %get3A_864] {strides = array<i32>} : memref<4x128xf32, #tpu.memory_space<vmem>>, vector<16xf32>,
    %add3A_866 = arith.addf %get3A_861, %get3A_865 : vector<16xf32>
    %add3A_867 = arith.constant 0 : i32
    %add3A_868 = vector.broadcast %add3A_867 : i32 to vector<16xi32>
    %add3A_869 = arith.addi %mul3A_857, %add3A_868 : vector<16xi32>
    %gather3A_870 = tpu.vector_load_idx %arg15[%add3A_869] : memref<8704xf32, #tpu.memory_space<vmem>>[vector<16xi32>], vector<16xf32>,
    %add3A_871 = arith.addf %add3A_866, %gather3A_870 : vector<16xf32>
    %add3A_872 = arith.constant 1 : i32
    %add3A_873 = vector.broadcast %add3A_872 : i32 to vector<16xi32>
    %add3A_874 = arith.addi %mul3A_857, %add3A_873 : vector<16xi32>
    %gather3A_875 = tpu.vector_load_idx %arg15[%add3A_874] : memref<8704xf32, #tpu.memory_space<vmem>>[vector<16xi32>], vector<16xf32>,
    %add3A_876 = arith.addf %add3A_871, %gather3A_875 : vector<16xf32>
    %add3A_877 = arith.constant 2 : i32
    %add3A_878 = vector.broadcast %add3A_877 : i32 to vector<16xi32>
    %add3A_879 = arith.addi %mul3A_857, %add3A_878 : vector<16xi32>
    %gather3A_880 = tpu.vector_load_idx %arg15[%add3A_879] : memref<8704xf32, #tpu.memory_space<vmem>>[vector<16xi32>], vector<16xf32>,
    %add3A_881 = arith.addf %add3A_876, %gather3A_880 : vector<16xf32>
    %add3A_882 = arith.constant 3 : i32
    %add3A_883 = vector.broadcast %add3A_882 : i32 to vector<16xi32>
    %add3A_884 = arith.addi %mul3A_857, %add3A_883 : vector<16xi32>
    %gather3A_885 = tpu.vector_load_idx %arg15[%add3A_884] : memref<8704xf32, #tpu.memory_space<vmem>>[vector<16xi32>], vector<16xf32>,
    %add3A_886 = arith.addf %add3A_881, %gather3A_885 : vector<16xf32>
    %add3A_887 = arith.constant 4 : i32
    %add3A_888 = vector.broadcast %add3A_887 : i32 to vector<16xi32>
    %add3A_889 = arith.addi %mul3A_857, %add3A_888 : vector<16xi32>
    %gather3A_890 = tpu.vector_load_idx %arg15[%add3A_889] : memref<8704xf32, #tpu.memory_space<vmem>>[vector<16xi32>], vector<16xf32>,
    %add3A_891 = arith.addf %add3A_886, %gather3A_890 : vector<16xf32>
    %add3A_892 = arith.constant 5 : i32
    %add3A_893 = vector.broadcast %add3A_892 : i32 to vector<16xi32>
    %add3A_894 = arith.addi %mul3A_857, %add3A_893 : vector<16xi32>
    %gather3A_895 = tpu.vector_load_idx %arg15[%add3A_894] : memref<8704xf32, #tpu.memory_space<vmem>>[vector<16xi32>], vector<16xf32>,
    %add3A_896 = arith.addf %add3A_891, %gather3A_895 : vector<16xf32>
    %add3A_897 = arith.constant 6 : i32
    %add3A_898 = vector.broadcast %add3A_897 : i32 to vector<16xi32>
    %add3A_899 = arith.addi %mul3A_857, %add3A_898 : vector<16xi32>
    %gather3A_900 = tpu.vector_load_idx %arg15[%add3A_899] : memref<8704xf32, #tpu.memory_space<vmem>>[vector<16xi32>], vector<16xf32>,
    %add3A_901 = arith.addf %add3A_896, %gather3A_900 : vector<16xf32>
    %add3A_902 = arith.constant 7 : i32
    %add3A_903 = vector.broadcast %add3A_902 : i32 to vector<16xi32>
    %add3A_904 = arith.addi %mul3A_857, %add3A_903 : vector<16xi32>
    %gather3A_905 = tpu.vector_load_idx %arg15[%add3A_904] : memref<8704xf32, #tpu.memory_space<vmem>>[vector<16xi32>], vector<16xf32>,
    %add3A_906 = arith.addf %add3A_901, %gather3A_905 : vector<16xf32>
    %add3A_907 = arith.constant 8 : i32
    %add3A_908 = vector.broadcast %add3A_907 : i32 to vector<16xi32>
    %add3A_909 = arith.addi %mul3A_857, %add3A_908 : vector<16xi32>
    %gather3A_910 = tpu.vector_load_idx %arg15[%add3A_909] : memref<8704xf32, #tpu.memory_space<vmem>>[vector<16xi32>], vector<16xf32>,
    %add3A_911 = arith.addf %add3A_906, %gather3A_910 : vector<16xf32>
    %add3A_912 = arith.constant 9 : i32
    %add3A_913 = vector.broadcast %add3A_912 : i32 to vector<16xi32>
    %add3A_914 = arith.addi %mul3A_857, %add3A_913 : vector<16xi32>
    %gather3A_915 = tpu.vector_load_idx %arg15[%add3A_914] : memref<8704xf32, #tpu.memory_space<vmem>>[vector<16xi32>], vector<16xf32>,
    %add3A_916 = arith.addf %add3A_911, %gather3A_915 : vector<16xf32>
    %add3A_917 = arith.constant 10 : i32
    %add3A_918 = vector.broadcast %add3A_917 : i32 to vector<16xi32>
    %add3A_919 = arith.addi %mul3A_857, %add3A_918 : vector<16xi32>
    %gather3A_920 = tpu.vector_load_idx %arg15[%add3A_919] : memref<8704xf32, #tpu.memory_space<vmem>>[vector<16xi32>], vector<16xf32>,
    %add3A_921 = arith.addf %add3A_916, %gather3A_920 : vector<16xf32>
    %add3A_922 = arith.constant 11 : i32
    %add3A_923 = vector.broadcast %add3A_922 : i32 to vector<16xi32>
    %add3A_924 = arith.addi %mul3A_857, %add3A_923 : vector<16xi32>
    %gather3A_925 = tpu.vector_load_idx %arg15[%add3A_924] : memref<8704xf32, #tpu.memory_space<vmem>>[vector<16xi32>], vector<16xf32>,
    %add3A_926 = arith.addf %add3A_921, %gather3A_925 : vector<16xf32>
    %add3A_927 = arith.constant 12 : i32
    %add3A_928 = vector.broadcast %add3A_927 : i32 to vector<16xi32>
    %add3A_929 = arith.addi %mul3A_857, %add3A_928 : vector<16xi32>
    %gather3A_930 = tpu.vector_load_idx %arg15[%add3A_929] : memref<8704xf32, #tpu.memory_space<vmem>>[vector<16xi32>], vector<16xf32>,
    %add3A_931 = arith.addf %add3A_926, %gather3A_930 : vector<16xf32>
    %add3A_932 = arith.constant 13 : i32
    %add3A_933 = vector.broadcast %add3A_932 : i32 to vector<16xi32>
    %add3A_934 = arith.addi %mul3A_857, %add3A_933 : vector<16xi32>
    %gather3A_935 = tpu.vector_load_idx %arg15[%add3A_934] : memref<8704xf32, #tpu.memory_space<vmem>>[vector<16xi32>], vector<16xf32>,
    %add3A_936 = arith.addf %add3A_931, %gather3A_935 : vector<16xf32>
    %add3A_937 = arith.constant 14 : i32
    %add3A_938 = vector.broadcast %add3A_937 : i32 to vector<16xi32>
    %add3A_939 = arith.addi %mul3A_857, %add3A_938 : vector<16xi32>
    %gather3A_940 = tpu.vector_load_idx %arg15[%add3A_939] : memref<8704xf32, #tpu.memory_space<vmem>>[vector<16xi32>], vector<16xf32>,
    %add3A_941 = arith.addf %add3A_936, %gather3A_940 : vector<16xf32>
    %add3A_942 = arith.constant 15 : i32
    %add3A_943 = vector.broadcast %add3A_942 : i32 to vector<16xi32>
    %add3A_944 = arith.addi %mul3A_857, %add3A_943 : vector<16xi32>
    %gather3A_945 = tpu.vector_load_idx %arg15[%add3A_944] : memref<8704xf32, #tpu.memory_space<vmem>>[vector<16xi32>], vector<16xf32>,
    %add3A_946 = arith.addf %add3A_941, %gather3A_945 : vector<16xf32>
    %swap3A_947 = arith.constant 80 : index
    %swap3A_948 = tpu.vector_load %arg16[%swap3A_947] {strides = array<i32>} : memref<512xf32, #tpu.memory_space<vmem>>, vector<16xf32>,
    tpu.vector_store %arg16[%swap3A_947], %add3A_946 {strides = array<i32>} : memref<512xf32, #tpu.memory_space<vmem>>, vector<16xf32>,
    %add3A_949 = arith.constant 96 : i32
    %add3A_950 = vector.broadcast %add3A_949 : i32 to vector<16xi32>
    %add3A_951 = arith.addi %add3A_950, %iota3A : vector<16xi32>
    %mul3A_952 = arith.constant 17 : i32
    %mul3A_953 = vector.broadcast %mul3A_952 : i32 to vector<16xi32>
    %mul3A_954 = arith.muli %add3A_951, %mul3A_953 : vector<16xi32>
    %get3A_955 = arith.constant 0 : i32
    %get3A_956 = arith.index_cast %get3A_955 : i32 to index
    %get3A_957 = arith.constant 96 : index
    %get3A_958 = tpu.vector_load %arg13[%get3A_956, %get3A_957] {strides = array<i32>} : memref<4x128xf32, #tpu.memory_space<vmem>>, vector<16xf32>,
    %get3A_959 = arith.constant 0 : i32
    %get3A_960 = arith.index_cast %get3A_959 : i32 to index
    %get3A_961 = arith.constant 96 : index
    %get3A_962 = tpu.vector_load %arg14[%get3A_960, %get3A_961] {strides = array<i32>} : memref<4x128xf32, #tpu.memory_space<vmem>>, vector<16xf32>,
    %add3A_963 = arith.addf %get3A_958, %get3A_962 : vector<16xf32>
    %add3A_964 = arith.constant 0 : i32
    %add3A_965 = vector.broadcast %add3A_964 : i32 to vector<16xi32>
    %add3A_966 = arith.addi %mul3A_954, %add3A_965 : vector<16xi32>
    %gather3A_967 = tpu.vector_load_idx %arg15[%add3A_966] : memref<8704xf32, #tpu.memory_space<vmem>>[vector<16xi32>], vector<16xf32>,
    %add3A_968 = arith.addf %add3A_963, %gather3A_967 : vector<16xf32>
    %add3A_969 = arith.constant 1 : i32
    %add3A_970 = vector.broadcast %add3A_969 : i32 to vector<16xi32>
    %add3A_971 = arith.addi %mul3A_954, %add3A_970 : vector<16xi32>
    %gather3A_972 = tpu.vector_load_idx %arg15[%add3A_971] : memref<8704xf32, #tpu.memory_space<vmem>>[vector<16xi32>], vector<16xf32>,
    %add3A_973 = arith.addf %add3A_968, %gather3A_972 : vector<16xf32>
    %add3A_974 = arith.constant 2 : i32
    %add3A_975 = vector.broadcast %add3A_974 : i32 to vector<16xi32>
    %add3A_976 = arith.addi %mul3A_954, %add3A_975 : vector<16xi32>
    %gather3A_977 = tpu.vector_load_idx %arg15[%add3A_976] : memref<8704xf32, #tpu.memory_space<vmem>>[vector<16xi32>], vector<16xf32>,
    %add3A_978 = arith.addf %add3A_973, %gather3A_977 : vector<16xf32>
    %add3A_979 = arith.constant 3 : i32
    %add3A_980 = vector.broadcast %add3A_979 : i32 to vector<16xi32>
    %add3A_981 = arith.addi %mul3A_954, %add3A_980 : vector<16xi32>
    %gather3A_982 = tpu.vector_load_idx %arg15[%add3A_981] : memref<8704xf32, #tpu.memory_space<vmem>>[vector<16xi32>], vector<16xf32>,
    %add3A_983 = arith.addf %add3A_978, %gather3A_982 : vector<16xf32>
    %add3A_984 = arith.constant 4 : i32
    %add3A_985 = vector.broadcast %add3A_984 : i32 to vector<16xi32>
    %add3A_986 = arith.addi %mul3A_954, %add3A_985 : vector<16xi32>
    %gather3A_987 = tpu.vector_load_idx %arg15[%add3A_986] : memref<8704xf32, #tpu.memory_space<vmem>>[vector<16xi32>], vector<16xf32>,
    %add3A_988 = arith.addf %add3A_983, %gather3A_987 : vector<16xf32>
    %add3A_989 = arith.constant 5 : i32
    %add3A_990 = vector.broadcast %add3A_989 : i32 to vector<16xi32>
    %add3A_991 = arith.addi %mul3A_954, %add3A_990 : vector<16xi32>
    %gather3A_992 = tpu.vector_load_idx %arg15[%add3A_991] : memref<8704xf32, #tpu.memory_space<vmem>>[vector<16xi32>], vector<16xf32>,
    %add3A_993 = arith.addf %add3A_988, %gather3A_992 : vector<16xf32>
    %add3A_994 = arith.constant 6 : i32
    %add3A_995 = vector.broadcast %add3A_994 : i32 to vector<16xi32>
    %add3A_996 = arith.addi %mul3A_954, %add3A_995 : vector<16xi32>
    %gather3A_997 = tpu.vector_load_idx %arg15[%add3A_996] : memref<8704xf32, #tpu.memory_space<vmem>>[vector<16xi32>], vector<16xf32>,
    %add3A_998 = arith.addf %add3A_993, %gather3A_997 : vector<16xf32>
    %add3A_999 = arith.constant 7 : i32
    %add3A_1000 = vector.broadcast %add3A_999 : i32 to vector<16xi32>
    %add3A_1001 = arith.addi %mul3A_954, %add3A_1000 : vector<16xi32>
    %gather3A_1002 = tpu.vector_load_idx %arg15[%add3A_1001] : memref<8704xf32, #tpu.memory_space<vmem>>[vector<16xi32>], vector<16xf32>,
    %add3A_1003 = arith.addf %add3A_998, %gather3A_1002 : vector<16xf32>
    %add3A_1004 = arith.constant 8 : i32
    %add3A_1005 = vector.broadcast %add3A_1004 : i32 to vector<16xi32>
    %add3A_1006 = arith.addi %mul3A_954, %add3A_1005 : vector<16xi32>
    %gather3A_1007 = tpu.vector_load_idx %arg15[%add3A_1006] : memref<8704xf32, #tpu.memory_space<vmem>>[vector<16xi32>], vector<16xf32>,
    %add3A_1008 = arith.addf %add3A_1003, %gather3A_1007 : vector<16xf32>
    %add3A_1009 = arith.constant 9 : i32
    %add3A_1010 = vector.broadcast %add3A_1009 : i32 to vector<16xi32>
    %add3A_1011 = arith.addi %mul3A_954, %add3A_1010 : vector<16xi32>
    %gather3A_1012 = tpu.vector_load_idx %arg15[%add3A_1011] : memref<8704xf32, #tpu.memory_space<vmem>>[vector<16xi32>], vector<16xf32>,
    %add3A_1013 = arith.addf %add3A_1008, %gather3A_1012 : vector<16xf32>
    %add3A_1014 = arith.constant 10 : i32
    %add3A_1015 = vector.broadcast %add3A_1014 : i32 to vector<16xi32>
    %add3A_1016 = arith.addi %mul3A_954, %add3A_1015 : vector<16xi32>
    %gather3A_1017 = tpu.vector_load_idx %arg15[%add3A_1016] : memref<8704xf32, #tpu.memory_space<vmem>>[vector<16xi32>], vector<16xf32>,
    %add3A_1018 = arith.addf %add3A_1013, %gather3A_1017 : vector<16xf32>
    %add3A_1019 = arith.constant 11 : i32
    %add3A_1020 = vector.broadcast %add3A_1019 : i32 to vector<16xi32>
    %add3A_1021 = arith.addi %mul3A_954, %add3A_1020 : vector<16xi32>
    %gather3A_1022 = tpu.vector_load_idx %arg15[%add3A_1021] : memref<8704xf32, #tpu.memory_space<vmem>>[vector<16xi32>], vector<16xf32>,
    %add3A_1023 = arith.addf %add3A_1018, %gather3A_1022 : vector<16xf32>
    %add3A_1024 = arith.constant 12 : i32
    %add3A_1025 = vector.broadcast %add3A_1024 : i32 to vector<16xi32>
    %add3A_1026 = arith.addi %mul3A_954, %add3A_1025 : vector<16xi32>
    %gather3A_1027 = tpu.vector_load_idx %arg15[%add3A_1026] : memref<8704xf32, #tpu.memory_space<vmem>>[vector<16xi32>], vector<16xf32>,
    %add3A_1028 = arith.addf %add3A_1023, %gather3A_1027 : vector<16xf32>
    %add3A_1029 = arith.constant 13 : i32
    %add3A_1030 = vector.broadcast %add3A_1029 : i32 to vector<16xi32>
    %add3A_1031 = arith.addi %mul3A_954, %add3A_1030 : vector<16xi32>
    %gather3A_1032 = tpu.vector_load_idx %arg15[%add3A_1031] : memref<8704xf32, #tpu.memory_space<vmem>>[vector<16xi32>], vector<16xf32>,
    %add3A_1033 = arith.addf %add3A_1028, %gather3A_1032 : vector<16xf32>
    %add3A_1034 = arith.constant 14 : i32
    %add3A_1035 = vector.broadcast %add3A_1034 : i32 to vector<16xi32>
    %add3A_1036 = arith.addi %mul3A_954, %add3A_1035 : vector<16xi32>
    %gather3A_1037 = tpu.vector_load_idx %arg15[%add3A_1036] : memref<8704xf32, #tpu.memory_space<vmem>>[vector<16xi32>], vector<16xf32>,
    %add3A_1038 = arith.addf %add3A_1033, %gather3A_1037 : vector<16xf32>
    %add3A_1039 = arith.constant 15 : i32
    %add3A_1040 = vector.broadcast %add3A_1039 : i32 to vector<16xi32>
    %add3A_1041 = arith.addi %mul3A_954, %add3A_1040 : vector<16xi32>
    %gather3A_1042 = tpu.vector_load_idx %arg15[%add3A_1041] : memref<8704xf32, #tpu.memory_space<vmem>>[vector<16xi32>], vector<16xf32>,
    %add3A_1043 = arith.addf %add3A_1038, %gather3A_1042 : vector<16xf32>
    %swap3A_1044 = arith.constant 96 : index
    %swap3A_1045 = tpu.vector_load %arg16[%swap3A_1044] {strides = array<i32>} : memref<512xf32, #tpu.memory_space<vmem>>, vector<16xf32>,
    tpu.vector_store %arg16[%swap3A_1044], %add3A_1043 {strides = array<i32>} : memref<512xf32, #tpu.memory_space<vmem>>, vector<16xf32>,
    %add3A_1046 = arith.constant 112 : i32
    %add3A_1047 = vector.broadcast %add3A_1046 : i32 to vector<16xi32>
    %add3A_1048 = arith.addi %add3A_1047, %iota3A : vector<16xi32>
    %mul3A_1049 = arith.constant 17 : i32
    %mul3A_1050 = vector.broadcast %mul3A_1049 : i32 to vector<16xi32>
    %mul3A_1051 = arith.muli %add3A_1048, %mul3A_1050 : vector<16xi32>
    %get3A_1052 = arith.constant 0 : i32
    %get3A_1053 = arith.index_cast %get3A_1052 : i32 to index
    %get3A_1054 = arith.constant 112 : index
    %get3A_1055 = tpu.vector_load %arg13[%get3A_1053, %get3A_1054] {strides = array<i32>} : memref<4x128xf32, #tpu.memory_space<vmem>>, vector<16xf32>,
    %get3A_1056 = arith.constant 0 : i32
    %get3A_1057 = arith.index_cast %get3A_1056 : i32 to index
    %get3A_1058 = arith.constant 112 : index
    %get3A_1059 = tpu.vector_load %arg14[%get3A_1057, %get3A_1058] {strides = array<i32>} : memref<4x128xf32, #tpu.memory_space<vmem>>, vector<16xf32>,
    %add3A_1060 = arith.addf %get3A_1055, %get3A_1059 : vector<16xf32>
    %add3A_1061 = arith.constant 0 : i32
    %add3A_1062 = vector.broadcast %add3A_1061 : i32 to vector<16xi32>
    %add3A_1063 = arith.addi %mul3A_1051, %add3A_1062 : vector<16xi32>
    %gather3A_1064 = tpu.vector_load_idx %arg15[%add3A_1063] : memref<8704xf32, #tpu.memory_space<vmem>>[vector<16xi32>], vector<16xf32>,
    %add3A_1065 = arith.addf %add3A_1060, %gather3A_1064 : vector<16xf32>
    %add3A_1066 = arith.constant 1 : i32
    %add3A_1067 = vector.broadcast %add3A_1066 : i32 to vector<16xi32>
    %add3A_1068 = arith.addi %mul3A_1051, %add3A_1067 : vector<16xi32>
    %gather3A_1069 = tpu.vector_load_idx %arg15[%add3A_1068] : memref<8704xf32, #tpu.memory_space<vmem>>[vector<16xi32>], vector<16xf32>,
    %add3A_1070 = arith.addf %add3A_1065, %gather3A_1069 : vector<16xf32>
    %add3A_1071 = arith.constant 2 : i32
    %add3A_1072 = vector.broadcast %add3A_1071 : i32 to vector<16xi32>
    %add3A_1073 = arith.addi %mul3A_1051, %add3A_1072 : vector<16xi32>
    %gather3A_1074 = tpu.vector_load_idx %arg15[%add3A_1073] : memref<8704xf32, #tpu.memory_space<vmem>>[vector<16xi32>], vector<16xf32>,
    %add3A_1075 = arith.addf %add3A_1070, %gather3A_1074 : vector<16xf32>
    %add3A_1076 = arith.constant 3 : i32
    %add3A_1077 = vector.broadcast %add3A_1076 : i32 to vector<16xi32>
    %add3A_1078 = arith.addi %mul3A_1051, %add3A_1077 : vector<16xi32>
    %gather3A_1079 = tpu.vector_load_idx %arg15[%add3A_1078] : memref<8704xf32, #tpu.memory_space<vmem>>[vector<16xi32>], vector<16xf32>,
    %add3A_1080 = arith.addf %add3A_1075, %gather3A_1079 : vector<16xf32>
    %add3A_1081 = arith.constant 4 : i32
    %add3A_1082 = vector.broadcast %add3A_1081 : i32 to vector<16xi32>
    %add3A_1083 = arith.addi %mul3A_1051, %add3A_1082 : vector<16xi32>
    %gather3A_1084 = tpu.vector_load_idx %arg15[%add3A_1083] : memref<8704xf32, #tpu.memory_space<vmem>>[vector<16xi32>], vector<16xf32>,
    %add3A_1085 = arith.addf %add3A_1080, %gather3A_1084 : vector<16xf32>
    %add3A_1086 = arith.constant 5 : i32
    %add3A_1087 = vector.broadcast %add3A_1086 : i32 to vector<16xi32>
    %add3A_1088 = arith.addi %mul3A_1051, %add3A_1087 : vector<16xi32>
    %gather3A_1089 = tpu.vector_load_idx %arg15[%add3A_1088] : memref<8704xf32, #tpu.memory_space<vmem>>[vector<16xi32>], vector<16xf32>,
    %add3A_1090 = arith.addf %add3A_1085, %gather3A_1089 : vector<16xf32>
    %add3A_1091 = arith.constant 6 : i32
    %add3A_1092 = vector.broadcast %add3A_1091 : i32 to vector<16xi32>
    %add3A_1093 = arith.addi %mul3A_1051, %add3A_1092 : vector<16xi32>
    %gather3A_1094 = tpu.vector_load_idx %arg15[%add3A_1093] : memref<8704xf32, #tpu.memory_space<vmem>>[vector<16xi32>], vector<16xf32>,
    %add3A_1095 = arith.addf %add3A_1090, %gather3A_1094 : vector<16xf32>
    %add3A_1096 = arith.constant 7 : i32
    %add3A_1097 = vector.broadcast %add3A_1096 : i32 to vector<16xi32>
    %add3A_1098 = arith.addi %mul3A_1051, %add3A_1097 : vector<16xi32>
    %gather3A_1099 = tpu.vector_load_idx %arg15[%add3A_1098] : memref<8704xf32, #tpu.memory_space<vmem>>[vector<16xi32>], vector<16xf32>,
    %add3A_1100 = arith.addf %add3A_1095, %gather3A_1099 : vector<16xf32>
    %add3A_1101 = arith.constant 8 : i32
    %add3A_1102 = vector.broadcast %add3A_1101 : i32 to vector<16xi32>
    %add3A_1103 = arith.addi %mul3A_1051, %add3A_1102 : vector<16xi32>
    %gather3A_1104 = tpu.vector_load_idx %arg15[%add3A_1103] : memref<8704xf32, #tpu.memory_space<vmem>>[vector<16xi32>], vector<16xf32>,
    %add3A_1105 = arith.addf %add3A_1100, %gather3A_1104 : vector<16xf32>
    %add3A_1106 = arith.constant 9 : i32
    %add3A_1107 = vector.broadcast %add3A_1106 : i32 to vector<16xi32>
    %add3A_1108 = arith.addi %mul3A_1051, %add3A_1107 : vector<16xi32>
    %gather3A_1109 = tpu.vector_load_idx %arg15[%add3A_1108] : memref<8704xf32, #tpu.memory_space<vmem>>[vector<16xi32>], vector<16xf32>,
    %add3A_1110 = arith.addf %add3A_1105, %gather3A_1109 : vector<16xf32>
    %add3A_1111 = arith.constant 10 : i32
    %add3A_1112 = vector.broadcast %add3A_1111 : i32 to vector<16xi32>
    %add3A_1113 = arith.addi %mul3A_1051, %add3A_1112 : vector<16xi32>
    %gather3A_1114 = tpu.vector_load_idx %arg15[%add3A_1113] : memref<8704xf32, #tpu.memory_space<vmem>>[vector<16xi32>], vector<16xf32>,
    %add3A_1115 = arith.addf %add3A_1110, %gather3A_1114 : vector<16xf32>
    %add3A_1116 = arith.constant 11 : i32
    %add3A_1117 = vector.broadcast %add3A_1116 : i32 to vector<16xi32>
    %add3A_1118 = arith.addi %mul3A_1051, %add3A_1117 : vector<16xi32>
    %gather3A_1119 = tpu.vector_load_idx %arg15[%add3A_1118] : memref<8704xf32, #tpu.memory_space<vmem>>[vector<16xi32>], vector<16xf32>,
    %add3A_1120 = arith.addf %add3A_1115, %gather3A_1119 : vector<16xf32>
    %add3A_1121 = arith.constant 12 : i32
    %add3A_1122 = vector.broadcast %add3A_1121 : i32 to vector<16xi32>
    %add3A_1123 = arith.addi %mul3A_1051, %add3A_1122 : vector<16xi32>
    %gather3A_1124 = tpu.vector_load_idx %arg15[%add3A_1123] : memref<8704xf32, #tpu.memory_space<vmem>>[vector<16xi32>], vector<16xf32>,
    %add3A_1125 = arith.addf %add3A_1120, %gather3A_1124 : vector<16xf32>
    %add3A_1126 = arith.constant 13 : i32
    %add3A_1127 = vector.broadcast %add3A_1126 : i32 to vector<16xi32>
    %add3A_1128 = arith.addi %mul3A_1051, %add3A_1127 : vector<16xi32>
    %gather3A_1129 = tpu.vector_load_idx %arg15[%add3A_1128] : memref<8704xf32, #tpu.memory_space<vmem>>[vector<16xi32>], vector<16xf32>,
    %add3A_1130 = arith.addf %add3A_1125, %gather3A_1129 : vector<16xf32>
    %add3A_1131 = arith.constant 14 : i32
    %add3A_1132 = vector.broadcast %add3A_1131 : i32 to vector<16xi32>
    %add3A_1133 = arith.addi %mul3A_1051, %add3A_1132 : vector<16xi32>
    %gather3A_1134 = tpu.vector_load_idx %arg15[%add3A_1133] : memref<8704xf32, #tpu.memory_space<vmem>>[vector<16xi32>], vector<16xf32>,
    %add3A_1135 = arith.addf %add3A_1130, %gather3A_1134 : vector<16xf32>
    %add3A_1136 = arith.constant 15 : i32
    %add3A_1137 = vector.broadcast %add3A_1136 : i32 to vector<16xi32>
    %add3A_1138 = arith.addi %mul3A_1051, %add3A_1137 : vector<16xi32>
    %gather3A_1139 = tpu.vector_load_idx %arg15[%add3A_1138] : memref<8704xf32, #tpu.memory_space<vmem>>[vector<16xi32>], vector<16xf32>,
    %add3A_1140 = arith.addf %add3A_1135, %gather3A_1139 : vector<16xf32>
    %swap3A_1141 = arith.constant 112 : index
    %swap3A_1142 = tpu.vector_load %arg16[%swap3A_1141] {strides = array<i32>} : memref<512xf32, #tpu.memory_space<vmem>>, vector<16xf32>,
    tpu.vector_store %arg16[%swap3A_1141], %add3A_1140 {strides = array<i32>} : memref<512xf32, #tpu.memory_space<vmem>>, vector<16xf32>,
    %add3A_1143 = arith.constant 128 : i32
    %add3A_1144 = vector.broadcast %add3A_1143 : i32 to vector<16xi32>
    %add3A_1145 = arith.addi %add3A_1144, %iota3A : vector<16xi32>
    %mul3A_1146 = arith.constant 17 : i32
    %mul3A_1147 = vector.broadcast %mul3A_1146 : i32 to vector<16xi32>
    %mul3A_1148 = arith.muli %add3A_1145, %mul3A_1147 : vector<16xi32>
    %get3A_1149 = arith.constant 1 : i32
    %get3A_1150 = arith.index_cast %get3A_1149 : i32 to index
    %get3A_1151 = arith.constant 0 : index
    %get3A_1152 = tpu.vector_load %arg13[%get3A_1150, %get3A_1151] {strides = array<i32>} : memref<4x128xf32, #tpu.memory_space<vmem>>, vector<16xf32>,
    %get3A_1153 = arith.constant 1 : i32
    %get3A_1154 = arith.index_cast %get3A_1153 : i32 to index
    %get3A_1155 = arith.constant 0 : index
    %get3A_1156 = tpu.vector_load %arg14[%get3A_1154, %get3A_1155] {strides = array<i32>} : memref<4x128xf32, #tpu.memory_space<vmem>>, vector<16xf32>,
    %add3A_1157 = arith.addf %get3A_1152, %get3A_1156 : vector<16xf32>
    %add3A_1158 = arith.constant 0 : i32
    %add3A_1159 = vector.broadcast %add3A_1158 : i32 to vector<16xi32>
    %add3A_1160 = arith.addi %mul3A_1148, %add3A_1159 : vector<16xi32>
    %gather3A_1161 = tpu.vector_load_idx %arg15[%add3A_1160] : memref<8704xf32, #tpu.memory_space<vmem>>[vector<16xi32>], vector<16xf32>,
    %add3A_1162 = arith.addf %add3A_1157, %gather3A_1161 : vector<16xf32>
    %add3A_1163 = arith.constant 1 : i32
    %add3A_1164 = vector.broadcast %add3A_1163 : i32 to vector<16xi32>
    %add3A_1165 = arith.addi %mul3A_1148, %add3A_1164 : vector<16xi32>
    %gather3A_1166 = tpu.vector_load_idx %arg15[%add3A_1165] : memref<8704xf32, #tpu.memory_space<vmem>>[vector<16xi32>], vector<16xf32>,
    %add3A_1167 = arith.addf %add3A_1162, %gather3A_1166 : vector<16xf32>
    %add3A_1168 = arith.constant 2 : i32
    %add3A_1169 = vector.broadcast %add3A_1168 : i32 to vector<16xi32>
    %add3A_1170 = arith.addi %mul3A_1148, %add3A_1169 : vector<16xi32>
    %gather3A_1171 = tpu.vector_load_idx %arg15[%add3A_1170] : memref<8704xf32, #tpu.memory_space<vmem>>[vector<16xi32>], vector<16xf32>,
    %add3A_1172 = arith.addf %add3A_1167, %gather3A_1171 : vector<16xf32>
    %add3A_1173 = arith.constant 3 : i32
    %add3A_1174 = vector.broadcast %add3A_1173 : i32 to vector<16xi32>
    %add3A_1175 = arith.addi %mul3A_1148, %add3A_1174 : vector<16xi32>
    %gather3A_1176 = tpu.vector_load_idx %arg15[%add3A_1175] : memref<8704xf32, #tpu.memory_space<vmem>>[vector<16xi32>], vector<16xf32>,
    %add3A_1177 = arith.addf %add3A_1172, %gather3A_1176 : vector<16xf32>
    %add3A_1178 = arith.constant 4 : i32
    %add3A_1179 = vector.broadcast %add3A_1178 : i32 to vector<16xi32>
    %add3A_1180 = arith.addi %mul3A_1148, %add3A_1179 : vector<16xi32>
    %gather3A_1181 = tpu.vector_load_idx %arg15[%add3A_1180] : memref<8704xf32, #tpu.memory_space<vmem>>[vector<16xi32>], vector<16xf32>,
    %add3A_1182 = arith.addf %add3A_1177, %gather3A_1181 : vector<16xf32>
    %add3A_1183 = arith.constant 5 : i32
    %add3A_1184 = vector.broadcast %add3A_1183 : i32 to vector<16xi32>
    %add3A_1185 = arith.addi %mul3A_1148, %add3A_1184 : vector<16xi32>
    %gather3A_1186 = tpu.vector_load_idx %arg15[%add3A_1185] : memref<8704xf32, #tpu.memory_space<vmem>>[vector<16xi32>], vector<16xf32>,
    %add3A_1187 = arith.addf %add3A_1182, %gather3A_1186 : vector<16xf32>
    %add3A_1188 = arith.constant 6 : i32
    %add3A_1189 = vector.broadcast %add3A_1188 : i32 to vector<16xi32>
    %add3A_1190 = arith.addi %mul3A_1148, %add3A_1189 : vector<16xi32>
    %gather3A_1191 = tpu.vector_load_idx %arg15[%add3A_1190] : memref<8704xf32, #tpu.memory_space<vmem>>[vector<16xi32>], vector<16xf32>,
    %add3A_1192 = arith.addf %add3A_1187, %gather3A_1191 : vector<16xf32>
    %add3A_1193 = arith.constant 7 : i32
    %add3A_1194 = vector.broadcast %add3A_1193 : i32 to vector<16xi32>
    %add3A_1195 = arith.addi %mul3A_1148, %add3A_1194 : vector<16xi32>
    %gather3A_1196 = tpu.vector_load_idx %arg15[%add3A_1195] : memref<8704xf32, #tpu.memory_space<vmem>>[vector<16xi32>], vector<16xf32>,
    %add3A_1197 = arith.addf %add3A_1192, %gather3A_1196 : vector<16xf32>
    %add3A_1198 = arith.constant 8 : i32
    %add3A_1199 = vector.broadcast %add3A_1198 : i32 to vector<16xi32>
    %add3A_1200 = arith.addi %mul3A_1148, %add3A_1199 : vector<16xi32>
    %gather3A_1201 = tpu.vector_load_idx %arg15[%add3A_1200] : memref<8704xf32, #tpu.memory_space<vmem>>[vector<16xi32>], vector<16xf32>,
    %add3A_1202 = arith.addf %add3A_1197, %gather3A_1201 : vector<16xf32>
    %add3A_1203 = arith.constant 9 : i32
    %add3A_1204 = vector.broadcast %add3A_1203 : i32 to vector<16xi32>
    %add3A_1205 = arith.addi %mul3A_1148, %add3A_1204 : vector<16xi32>
    %gather3A_1206 = tpu.vector_load_idx %arg15[%add3A_1205] : memref<8704xf32, #tpu.memory_space<vmem>>[vector<16xi32>], vector<16xf32>,
    %add3A_1207 = arith.addf %add3A_1202, %gather3A_1206 : vector<16xf32>
    %add3A_1208 = arith.constant 10 : i32
    %add3A_1209 = vector.broadcast %add3A_1208 : i32 to vector<16xi32>
    %add3A_1210 = arith.addi %mul3A_1148, %add3A_1209 : vector<16xi32>
    %gather3A_1211 = tpu.vector_load_idx %arg15[%add3A_1210] : memref<8704xf32, #tpu.memory_space<vmem>>[vector<16xi32>], vector<16xf32>,
    %add3A_1212 = arith.addf %add3A_1207, %gather3A_1211 : vector<16xf32>
    %add3A_1213 = arith.constant 11 : i32
    %add3A_1214 = vector.broadcast %add3A_1213 : i32 to vector<16xi32>
    %add3A_1215 = arith.addi %mul3A_1148, %add3A_1214 : vector<16xi32>
    %gather3A_1216 = tpu.vector_load_idx %arg15[%add3A_1215] : memref<8704xf32, #tpu.memory_space<vmem>>[vector<16xi32>], vector<16xf32>,
    %add3A_1217 = arith.addf %add3A_1212, %gather3A_1216 : vector<16xf32>
    %add3A_1218 = arith.constant 12 : i32
    %add3A_1219 = vector.broadcast %add3A_1218 : i32 to vector<16xi32>
    %add3A_1220 = arith.addi %mul3A_1148, %add3A_1219 : vector<16xi32>
    %gather3A_1221 = tpu.vector_load_idx %arg15[%add3A_1220] : memref<8704xf32, #tpu.memory_space<vmem>>[vector<16xi32>], vector<16xf32>,
    %add3A_1222 = arith.addf %add3A_1217, %gather3A_1221 : vector<16xf32>
    %add3A_1223 = arith.constant 13 : i32
    %add3A_1224 = vector.broadcast %add3A_1223 : i32 to vector<16xi32>
    %add3A_1225 = arith.addi %mul3A_1148, %add3A_1224 : vector<16xi32>
    %gather3A_1226 = tpu.vector_load_idx %arg15[%add3A_1225] : memref<8704xf32, #tpu.memory_space<vmem>>[vector<16xi32>], vector<16xf32>,
    %add3A_1227 = arith.addf %add3A_1222, %gather3A_1226 : vector<16xf32>
    %add3A_1228 = arith.constant 14 : i32
    %add3A_1229 = vector.broadcast %add3A_1228 : i32 to vector<16xi32>
    %add3A_1230 = arith.addi %mul3A_1148, %add3A_1229 : vector<16xi32>
    %gather3A_1231 = tpu.vector_load_idx %arg15[%add3A_1230] : memref<8704xf32, #tpu.memory_space<vmem>>[vector<16xi32>], vector<16xf32>,
    %add3A_1232 = arith.addf %add3A_1227, %gather3A_1231 : vector<16xf32>
    %add3A_1233 = arith.constant 15 : i32
    %add3A_1234 = vector.broadcast %add3A_1233 : i32 to vector<16xi32>
    %add3A_1235 = arith.addi %mul3A_1148, %add3A_1234 : vector<16xi32>
    %gather3A_1236 = tpu.vector_load_idx %arg15[%add3A_1235] : memref<8704xf32, #tpu.memory_space<vmem>>[vector<16xi32>], vector<16xf32>,
    %add3A_1237 = arith.addf %add3A_1232, %gather3A_1236 : vector<16xf32>
    %swap3A_1238 = arith.constant 128 : index
    %swap3A_1239 = tpu.vector_load %arg16[%swap3A_1238] {strides = array<i32>} : memref<512xf32, #tpu.memory_space<vmem>>, vector<16xf32>,
    tpu.vector_store %arg16[%swap3A_1238], %add3A_1237 {strides = array<i32>} : memref<512xf32, #tpu.memory_space<vmem>>, vector<16xf32>,
    %add3A_1240 = arith.constant 144 : i32
    %add3A_1241 = vector.broadcast %add3A_1240 : i32 to vector<16xi32>
    %add3A_1242 = arith.addi %add3A_1241, %iota3A : vector<16xi32>
    %mul3A_1243 = arith.constant 17 : i32
    %mul3A_1244 = vector.broadcast %mul3A_1243 : i32 to vector<16xi32>
    %mul3A_1245 = arith.muli %add3A_1242, %mul3A_1244 : vector<16xi32>
    %get3A_1246 = arith.constant 1 : i32
    %get3A_1247 = arith.index_cast %get3A_1246 : i32 to index
    %get3A_1248 = arith.constant 16 : index
    %get3A_1249 = tpu.vector_load %arg13[%get3A_1247, %get3A_1248] {strides = array<i32>} : memref<4x128xf32, #tpu.memory_space<vmem>>, vector<16xf32>,
    %get3A_1250 = arith.constant 1 : i32
    %get3A_1251 = arith.index_cast %get3A_1250 : i32 to index
    %get3A_1252 = arith.constant 16 : index
    %get3A_1253 = tpu.vector_load %arg14[%get3A_1251, %get3A_1252] {strides = array<i32>} : memref<4x128xf32, #tpu.memory_space<vmem>>, vector<16xf32>,
    %add3A_1254 = arith.addf %get3A_1249, %get3A_1253 : vector<16xf32>
    %add3A_1255 = arith.constant 0 : i32
    %add3A_1256 = vector.broadcast %add3A_1255 : i32 to vector<16xi32>
    %add3A_1257 = arith.addi %mul3A_1245, %add3A_1256 : vector<16xi32>
    %gather3A_1258 = tpu.vector_load_idx %arg15[%add3A_1257] : memref<8704xf32, #tpu.memory_space<vmem>>[vector<16xi32>], vector<16xf32>,
    %add3A_1259 = arith.addf %add3A_1254, %gather3A_1258 : vector<16xf32>
    %add3A_1260 = arith.constant 1 : i32
    %add3A_1261 = vector.broadcast %add3A_1260 : i32 to vector<16xi32>
    %add3A_1262 = arith.addi %mul3A_1245, %add3A_1261 : vector<16xi32>
    %gather3A_1263 = tpu.vector_load_idx %arg15[%add3A_1262] : memref<8704xf32, #tpu.memory_space<vmem>>[vector<16xi32>], vector<16xf32>,
    %add3A_1264 = arith.addf %add3A_1259, %gather3A_1263 : vector<16xf32>
    %add3A_1265 = arith.constant 2 : i32
    %add3A_1266 = vector.broadcast %add3A_1265 : i32 to vector<16xi32>
    %add3A_1267 = arith.addi %mul3A_1245, %add3A_1266 : vector<16xi32>
    %gather3A_1268 = tpu.vector_load_idx %arg15[%add3A_1267] : memref<8704xf32, #tpu.memory_space<vmem>>[vector<16xi32>], vector<16xf32>,
    %add3A_1269 = arith.addf %add3A_1264, %gather3A_1268 : vector<16xf32>
    %add3A_1270 = arith.constant 3 : i32
    %add3A_1271 = vector.broadcast %add3A_1270 : i32 to vector<16xi32>
    %add3A_1272 = arith.addi %mul3A_1245, %add3A_1271 : vector<16xi32>
    %gather3A_1273 = tpu.vector_load_idx %arg15[%add3A_1272] : memref<8704xf32, #tpu.memory_space<vmem>>[vector<16xi32>], vector<16xf32>,
    %add3A_1274 = arith.addf %add3A_1269, %gather3A_1273 : vector<16xf32>
    %add3A_1275 = arith.constant 4 : i32
    %add3A_1276 = vector.broadcast %add3A_1275 : i32 to vector<16xi32>
    %add3A_1277 = arith.addi %mul3A_1245, %add3A_1276 : vector<16xi32>
    %gather3A_1278 = tpu.vector_load_idx %arg15[%add3A_1277] : memref<8704xf32, #tpu.memory_space<vmem>>[vector<16xi32>], vector<16xf32>,
    %add3A_1279 = arith.addf %add3A_1274, %gather3A_1278 : vector<16xf32>
    %add3A_1280 = arith.constant 5 : i32
    %add3A_1281 = vector.broadcast %add3A_1280 : i32 to vector<16xi32>
    %add3A_1282 = arith.addi %mul3A_1245, %add3A_1281 : vector<16xi32>
    %gather3A_1283 = tpu.vector_load_idx %arg15[%add3A_1282] : memref<8704xf32, #tpu.memory_space<vmem>>[vector<16xi32>], vector<16xf32>,
    %add3A_1284 = arith.addf %add3A_1279, %gather3A_1283 : vector<16xf32>
    %add3A_1285 = arith.constant 6 : i32
    %add3A_1286 = vector.broadcast %add3A_1285 : i32 to vector<16xi32>
    %add3A_1287 = arith.addi %mul3A_1245, %add3A_1286 : vector<16xi32>
    %gather3A_1288 = tpu.vector_load_idx %arg15[%add3A_1287] : memref<8704xf32, #tpu.memory_space<vmem>>[vector<16xi32>], vector<16xf32>,
    %add3A_1289 = arith.addf %add3A_1284, %gather3A_1288 : vector<16xf32>
    %add3A_1290 = arith.constant 7 : i32
    %add3A_1291 = vector.broadcast %add3A_1290 : i32 to vector<16xi32>
    %add3A_1292 = arith.addi %mul3A_1245, %add3A_1291 : vector<16xi32>
    %gather3A_1293 = tpu.vector_load_idx %arg15[%add3A_1292] : memref<8704xf32, #tpu.memory_space<vmem>>[vector<16xi32>], vector<16xf32>,
    %add3A_1294 = arith.addf %add3A_1289, %gather3A_1293 : vector<16xf32>
    %add3A_1295 = arith.constant 8 : i32
    %add3A_1296 = vector.broadcast %add3A_1295 : i32 to vector<16xi32>
    %add3A_1297 = arith.addi %mul3A_1245, %add3A_1296 : vector<16xi32>
    %gather3A_1298 = tpu.vector_load_idx %arg15[%add3A_1297] : memref<8704xf32, #tpu.memory_space<vmem>>[vector<16xi32>], vector<16xf32>,
    %add3A_1299 = arith.addf %add3A_1294, %gather3A_1298 : vector<16xf32>
    %add3A_1300 = arith.constant 9 : i32
    %add3A_1301 = vector.broadcast %add3A_1300 : i32 to vector<16xi32>
    %add3A_1302 = arith.addi %mul3A_1245, %add3A_1301 : vector<16xi32>
    %gather3A_1303 = tpu.vector_load_idx %arg15[%add3A_1302] : memref<8704xf32, #tpu.memory_space<vmem>>[vector<16xi32>], vector<16xf32>,
    %add3A_1304 = arith.addf %add3A_1299, %gather3A_1303 : vector<16xf32>
    %add3A_1305 = arith.constant 10 : i32
    %add3A_1306 = vector.broadcast %add3A_1305 : i32 to vector<16xi32>
    %add3A_1307 = arith.addi %mul3A_1245, %add3A_1306 : vector<16xi32>
    %gather3A_1308 = tpu.vector_load_idx %arg15[%add3A_1307] : memref<8704xf32, #tpu.memory_space<vmem>>[vector<16xi32>], vector<16xf32>,
    %add3A_1309 = arith.addf %add3A_1304, %gather3A_1308 : vector<16xf32>
    %add3A_1310 = arith.constant 11 : i32
    %add3A_1311 = vector.broadcast %add3A_1310 : i32 to vector<16xi32>
    %add3A_1312 = arith.addi %mul3A_1245, %add3A_1311 : vector<16xi32>
    %gather3A_1313 = tpu.vector_load_idx %arg15[%add3A_1312] : memref<8704xf32, #tpu.memory_space<vmem>>[vector<16xi32>], vector<16xf32>,
    %add3A_1314 = arith.addf %add3A_1309, %gather3A_1313 : vector<16xf32>
    %add3A_1315 = arith.constant 12 : i32
    %add3A_1316 = vector.broadcast %add3A_1315 : i32 to vector<16xi32>
    %add3A_1317 = arith.addi %mul3A_1245, %add3A_1316 : vector<16xi32>
    %gather3A_1318 = tpu.vector_load_idx %arg15[%add3A_1317] : memref<8704xf32, #tpu.memory_space<vmem>>[vector<16xi32>], vector<16xf32>,
    %add3A_1319 = arith.addf %add3A_1314, %gather3A_1318 : vector<16xf32>
    %add3A_1320 = arith.constant 13 : i32
    %add3A_1321 = vector.broadcast %add3A_1320 : i32 to vector<16xi32>
    %add3A_1322 = arith.addi %mul3A_1245, %add3A_1321 : vector<16xi32>
    %gather3A_1323 = tpu.vector_load_idx %arg15[%add3A_1322] : memref<8704xf32, #tpu.memory_space<vmem>>[vector<16xi32>], vector<16xf32>,
    %add3A_1324 = arith.addf %add3A_1319, %gather3A_1323 : vector<16xf32>
    %add3A_1325 = arith.constant 14 : i32
    %add3A_1326 = vector.broadcast %add3A_1325 : i32 to vector<16xi32>
    %add3A_1327 = arith.addi %mul3A_1245, %add3A_1326 : vector<16xi32>
    %gather3A_1328 = tpu.vector_load_idx %arg15[%add3A_1327] : memref<8704xf32, #tpu.memory_space<vmem>>[vector<16xi32>], vector<16xf32>,
    %add3A_1329 = arith.addf %add3A_1324, %gather3A_1328 : vector<16xf32>
    %add3A_1330 = arith.constant 15 : i32
    %add3A_1331 = vector.broadcast %add3A_1330 : i32 to vector<16xi32>
    %add3A_1332 = arith.addi %mul3A_1245, %add3A_1331 : vector<16xi32>
    %gather3A_1333 = tpu.vector_load_idx %arg15[%add3A_1332] : memref<8704xf32, #tpu.memory_space<vmem>>[vector<16xi32>], vector<16xf32>,
    %add3A_1334 = arith.addf %add3A_1329, %gather3A_1333 : vector<16xf32>
    %swap3A_1335 = arith.constant 144 : index
    %swap3A_1336 = tpu.vector_load %arg16[%swap3A_1335] {strides = array<i32>} : memref<512xf32, #tpu.memory_space<vmem>>, vector<16xf32>,
    tpu.vector_store %arg16[%swap3A_1335], %add3A_1334 {strides = array<i32>} : memref<512xf32, #tpu.memory_space<vmem>>, vector<16xf32>,
    %add3A_1337 = arith.constant 160 : i32
    %add3A_1338 = vector.broadcast %add3A_1337 : i32 to vector<16xi32>
    %add3A_1339 = arith.addi %add3A_1338, %iota3A : vector<16xi32>
    %mul3A_1340 = arith.constant 17 : i32
    %mul3A_1341 = vector.broadcast %mul3A_1340 : i32 to vector<16xi32>
    %mul3A_1342 = arith.muli %add3A_1339, %mul3A_1341 : vector<16xi32>
    %get3A_1343 = arith.constant 1 : i32
    %get3A_1344 = arith.index_cast %get3A_1343 : i32 to index
    %get3A_1345 = arith.constant 32 : index
    %get3A_1346 = tpu.vector_load %arg13[%get3A_1344, %get3A_1345] {strides = array<i32>} : memref<4x128xf32, #tpu.memory_space<vmem>>, vector<16xf32>,
    %get3A_1347 = arith.constant 1 : i32
    %get3A_1348 = arith.index_cast %get3A_1347 : i32 to index
    %get3A_1349 = arith.constant 32 : index
    %get3A_1350 = tpu.vector_load %arg14[%get3A_1348, %get3A_1349] {strides = array<i32>} : memref<4x128xf32, #tpu.memory_space<vmem>>, vector<16xf32>,
    %add3A_1351 = arith.addf %get3A_1346, %get3A_1350 : vector<16xf32>
    %add3A_1352 = arith.constant 0 : i32
    %add3A_1353 = vector.broadcast %add3A_1352 : i32 to vector<16xi32>
    %add3A_1354 = arith.addi %mul3A_1342, %add3A_1353 : vector<16xi32>
    %gather3A_1355 = tpu.vector_load_idx %arg15[%add3A_1354] : memref<8704xf32, #tpu.memory_space<vmem>>[vector<16xi32>], vector<16xf32>,
    %add3A_1356 = arith.addf %add3A_1351, %gather3A_1355 : vector<16xf32>
    %add3A_1357 = arith.constant 1 : i32
    %add3A_1358 = vector.broadcast %add3A_1357 : i32 to vector<16xi32>
    %add3A_1359 = arith.addi %mul3A_1342, %add3A_1358 : vector<16xi32>
    %gather3A_1360 = tpu.vector_load_idx %arg15[%add3A_1359] : memref<8704xf32, #tpu.memory_space<vmem>>[vector<16xi32>], vector<16xf32>,
    %add3A_1361 = arith.addf %add3A_1356, %gather3A_1360 : vector<16xf32>
    %add3A_1362 = arith.constant 2 : i32
    %add3A_1363 = vector.broadcast %add3A_1362 : i32 to vector<16xi32>
    %add3A_1364 = arith.addi %mul3A_1342, %add3A_1363 : vector<16xi32>
    %gather3A_1365 = tpu.vector_load_idx %arg15[%add3A_1364] : memref<8704xf32, #tpu.memory_space<vmem>>[vector<16xi32>], vector<16xf32>,
    %add3A_1366 = arith.addf %add3A_1361, %gather3A_1365 : vector<16xf32>
    %add3A_1367 = arith.constant 3 : i32
    %add3A_1368 = vector.broadcast %add3A_1367 : i32 to vector<16xi32>
    %add3A_1369 = arith.addi %mul3A_1342, %add3A_1368 : vector<16xi32>
    %gather3A_1370 = tpu.vector_load_idx %arg15[%add3A_1369] : memref<8704xf32, #tpu.memory_space<vmem>>[vector<16xi32>], vector<16xf32>,
    %add3A_1371 = arith.addf %add3A_1366, %gather3A_1370 : vector<16xf32>
    %add3A_1372 = arith.constant 4 : i32
    %add3A_1373 = vector.broadcast %add3A_1372 : i32 to vector<16xi32>
    %add3A_1374 = arith.addi %mul3A_1342, %add3A_1373 : vector<16xi32>
    %gather3A_1375 = tpu.vector_load_idx %arg15[%add3A_1374] : memref<8704xf32, #tpu.memory_space<vmem>>[vector<16xi32>], vector<16xf32>,
    %add3A_1376 = arith.addf %add3A_1371, %gather3A_1375 : vector<16xf32>
    %add3A_1377 = arith.constant 5 : i32
    %add3A_1378 = vector.broadcast %add3A_1377 : i32 to vector<16xi32>
    %add3A_1379 = arith.addi %mul3A_1342, %add3A_1378 : vector<16xi32>
    %gather3A_1380 = tpu.vector_load_idx %arg15[%add3A_1379] : memref<8704xf32, #tpu.memory_space<vmem>>[vector<16xi32>], vector<16xf32>,
    %add3A_1381 = arith.addf %add3A_1376, %gather3A_1380 : vector<16xf32>
    %add3A_1382 = arith.constant 6 : i32
    %add3A_1383 = vector.broadcast %add3A_1382 : i32 to vector<16xi32>
    %add3A_1384 = arith.addi %mul3A_1342, %add3A_1383 : vector<16xi32>
    %gather3A_1385 = tpu.vector_load_idx %arg15[%add3A_1384] : memref<8704xf32, #tpu.memory_space<vmem>>[vector<16xi32>], vector<16xf32>,
    %add3A_1386 = arith.addf %add3A_1381, %gather3A_1385 : vector<16xf32>
    %add3A_1387 = arith.constant 7 : i32
    %add3A_1388 = vector.broadcast %add3A_1387 : i32 to vector<16xi32>
    %add3A_1389 = arith.addi %mul3A_1342, %add3A_1388 : vector<16xi32>
    %gather3A_1390 = tpu.vector_load_idx %arg15[%add3A_1389] : memref<8704xf32, #tpu.memory_space<vmem>>[vector<16xi32>], vector<16xf32>,
    %add3A_1391 = arith.addf %add3A_1386, %gather3A_1390 : vector<16xf32>
    %add3A_1392 = arith.constant 8 : i32
    %add3A_1393 = vector.broadcast %add3A_1392 : i32 to vector<16xi32>
    %add3A_1394 = arith.addi %mul3A_1342, %add3A_1393 : vector<16xi32>
    %gather3A_1395 = tpu.vector_load_idx %arg15[%add3A_1394] : memref<8704xf32, #tpu.memory_space<vmem>>[vector<16xi32>], vector<16xf32>,
    %add3A_1396 = arith.addf %add3A_1391, %gather3A_1395 : vector<16xf32>
    %add3A_1397 = arith.constant 9 : i32
    %add3A_1398 = vector.broadcast %add3A_1397 : i32 to vector<16xi32>
    %add3A_1399 = arith.addi %mul3A_1342, %add3A_1398 : vector<16xi32>
    %gather3A_1400 = tpu.vector_load_idx %arg15[%add3A_1399] : memref<8704xf32, #tpu.memory_space<vmem>>[vector<16xi32>], vector<16xf32>,
    %add3A_1401 = arith.addf %add3A_1396, %gather3A_1400 : vector<16xf32>
    %add3A_1402 = arith.constant 10 : i32
    %add3A_1403 = vector.broadcast %add3A_1402 : i32 to vector<16xi32>
    %add3A_1404 = arith.addi %mul3A_1342, %add3A_1403 : vector<16xi32>
    %gather3A_1405 = tpu.vector_load_idx %arg15[%add3A_1404] : memref<8704xf32, #tpu.memory_space<vmem>>[vector<16xi32>], vector<16xf32>,
    %add3A_1406 = arith.addf %add3A_1401, %gather3A_1405 : vector<16xf32>
    %add3A_1407 = arith.constant 11 : i32
    %add3A_1408 = vector.broadcast %add3A_1407 : i32 to vector<16xi32>
    %add3A_1409 = arith.addi %mul3A_1342, %add3A_1408 : vector<16xi32>
    %gather3A_1410 = tpu.vector_load_idx %arg15[%add3A_1409] : memref<8704xf32, #tpu.memory_space<vmem>>[vector<16xi32>], vector<16xf32>,
    %add3A_1411 = arith.addf %add3A_1406, %gather3A_1410 : vector<16xf32>
    %add3A_1412 = arith.constant 12 : i32
    %add3A_1413 = vector.broadcast %add3A_1412 : i32 to vector<16xi32>
    %add3A_1414 = arith.addi %mul3A_1342, %add3A_1413 : vector<16xi32>
    %gather3A_1415 = tpu.vector_load_idx %arg15[%add3A_1414] : memref<8704xf32, #tpu.memory_space<vmem>>[vector<16xi32>], vector<16xf32>,
    %add3A_1416 = arith.addf %add3A_1411, %gather3A_1415 : vector<16xf32>
    %add3A_1417 = arith.constant 13 : i32
    %add3A_1418 = vector.broadcast %add3A_1417 : i32 to vector<16xi32>
    %add3A_1419 = arith.addi %mul3A_1342, %add3A_1418 : vector<16xi32>
    %gather3A_1420 = tpu.vector_load_idx %arg15[%add3A_1419] : memref<8704xf32, #tpu.memory_space<vmem>>[vector<16xi32>], vector<16xf32>,
    %add3A_1421 = arith.addf %add3A_1416, %gather3A_1420 : vector<16xf32>
    %add3A_1422 = arith.constant 14 : i32
    %add3A_1423 = vector.broadcast %add3A_1422 : i32 to vector<16xi32>
    %add3A_1424 = arith.addi %mul3A_1342, %add3A_1423 : vector<16xi32>
    %gather3A_1425 = tpu.vector_load_idx %arg15[%add3A_1424] : memref<8704xf32, #tpu.memory_space<vmem>>[vector<16xi32>], vector<16xf32>,
    %add3A_1426 = arith.addf %add3A_1421, %gather3A_1425 : vector<16xf32>
    %add3A_1427 = arith.constant 15 : i32
    %add3A_1428 = vector.broadcast %add3A_1427 : i32 to vector<16xi32>
    %add3A_1429 = arith.addi %mul3A_1342, %add3A_1428 : vector<16xi32>
    %gather3A_1430 = tpu.vector_load_idx %arg15[%add3A_1429] : memref<8704xf32, #tpu.memory_space<vmem>>[vector<16xi32>], vector<16xf32>,
    %add3A_1431 = arith.addf %add3A_1426, %gather3A_1430 : vector<16xf32>
    %swap3A_1432 = arith.constant 160 : index
    %swap3A_1433 = tpu.vector_load %arg16[%swap3A_1432] {strides = array<i32>} : memref<512xf32, #tpu.memory_space<vmem>>, vector<16xf32>,
    tpu.vector_store %arg16[%swap3A_1432], %add3A_1431 {strides = array<i32>} : memref<512xf32, #tpu.memory_space<vmem>>, vector<16xf32>,
    %add3A_1434 = arith.constant 176 : i32
    %add3A_1435 = vector.broadcast %add3A_1434 : i32 to vector<16xi32>
    %add3A_1436 = arith.addi %add3A_1435, %iota3A : vector<16xi32>
    %mul3A_1437 = arith.constant 17 : i32
    %mul3A_1438 = vector.broadcast %mul3A_1437 : i32 to vector<16xi32>
    %mul3A_1439 = arith.muli %add3A_1436, %mul3A_1438 : vector<16xi32>
    %get3A_1440 = arith.constant 1 : i32
    %get3A_1441 = arith.index_cast %get3A_1440 : i32 to index
    %get3A_1442 = arith.constant 48 : index
    %get3A_1443 = tpu.vector_load %arg13[%get3A_1441, %get3A_1442] {strides = array<i32>} : memref<4x128xf32, #tpu.memory_space<vmem>>, vector<16xf32>,
    %get3A_1444 = arith.constant 1 : i32
    %get3A_1445 = arith.index_cast %get3A_1444 : i32 to index
    %get3A_1446 = arith.constant 48 : index
    %get3A_1447 = tpu.vector_load %arg14[%get3A_1445, %get3A_1446] {strides = array<i32>} : memref<4x128xf32, #tpu.memory_space<vmem>>, vector<16xf32>,
    %add3A_1448 = arith.addf %get3A_1443, %get3A_1447 : vector<16xf32>
    %add3A_1449 = arith.constant 0 : i32
    %add3A_1450 = vector.broadcast %add3A_1449 : i32 to vector<16xi32>
    %add3A_1451 = arith.addi %mul3A_1439, %add3A_1450 : vector<16xi32>
    %gather3A_1452 = tpu.vector_load_idx %arg15[%add3A_1451] : memref<8704xf32, #tpu.memory_space<vmem>>[vector<16xi32>], vector<16xf32>,
    %add3A_1453 = arith.addf %add3A_1448, %gather3A_1452 : vector<16xf32>
    %add3A_1454 = arith.constant 1 : i32
    %add3A_1455 = vector.broadcast %add3A_1454 : i32 to vector<16xi32>
    %add3A_1456 = arith.addi %mul3A_1439, %add3A_1455 : vector<16xi32>
    %gather3A_1457 = tpu.vector_load_idx %arg15[%add3A_1456] : memref<8704xf32, #tpu.memory_space<vmem>>[vector<16xi32>], vector<16xf32>,
    %add3A_1458 = arith.addf %add3A_1453, %gather3A_1457 : vector<16xf32>
    %add3A_1459 = arith.constant 2 : i32
    %add3A_1460 = vector.broadcast %add3A_1459 : i32 to vector<16xi32>
    %add3A_1461 = arith.addi %mul3A_1439, %add3A_1460 : vector<16xi32>
    %gather3A_1462 = tpu.vector_load_idx %arg15[%add3A_1461] : memref<8704xf32, #tpu.memory_space<vmem>>[vector<16xi32>], vector<16xf32>,
    %add3A_1463 = arith.addf %add3A_1458, %gather3A_1462 : vector<16xf32>
    %add3A_1464 = arith.constant 3 : i32
    %add3A_1465 = vector.broadcast %add3A_1464 : i32 to vector<16xi32>
    %add3A_1466 = arith.addi %mul3A_1439, %add3A_1465 : vector<16xi32>
    %gather3A_1467 = tpu.vector_load_idx %arg15[%add3A_1466] : memref<8704xf32, #tpu.memory_space<vmem>>[vector<16xi32>], vector<16xf32>,
    %add3A_1468 = arith.addf %add3A_1463, %gather3A_1467 : vector<16xf32>
    %add3A_1469 = arith.constant 4 : i32
    %add3A_1470 = vector.broadcast %add3A_1469 : i32 to vector<16xi32>
    %add3A_1471 = arith.addi %mul3A_1439, %add3A_1470 : vector<16xi32>
    %gather3A_1472 = tpu.vector_load_idx %arg15[%add3A_1471] : memref<8704xf32, #tpu.memory_space<vmem>>[vector<16xi32>], vector<16xf32>,
    %add3A_1473 = arith.addf %add3A_1468, %gather3A_1472 : vector<16xf32>
    %add3A_1474 = arith.constant 5 : i32
    %add3A_1475 = vector.broadcast %add3A_1474 : i32 to vector<16xi32>
    %add3A_1476 = arith.addi %mul3A_1439, %add3A_1475 : vector<16xi32>
    %gather3A_1477 = tpu.vector_load_idx %arg15[%add3A_1476] : memref<8704xf32, #tpu.memory_space<vmem>>[vector<16xi32>], vector<16xf32>,
    %add3A_1478 = arith.addf %add3A_1473, %gather3A_1477 : vector<16xf32>
    %add3A_1479 = arith.constant 6 : i32
    %add3A_1480 = vector.broadcast %add3A_1479 : i32 to vector<16xi32>
    %add3A_1481 = arith.addi %mul3A_1439, %add3A_1480 : vector<16xi32>
    %gather3A_1482 = tpu.vector_load_idx %arg15[%add3A_1481] : memref<8704xf32, #tpu.memory_space<vmem>>[vector<16xi32>], vector<16xf32>,
    %add3A_1483 = arith.addf %add3A_1478, %gather3A_1482 : vector<16xf32>
    %add3A_1484 = arith.constant 7 : i32
    %add3A_1485 = vector.broadcast %add3A_1484 : i32 to vector<16xi32>
    %add3A_1486 = arith.addi %mul3A_1439, %add3A_1485 : vector<16xi32>
    %gather3A_1487 = tpu.vector_load_idx %arg15[%add3A_1486] : memref<8704xf32, #tpu.memory_space<vmem>>[vector<16xi32>], vector<16xf32>,
    %add3A_1488 = arith.addf %add3A_1483, %gather3A_1487 : vector<16xf32>
    %add3A_1489 = arith.constant 8 : i32
    %add3A_1490 = vector.broadcast %add3A_1489 : i32 to vector<16xi32>
    %add3A_1491 = arith.addi %mul3A_1439, %add3A_1490 : vector<16xi32>
    %gather3A_1492 = tpu.vector_load_idx %arg15[%add3A_1491] : memref<8704xf32, #tpu.memory_space<vmem>>[vector<16xi32>], vector<16xf32>,
    %add3A_1493 = arith.addf %add3A_1488, %gather3A_1492 : vector<16xf32>
    %add3A_1494 = arith.constant 9 : i32
    %add3A_1495 = vector.broadcast %add3A_1494 : i32 to vector<16xi32>
    %add3A_1496 = arith.addi %mul3A_1439, %add3A_1495 : vector<16xi32>
    %gather3A_1497 = tpu.vector_load_idx %arg15[%add3A_1496] : memref<8704xf32, #tpu.memory_space<vmem>>[vector<16xi32>], vector<16xf32>,
    %add3A_1498 = arith.addf %add3A_1493, %gather3A_1497 : vector<16xf32>
    %add3A_1499 = arith.constant 10 : i32
    %add3A_1500 = vector.broadcast %add3A_1499 : i32 to vector<16xi32>
    %add3A_1501 = arith.addi %mul3A_1439, %add3A_1500 : vector<16xi32>
    %gather3A_1502 = tpu.vector_load_idx %arg15[%add3A_1501] : memref<8704xf32, #tpu.memory_space<vmem>>[vector<16xi32>], vector<16xf32>,
    %add3A_1503 = arith.addf %add3A_1498, %gather3A_1502 : vector<16xf32>
    %add3A_1504 = arith.constant 11 : i32
    %add3A_1505 = vector.broadcast %add3A_1504 : i32 to vector<16xi32>
    %add3A_1506 = arith.addi %mul3A_1439, %add3A_1505 : vector<16xi32>
    %gather3A_1507 = tpu.vector_load_idx %arg15[%add3A_1506] : memref<8704xf32, #tpu.memory_space<vmem>>[vector<16xi32>], vector<16xf32>,
    %add3A_1508 = arith.addf %add3A_1503, %gather3A_1507 : vector<16xf32>
    %add3A_1509 = arith.constant 12 : i32
    %add3A_1510 = vector.broadcast %add3A_1509 : i32 to vector<16xi32>
    %add3A_1511 = arith.addi %mul3A_1439, %add3A_1510 : vector<16xi32>
    %gather3A_1512 = tpu.vector_load_idx %arg15[%add3A_1511] : memref<8704xf32, #tpu.memory_space<vmem>>[vector<16xi32>], vector<16xf32>,
    %add3A_1513 = arith.addf %add3A_1508, %gather3A_1512 : vector<16xf32>
    %add3A_1514 = arith.constant 13 : i32
    %add3A_1515 = vector.broadcast %add3A_1514 : i32 to vector<16xi32>
    %add3A_1516 = arith.addi %mul3A_1439, %add3A_1515 : vector<16xi32>
    %gather3A_1517 = tpu.vector_load_idx %arg15[%add3A_1516] : memref<8704xf32, #tpu.memory_space<vmem>>[vector<16xi32>], vector<16xf32>,
    %add3A_1518 = arith.addf %add3A_1513, %gather3A_1517 : vector<16xf32>
    %add3A_1519 = arith.constant 14 : i32
    %add3A_1520 = vector.broadcast %add3A_1519 : i32 to vector<16xi32>
    %add3A_1521 = arith.addi %mul3A_1439, %add3A_1520 : vector<16xi32>
    %gather3A_1522 = tpu.vector_load_idx %arg15[%add3A_1521] : memref<8704xf32, #tpu.memory_space<vmem>>[vector<16xi32>], vector<16xf32>,
    %add3A_1523 = arith.addf %add3A_1518, %gather3A_1522 : vector<16xf32>
    %add3A_1524 = arith.constant 15 : i32
    %add3A_1525 = vector.broadcast %add3A_1524 : i32 to vector<16xi32>
    %add3A_1526 = arith.addi %mul3A_1439, %add3A_1525 : vector<16xi32>
    %gather3A_1527 = tpu.vector_load_idx %arg15[%add3A_1526] : memref<8704xf32, #tpu.memory_space<vmem>>[vector<16xi32>], vector<16xf32>,
    %add3A_1528 = arith.addf %add3A_1523, %gather3A_1527 : vector<16xf32>
    %swap3A_1529 = arith.constant 176 : index
    %swap3A_1530 = tpu.vector_load %arg16[%swap3A_1529] {strides = array<i32>} : memref<512xf32, #tpu.memory_space<vmem>>, vector<16xf32>,
    tpu.vector_store %arg16[%swap3A_1529], %add3A_1528 {strides = array<i32>} : memref<512xf32, #tpu.memory_space<vmem>>, vector<16xf32>,
    %add3A_1531 = arith.constant 192 : i32
    %add3A_1532 = vector.broadcast %add3A_1531 : i32 to vector<16xi32>
    %add3A_1533 = arith.addi %add3A_1532, %iota3A : vector<16xi32>
    %mul3A_1534 = arith.constant 17 : i32
    %mul3A_1535 = vector.broadcast %mul3A_1534 : i32 to vector<16xi32>
    %mul3A_1536 = arith.muli %add3A_1533, %mul3A_1535 : vector<16xi32>
    %get3A_1537 = arith.constant 1 : i32
    %get3A_1538 = arith.index_cast %get3A_1537 : i32 to index
    %get3A_1539 = arith.constant 64 : index
    %get3A_1540 = tpu.vector_load %arg13[%get3A_1538, %get3A_1539] {strides = array<i32>} : memref<4x128xf32, #tpu.memory_space<vmem>>, vector<16xf32>,
    %get3A_1541 = arith.constant 1 : i32
    %get3A_1542 = arith.index_cast %get3A_1541 : i32 to index
    %get3A_1543 = arith.constant 64 : index
    %get3A_1544 = tpu.vector_load %arg14[%get3A_1542, %get3A_1543] {strides = array<i32>} : memref<4x128xf32, #tpu.memory_space<vmem>>, vector<16xf32>,
    %add3A_1545 = arith.addf %get3A_1540, %get3A_1544 : vector<16xf32>
    %add3A_1546 = arith.constant 0 : i32
    %add3A_1547 = vector.broadcast %add3A_1546 : i32 to vector<16xi32>
    %add3A_1548 = arith.addi %mul3A_1536, %add3A_1547 : vector<16xi32>
    %gather3A_1549 = tpu.vector_load_idx %arg15[%add3A_1548] : memref<8704xf32, #tpu.memory_space<vmem>>[vector<16xi32>], vector<16xf32>,
    %add3A_1550 = arith.addf %add3A_1545, %gather3A_1549 : vector<16xf32>
    %add3A_1551 = arith.constant 1 : i32
    %add3A_1552 = vector.broadcast %add3A_1551 : i32 to vector<16xi32>
    %add3A_1553 = arith.addi %mul3A_1536, %add3A_1552 : vector<16xi32>
    %gather3A_1554 = tpu.vector_load_idx %arg15[%add3A_1553] : memref<8704xf32, #tpu.memory_space<vmem>>[vector<16xi32>], vector<16xf32>,
    %add3A_1555 = arith.addf %add3A_1550, %gather3A_1554 : vector<16xf32>
    %add3A_1556 = arith.constant 2 : i32
    %add3A_1557 = vector.broadcast %add3A_1556 : i32 to vector<16xi32>
    %add3A_1558 = arith.addi %mul3A_1536, %add3A_1557 : vector<16xi32>
    %gather3A_1559 = tpu.vector_load_idx %arg15[%add3A_1558] : memref<8704xf32, #tpu.memory_space<vmem>>[vector<16xi32>], vector<16xf32>,
    %add3A_1560 = arith.addf %add3A_1555, %gather3A_1559 : vector<16xf32>
    %add3A_1561 = arith.constant 3 : i32
    %add3A_1562 = vector.broadcast %add3A_1561 : i32 to vector<16xi32>
    %add3A_1563 = arith.addi %mul3A_1536, %add3A_1562 : vector<16xi32>
    %gather3A_1564 = tpu.vector_load_idx %arg15[%add3A_1563] : memref<8704xf32, #tpu.memory_space<vmem>>[vector<16xi32>], vector<16xf32>,
    %add3A_1565 = arith.addf %add3A_1560, %gather3A_1564 : vector<16xf32>
    %add3A_1566 = arith.constant 4 : i32
    %add3A_1567 = vector.broadcast %add3A_1566 : i32 to vector<16xi32>
    %add3A_1568 = arith.addi %mul3A_1536, %add3A_1567 : vector<16xi32>
    %gather3A_1569 = tpu.vector_load_idx %arg15[%add3A_1568] : memref<8704xf32, #tpu.memory_space<vmem>>[vector<16xi32>], vector<16xf32>,
    %add3A_1570 = arith.addf %add3A_1565, %gather3A_1569 : vector<16xf32>
    %add3A_1571 = arith.constant 5 : i32
    %add3A_1572 = vector.broadcast %add3A_1571 : i32 to vector<16xi32>
    %add3A_1573 = arith.addi %mul3A_1536, %add3A_1572 : vector<16xi32>
    %gather3A_1574 = tpu.vector_load_idx %arg15[%add3A_1573] : memref<8704xf32, #tpu.memory_space<vmem>>[vector<16xi32>], vector<16xf32>,
    %add3A_1575 = arith.addf %add3A_1570, %gather3A_1574 : vector<16xf32>
    %add3A_1576 = arith.constant 6 : i32
    %add3A_1577 = vector.broadcast %add3A_1576 : i32 to vector<16xi32>
    %add3A_1578 = arith.addi %mul3A_1536, %add3A_1577 : vector<16xi32>
    %gather3A_1579 = tpu.vector_load_idx %arg15[%add3A_1578] : memref<8704xf32, #tpu.memory_space<vmem>>[vector<16xi32>], vector<16xf32>,
    %add3A_1580 = arith.addf %add3A_1575, %gather3A_1579 : vector<16xf32>
    %add3A_1581 = arith.constant 7 : i32
    %add3A_1582 = vector.broadcast %add3A_1581 : i32 to vector<16xi32>
    %add3A_1583 = arith.addi %mul3A_1536, %add3A_1582 : vector<16xi32>
    %gather3A_1584 = tpu.vector_load_idx %arg15[%add3A_1583] : memref<8704xf32, #tpu.memory_space<vmem>>[vector<16xi32>], vector<16xf32>,
    %add3A_1585 = arith.addf %add3A_1580, %gather3A_1584 : vector<16xf32>
    %add3A_1586 = arith.constant 8 : i32
    %add3A_1587 = vector.broadcast %add3A_1586 : i32 to vector<16xi32>
    %add3A_1588 = arith.addi %mul3A_1536, %add3A_1587 : vector<16xi32>
    %gather3A_1589 = tpu.vector_load_idx %arg15[%add3A_1588] : memref<8704xf32, #tpu.memory_space<vmem>>[vector<16xi32>], vector<16xf32>,
    %add3A_1590 = arith.addf %add3A_1585, %gather3A_1589 : vector<16xf32>
    %add3A_1591 = arith.constant 9 : i32
    %add3A_1592 = vector.broadcast %add3A_1591 : i32 to vector<16xi32>
    %add3A_1593 = arith.addi %mul3A_1536, %add3A_1592 : vector<16xi32>
    %gather3A_1594 = tpu.vector_load_idx %arg15[%add3A_1593] : memref<8704xf32, #tpu.memory_space<vmem>>[vector<16xi32>], vector<16xf32>,
    %add3A_1595 = arith.addf %add3A_1590, %gather3A_1594 : vector<16xf32>
    %add3A_1596 = arith.constant 10 : i32
    %add3A_1597 = vector.broadcast %add3A_1596 : i32 to vector<16xi32>
    %add3A_1598 = arith.addi %mul3A_1536, %add3A_1597 : vector<16xi32>
    %gather3A_1599 = tpu.vector_load_idx %arg15[%add3A_1598] : memref<8704xf32, #tpu.memory_space<vmem>>[vector<16xi32>], vector<16xf32>,
    %add3A_1600 = arith.addf %add3A_1595, %gather3A_1599 : vector<16xf32>
    %add3A_1601 = arith.constant 11 : i32
    %add3A_1602 = vector.broadcast %add3A_1601 : i32 to vector<16xi32>
    %add3A_1603 = arith.addi %mul3A_1536, %add3A_1602 : vector<16xi32>
    %gather3A_1604 = tpu.vector_load_idx %arg15[%add3A_1603] : memref<8704xf32, #tpu.memory_space<vmem>>[vector<16xi32>], vector<16xf32>,
    %add3A_1605 = arith.addf %add3A_1600, %gather3A_1604 : vector<16xf32>
    %add3A_1606 = arith.constant 12 : i32
    %add3A_1607 = vector.broadcast %add3A_1606 : i32 to vector<16xi32>
    %add3A_1608 = arith.addi %mul3A_1536, %add3A_1607 : vector<16xi32>
    %gather3A_1609 = tpu.vector_load_idx %arg15[%add3A_1608] : memref<8704xf32, #tpu.memory_space<vmem>>[vector<16xi32>], vector<16xf32>,
    %add3A_1610 = arith.addf %add3A_1605, %gather3A_1609 : vector<16xf32>
    %add3A_1611 = arith.constant 13 : i32
    %add3A_1612 = vector.broadcast %add3A_1611 : i32 to vector<16xi32>
    %add3A_1613 = arith.addi %mul3A_1536, %add3A_1612 : vector<16xi32>
    %gather3A_1614 = tpu.vector_load_idx %arg15[%add3A_1613] : memref<8704xf32, #tpu.memory_space<vmem>>[vector<16xi32>], vector<16xf32>,
    %add3A_1615 = arith.addf %add3A_1610, %gather3A_1614 : vector<16xf32>
    %add3A_1616 = arith.constant 14 : i32
    %add3A_1617 = vector.broadcast %add3A_1616 : i32 to vector<16xi32>
    %add3A_1618 = arith.addi %mul3A_1536, %add3A_1617 : vector<16xi32>
    %gather3A_1619 = tpu.vector_load_idx %arg15[%add3A_1618] : memref<8704xf32, #tpu.memory_space<vmem>>[vector<16xi32>], vector<16xf32>,
    %add3A_1620 = arith.addf %add3A_1615, %gather3A_1619 : vector<16xf32>
    %add3A_1621 = arith.constant 15 : i32
    %add3A_1622 = vector.broadcast %add3A_1621 : i32 to vector<16xi32>
    %add3A_1623 = arith.addi %mul3A_1536, %add3A_1622 : vector<16xi32>
    %gather3A_1624 = tpu.vector_load_idx %arg15[%add3A_1623] : memref<8704xf32, #tpu.memory_space<vmem>>[vector<16xi32>], vector<16xf32>,
    %add3A_1625 = arith.addf %add3A_1620, %gather3A_1624 : vector<16xf32>
    %swap3A_1626 = arith.constant 192 : index
    %swap3A_1627 = tpu.vector_load %arg16[%swap3A_1626] {strides = array<i32>} : memref<512xf32, #tpu.memory_space<vmem>>, vector<16xf32>,
    tpu.vector_store %arg16[%swap3A_1626], %add3A_1625 {strides = array<i32>} : memref<512xf32, #tpu.memory_space<vmem>>, vector<16xf32>,
    %add3A_1628 = arith.constant 208 : i32
    %add3A_1629 = vector.broadcast %add3A_1628 : i32 to vector<16xi32>
    %add3A_1630 = arith.addi %add3A_1629, %iota3A : vector<16xi32>
    %mul3A_1631 = arith.constant 17 : i32
    %mul3A_1632 = vector.broadcast %mul3A_1631 : i32 to vector<16xi32>
    %mul3A_1633 = arith.muli %add3A_1630, %mul3A_1632 : vector<16xi32>
    %get3A_1634 = arith.constant 1 : i32
    %get3A_1635 = arith.index_cast %get3A_1634 : i32 to index
    %get3A_1636 = arith.constant 80 : index
    %get3A_1637 = tpu.vector_load %arg13[%get3A_1635, %get3A_1636] {strides = array<i32>} : memref<4x128xf32, #tpu.memory_space<vmem>>, vector<16xf32>,
    %get3A_1638 = arith.constant 1 : i32
    %get3A_1639 = arith.index_cast %get3A_1638 : i32 to index
    %get3A_1640 = arith.constant 80 : index
    %get3A_1641 = tpu.vector_load %arg14[%get3A_1639, %get3A_1640] {strides = array<i32>} : memref<4x128xf32, #tpu.memory_space<vmem>>, vector<16xf32>,
    %add3A_1642 = arith.addf %get3A_1637, %get3A_1641 : vector<16xf32>
    %add3A_1643 = arith.constant 0 : i32
    %add3A_1644 = vector.broadcast %add3A_1643 : i32 to vector<16xi32>
    %add3A_1645 = arith.addi %mul3A_1633, %add3A_1644 : vector<16xi32>
    %gather3A_1646 = tpu.vector_load_idx %arg15[%add3A_1645] : memref<8704xf32, #tpu.memory_space<vmem>>[vector<16xi32>], vector<16xf32>,
    %add3A_1647 = arith.addf %add3A_1642, %gather3A_1646 : vector<16xf32>
    %add3A_1648 = arith.constant 1 : i32
    %add3A_1649 = vector.broadcast %add3A_1648 : i32 to vector<16xi32>
    %add3A_1650 = arith.addi %mul3A_1633, %add3A_1649 : vector<16xi32>
    %gather3A_1651 = tpu.vector_load_idx %arg15[%add3A_1650] : memref<8704xf32, #tpu.memory_space<vmem>>[vector<16xi32>], vector<16xf32>,
    %add3A_1652 = arith.addf %add3A_1647, %gather3A_1651 : vector<16xf32>
    %add3A_1653 = arith.constant 2 : i32
    %add3A_1654 = vector.broadcast %add3A_1653 : i32 to vector<16xi32>
    %add3A_1655 = arith.addi %mul3A_1633, %add3A_1654 : vector<16xi32>
    %gather3A_1656 = tpu.vector_load_idx %arg15[%add3A_1655] : memref<8704xf32, #tpu.memory_space<vmem>>[vector<16xi32>], vector<16xf32>,
    %add3A_1657 = arith.addf %add3A_1652, %gather3A_1656 : vector<16xf32>
    %add3A_1658 = arith.constant 3 : i32
    %add3A_1659 = vector.broadcast %add3A_1658 : i32 to vector<16xi32>
    %add3A_1660 = arith.addi %mul3A_1633, %add3A_1659 : vector<16xi32>
    %gather3A_1661 = tpu.vector_load_idx %arg15[%add3A_1660] : memref<8704xf32, #tpu.memory_space<vmem>>[vector<16xi32>], vector<16xf32>,
    %add3A_1662 = arith.addf %add3A_1657, %gather3A_1661 : vector<16xf32>
    %add3A_1663 = arith.constant 4 : i32
    %add3A_1664 = vector.broadcast %add3A_1663 : i32 to vector<16xi32>
    %add3A_1665 = arith.addi %mul3A_1633, %add3A_1664 : vector<16xi32>
    %gather3A_1666 = tpu.vector_load_idx %arg15[%add3A_1665] : memref<8704xf32, #tpu.memory_space<vmem>>[vector<16xi32>], vector<16xf32>,
    %add3A_1667 = arith.addf %add3A_1662, %gather3A_1666 : vector<16xf32>
    %add3A_1668 = arith.constant 5 : i32
    %add3A_1669 = vector.broadcast %add3A_1668 : i32 to vector<16xi32>
    %add3A_1670 = arith.addi %mul3A_1633, %add3A_1669 : vector<16xi32>
    %gather3A_1671 = tpu.vector_load_idx %arg15[%add3A_1670] : memref<8704xf32, #tpu.memory_space<vmem>>[vector<16xi32>], vector<16xf32>,
    %add3A_1672 = arith.addf %add3A_1667, %gather3A_1671 : vector<16xf32>
    %add3A_1673 = arith.constant 6 : i32
    %add3A_1674 = vector.broadcast %add3A_1673 : i32 to vector<16xi32>
    %add3A_1675 = arith.addi %mul3A_1633, %add3A_1674 : vector<16xi32>
    %gather3A_1676 = tpu.vector_load_idx %arg15[%add3A_1675] : memref<8704xf32, #tpu.memory_space<vmem>>[vector<16xi32>], vector<16xf32>,
    %add3A_1677 = arith.addf %add3A_1672, %gather3A_1676 : vector<16xf32>
    %add3A_1678 = arith.constant 7 : i32
    %add3A_1679 = vector.broadcast %add3A_1678 : i32 to vector<16xi32>
    %add3A_1680 = arith.addi %mul3A_1633, %add3A_1679 : vector<16xi32>
    %gather3A_1681 = tpu.vector_load_idx %arg15[%add3A_1680] : memref<8704xf32, #tpu.memory_space<vmem>>[vector<16xi32>], vector<16xf32>,
    %add3A_1682 = arith.addf %add3A_1677, %gather3A_1681 : vector<16xf32>
    %add3A_1683 = arith.constant 8 : i32
    %add3A_1684 = vector.broadcast %add3A_1683 : i32 to vector<16xi32>
    %add3A_1685 = arith.addi %mul3A_1633, %add3A_1684 : vector<16xi32>
    %gather3A_1686 = tpu.vector_load_idx %arg15[%add3A_1685] : memref<8704xf32, #tpu.memory_space<vmem>>[vector<16xi32>], vector<16xf32>,
    %add3A_1687 = arith.addf %add3A_1682, %gather3A_1686 : vector<16xf32>
    %add3A_1688 = arith.constant 9 : i32
    %add3A_1689 = vector.broadcast %add3A_1688 : i32 to vector<16xi32>
    %add3A_1690 = arith.addi %mul3A_1633, %add3A_1689 : vector<16xi32>
    %gather3A_1691 = tpu.vector_load_idx %arg15[%add3A_1690] : memref<8704xf32, #tpu.memory_space<vmem>>[vector<16xi32>], vector<16xf32>,
    %add3A_1692 = arith.addf %add3A_1687, %gather3A_1691 : vector<16xf32>
    %add3A_1693 = arith.constant 10 : i32
    %add3A_1694 = vector.broadcast %add3A_1693 : i32 to vector<16xi32>
    %add3A_1695 = arith.addi %mul3A_1633, %add3A_1694 : vector<16xi32>
    %gather3A_1696 = tpu.vector_load_idx %arg15[%add3A_1695] : memref<8704xf32, #tpu.memory_space<vmem>>[vector<16xi32>], vector<16xf32>,
    %add3A_1697 = arith.addf %add3A_1692, %gather3A_1696 : vector<16xf32>
    %add3A_1698 = arith.constant 11 : i32
    %add3A_1699 = vector.broadcast %add3A_1698 : i32 to vector<16xi32>
    %add3A_1700 = arith.addi %mul3A_1633, %add3A_1699 : vector<16xi32>
    %gather3A_1701 = tpu.vector_load_idx %arg15[%add3A_1700] : memref<8704xf32, #tpu.memory_space<vmem>>[vector<16xi32>], vector<16xf32>,
    %add3A_1702 = arith.addf %add3A_1697, %gather3A_1701 : vector<16xf32>
    %add3A_1703 = arith.constant 12 : i32
    %add3A_1704 = vector.broadcast %add3A_1703 : i32 to vector<16xi32>
    %add3A_1705 = arith.addi %mul3A_1633, %add3A_1704 : vector<16xi32>
    %gather3A_1706 = tpu.vector_load_idx %arg15[%add3A_1705] : memref<8704xf32, #tpu.memory_space<vmem>>[vector<16xi32>], vector<16xf32>,
    %add3A_1707 = arith.addf %add3A_1702, %gather3A_1706 : vector<16xf32>
    %add3A_1708 = arith.constant 13 : i32
    %add3A_1709 = vector.broadcast %add3A_1708 : i32 to vector<16xi32>
    %add3A_1710 = arith.addi %mul3A_1633, %add3A_1709 : vector<16xi32>
    %gather3A_1711 = tpu.vector_load_idx %arg15[%add3A_1710] : memref<8704xf32, #tpu.memory_space<vmem>>[vector<16xi32>], vector<16xf32>,
    %add3A_1712 = arith.addf %add3A_1707, %gather3A_1711 : vector<16xf32>
    %add3A_1713 = arith.constant 14 : i32
    %add3A_1714 = vector.broadcast %add3A_1713 : i32 to vector<16xi32>
    %add3A_1715 = arith.addi %mul3A_1633, %add3A_1714 : vector<16xi32>
    %gather3A_1716 = tpu.vector_load_idx %arg15[%add3A_1715] : memref<8704xf32, #tpu.memory_space<vmem>>[vector<16xi32>], vector<16xf32>,
    %add3A_1717 = arith.addf %add3A_1712, %gather3A_1716 : vector<16xf32>
    %add3A_1718 = arith.constant 15 : i32
    %add3A_1719 = vector.broadcast %add3A_1718 : i32 to vector<16xi32>
    %add3A_1720 = arith.addi %mul3A_1633, %add3A_1719 : vector<16xi32>
    %gather3A_1721 = tpu.vector_load_idx %arg15[%add3A_1720] : memref<8704xf32, #tpu.memory_space<vmem>>[vector<16xi32>], vector<16xf32>,
    %add3A_1722 = arith.addf %add3A_1717, %gather3A_1721 : vector<16xf32>
    %swap3A_1723 = arith.constant 208 : index
    %swap3A_1724 = tpu.vector_load %arg16[%swap3A_1723] {strides = array<i32>} : memref<512xf32, #tpu.memory_space<vmem>>, vector<16xf32>,
    tpu.vector_store %arg16[%swap3A_1723], %add3A_1722 {strides = array<i32>} : memref<512xf32, #tpu.memory_space<vmem>>, vector<16xf32>,
    %add3A_1725 = arith.constant 224 : i32
    %add3A_1726 = vector.broadcast %add3A_1725 : i32 to vector<16xi32>
    %add3A_1727 = arith.addi %add3A_1726, %iota3A : vector<16xi32>
    %mul3A_1728 = arith.constant 17 : i32
    %mul3A_1729 = vector.broadcast %mul3A_1728 : i32 to vector<16xi32>
    %mul3A_1730 = arith.muli %add3A_1727, %mul3A_1729 : vector<16xi32>
    %get3A_1731 = arith.constant 1 : i32
    %get3A_1732 = arith.index_cast %get3A_1731 : i32 to index
    %get3A_1733 = arith.constant 96 : index
    %get3A_1734 = tpu.vector_load %arg13[%get3A_1732, %get3A_1733] {strides = array<i32>} : memref<4x128xf32, #tpu.memory_space<vmem>>, vector<16xf32>,
    %get3A_1735 = arith.constant 1 : i32
    %get3A_1736 = arith.index_cast %get3A_1735 : i32 to index
    %get3A_1737 = arith.constant 96 : index
    %get3A_1738 = tpu.vector_load %arg14[%get3A_1736, %get3A_1737] {strides = array<i32>} : memref<4x128xf32, #tpu.memory_space<vmem>>, vector<16xf32>,
    %add3A_1739 = arith.addf %get3A_1734, %get3A_1738 : vector<16xf32>
    %add3A_1740 = arith.constant 0 : i32
    %add3A_1741 = vector.broadcast %add3A_1740 : i32 to vector<16xi32>
    %add3A_1742 = arith.addi %mul3A_1730, %add3A_1741 : vector<16xi32>
    %gather3A_1743 = tpu.vector_load_idx %arg15[%add3A_1742] : memref<8704xf32, #tpu.memory_space<vmem>>[vector<16xi32>], vector<16xf32>,
    %add3A_1744 = arith.addf %add3A_1739, %gather3A_1743 : vector<16xf32>
    %add3A_1745 = arith.constant 1 : i32
    %add3A_1746 = vector.broadcast %add3A_1745 : i32 to vector<16xi32>
    %add3A_1747 = arith.addi %mul3A_1730, %add3A_1746 : vector<16xi32>
    %gather3A_1748 = tpu.vector_load_idx %arg15[%add3A_1747] : memref<8704xf32, #tpu.memory_space<vmem>>[vector<16xi32>], vector<16xf32>,
    %add3A_1749 = arith.addf %add3A_1744, %gather3A_1748 : vector<16xf32>
    %add3A_1750 = arith.constant 2 : i32
    %add3A_1751 = vector.broadcast %add3A_1750 : i32 to vector<16xi32>
    %add3A_1752 = arith.addi %mul3A_1730, %add3A_1751 : vector<16xi32>
    %gather3A_1753 = tpu.vector_load_idx %arg15[%add3A_1752] : memref<8704xf32, #tpu.memory_space<vmem>>[vector<16xi32>], vector<16xf32>,
    %add3A_1754 = arith.addf %add3A_1749, %gather3A_1753 : vector<16xf32>
    %add3A_1755 = arith.constant 3 : i32
    %add3A_1756 = vector.broadcast %add3A_1755 : i32 to vector<16xi32>
    %add3A_1757 = arith.addi %mul3A_1730, %add3A_1756 : vector<16xi32>
    %gather3A_1758 = tpu.vector_load_idx %arg15[%add3A_1757] : memref<8704xf32, #tpu.memory_space<vmem>>[vector<16xi32>], vector<16xf32>,
    %add3A_1759 = arith.addf %add3A_1754, %gather3A_1758 : vector<16xf32>
    %add3A_1760 = arith.constant 4 : i32
    %add3A_1761 = vector.broadcast %add3A_1760 : i32 to vector<16xi32>
    %add3A_1762 = arith.addi %mul3A_1730, %add3A_1761 : vector<16xi32>
    %gather3A_1763 = tpu.vector_load_idx %arg15[%add3A_1762] : memref<8704xf32, #tpu.memory_space<vmem>>[vector<16xi32>], vector<16xf32>,
    %add3A_1764 = arith.addf %add3A_1759, %gather3A_1763 : vector<16xf32>
    %add3A_1765 = arith.constant 5 : i32
    %add3A_1766 = vector.broadcast %add3A_1765 : i32 to vector<16xi32>
    %add3A_1767 = arith.addi %mul3A_1730, %add3A_1766 : vector<16xi32>
    %gather3A_1768 = tpu.vector_load_idx %arg15[%add3A_1767] : memref<8704xf32, #tpu.memory_space<vmem>>[vector<16xi32>], vector<16xf32>,
    %add3A_1769 = arith.addf %add3A_1764, %gather3A_1768 : vector<16xf32>
    %add3A_1770 = arith.constant 6 : i32
    %add3A_1771 = vector.broadcast %add3A_1770 : i32 to vector<16xi32>
    %add3A_1772 = arith.addi %mul3A_1730, %add3A_1771 : vector<16xi32>
    %gather3A_1773 = tpu.vector_load_idx %arg15[%add3A_1772] : memref<8704xf32, #tpu.memory_space<vmem>>[vector<16xi32>], vector<16xf32>,
    %add3A_1774 = arith.addf %add3A_1769, %gather3A_1773 : vector<16xf32>
    %add3A_1775 = arith.constant 7 : i32
    %add3A_1776 = vector.broadcast %add3A_1775 : i32 to vector<16xi32>
    %add3A_1777 = arith.addi %mul3A_1730, %add3A_1776 : vector<16xi32>
    %gather3A_1778 = tpu.vector_load_idx %arg15[%add3A_1777] : memref<8704xf32, #tpu.memory_space<vmem>>[vector<16xi32>], vector<16xf32>,
    %add3A_1779 = arith.addf %add3A_1774, %gather3A_1778 : vector<16xf32>
    %add3A_1780 = arith.constant 8 : i32
    %add3A_1781 = vector.broadcast %add3A_1780 : i32 to vector<16xi32>
    %add3A_1782 = arith.addi %mul3A_1730, %add3A_1781 : vector<16xi32>
    %gather3A_1783 = tpu.vector_load_idx %arg15[%add3A_1782] : memref<8704xf32, #tpu.memory_space<vmem>>[vector<16xi32>], vector<16xf32>,
    %add3A_1784 = arith.addf %add3A_1779, %gather3A_1783 : vector<16xf32>
    %add3A_1785 = arith.constant 9 : i32
    %add3A_1786 = vector.broadcast %add3A_1785 : i32 to vector<16xi32>
    %add3A_1787 = arith.addi %mul3A_1730, %add3A_1786 : vector<16xi32>
    %gather3A_1788 = tpu.vector_load_idx %arg15[%add3A_1787] : memref<8704xf32, #tpu.memory_space<vmem>>[vector<16xi32>], vector<16xf32>,
    %add3A_1789 = arith.addf %add3A_1784, %gather3A_1788 : vector<16xf32>
    %add3A_1790 = arith.constant 10 : i32
    %add3A_1791 = vector.broadcast %add3A_1790 : i32 to vector<16xi32>
    %add3A_1792 = arith.addi %mul3A_1730, %add3A_1791 : vector<16xi32>
    %gather3A_1793 = tpu.vector_load_idx %arg15[%add3A_1792] : memref<8704xf32, #tpu.memory_space<vmem>>[vector<16xi32>], vector<16xf32>,
    %add3A_1794 = arith.addf %add3A_1789, %gather3A_1793 : vector<16xf32>
    %add3A_1795 = arith.constant 11 : i32
    %add3A_1796 = vector.broadcast %add3A_1795 : i32 to vector<16xi32>
    %add3A_1797 = arith.addi %mul3A_1730, %add3A_1796 : vector<16xi32>
    %gather3A_1798 = tpu.vector_load_idx %arg15[%add3A_1797] : memref<8704xf32, #tpu.memory_space<vmem>>[vector<16xi32>], vector<16xf32>,
    %add3A_1799 = arith.addf %add3A_1794, %gather3A_1798 : vector<16xf32>
    %add3A_1800 = arith.constant 12 : i32
    %add3A_1801 = vector.broadcast %add3A_1800 : i32 to vector<16xi32>
    %add3A_1802 = arith.addi %mul3A_1730, %add3A_1801 : vector<16xi32>
    %gather3A_1803 = tpu.vector_load_idx %arg15[%add3A_1802] : memref<8704xf32, #tpu.memory_space<vmem>>[vector<16xi32>], vector<16xf32>,
    %add3A_1804 = arith.addf %add3A_1799, %gather3A_1803 : vector<16xf32>
    %add3A_1805 = arith.constant 13 : i32
    %add3A_1806 = vector.broadcast %add3A_1805 : i32 to vector<16xi32>
    %add3A_1807 = arith.addi %mul3A_1730, %add3A_1806 : vector<16xi32>
    %gather3A_1808 = tpu.vector_load_idx %arg15[%add3A_1807] : memref<8704xf32, #tpu.memory_space<vmem>>[vector<16xi32>], vector<16xf32>,
    %add3A_1809 = arith.addf %add3A_1804, %gather3A_1808 : vector<16xf32>
    %add3A_1810 = arith.constant 14 : i32
    %add3A_1811 = vector.broadcast %add3A_1810 : i32 to vector<16xi32>
    %add3A_1812 = arith.addi %mul3A_1730, %add3A_1811 : vector<16xi32>
    %gather3A_1813 = tpu.vector_load_idx %arg15[%add3A_1812] : memref<8704xf32, #tpu.memory_space<vmem>>[vector<16xi32>], vector<16xf32>,
    %add3A_1814 = arith.addf %add3A_1809, %gather3A_1813 : vector<16xf32>
    %add3A_1815 = arith.constant 15 : i32
    %add3A_1816 = vector.broadcast %add3A_1815 : i32 to vector<16xi32>
    %add3A_1817 = arith.addi %mul3A_1730, %add3A_1816 : vector<16xi32>
    %gather3A_1818 = tpu.vector_load_idx %arg15[%add3A_1817] : memref<8704xf32, #tpu.memory_space<vmem>>[vector<16xi32>], vector<16xf32>,
    %add3A_1819 = arith.addf %add3A_1814, %gather3A_1818 : vector<16xf32>
    %swap3A_1820 = arith.constant 224 : index
    %swap3A_1821 = tpu.vector_load %arg16[%swap3A_1820] {strides = array<i32>} : memref<512xf32, #tpu.memory_space<vmem>>, vector<16xf32>,
    tpu.vector_store %arg16[%swap3A_1820], %add3A_1819 {strides = array<i32>} : memref<512xf32, #tpu.memory_space<vmem>>, vector<16xf32>,
    %add3A_1822 = arith.constant 240 : i32
    %add3A_1823 = vector.broadcast %add3A_1822 : i32 to vector<16xi32>
    %add3A_1824 = arith.addi %add3A_1823, %iota3A : vector<16xi32>
    %mul3A_1825 = arith.constant 17 : i32
    %mul3A_1826 = vector.broadcast %mul3A_1825 : i32 to vector<16xi32>
    %mul3A_1827 = arith.muli %add3A_1824, %mul3A_1826 : vector<16xi32>
    %get3A_1828 = arith.constant 1 : i32
    %get3A_1829 = arith.index_cast %get3A_1828 : i32 to index
    %get3A_1830 = arith.constant 112 : index
    %get3A_1831 = tpu.vector_load %arg13[%get3A_1829, %get3A_1830] {strides = array<i32>} : memref<4x128xf32, #tpu.memory_space<vmem>>, vector<16xf32>,
    %get3A_1832 = arith.constant 1 : i32
    %get3A_1833 = arith.index_cast %get3A_1832 : i32 to index
    %get3A_1834 = arith.constant 112 : index
    %get3A_1835 = tpu.vector_load %arg14[%get3A_1833, %get3A_1834] {strides = array<i32>} : memref<4x128xf32, #tpu.memory_space<vmem>>, vector<16xf32>,
    %add3A_1836 = arith.addf %get3A_1831, %get3A_1835 : vector<16xf32>
    %add3A_1837 = arith.constant 0 : i32
    %add3A_1838 = vector.broadcast %add3A_1837 : i32 to vector<16xi32>
    %add3A_1839 = arith.addi %mul3A_1827, %add3A_1838 : vector<16xi32>
    %gather3A_1840 = tpu.vector_load_idx %arg15[%add3A_1839] : memref<8704xf32, #tpu.memory_space<vmem>>[vector<16xi32>], vector<16xf32>,
    %add3A_1841 = arith.addf %add3A_1836, %gather3A_1840 : vector<16xf32>
    %add3A_1842 = arith.constant 1 : i32
    %add3A_1843 = vector.broadcast %add3A_1842 : i32 to vector<16xi32>
    %add3A_1844 = arith.addi %mul3A_1827, %add3A_1843 : vector<16xi32>
    %gather3A_1845 = tpu.vector_load_idx %arg15[%add3A_1844] : memref<8704xf32, #tpu.memory_space<vmem>>[vector<16xi32>], vector<16xf32>,
    %add3A_1846 = arith.addf %add3A_1841, %gather3A_1845 : vector<16xf32>
    %add3A_1847 = arith.constant 2 : i32
    %add3A_1848 = vector.broadcast %add3A_1847 : i32 to vector<16xi32>
    %add3A_1849 = arith.addi %mul3A_1827, %add3A_1848 : vector<16xi32>
    %gather3A_1850 = tpu.vector_load_idx %arg15[%add3A_1849] : memref<8704xf32, #tpu.memory_space<vmem>>[vector<16xi32>], vector<16xf32>,
    %add3A_1851 = arith.addf %add3A_1846, %gather3A_1850 : vector<16xf32>
    %add3A_1852 = arith.constant 3 : i32
    %add3A_1853 = vector.broadcast %add3A_1852 : i32 to vector<16xi32>
    %add3A_1854 = arith.addi %mul3A_1827, %add3A_1853 : vector<16xi32>
    %gather3A_1855 = tpu.vector_load_idx %arg15[%add3A_1854] : memref<8704xf32, #tpu.memory_space<vmem>>[vector<16xi32>], vector<16xf32>,
    %add3A_1856 = arith.addf %add3A_1851, %gather3A_1855 : vector<16xf32>
    %add3A_1857 = arith.constant 4 : i32
    %add3A_1858 = vector.broadcast %add3A_1857 : i32 to vector<16xi32>
    %add3A_1859 = arith.addi %mul3A_1827, %add3A_1858 : vector<16xi32>
    %gather3A_1860 = tpu.vector_load_idx %arg15[%add3A_1859] : memref<8704xf32, #tpu.memory_space<vmem>>[vector<16xi32>], vector<16xf32>,
    %add3A_1861 = arith.addf %add3A_1856, %gather3A_1860 : vector<16xf32>
    %add3A_1862 = arith.constant 5 : i32
    %add3A_1863 = vector.broadcast %add3A_1862 : i32 to vector<16xi32>
    %add3A_1864 = arith.addi %mul3A_1827, %add3A_1863 : vector<16xi32>
    %gather3A_1865 = tpu.vector_load_idx %arg15[%add3A_1864] : memref<8704xf32, #tpu.memory_space<vmem>>[vector<16xi32>], vector<16xf32>,
    %add3A_1866 = arith.addf %add3A_1861, %gather3A_1865 : vector<16xf32>
    %add3A_1867 = arith.constant 6 : i32
    %add3A_1868 = vector.broadcast %add3A_1867 : i32 to vector<16xi32>
    %add3A_1869 = arith.addi %mul3A_1827, %add3A_1868 : vector<16xi32>
    %gather3A_1870 = tpu.vector_load_idx %arg15[%add3A_1869] : memref<8704xf32, #tpu.memory_space<vmem>>[vector<16xi32>], vector<16xf32>,
    %add3A_1871 = arith.addf %add3A_1866, %gather3A_1870 : vector<16xf32>
    %add3A_1872 = arith.constant 7 : i32
    %add3A_1873 = vector.broadcast %add3A_1872 : i32 to vector<16xi32>
    %add3A_1874 = arith.addi %mul3A_1827, %add3A_1873 : vector<16xi32>
    %gather3A_1875 = tpu.vector_load_idx %arg15[%add3A_1874] : memref<8704xf32, #tpu.memory_space<vmem>>[vector<16xi32>], vector<16xf32>,
    %add3A_1876 = arith.addf %add3A_1871, %gather3A_1875 : vector<16xf32>
    %add3A_1877 = arith.constant 8 : i32
    %add3A_1878 = vector.broadcast %add3A_1877 : i32 to vector<16xi32>
    %add3A_1879 = arith.addi %mul3A_1827, %add3A_1878 : vector<16xi32>
    %gather3A_1880 = tpu.vector_load_idx %arg15[%add3A_1879] : memref<8704xf32, #tpu.memory_space<vmem>>[vector<16xi32>], vector<16xf32>,
    %add3A_1881 = arith.addf %add3A_1876, %gather3A_1880 : vector<16xf32>
    %add3A_1882 = arith.constant 9 : i32
    %add3A_1883 = vector.broadcast %add3A_1882 : i32 to vector<16xi32>
    %add3A_1884 = arith.addi %mul3A_1827, %add3A_1883 : vector<16xi32>
    %gather3A_1885 = tpu.vector_load_idx %arg15[%add3A_1884] : memref<8704xf32, #tpu.memory_space<vmem>>[vector<16xi32>], vector<16xf32>,
    %add3A_1886 = arith.addf %add3A_1881, %gather3A_1885 : vector<16xf32>
    %add3A_1887 = arith.constant 10 : i32
    %add3A_1888 = vector.broadcast %add3A_1887 : i32 to vector<16xi32>
    %add3A_1889 = arith.addi %mul3A_1827, %add3A_1888 : vector<16xi32>
    %gather3A_1890 = tpu.vector_load_idx %arg15[%add3A_1889] : memref<8704xf32, #tpu.memory_space<vmem>>[vector<16xi32>], vector<16xf32>,
    %add3A_1891 = arith.addf %add3A_1886, %gather3A_1890 : vector<16xf32>
    %add3A_1892 = arith.constant 11 : i32
    %add3A_1893 = vector.broadcast %add3A_1892 : i32 to vector<16xi32>
    %add3A_1894 = arith.addi %mul3A_1827, %add3A_1893 : vector<16xi32>
    %gather3A_1895 = tpu.vector_load_idx %arg15[%add3A_1894] : memref<8704xf32, #tpu.memory_space<vmem>>[vector<16xi32>], vector<16xf32>,
    %add3A_1896 = arith.addf %add3A_1891, %gather3A_1895 : vector<16xf32>
    %add3A_1897 = arith.constant 12 : i32
    %add3A_1898 = vector.broadcast %add3A_1897 : i32 to vector<16xi32>
    %add3A_1899 = arith.addi %mul3A_1827, %add3A_1898 : vector<16xi32>
    %gather3A_1900 = tpu.vector_load_idx %arg15[%add3A_1899] : memref<8704xf32, #tpu.memory_space<vmem>>[vector<16xi32>], vector<16xf32>,
    %add3A_1901 = arith.addf %add3A_1896, %gather3A_1900 : vector<16xf32>
    %add3A_1902 = arith.constant 13 : i32
    %add3A_1903 = vector.broadcast %add3A_1902 : i32 to vector<16xi32>
    %add3A_1904 = arith.addi %mul3A_1827, %add3A_1903 : vector<16xi32>
    %gather3A_1905 = tpu.vector_load_idx %arg15[%add3A_1904] : memref<8704xf32, #tpu.memory_space<vmem>>[vector<16xi32>], vector<16xf32>,
    %add3A_1906 = arith.addf %add3A_1901, %gather3A_1905 : vector<16xf32>
    %add3A_1907 = arith.constant 14 : i32
    %add3A_1908 = vector.broadcast %add3A_1907 : i32 to vector<16xi32>
    %add3A_1909 = arith.addi %mul3A_1827, %add3A_1908 : vector<16xi32>
    %gather3A_1910 = tpu.vector_load_idx %arg15[%add3A_1909] : memref<8704xf32, #tpu.memory_space<vmem>>[vector<16xi32>], vector<16xf32>,
    %add3A_1911 = arith.addf %add3A_1906, %gather3A_1910 : vector<16xf32>
    %add3A_1912 = arith.constant 15 : i32
    %add3A_1913 = vector.broadcast %add3A_1912 : i32 to vector<16xi32>
    %add3A_1914 = arith.addi %mul3A_1827, %add3A_1913 : vector<16xi32>
    %gather3A_1915 = tpu.vector_load_idx %arg15[%add3A_1914] : memref<8704xf32, #tpu.memory_space<vmem>>[vector<16xi32>], vector<16xf32>,
    %add3A_1916 = arith.addf %add3A_1911, %gather3A_1915 : vector<16xf32>
    %swap3A_1917 = arith.constant 240 : index
    %swap3A_1918 = tpu.vector_load %arg16[%swap3A_1917] {strides = array<i32>} : memref<512xf32, #tpu.memory_space<vmem>>, vector<16xf32>,
    tpu.vector_store %arg16[%swap3A_1917], %add3A_1916 {strides = array<i32>} : memref<512xf32, #tpu.memory_space<vmem>>, vector<16xf32>,
    %add3A_1919 = arith.constant 256 : i32
    %add3A_1920 = vector.broadcast %add3A_1919 : i32 to vector<16xi32>
    %add3A_1921 = arith.addi %add3A_1920, %iota3A : vector<16xi32>
    %mul3A_1922 = arith.constant 17 : i32
    %mul3A_1923 = vector.broadcast %mul3A_1922 : i32 to vector<16xi32>
    %mul3A_1924 = arith.muli %add3A_1921, %mul3A_1923 : vector<16xi32>
    %get3A_1925 = arith.constant 2 : i32
    %get3A_1926 = arith.index_cast %get3A_1925 : i32 to index
    %get3A_1927 = arith.constant 0 : index
    %get3A_1928 = tpu.vector_load %arg13[%get3A_1926, %get3A_1927] {strides = array<i32>} : memref<4x128xf32, #tpu.memory_space<vmem>>, vector<16xf32>,
    %get3A_1929 = arith.constant 2 : i32
    %get3A_1930 = arith.index_cast %get3A_1929 : i32 to index
    %get3A_1931 = arith.constant 0 : index
    %get3A_1932 = tpu.vector_load %arg14[%get3A_1930, %get3A_1931] {strides = array<i32>} : memref<4x128xf32, #tpu.memory_space<vmem>>, vector<16xf32>,
    %add3A_1933 = arith.addf %get3A_1928, %get3A_1932 : vector<16xf32>
    %add3A_1934 = arith.constant 0 : i32
    %add3A_1935 = vector.broadcast %add3A_1934 : i32 to vector<16xi32>
    %add3A_1936 = arith.addi %mul3A_1924, %add3A_1935 : vector<16xi32>
    %gather3A_1937 = tpu.vector_load_idx %arg15[%add3A_1936] : memref<8704xf32, #tpu.memory_space<vmem>>[vector<16xi32>], vector<16xf32>,
    %add3A_1938 = arith.addf %add3A_1933, %gather3A_1937 : vector<16xf32>
    %add3A_1939 = arith.constant 1 : i32
    %add3A_1940 = vector.broadcast %add3A_1939 : i32 to vector<16xi32>
    %add3A_1941 = arith.addi %mul3A_1924, %add3A_1940 : vector<16xi32>
    %gather3A_1942 = tpu.vector_load_idx %arg15[%add3A_1941] : memref<8704xf32, #tpu.memory_space<vmem>>[vector<16xi32>], vector<16xf32>,
    %add3A_1943 = arith.addf %add3A_1938, %gather3A_1942 : vector<16xf32>
    %add3A_1944 = arith.constant 2 : i32
    %add3A_1945 = vector.broadcast %add3A_1944 : i32 to vector<16xi32>
    %add3A_1946 = arith.addi %mul3A_1924, %add3A_1945 : vector<16xi32>
    %gather3A_1947 = tpu.vector_load_idx %arg15[%add3A_1946] : memref<8704xf32, #tpu.memory_space<vmem>>[vector<16xi32>], vector<16xf32>,
    %add3A_1948 = arith.addf %add3A_1943, %gather3A_1947 : vector<16xf32>
    %add3A_1949 = arith.constant 3 : i32
    %add3A_1950 = vector.broadcast %add3A_1949 : i32 to vector<16xi32>
    %add3A_1951 = arith.addi %mul3A_1924, %add3A_1950 : vector<16xi32>
    %gather3A_1952 = tpu.vector_load_idx %arg15[%add3A_1951] : memref<8704xf32, #tpu.memory_space<vmem>>[vector<16xi32>], vector<16xf32>,
    %add3A_1953 = arith.addf %add3A_1948, %gather3A_1952 : vector<16xf32>
    %add3A_1954 = arith.constant 4 : i32
    %add3A_1955 = vector.broadcast %add3A_1954 : i32 to vector<16xi32>
    %add3A_1956 = arith.addi %mul3A_1924, %add3A_1955 : vector<16xi32>
    %gather3A_1957 = tpu.vector_load_idx %arg15[%add3A_1956] : memref<8704xf32, #tpu.memory_space<vmem>>[vector<16xi32>], vector<16xf32>,
    %add3A_1958 = arith.addf %add3A_1953, %gather3A_1957 : vector<16xf32>
    %add3A_1959 = arith.constant 5 : i32
    %add3A_1960 = vector.broadcast %add3A_1959 : i32 to vector<16xi32>
    %add3A_1961 = arith.addi %mul3A_1924, %add3A_1960 : vector<16xi32>
    %gather3A_1962 = tpu.vector_load_idx %arg15[%add3A_1961] : memref<8704xf32, #tpu.memory_space<vmem>>[vector<16xi32>], vector<16xf32>,
    %add3A_1963 = arith.addf %add3A_1958, %gather3A_1962 : vector<16xf32>
    %add3A_1964 = arith.constant 6 : i32
    %add3A_1965 = vector.broadcast %add3A_1964 : i32 to vector<16xi32>
    %add3A_1966 = arith.addi %mul3A_1924, %add3A_1965 : vector<16xi32>
    %gather3A_1967 = tpu.vector_load_idx %arg15[%add3A_1966] : memref<8704xf32, #tpu.memory_space<vmem>>[vector<16xi32>], vector<16xf32>,
    %add3A_1968 = arith.addf %add3A_1963, %gather3A_1967 : vector<16xf32>
    %add3A_1969 = arith.constant 7 : i32
    %add3A_1970 = vector.broadcast %add3A_1969 : i32 to vector<16xi32>
    %add3A_1971 = arith.addi %mul3A_1924, %add3A_1970 : vector<16xi32>
    %gather3A_1972 = tpu.vector_load_idx %arg15[%add3A_1971] : memref<8704xf32, #tpu.memory_space<vmem>>[vector<16xi32>], vector<16xf32>,
    %add3A_1973 = arith.addf %add3A_1968, %gather3A_1972 : vector<16xf32>
    %add3A_1974 = arith.constant 8 : i32
    %add3A_1975 = vector.broadcast %add3A_1974 : i32 to vector<16xi32>
    %add3A_1976 = arith.addi %mul3A_1924, %add3A_1975 : vector<16xi32>
    %gather3A_1977 = tpu.vector_load_idx %arg15[%add3A_1976] : memref<8704xf32, #tpu.memory_space<vmem>>[vector<16xi32>], vector<16xf32>,
    %add3A_1978 = arith.addf %add3A_1973, %gather3A_1977 : vector<16xf32>
    %add3A_1979 = arith.constant 9 : i32
    %add3A_1980 = vector.broadcast %add3A_1979 : i32 to vector<16xi32>
    %add3A_1981 = arith.addi %mul3A_1924, %add3A_1980 : vector<16xi32>
    %gather3A_1982 = tpu.vector_load_idx %arg15[%add3A_1981] : memref<8704xf32, #tpu.memory_space<vmem>>[vector<16xi32>], vector<16xf32>,
    %add3A_1983 = arith.addf %add3A_1978, %gather3A_1982 : vector<16xf32>
    %add3A_1984 = arith.constant 10 : i32
    %add3A_1985 = vector.broadcast %add3A_1984 : i32 to vector<16xi32>
    %add3A_1986 = arith.addi %mul3A_1924, %add3A_1985 : vector<16xi32>
    %gather3A_1987 = tpu.vector_load_idx %arg15[%add3A_1986] : memref<8704xf32, #tpu.memory_space<vmem>>[vector<16xi32>], vector<16xf32>,
    %add3A_1988 = arith.addf %add3A_1983, %gather3A_1987 : vector<16xf32>
    %add3A_1989 = arith.constant 11 : i32
    %add3A_1990 = vector.broadcast %add3A_1989 : i32 to vector<16xi32>
    %add3A_1991 = arith.addi %mul3A_1924, %add3A_1990 : vector<16xi32>
    %gather3A_1992 = tpu.vector_load_idx %arg15[%add3A_1991] : memref<8704xf32, #tpu.memory_space<vmem>>[vector<16xi32>], vector<16xf32>,
    %add3A_1993 = arith.addf %add3A_1988, %gather3A_1992 : vector<16xf32>
    %add3A_1994 = arith.constant 12 : i32
    %add3A_1995 = vector.broadcast %add3A_1994 : i32 to vector<16xi32>
    %add3A_1996 = arith.addi %mul3A_1924, %add3A_1995 : vector<16xi32>
    %gather3A_1997 = tpu.vector_load_idx %arg15[%add3A_1996] : memref<8704xf32, #tpu.memory_space<vmem>>[vector<16xi32>], vector<16xf32>,
    %add3A_1998 = arith.addf %add3A_1993, %gather3A_1997 : vector<16xf32>
    %add3A_1999 = arith.constant 13 : i32
    %add3A_2000 = vector.broadcast %add3A_1999 : i32 to vector<16xi32>
    %add3A_2001 = arith.addi %mul3A_1924, %add3A_2000 : vector<16xi32>
    %gather3A_2002 = tpu.vector_load_idx %arg15[%add3A_2001] : memref<8704xf32, #tpu.memory_space<vmem>>[vector<16xi32>], vector<16xf32>,
    %add3A_2003 = arith.addf %add3A_1998, %gather3A_2002 : vector<16xf32>
    %add3A_2004 = arith.constant 14 : i32
    %add3A_2005 = vector.broadcast %add3A_2004 : i32 to vector<16xi32>
    %add3A_2006 = arith.addi %mul3A_1924, %add3A_2005 : vector<16xi32>
    %gather3A_2007 = tpu.vector_load_idx %arg15[%add3A_2006] : memref<8704xf32, #tpu.memory_space<vmem>>[vector<16xi32>], vector<16xf32>,
    %add3A_2008 = arith.addf %add3A_2003, %gather3A_2007 : vector<16xf32>
    %add3A_2009 = arith.constant 15 : i32
    %add3A_2010 = vector.broadcast %add3A_2009 : i32 to vector<16xi32>
    %add3A_2011 = arith.addi %mul3A_1924, %add3A_2010 : vector<16xi32>
    %gather3A_2012 = tpu.vector_load_idx %arg15[%add3A_2011] : memref<8704xf32, #tpu.memory_space<vmem>>[vector<16xi32>], vector<16xf32>,
    %add3A_2013 = arith.addf %add3A_2008, %gather3A_2012 : vector<16xf32>
    %swap3A_2014 = arith.constant 256 : index
    %swap3A_2015 = tpu.vector_load %arg16[%swap3A_2014] {strides = array<i32>} : memref<512xf32, #tpu.memory_space<vmem>>, vector<16xf32>,
    tpu.vector_store %arg16[%swap3A_2014], %add3A_2013 {strides = array<i32>} : memref<512xf32, #tpu.memory_space<vmem>>, vector<16xf32>,
    %add3A_2016 = arith.constant 272 : i32
    %add3A_2017 = vector.broadcast %add3A_2016 : i32 to vector<16xi32>
    %add3A_2018 = arith.addi %add3A_2017, %iota3A : vector<16xi32>
    %mul3A_2019 = arith.constant 17 : i32
    %mul3A_2020 = vector.broadcast %mul3A_2019 : i32 to vector<16xi32>
    %mul3A_2021 = arith.muli %add3A_2018, %mul3A_2020 : vector<16xi32>
    %get3A_2022 = arith.constant 2 : i32
    %get3A_2023 = arith.index_cast %get3A_2022 : i32 to index
    %get3A_2024 = arith.constant 16 : index
    %get3A_2025 = tpu.vector_load %arg13[%get3A_2023, %get3A_2024] {strides = array<i32>} : memref<4x128xf32, #tpu.memory_space<vmem>>, vector<16xf32>,
    %get3A_2026 = arith.constant 2 : i32
    %get3A_2027 = arith.index_cast %get3A_2026 : i32 to index
    %get3A_2028 = arith.constant 16 : index
    %get3A_2029 = tpu.vector_load %arg14[%get3A_2027, %get3A_2028] {strides = array<i32>} : memref<4x128xf32, #tpu.memory_space<vmem>>, vector<16xf32>,
    %add3A_2030 = arith.addf %get3A_2025, %get3A_2029 : vector<16xf32>
    %add3A_2031 = arith.constant 0 : i32
    %add3A_2032 = vector.broadcast %add3A_2031 : i32 to vector<16xi32>
    %add3A_2033 = arith.addi %mul3A_2021, %add3A_2032 : vector<16xi32>
    %gather3A_2034 = tpu.vector_load_idx %arg15[%add3A_2033] : memref<8704xf32, #tpu.memory_space<vmem>>[vector<16xi32>], vector<16xf32>,
    %add3A_2035 = arith.addf %add3A_2030, %gather3A_2034 : vector<16xf32>
    %add3A_2036 = arith.constant 1 : i32
    %add3A_2037 = vector.broadcast %add3A_2036 : i32 to vector<16xi32>
    %add3A_2038 = arith.addi %mul3A_2021, %add3A_2037 : vector<16xi32>
    %gather3A_2039 = tpu.vector_load_idx %arg15[%add3A_2038] : memref<8704xf32, #tpu.memory_space<vmem>>[vector<16xi32>], vector<16xf32>,
    %add3A_2040 = arith.addf %add3A_2035, %gather3A_2039 : vector<16xf32>
    %add3A_2041 = arith.constant 2 : i32
    %add3A_2042 = vector.broadcast %add3A_2041 : i32 to vector<16xi32>
    %add3A_2043 = arith.addi %mul3A_2021, %add3A_2042 : vector<16xi32>
    %gather3A_2044 = tpu.vector_load_idx %arg15[%add3A_2043] : memref<8704xf32, #tpu.memory_space<vmem>>[vector<16xi32>], vector<16xf32>,
    %add3A_2045 = arith.addf %add3A_2040, %gather3A_2044 : vector<16xf32>
    %add3A_2046 = arith.constant 3 : i32
    %add3A_2047 = vector.broadcast %add3A_2046 : i32 to vector<16xi32>
    %add3A_2048 = arith.addi %mul3A_2021, %add3A_2047 : vector<16xi32>
    %gather3A_2049 = tpu.vector_load_idx %arg15[%add3A_2048] : memref<8704xf32, #tpu.memory_space<vmem>>[vector<16xi32>], vector<16xf32>,
    %add3A_2050 = arith.addf %add3A_2045, %gather3A_2049 : vector<16xf32>
    %add3A_2051 = arith.constant 4 : i32
    %add3A_2052 = vector.broadcast %add3A_2051 : i32 to vector<16xi32>
    %add3A_2053 = arith.addi %mul3A_2021, %add3A_2052 : vector<16xi32>
    %gather3A_2054 = tpu.vector_load_idx %arg15[%add3A_2053] : memref<8704xf32, #tpu.memory_space<vmem>>[vector<16xi32>], vector<16xf32>,
    %add3A_2055 = arith.addf %add3A_2050, %gather3A_2054 : vector<16xf32>
    %add3A_2056 = arith.constant 5 : i32
    %add3A_2057 = vector.broadcast %add3A_2056 : i32 to vector<16xi32>
    %add3A_2058 = arith.addi %mul3A_2021, %add3A_2057 : vector<16xi32>
    %gather3A_2059 = tpu.vector_load_idx %arg15[%add3A_2058] : memref<8704xf32, #tpu.memory_space<vmem>>[vector<16xi32>], vector<16xf32>,
    %add3A_2060 = arith.addf %add3A_2055, %gather3A_2059 : vector<16xf32>
    %add3A_2061 = arith.constant 6 : i32
    %add3A_2062 = vector.broadcast %add3A_2061 : i32 to vector<16xi32>
    %add3A_2063 = arith.addi %mul3A_2021, %add3A_2062 : vector<16xi32>
    %gather3A_2064 = tpu.vector_load_idx %arg15[%add3A_2063] : memref<8704xf32, #tpu.memory_space<vmem>>[vector<16xi32>], vector<16xf32>,
    %add3A_2065 = arith.addf %add3A_2060, %gather3A_2064 : vector<16xf32>
    %add3A_2066 = arith.constant 7 : i32
    %add3A_2067 = vector.broadcast %add3A_2066 : i32 to vector<16xi32>
    %add3A_2068 = arith.addi %mul3A_2021, %add3A_2067 : vector<16xi32>
    %gather3A_2069 = tpu.vector_load_idx %arg15[%add3A_2068] : memref<8704xf32, #tpu.memory_space<vmem>>[vector<16xi32>], vector<16xf32>,
    %add3A_2070 = arith.addf %add3A_2065, %gather3A_2069 : vector<16xf32>
    %add3A_2071 = arith.constant 8 : i32
    %add3A_2072 = vector.broadcast %add3A_2071 : i32 to vector<16xi32>
    %add3A_2073 = arith.addi %mul3A_2021, %add3A_2072 : vector<16xi32>
    %gather3A_2074 = tpu.vector_load_idx %arg15[%add3A_2073] : memref<8704xf32, #tpu.memory_space<vmem>>[vector<16xi32>], vector<16xf32>,
    %add3A_2075 = arith.addf %add3A_2070, %gather3A_2074 : vector<16xf32>
    %add3A_2076 = arith.constant 9 : i32
    %add3A_2077 = vector.broadcast %add3A_2076 : i32 to vector<16xi32>
    %add3A_2078 = arith.addi %mul3A_2021, %add3A_2077 : vector<16xi32>
    %gather3A_2079 = tpu.vector_load_idx %arg15[%add3A_2078] : memref<8704xf32, #tpu.memory_space<vmem>>[vector<16xi32>], vector<16xf32>,
    %add3A_2080 = arith.addf %add3A_2075, %gather3A_2079 : vector<16xf32>
    %add3A_2081 = arith.constant 10 : i32
    %add3A_2082 = vector.broadcast %add3A_2081 : i32 to vector<16xi32>
    %add3A_2083 = arith.addi %mul3A_2021, %add3A_2082 : vector<16xi32>
    %gather3A_2084 = tpu.vector_load_idx %arg15[%add3A_2083] : memref<8704xf32, #tpu.memory_space<vmem>>[vector<16xi32>], vector<16xf32>,
    %add3A_2085 = arith.addf %add3A_2080, %gather3A_2084 : vector<16xf32>
    %add3A_2086 = arith.constant 11 : i32
    %add3A_2087 = vector.broadcast %add3A_2086 : i32 to vector<16xi32>
    %add3A_2088 = arith.addi %mul3A_2021, %add3A_2087 : vector<16xi32>
    %gather3A_2089 = tpu.vector_load_idx %arg15[%add3A_2088] : memref<8704xf32, #tpu.memory_space<vmem>>[vector<16xi32>], vector<16xf32>,
    %add3A_2090 = arith.addf %add3A_2085, %gather3A_2089 : vector<16xf32>
    %add3A_2091 = arith.constant 12 : i32
    %add3A_2092 = vector.broadcast %add3A_2091 : i32 to vector<16xi32>
    %add3A_2093 = arith.addi %mul3A_2021, %add3A_2092 : vector<16xi32>
    %gather3A_2094 = tpu.vector_load_idx %arg15[%add3A_2093] : memref<8704xf32, #tpu.memory_space<vmem>>[vector<16xi32>], vector<16xf32>,
    %add3A_2095 = arith.addf %add3A_2090, %gather3A_2094 : vector<16xf32>
    %add3A_2096 = arith.constant 13 : i32
    %add3A_2097 = vector.broadcast %add3A_2096 : i32 to vector<16xi32>
    %add3A_2098 = arith.addi %mul3A_2021, %add3A_2097 : vector<16xi32>
    %gather3A_2099 = tpu.vector_load_idx %arg15[%add3A_2098] : memref<8704xf32, #tpu.memory_space<vmem>>[vector<16xi32>], vector<16xf32>,
    %add3A_2100 = arith.addf %add3A_2095, %gather3A_2099 : vector<16xf32>
    %add3A_2101 = arith.constant 14 : i32
    %add3A_2102 = vector.broadcast %add3A_2101 : i32 to vector<16xi32>
    %add3A_2103 = arith.addi %mul3A_2021, %add3A_2102 : vector<16xi32>
    %gather3A_2104 = tpu.vector_load_idx %arg15[%add3A_2103] : memref<8704xf32, #tpu.memory_space<vmem>>[vector<16xi32>], vector<16xf32>,
    %add3A_2105 = arith.addf %add3A_2100, %gather3A_2104 : vector<16xf32>
    %add3A_2106 = arith.constant 15 : i32
    %add3A_2107 = vector.broadcast %add3A_2106 : i32 to vector<16xi32>
    %add3A_2108 = arith.addi %mul3A_2021, %add3A_2107 : vector<16xi32>
    %gather3A_2109 = tpu.vector_load_idx %arg15[%add3A_2108] : memref<8704xf32, #tpu.memory_space<vmem>>[vector<16xi32>], vector<16xf32>,
    %add3A_2110 = arith.addf %add3A_2105, %gather3A_2109 : vector<16xf32>
    %swap3A_2111 = arith.constant 272 : index
    %swap3A_2112 = tpu.vector_load %arg16[%swap3A_2111] {strides = array<i32>} : memref<512xf32, #tpu.memory_space<vmem>>, vector<16xf32>,
    tpu.vector_store %arg16[%swap3A_2111], %add3A_2110 {strides = array<i32>} : memref<512xf32, #tpu.memory_space<vmem>>, vector<16xf32>,
    %add3A_2113 = arith.constant 288 : i32
    %add3A_2114 = vector.broadcast %add3A_2113 : i32 to vector<16xi32>
    %add3A_2115 = arith.addi %add3A_2114, %iota3A : vector<16xi32>
    %mul3A_2116 = arith.constant 17 : i32
    %mul3A_2117 = vector.broadcast %mul3A_2116 : i32 to vector<16xi32>
    %mul3A_2118 = arith.muli %add3A_2115, %mul3A_2117 : vector<16xi32>
    %get3A_2119 = arith.constant 2 : i32
    %get3A_2120 = arith.index_cast %get3A_2119 : i32 to index
    %get3A_2121 = arith.constant 32 : index
    %get3A_2122 = tpu.vector_load %arg13[%get3A_2120, %get3A_2121] {strides = array<i32>} : memref<4x128xf32, #tpu.memory_space<vmem>>, vector<16xf32>,
    %get3A_2123 = arith.constant 2 : i32
    %get3A_2124 = arith.index_cast %get3A_2123 : i32 to index
    %get3A_2125 = arith.constant 32 : index
    %get3A_2126 = tpu.vector_load %arg14[%get3A_2124, %get3A_2125] {strides = array<i32>} : memref<4x128xf32, #tpu.memory_space<vmem>>, vector<16xf32>,
    %add3A_2127 = arith.addf %get3A_2122, %get3A_2126 : vector<16xf32>
    %add3A_2128 = arith.constant 0 : i32
    %add3A_2129 = vector.broadcast %add3A_2128 : i32 to vector<16xi32>
    %add3A_2130 = arith.addi %mul3A_2118, %add3A_2129 : vector<16xi32>
    %gather3A_2131 = tpu.vector_load_idx %arg15[%add3A_2130] : memref<8704xf32, #tpu.memory_space<vmem>>[vector<16xi32>], vector<16xf32>,
    %add3A_2132 = arith.addf %add3A_2127, %gather3A_2131 : vector<16xf32>
    %add3A_2133 = arith.constant 1 : i32
    %add3A_2134 = vector.broadcast %add3A_2133 : i32 to vector<16xi32>
    %add3A_2135 = arith.addi %mul3A_2118, %add3A_2134 : vector<16xi32>
    %gather3A_2136 = tpu.vector_load_idx %arg15[%add3A_2135] : memref<8704xf32, #tpu.memory_space<vmem>>[vector<16xi32>], vector<16xf32>,
    %add3A_2137 = arith.addf %add3A_2132, %gather3A_2136 : vector<16xf32>
    %add3A_2138 = arith.constant 2 : i32
    %add3A_2139 = vector.broadcast %add3A_2138 : i32 to vector<16xi32>
    %add3A_2140 = arith.addi %mul3A_2118, %add3A_2139 : vector<16xi32>
    %gather3A_2141 = tpu.vector_load_idx %arg15[%add3A_2140] : memref<8704xf32, #tpu.memory_space<vmem>>[vector<16xi32>], vector<16xf32>,
    %add3A_2142 = arith.addf %add3A_2137, %gather3A_2141 : vector<16xf32>
    %add3A_2143 = arith.constant 3 : i32
    %add3A_2144 = vector.broadcast %add3A_2143 : i32 to vector<16xi32>
    %add3A_2145 = arith.addi %mul3A_2118, %add3A_2144 : vector<16xi32>
    %gather3A_2146 = tpu.vector_load_idx %arg15[%add3A_2145] : memref<8704xf32, #tpu.memory_space<vmem>>[vector<16xi32>], vector<16xf32>,
    %add3A_2147 = arith.addf %add3A_2142, %gather3A_2146 : vector<16xf32>
    %add3A_2148 = arith.constant 4 : i32
    %add3A_2149 = vector.broadcast %add3A_2148 : i32 to vector<16xi32>
    %add3A_2150 = arith.addi %mul3A_2118, %add3A_2149 : vector<16xi32>
    %gather3A_2151 = tpu.vector_load_idx %arg15[%add3A_2150] : memref<8704xf32, #tpu.memory_space<vmem>>[vector<16xi32>], vector<16xf32>,
    %add3A_2152 = arith.addf %add3A_2147, %gather3A_2151 : vector<16xf32>
    %add3A_2153 = arith.constant 5 : i32
    %add3A_2154 = vector.broadcast %add3A_2153 : i32 to vector<16xi32>
    %add3A_2155 = arith.addi %mul3A_2118, %add3A_2154 : vector<16xi32>
    %gather3A_2156 = tpu.vector_load_idx %arg15[%add3A_2155] : memref<8704xf32, #tpu.memory_space<vmem>>[vector<16xi32>], vector<16xf32>,
    %add3A_2157 = arith.addf %add3A_2152, %gather3A_2156 : vector<16xf32>
    %add3A_2158 = arith.constant 6 : i32
    %add3A_2159 = vector.broadcast %add3A_2158 : i32 to vector<16xi32>
    %add3A_2160 = arith.addi %mul3A_2118, %add3A_2159 : vector<16xi32>
    %gather3A_2161 = tpu.vector_load_idx %arg15[%add3A_2160] : memref<8704xf32, #tpu.memory_space<vmem>>[vector<16xi32>], vector<16xf32>,
    %add3A_2162 = arith.addf %add3A_2157, %gather3A_2161 : vector<16xf32>
    %add3A_2163 = arith.constant 7 : i32
    %add3A_2164 = vector.broadcast %add3A_2163 : i32 to vector<16xi32>
    %add3A_2165 = arith.addi %mul3A_2118, %add3A_2164 : vector<16xi32>
    %gather3A_2166 = tpu.vector_load_idx %arg15[%add3A_2165] : memref<8704xf32, #tpu.memory_space<vmem>>[vector<16xi32>], vector<16xf32>,
    %add3A_2167 = arith.addf %add3A_2162, %gather3A_2166 : vector<16xf32>
    %add3A_2168 = arith.constant 8 : i32
    %add3A_2169 = vector.broadcast %add3A_2168 : i32 to vector<16xi32>
    %add3A_2170 = arith.addi %mul3A_2118, %add3A_2169 : vector<16xi32>
    %gather3A_2171 = tpu.vector_load_idx %arg15[%add3A_2170] : memref<8704xf32, #tpu.memory_space<vmem>>[vector<16xi32>], vector<16xf32>,
    %add3A_2172 = arith.addf %add3A_2167, %gather3A_2171 : vector<16xf32>
    %add3A_2173 = arith.constant 9 : i32
    %add3A_2174 = vector.broadcast %add3A_2173 : i32 to vector<16xi32>
    %add3A_2175 = arith.addi %mul3A_2118, %add3A_2174 : vector<16xi32>
    %gather3A_2176 = tpu.vector_load_idx %arg15[%add3A_2175] : memref<8704xf32, #tpu.memory_space<vmem>>[vector<16xi32>], vector<16xf32>,
    %add3A_2177 = arith.addf %add3A_2172, %gather3A_2176 : vector<16xf32>
    %add3A_2178 = arith.constant 10 : i32
    %add3A_2179 = vector.broadcast %add3A_2178 : i32 to vector<16xi32>
    %add3A_2180 = arith.addi %mul3A_2118, %add3A_2179 : vector<16xi32>
    %gather3A_2181 = tpu.vector_load_idx %arg15[%add3A_2180] : memref<8704xf32, #tpu.memory_space<vmem>>[vector<16xi32>], vector<16xf32>,
    %add3A_2182 = arith.addf %add3A_2177, %gather3A_2181 : vector<16xf32>
    %add3A_2183 = arith.constant 11 : i32
    %add3A_2184 = vector.broadcast %add3A_2183 : i32 to vector<16xi32>
    %add3A_2185 = arith.addi %mul3A_2118, %add3A_2184 : vector<16xi32>
    %gather3A_2186 = tpu.vector_load_idx %arg15[%add3A_2185] : memref<8704xf32, #tpu.memory_space<vmem>>[vector<16xi32>], vector<16xf32>,
    %add3A_2187 = arith.addf %add3A_2182, %gather3A_2186 : vector<16xf32>
    %add3A_2188 = arith.constant 12 : i32
    %add3A_2189 = vector.broadcast %add3A_2188 : i32 to vector<16xi32>
    %add3A_2190 = arith.addi %mul3A_2118, %add3A_2189 : vector<16xi32>
    %gather3A_2191 = tpu.vector_load_idx %arg15[%add3A_2190] : memref<8704xf32, #tpu.memory_space<vmem>>[vector<16xi32>], vector<16xf32>,
    %add3A_2192 = arith.addf %add3A_2187, %gather3A_2191 : vector<16xf32>
    %add3A_2193 = arith.constant 13 : i32
    %add3A_2194 = vector.broadcast %add3A_2193 : i32 to vector<16xi32>
    %add3A_2195 = arith.addi %mul3A_2118, %add3A_2194 : vector<16xi32>
    %gather3A_2196 = tpu.vector_load_idx %arg15[%add3A_2195] : memref<8704xf32, #tpu.memory_space<vmem>>[vector<16xi32>], vector<16xf32>,
    %add3A_2197 = arith.addf %add3A_2192, %gather3A_2196 : vector<16xf32>
    %add3A_2198 = arith.constant 14 : i32
    %add3A_2199 = vector.broadcast %add3A_2198 : i32 to vector<16xi32>
    %add3A_2200 = arith.addi %mul3A_2118, %add3A_2199 : vector<16xi32>
    %gather3A_2201 = tpu.vector_load_idx %arg15[%add3A_2200] : memref<8704xf32, #tpu.memory_space<vmem>>[vector<16xi32>], vector<16xf32>,
    %add3A_2202 = arith.addf %add3A_2197, %gather3A_2201 : vector<16xf32>
    %add3A_2203 = arith.constant 15 : i32
    %add3A_2204 = vector.broadcast %add3A_2203 : i32 to vector<16xi32>
    %add3A_2205 = arith.addi %mul3A_2118, %add3A_2204 : vector<16xi32>
    %gather3A_2206 = tpu.vector_load_idx %arg15[%add3A_2205] : memref<8704xf32, #tpu.memory_space<vmem>>[vector<16xi32>], vector<16xf32>,
    %add3A_2207 = arith.addf %add3A_2202, %gather3A_2206 : vector<16xf32>
    %swap3A_2208 = arith.constant 288 : index
    %swap3A_2209 = tpu.vector_load %arg16[%swap3A_2208] {strides = array<i32>} : memref<512xf32, #tpu.memory_space<vmem>>, vector<16xf32>,
    tpu.vector_store %arg16[%swap3A_2208], %add3A_2207 {strides = array<i32>} : memref<512xf32, #tpu.memory_space<vmem>>, vector<16xf32>,
    %add3A_2210 = arith.constant 304 : i32
    %add3A_2211 = vector.broadcast %add3A_2210 : i32 to vector<16xi32>
    %add3A_2212 = arith.addi %add3A_2211, %iota3A : vector<16xi32>
    %mul3A_2213 = arith.constant 17 : i32
    %mul3A_2214 = vector.broadcast %mul3A_2213 : i32 to vector<16xi32>
    %mul3A_2215 = arith.muli %add3A_2212, %mul3A_2214 : vector<16xi32>
    %get3A_2216 = arith.constant 2 : i32
    %get3A_2217 = arith.index_cast %get3A_2216 : i32 to index
    %get3A_2218 = arith.constant 48 : index
    %get3A_2219 = tpu.vector_load %arg13[%get3A_2217, %get3A_2218] {strides = array<i32>} : memref<4x128xf32, #tpu.memory_space<vmem>>, vector<16xf32>,
    %get3A_2220 = arith.constant 2 : i32
    %get3A_2221 = arith.index_cast %get3A_2220 : i32 to index
    %get3A_2222 = arith.constant 48 : index
    %get3A_2223 = tpu.vector_load %arg14[%get3A_2221, %get3A_2222] {strides = array<i32>} : memref<4x128xf32, #tpu.memory_space<vmem>>, vector<16xf32>,
    %add3A_2224 = arith.addf %get3A_2219, %get3A_2223 : vector<16xf32>
    %add3A_2225 = arith.constant 0 : i32
    %add3A_2226 = vector.broadcast %add3A_2225 : i32 to vector<16xi32>
    %add3A_2227 = arith.addi %mul3A_2215, %add3A_2226 : vector<16xi32>
    %gather3A_2228 = tpu.vector_load_idx %arg15[%add3A_2227] : memref<8704xf32, #tpu.memory_space<vmem>>[vector<16xi32>], vector<16xf32>,
    %add3A_2229 = arith.addf %add3A_2224, %gather3A_2228 : vector<16xf32>
    %add3A_2230 = arith.constant 1 : i32
    %add3A_2231 = vector.broadcast %add3A_2230 : i32 to vector<16xi32>
    %add3A_2232 = arith.addi %mul3A_2215, %add3A_2231 : vector<16xi32>
    %gather3A_2233 = tpu.vector_load_idx %arg15[%add3A_2232] : memref<8704xf32, #tpu.memory_space<vmem>>[vector<16xi32>], vector<16xf32>,
    %add3A_2234 = arith.addf %add3A_2229, %gather3A_2233 : vector<16xf32>
    %add3A_2235 = arith.constant 2 : i32
    %add3A_2236 = vector.broadcast %add3A_2235 : i32 to vector<16xi32>
    %add3A_2237 = arith.addi %mul3A_2215, %add3A_2236 : vector<16xi32>
    %gather3A_2238 = tpu.vector_load_idx %arg15[%add3A_2237] : memref<8704xf32, #tpu.memory_space<vmem>>[vector<16xi32>], vector<16xf32>,
    %add3A_2239 = arith.addf %add3A_2234, %gather3A_2238 : vector<16xf32>
    %add3A_2240 = arith.constant 3 : i32
    %add3A_2241 = vector.broadcast %add3A_2240 : i32 to vector<16xi32>
    %add3A_2242 = arith.addi %mul3A_2215, %add3A_2241 : vector<16xi32>
    %gather3A_2243 = tpu.vector_load_idx %arg15[%add3A_2242] : memref<8704xf32, #tpu.memory_space<vmem>>[vector<16xi32>], vector<16xf32>,
    %add3A_2244 = arith.addf %add3A_2239, %gather3A_2243 : vector<16xf32>
    %add3A_2245 = arith.constant 4 : i32
    %add3A_2246 = vector.broadcast %add3A_2245 : i32 to vector<16xi32>
    %add3A_2247 = arith.addi %mul3A_2215, %add3A_2246 : vector<16xi32>
    %gather3A_2248 = tpu.vector_load_idx %arg15[%add3A_2247] : memref<8704xf32, #tpu.memory_space<vmem>>[vector<16xi32>], vector<16xf32>,
    %add3A_2249 = arith.addf %add3A_2244, %gather3A_2248 : vector<16xf32>
    %add3A_2250 = arith.constant 5 : i32
    %add3A_2251 = vector.broadcast %add3A_2250 : i32 to vector<16xi32>
    %add3A_2252 = arith.addi %mul3A_2215, %add3A_2251 : vector<16xi32>
    %gather3A_2253 = tpu.vector_load_idx %arg15[%add3A_2252] : memref<8704xf32, #tpu.memory_space<vmem>>[vector<16xi32>], vector<16xf32>,
    %add3A_2254 = arith.addf %add3A_2249, %gather3A_2253 : vector<16xf32>
    %add3A_2255 = arith.constant 6 : i32
    %add3A_2256 = vector.broadcast %add3A_2255 : i32 to vector<16xi32>
    %add3A_2257 = arith.addi %mul3A_2215, %add3A_2256 : vector<16xi32>
    %gather3A_2258 = tpu.vector_load_idx %arg15[%add3A_2257] : memref<8704xf32, #tpu.memory_space<vmem>>[vector<16xi32>], vector<16xf32>,
    %add3A_2259 = arith.addf %add3A_2254, %gather3A_2258 : vector<16xf32>
    %add3A_2260 = arith.constant 7 : i32
    %add3A_2261 = vector.broadcast %add3A_2260 : i32 to vector<16xi32>
    %add3A_2262 = arith.addi %mul3A_2215, %add3A_2261 : vector<16xi32>
    %gather3A_2263 = tpu.vector_load_idx %arg15[%add3A_2262] : memref<8704xf32, #tpu.memory_space<vmem>>[vector<16xi32>], vector<16xf32>,
    %add3A_2264 = arith.addf %add3A_2259, %gather3A_2263 : vector<16xf32>
    %add3A_2265 = arith.constant 8 : i32
    %add3A_2266 = vector.broadcast %add3A_2265 : i32 to vector<16xi32>
    %add3A_2267 = arith.addi %mul3A_2215, %add3A_2266 : vector<16xi32>
    %gather3A_2268 = tpu.vector_load_idx %arg15[%add3A_2267] : memref<8704xf32, #tpu.memory_space<vmem>>[vector<16xi32>], vector<16xf32>,
    %add3A_2269 = arith.addf %add3A_2264, %gather3A_2268 : vector<16xf32>
    %add3A_2270 = arith.constant 9 : i32
    %add3A_2271 = vector.broadcast %add3A_2270 : i32 to vector<16xi32>
    %add3A_2272 = arith.addi %mul3A_2215, %add3A_2271 : vector<16xi32>
    %gather3A_2273 = tpu.vector_load_idx %arg15[%add3A_2272] : memref<8704xf32, #tpu.memory_space<vmem>>[vector<16xi32>], vector<16xf32>,
    %add3A_2274 = arith.addf %add3A_2269, %gather3A_2273 : vector<16xf32>
    %add3A_2275 = arith.constant 10 : i32
    %add3A_2276 = vector.broadcast %add3A_2275 : i32 to vector<16xi32>
    %add3A_2277 = arith.addi %mul3A_2215, %add3A_2276 : vector<16xi32>
    %gather3A_2278 = tpu.vector_load_idx %arg15[%add3A_2277] : memref<8704xf32, #tpu.memory_space<vmem>>[vector<16xi32>], vector<16xf32>,
    %add3A_2279 = arith.addf %add3A_2274, %gather3A_2278 : vector<16xf32>
    %add3A_2280 = arith.constant 11 : i32
    %add3A_2281 = vector.broadcast %add3A_2280 : i32 to vector<16xi32>
    %add3A_2282 = arith.addi %mul3A_2215, %add3A_2281 : vector<16xi32>
    %gather3A_2283 = tpu.vector_load_idx %arg15[%add3A_2282] : memref<8704xf32, #tpu.memory_space<vmem>>[vector<16xi32>], vector<16xf32>,
    %add3A_2284 = arith.addf %add3A_2279, %gather3A_2283 : vector<16xf32>
    %add3A_2285 = arith.constant 12 : i32
    %add3A_2286 = vector.broadcast %add3A_2285 : i32 to vector<16xi32>
    %add3A_2287 = arith.addi %mul3A_2215, %add3A_2286 : vector<16xi32>
    %gather3A_2288 = tpu.vector_load_idx %arg15[%add3A_2287] : memref<8704xf32, #tpu.memory_space<vmem>>[vector<16xi32>], vector<16xf32>,
    %add3A_2289 = arith.addf %add3A_2284, %gather3A_2288 : vector<16xf32>
    %add3A_2290 = arith.constant 13 : i32
    %add3A_2291 = vector.broadcast %add3A_2290 : i32 to vector<16xi32>
    %add3A_2292 = arith.addi %mul3A_2215, %add3A_2291 : vector<16xi32>
    %gather3A_2293 = tpu.vector_load_idx %arg15[%add3A_2292] : memref<8704xf32, #tpu.memory_space<vmem>>[vector<16xi32>], vector<16xf32>,
    %add3A_2294 = arith.addf %add3A_2289, %gather3A_2293 : vector<16xf32>
    %add3A_2295 = arith.constant 14 : i32
    %add3A_2296 = vector.broadcast %add3A_2295 : i32 to vector<16xi32>
    %add3A_2297 = arith.addi %mul3A_2215, %add3A_2296 : vector<16xi32>
    %gather3A_2298 = tpu.vector_load_idx %arg15[%add3A_2297] : memref<8704xf32, #tpu.memory_space<vmem>>[vector<16xi32>], vector<16xf32>,
    %add3A_2299 = arith.addf %add3A_2294, %gather3A_2298 : vector<16xf32>
    %add3A_2300 = arith.constant 15 : i32
    %add3A_2301 = vector.broadcast %add3A_2300 : i32 to vector<16xi32>
    %add3A_2302 = arith.addi %mul3A_2215, %add3A_2301 : vector<16xi32>
    %gather3A_2303 = tpu.vector_load_idx %arg15[%add3A_2302] : memref<8704xf32, #tpu.memory_space<vmem>>[vector<16xi32>], vector<16xf32>,
    %add3A_2304 = arith.addf %add3A_2299, %gather3A_2303 : vector<16xf32>
    %swap3A_2305 = arith.constant 304 : index
    %swap3A_2306 = tpu.vector_load %arg16[%swap3A_2305] {strides = array<i32>} : memref<512xf32, #tpu.memory_space<vmem>>, vector<16xf32>,
    tpu.vector_store %arg16[%swap3A_2305], %add3A_2304 {strides = array<i32>} : memref<512xf32, #tpu.memory_space<vmem>>, vector<16xf32>,
    %add3A_2307 = arith.constant 320 : i32
    %add3A_2308 = vector.broadcast %add3A_2307 : i32 to vector<16xi32>
    %add3A_2309 = arith.addi %add3A_2308, %iota3A : vector<16xi32>
    %mul3A_2310 = arith.constant 17 : i32
    %mul3A_2311 = vector.broadcast %mul3A_2310 : i32 to vector<16xi32>
    %mul3A_2312 = arith.muli %add3A_2309, %mul3A_2311 : vector<16xi32>
    %get3A_2313 = arith.constant 2 : i32
    %get3A_2314 = arith.index_cast %get3A_2313 : i32 to index
    %get3A_2315 = arith.constant 64 : index
    %get3A_2316 = tpu.vector_load %arg13[%get3A_2314, %get3A_2315] {strides = array<i32>} : memref<4x128xf32, #tpu.memory_space<vmem>>, vector<16xf32>,
    %get3A_2317 = arith.constant 2 : i32
    %get3A_2318 = arith.index_cast %get3A_2317 : i32 to index
    %get3A_2319 = arith.constant 64 : index
    %get3A_2320 = tpu.vector_load %arg14[%get3A_2318, %get3A_2319] {strides = array<i32>} : memref<4x128xf32, #tpu.memory_space<vmem>>, vector<16xf32>,
    %add3A_2321 = arith.addf %get3A_2316, %get3A_2320 : vector<16xf32>
    %add3A_2322 = arith.constant 0 : i32
    %add3A_2323 = vector.broadcast %add3A_2322 : i32 to vector<16xi32>
    %add3A_2324 = arith.addi %mul3A_2312, %add3A_2323 : vector<16xi32>
    %gather3A_2325 = tpu.vector_load_idx %arg15[%add3A_2324] : memref<8704xf32, #tpu.memory_space<vmem>>[vector<16xi32>], vector<16xf32>,
    %add3A_2326 = arith.addf %add3A_2321, %gather3A_2325 : vector<16xf32>
    %add3A_2327 = arith.constant 1 : i32
    %add3A_2328 = vector.broadcast %add3A_2327 : i32 to vector<16xi32>
    %add3A_2329 = arith.addi %mul3A_2312, %add3A_2328 : vector<16xi32>
    %gather3A_2330 = tpu.vector_load_idx %arg15[%add3A_2329] : memref<8704xf32, #tpu.memory_space<vmem>>[vector<16xi32>], vector<16xf32>,
    %add3A_2331 = arith.addf %add3A_2326, %gather3A_2330 : vector<16xf32>
    %add3A_2332 = arith.constant 2 : i32
    %add3A_2333 = vector.broadcast %add3A_2332 : i32 to vector<16xi32>
    %add3A_2334 = arith.addi %mul3A_2312, %add3A_2333 : vector<16xi32>
    %gather3A_2335 = tpu.vector_load_idx %arg15[%add3A_2334] : memref<8704xf32, #tpu.memory_space<vmem>>[vector<16xi32>], vector<16xf32>,
    %add3A_2336 = arith.addf %add3A_2331, %gather3A_2335 : vector<16xf32>
    %add3A_2337 = arith.constant 3 : i32
    %add3A_2338 = vector.broadcast %add3A_2337 : i32 to vector<16xi32>
    %add3A_2339 = arith.addi %mul3A_2312, %add3A_2338 : vector<16xi32>
    %gather3A_2340 = tpu.vector_load_idx %arg15[%add3A_2339] : memref<8704xf32, #tpu.memory_space<vmem>>[vector<16xi32>], vector<16xf32>,
    %add3A_2341 = arith.addf %add3A_2336, %gather3A_2340 : vector<16xf32>
    %add3A_2342 = arith.constant 4 : i32
    %add3A_2343 = vector.broadcast %add3A_2342 : i32 to vector<16xi32>
    %add3A_2344 = arith.addi %mul3A_2312, %add3A_2343 : vector<16xi32>
    %gather3A_2345 = tpu.vector_load_idx %arg15[%add3A_2344] : memref<8704xf32, #tpu.memory_space<vmem>>[vector<16xi32>], vector<16xf32>,
    %add3A_2346 = arith.addf %add3A_2341, %gather3A_2345 : vector<16xf32>
    %add3A_2347 = arith.constant 5 : i32
    %add3A_2348 = vector.broadcast %add3A_2347 : i32 to vector<16xi32>
    %add3A_2349 = arith.addi %mul3A_2312, %add3A_2348 : vector<16xi32>
    %gather3A_2350 = tpu.vector_load_idx %arg15[%add3A_2349] : memref<8704xf32, #tpu.memory_space<vmem>>[vector<16xi32>], vector<16xf32>,
    %add3A_2351 = arith.addf %add3A_2346, %gather3A_2350 : vector<16xf32>
    %add3A_2352 = arith.constant 6 : i32
    %add3A_2353 = vector.broadcast %add3A_2352 : i32 to vector<16xi32>
    %add3A_2354 = arith.addi %mul3A_2312, %add3A_2353 : vector<16xi32>
    %gather3A_2355 = tpu.vector_load_idx %arg15[%add3A_2354] : memref<8704xf32, #tpu.memory_space<vmem>>[vector<16xi32>], vector<16xf32>,
    %add3A_2356 = arith.addf %add3A_2351, %gather3A_2355 : vector<16xf32>
    %add3A_2357 = arith.constant 7 : i32
    %add3A_2358 = vector.broadcast %add3A_2357 : i32 to vector<16xi32>
    %add3A_2359 = arith.addi %mul3A_2312, %add3A_2358 : vector<16xi32>
    %gather3A_2360 = tpu.vector_load_idx %arg15[%add3A_2359] : memref<8704xf32, #tpu.memory_space<vmem>>[vector<16xi32>], vector<16xf32>,
    %add3A_2361 = arith.addf %add3A_2356, %gather3A_2360 : vector<16xf32>
    %add3A_2362 = arith.constant 8 : i32
    %add3A_2363 = vector.broadcast %add3A_2362 : i32 to vector<16xi32>
    %add3A_2364 = arith.addi %mul3A_2312, %add3A_2363 : vector<16xi32>
    %gather3A_2365 = tpu.vector_load_idx %arg15[%add3A_2364] : memref<8704xf32, #tpu.memory_space<vmem>>[vector<16xi32>], vector<16xf32>,
    %add3A_2366 = arith.addf %add3A_2361, %gather3A_2365 : vector<16xf32>
    %add3A_2367 = arith.constant 9 : i32
    %add3A_2368 = vector.broadcast %add3A_2367 : i32 to vector<16xi32>
    %add3A_2369 = arith.addi %mul3A_2312, %add3A_2368 : vector<16xi32>
    %gather3A_2370 = tpu.vector_load_idx %arg15[%add3A_2369] : memref<8704xf32, #tpu.memory_space<vmem>>[vector<16xi32>], vector<16xf32>,
    %add3A_2371 = arith.addf %add3A_2366, %gather3A_2370 : vector<16xf32>
    %add3A_2372 = arith.constant 10 : i32
    %add3A_2373 = vector.broadcast %add3A_2372 : i32 to vector<16xi32>
    %add3A_2374 = arith.addi %mul3A_2312, %add3A_2373 : vector<16xi32>
    %gather3A_2375 = tpu.vector_load_idx %arg15[%add3A_2374] : memref<8704xf32, #tpu.memory_space<vmem>>[vector<16xi32>], vector<16xf32>,
    %add3A_2376 = arith.addf %add3A_2371, %gather3A_2375 : vector<16xf32>
    %add3A_2377 = arith.constant 11 : i32
    %add3A_2378 = vector.broadcast %add3A_2377 : i32 to vector<16xi32>
    %add3A_2379 = arith.addi %mul3A_2312, %add3A_2378 : vector<16xi32>
    %gather3A_2380 = tpu.vector_load_idx %arg15[%add3A_2379] : memref<8704xf32, #tpu.memory_space<vmem>>[vector<16xi32>], vector<16xf32>,
    %add3A_2381 = arith.addf %add3A_2376, %gather3A_2380 : vector<16xf32>
    %add3A_2382 = arith.constant 12 : i32
    %add3A_2383 = vector.broadcast %add3A_2382 : i32 to vector<16xi32>
    %add3A_2384 = arith.addi %mul3A_2312, %add3A_2383 : vector<16xi32>
    %gather3A_2385 = tpu.vector_load_idx %arg15[%add3A_2384] : memref<8704xf32, #tpu.memory_space<vmem>>[vector<16xi32>], vector<16xf32>,
    %add3A_2386 = arith.addf %add3A_2381, %gather3A_2385 : vector<16xf32>
    %add3A_2387 = arith.constant 13 : i32
    %add3A_2388 = vector.broadcast %add3A_2387 : i32 to vector<16xi32>
    %add3A_2389 = arith.addi %mul3A_2312, %add3A_2388 : vector<16xi32>
    %gather3A_2390 = tpu.vector_load_idx %arg15[%add3A_2389] : memref<8704xf32, #tpu.memory_space<vmem>>[vector<16xi32>], vector<16xf32>,
    %add3A_2391 = arith.addf %add3A_2386, %gather3A_2390 : vector<16xf32>
    %add3A_2392 = arith.constant 14 : i32
    %add3A_2393 = vector.broadcast %add3A_2392 : i32 to vector<16xi32>
    %add3A_2394 = arith.addi %mul3A_2312, %add3A_2393 : vector<16xi32>
    %gather3A_2395 = tpu.vector_load_idx %arg15[%add3A_2394] : memref<8704xf32, #tpu.memory_space<vmem>>[vector<16xi32>], vector<16xf32>,
    %add3A_2396 = arith.addf %add3A_2391, %gather3A_2395 : vector<16xf32>
    %add3A_2397 = arith.constant 15 : i32
    %add3A_2398 = vector.broadcast %add3A_2397 : i32 to vector<16xi32>
    %add3A_2399 = arith.addi %mul3A_2312, %add3A_2398 : vector<16xi32>
    %gather3A_2400 = tpu.vector_load_idx %arg15[%add3A_2399] : memref<8704xf32, #tpu.memory_space<vmem>>[vector<16xi32>], vector<16xf32>,
    %add3A_2401 = arith.addf %add3A_2396, %gather3A_2400 : vector<16xf32>
    %swap3A_2402 = arith.constant 320 : index
    %swap3A_2403 = tpu.vector_load %arg16[%swap3A_2402] {strides = array<i32>} : memref<512xf32, #tpu.memory_space<vmem>>, vector<16xf32>,
    tpu.vector_store %arg16[%swap3A_2402], %add3A_2401 {strides = array<i32>} : memref<512xf32, #tpu.memory_space<vmem>>, vector<16xf32>,
    %add3A_2404 = arith.constant 336 : i32
    %add3A_2405 = vector.broadcast %add3A_2404 : i32 to vector<16xi32>
    %add3A_2406 = arith.addi %add3A_2405, %iota3A : vector<16xi32>
    %mul3A_2407 = arith.constant 17 : i32
    %mul3A_2408 = vector.broadcast %mul3A_2407 : i32 to vector<16xi32>
    %mul3A_2409 = arith.muli %add3A_2406, %mul3A_2408 : vector<16xi32>
    %get3A_2410 = arith.constant 2 : i32
    %get3A_2411 = arith.index_cast %get3A_2410 : i32 to index
    %get3A_2412 = arith.constant 80 : index
    %get3A_2413 = tpu.vector_load %arg13[%get3A_2411, %get3A_2412] {strides = array<i32>} : memref<4x128xf32, #tpu.memory_space<vmem>>, vector<16xf32>,
    %get3A_2414 = arith.constant 2 : i32
    %get3A_2415 = arith.index_cast %get3A_2414 : i32 to index
    %get3A_2416 = arith.constant 80 : index
    %get3A_2417 = tpu.vector_load %arg14[%get3A_2415, %get3A_2416] {strides = array<i32>} : memref<4x128xf32, #tpu.memory_space<vmem>>, vector<16xf32>,
    %add3A_2418 = arith.addf %get3A_2413, %get3A_2417 : vector<16xf32>
    %add3A_2419 = arith.constant 0 : i32
    %add3A_2420 = vector.broadcast %add3A_2419 : i32 to vector<16xi32>
    %add3A_2421 = arith.addi %mul3A_2409, %add3A_2420 : vector<16xi32>
    %gather3A_2422 = tpu.vector_load_idx %arg15[%add3A_2421] : memref<8704xf32, #tpu.memory_space<vmem>>[vector<16xi32>], vector<16xf32>,
    %add3A_2423 = arith.addf %add3A_2418, %gather3A_2422 : vector<16xf32>
    %add3A_2424 = arith.constant 1 : i32
    %add3A_2425 = vector.broadcast %add3A_2424 : i32 to vector<16xi32>
    %add3A_2426 = arith.addi %mul3A_2409, %add3A_2425 : vector<16xi32>
    %gather3A_2427 = tpu.vector_load_idx %arg15[%add3A_2426] : memref<8704xf32, #tpu.memory_space<vmem>>[vector<16xi32>], vector<16xf32>,
    %add3A_2428 = arith.addf %add3A_2423, %gather3A_2427 : vector<16xf32>
    %add3A_2429 = arith.constant 2 : i32
    %add3A_2430 = vector.broadcast %add3A_2429 : i32 to vector<16xi32>
    %add3A_2431 = arith.addi %mul3A_2409, %add3A_2430 : vector<16xi32>
    %gather3A_2432 = tpu.vector_load_idx %arg15[%add3A_2431] : memref<8704xf32, #tpu.memory_space<vmem>>[vector<16xi32>], vector<16xf32>,
    %add3A_2433 = arith.addf %add3A_2428, %gather3A_2432 : vector<16xf32>
    %add3A_2434 = arith.constant 3 : i32
    %add3A_2435 = vector.broadcast %add3A_2434 : i32 to vector<16xi32>
    %add3A_2436 = arith.addi %mul3A_2409, %add3A_2435 : vector<16xi32>
    %gather3A_2437 = tpu.vector_load_idx %arg15[%add3A_2436] : memref<8704xf32, #tpu.memory_space<vmem>>[vector<16xi32>], vector<16xf32>,
    %add3A_2438 = arith.addf %add3A_2433, %gather3A_2437 : vector<16xf32>
    %add3A_2439 = arith.constant 4 : i32
    %add3A_2440 = vector.broadcast %add3A_2439 : i32 to vector<16xi32>
    %add3A_2441 = arith.addi %mul3A_2409, %add3A_2440 : vector<16xi32>
    %gather3A_2442 = tpu.vector_load_idx %arg15[%add3A_2441] : memref<8704xf32, #tpu.memory_space<vmem>>[vector<16xi32>], vector<16xf32>,
    %add3A_2443 = arith.addf %add3A_2438, %gather3A_2442 : vector<16xf32>
    %add3A_2444 = arith.constant 5 : i32
    %add3A_2445 = vector.broadcast %add3A_2444 : i32 to vector<16xi32>
    %add3A_2446 = arith.addi %mul3A_2409, %add3A_2445 : vector<16xi32>
    %gather3A_2447 = tpu.vector_load_idx %arg15[%add3A_2446] : memref<8704xf32, #tpu.memory_space<vmem>>[vector<16xi32>], vector<16xf32>,
    %add3A_2448 = arith.addf %add3A_2443, %gather3A_2447 : vector<16xf32>
    %add3A_2449 = arith.constant 6 : i32
    %add3A_2450 = vector.broadcast %add3A_2449 : i32 to vector<16xi32>
    %add3A_2451 = arith.addi %mul3A_2409, %add3A_2450 : vector<16xi32>
    %gather3A_2452 = tpu.vector_load_idx %arg15[%add3A_2451] : memref<8704xf32, #tpu.memory_space<vmem>>[vector<16xi32>], vector<16xf32>,
    %add3A_2453 = arith.addf %add3A_2448, %gather3A_2452 : vector<16xf32>
    %add3A_2454 = arith.constant 7 : i32
    %add3A_2455 = vector.broadcast %add3A_2454 : i32 to vector<16xi32>
    %add3A_2456 = arith.addi %mul3A_2409, %add3A_2455 : vector<16xi32>
    %gather3A_2457 = tpu.vector_load_idx %arg15[%add3A_2456] : memref<8704xf32, #tpu.memory_space<vmem>>[vector<16xi32>], vector<16xf32>,
    %add3A_2458 = arith.addf %add3A_2453, %gather3A_2457 : vector<16xf32>
    %add3A_2459 = arith.constant 8 : i32
    %add3A_2460 = vector.broadcast %add3A_2459 : i32 to vector<16xi32>
    %add3A_2461 = arith.addi %mul3A_2409, %add3A_2460 : vector<16xi32>
    %gather3A_2462 = tpu.vector_load_idx %arg15[%add3A_2461] : memref<8704xf32, #tpu.memory_space<vmem>>[vector<16xi32>], vector<16xf32>,
    %add3A_2463 = arith.addf %add3A_2458, %gather3A_2462 : vector<16xf32>
    %add3A_2464 = arith.constant 9 : i32
    %add3A_2465 = vector.broadcast %add3A_2464 : i32 to vector<16xi32>
    %add3A_2466 = arith.addi %mul3A_2409, %add3A_2465 : vector<16xi32>
    %gather3A_2467 = tpu.vector_load_idx %arg15[%add3A_2466] : memref<8704xf32, #tpu.memory_space<vmem>>[vector<16xi32>], vector<16xf32>,
    %add3A_2468 = arith.addf %add3A_2463, %gather3A_2467 : vector<16xf32>
    %add3A_2469 = arith.constant 10 : i32
    %add3A_2470 = vector.broadcast %add3A_2469 : i32 to vector<16xi32>
    %add3A_2471 = arith.addi %mul3A_2409, %add3A_2470 : vector<16xi32>
    %gather3A_2472 = tpu.vector_load_idx %arg15[%add3A_2471] : memref<8704xf32, #tpu.memory_space<vmem>>[vector<16xi32>], vector<16xf32>,
    %add3A_2473 = arith.addf %add3A_2468, %gather3A_2472 : vector<16xf32>
    %add3A_2474 = arith.constant 11 : i32
    %add3A_2475 = vector.broadcast %add3A_2474 : i32 to vector<16xi32>
    %add3A_2476 = arith.addi %mul3A_2409, %add3A_2475 : vector<16xi32>
    %gather3A_2477 = tpu.vector_load_idx %arg15[%add3A_2476] : memref<8704xf32, #tpu.memory_space<vmem>>[vector<16xi32>], vector<16xf32>,
    %add3A_2478 = arith.addf %add3A_2473, %gather3A_2477 : vector<16xf32>
    %add3A_2479 = arith.constant 12 : i32
    %add3A_2480 = vector.broadcast %add3A_2479 : i32 to vector<16xi32>
    %add3A_2481 = arith.addi %mul3A_2409, %add3A_2480 : vector<16xi32>
    %gather3A_2482 = tpu.vector_load_idx %arg15[%add3A_2481] : memref<8704xf32, #tpu.memory_space<vmem>>[vector<16xi32>], vector<16xf32>,
    %add3A_2483 = arith.addf %add3A_2478, %gather3A_2482 : vector<16xf32>
    %add3A_2484 = arith.constant 13 : i32
    %add3A_2485 = vector.broadcast %add3A_2484 : i32 to vector<16xi32>
    %add3A_2486 = arith.addi %mul3A_2409, %add3A_2485 : vector<16xi32>
    %gather3A_2487 = tpu.vector_load_idx %arg15[%add3A_2486] : memref<8704xf32, #tpu.memory_space<vmem>>[vector<16xi32>], vector<16xf32>,
    %add3A_2488 = arith.addf %add3A_2483, %gather3A_2487 : vector<16xf32>
    %add3A_2489 = arith.constant 14 : i32
    %add3A_2490 = vector.broadcast %add3A_2489 : i32 to vector<16xi32>
    %add3A_2491 = arith.addi %mul3A_2409, %add3A_2490 : vector<16xi32>
    %gather3A_2492 = tpu.vector_load_idx %arg15[%add3A_2491] : memref<8704xf32, #tpu.memory_space<vmem>>[vector<16xi32>], vector<16xf32>,
    %add3A_2493 = arith.addf %add3A_2488, %gather3A_2492 : vector<16xf32>
    %add3A_2494 = arith.constant 15 : i32
    %add3A_2495 = vector.broadcast %add3A_2494 : i32 to vector<16xi32>
    %add3A_2496 = arith.addi %mul3A_2409, %add3A_2495 : vector<16xi32>
    %gather3A_2497 = tpu.vector_load_idx %arg15[%add3A_2496] : memref<8704xf32, #tpu.memory_space<vmem>>[vector<16xi32>], vector<16xf32>,
    %add3A_2498 = arith.addf %add3A_2493, %gather3A_2497 : vector<16xf32>
    %swap3A_2499 = arith.constant 336 : index
    %swap3A_2500 = tpu.vector_load %arg16[%swap3A_2499] {strides = array<i32>} : memref<512xf32, #tpu.memory_space<vmem>>, vector<16xf32>,
    tpu.vector_store %arg16[%swap3A_2499], %add3A_2498 {strides = array<i32>} : memref<512xf32, #tpu.memory_space<vmem>>, vector<16xf32>,
    %add3A_2501 = arith.constant 352 : i32
    %add3A_2502 = vector.broadcast %add3A_2501 : i32 to vector<16xi32>
    %add3A_2503 = arith.addi %add3A_2502, %iota3A : vector<16xi32>
    %mul3A_2504 = arith.constant 17 : i32
    %mul3A_2505 = vector.broadcast %mul3A_2504 : i32 to vector<16xi32>
    %mul3A_2506 = arith.muli %add3A_2503, %mul3A_2505 : vector<16xi32>
    %get3A_2507 = arith.constant 2 : i32
    %get3A_2508 = arith.index_cast %get3A_2507 : i32 to index
    %get3A_2509 = arith.constant 96 : index
    %get3A_2510 = tpu.vector_load %arg13[%get3A_2508, %get3A_2509] {strides = array<i32>} : memref<4x128xf32, #tpu.memory_space<vmem>>, vector<16xf32>,
    %get3A_2511 = arith.constant 2 : i32
    %get3A_2512 = arith.index_cast %get3A_2511 : i32 to index
    %get3A_2513 = arith.constant 96 : index
    %get3A_2514 = tpu.vector_load %arg14[%get3A_2512, %get3A_2513] {strides = array<i32>} : memref<4x128xf32, #tpu.memory_space<vmem>>, vector<16xf32>,
    %add3A_2515 = arith.addf %get3A_2510, %get3A_2514 : vector<16xf32>
    %add3A_2516 = arith.constant 0 : i32
    %add3A_2517 = vector.broadcast %add3A_2516 : i32 to vector<16xi32>
    %add3A_2518 = arith.addi %mul3A_2506, %add3A_2517 : vector<16xi32>
    %gather3A_2519 = tpu.vector_load_idx %arg15[%add3A_2518] : memref<8704xf32, #tpu.memory_space<vmem>>[vector<16xi32>], vector<16xf32>,
    %add3A_2520 = arith.addf %add3A_2515, %gather3A_2519 : vector<16xf32>
    %add3A_2521 = arith.constant 1 : i32
    %add3A_2522 = vector.broadcast %add3A_2521 : i32 to vector<16xi32>
    %add3A_2523 = arith.addi %mul3A_2506, %add3A_2522 : vector<16xi32>
    %gather3A_2524 = tpu.vector_load_idx %arg15[%add3A_2523] : memref<8704xf32, #tpu.memory_space<vmem>>[vector<16xi32>], vector<16xf32>,
    %add3A_2525 = arith.addf %add3A_2520, %gather3A_2524 : vector<16xf32>
    %add3A_2526 = arith.constant 2 : i32
    %add3A_2527 = vector.broadcast %add3A_2526 : i32 to vector<16xi32>
    %add3A_2528 = arith.addi %mul3A_2506, %add3A_2527 : vector<16xi32>
    %gather3A_2529 = tpu.vector_load_idx %arg15[%add3A_2528] : memref<8704xf32, #tpu.memory_space<vmem>>[vector<16xi32>], vector<16xf32>,
    %add3A_2530 = arith.addf %add3A_2525, %gather3A_2529 : vector<16xf32>
    %add3A_2531 = arith.constant 3 : i32
    %add3A_2532 = vector.broadcast %add3A_2531 : i32 to vector<16xi32>
    %add3A_2533 = arith.addi %mul3A_2506, %add3A_2532 : vector<16xi32>
    %gather3A_2534 = tpu.vector_load_idx %arg15[%add3A_2533] : memref<8704xf32, #tpu.memory_space<vmem>>[vector<16xi32>], vector<16xf32>,
    %add3A_2535 = arith.addf %add3A_2530, %gather3A_2534 : vector<16xf32>
    %add3A_2536 = arith.constant 4 : i32
    %add3A_2537 = vector.broadcast %add3A_2536 : i32 to vector<16xi32>
    %add3A_2538 = arith.addi %mul3A_2506, %add3A_2537 : vector<16xi32>
    %gather3A_2539 = tpu.vector_load_idx %arg15[%add3A_2538] : memref<8704xf32, #tpu.memory_space<vmem>>[vector<16xi32>], vector<16xf32>,
    %add3A_2540 = arith.addf %add3A_2535, %gather3A_2539 : vector<16xf32>
    %add3A_2541 = arith.constant 5 : i32
    %add3A_2542 = vector.broadcast %add3A_2541 : i32 to vector<16xi32>
    %add3A_2543 = arith.addi %mul3A_2506, %add3A_2542 : vector<16xi32>
    %gather3A_2544 = tpu.vector_load_idx %arg15[%add3A_2543] : memref<8704xf32, #tpu.memory_space<vmem>>[vector<16xi32>], vector<16xf32>,
    %add3A_2545 = arith.addf %add3A_2540, %gather3A_2544 : vector<16xf32>
    %add3A_2546 = arith.constant 6 : i32
    %add3A_2547 = vector.broadcast %add3A_2546 : i32 to vector<16xi32>
    %add3A_2548 = arith.addi %mul3A_2506, %add3A_2547 : vector<16xi32>
    %gather3A_2549 = tpu.vector_load_idx %arg15[%add3A_2548] : memref<8704xf32, #tpu.memory_space<vmem>>[vector<16xi32>], vector<16xf32>,
    %add3A_2550 = arith.addf %add3A_2545, %gather3A_2549 : vector<16xf32>
    %add3A_2551 = arith.constant 7 : i32
    %add3A_2552 = vector.broadcast %add3A_2551 : i32 to vector<16xi32>
    %add3A_2553 = arith.addi %mul3A_2506, %add3A_2552 : vector<16xi32>
    %gather3A_2554 = tpu.vector_load_idx %arg15[%add3A_2553] : memref<8704xf32, #tpu.memory_space<vmem>>[vector<16xi32>], vector<16xf32>,
    %add3A_2555 = arith.addf %add3A_2550, %gather3A_2554 : vector<16xf32>
    %add3A_2556 = arith.constant 8 : i32
    %add3A_2557 = vector.broadcast %add3A_2556 : i32 to vector<16xi32>
    %add3A_2558 = arith.addi %mul3A_2506, %add3A_2557 : vector<16xi32>
    %gather3A_2559 = tpu.vector_load_idx %arg15[%add3A_2558] : memref<8704xf32, #tpu.memory_space<vmem>>[vector<16xi32>], vector<16xf32>,
    %add3A_2560 = arith.addf %add3A_2555, %gather3A_2559 : vector<16xf32>
    %add3A_2561 = arith.constant 9 : i32
    %add3A_2562 = vector.broadcast %add3A_2561 : i32 to vector<16xi32>
    %add3A_2563 = arith.addi %mul3A_2506, %add3A_2562 : vector<16xi32>
    %gather3A_2564 = tpu.vector_load_idx %arg15[%add3A_2563] : memref<8704xf32, #tpu.memory_space<vmem>>[vector<16xi32>], vector<16xf32>,
    %add3A_2565 = arith.addf %add3A_2560, %gather3A_2564 : vector<16xf32>
    %add3A_2566 = arith.constant 10 : i32
    %add3A_2567 = vector.broadcast %add3A_2566 : i32 to vector<16xi32>
    %add3A_2568 = arith.addi %mul3A_2506, %add3A_2567 : vector<16xi32>
    %gather3A_2569 = tpu.vector_load_idx %arg15[%add3A_2568] : memref<8704xf32, #tpu.memory_space<vmem>>[vector<16xi32>], vector<16xf32>,
    %add3A_2570 = arith.addf %add3A_2565, %gather3A_2569 : vector<16xf32>
    %add3A_2571 = arith.constant 11 : i32
    %add3A_2572 = vector.broadcast %add3A_2571 : i32 to vector<16xi32>
    %add3A_2573 = arith.addi %mul3A_2506, %add3A_2572 : vector<16xi32>
    %gather3A_2574 = tpu.vector_load_idx %arg15[%add3A_2573] : memref<8704xf32, #tpu.memory_space<vmem>>[vector<16xi32>], vector<16xf32>,
    %add3A_2575 = arith.addf %add3A_2570, %gather3A_2574 : vector<16xf32>
    %add3A_2576 = arith.constant 12 : i32
    %add3A_2577 = vector.broadcast %add3A_2576 : i32 to vector<16xi32>
    %add3A_2578 = arith.addi %mul3A_2506, %add3A_2577 : vector<16xi32>
    %gather3A_2579 = tpu.vector_load_idx %arg15[%add3A_2578] : memref<8704xf32, #tpu.memory_space<vmem>>[vector<16xi32>], vector<16xf32>,
    %add3A_2580 = arith.addf %add3A_2575, %gather3A_2579 : vector<16xf32>
    %add3A_2581 = arith.constant 13 : i32
    %add3A_2582 = vector.broadcast %add3A_2581 : i32 to vector<16xi32>
    %add3A_2583 = arith.addi %mul3A_2506, %add3A_2582 : vector<16xi32>
    %gather3A_2584 = tpu.vector_load_idx %arg15[%add3A_2583] : memref<8704xf32, #tpu.memory_space<vmem>>[vector<16xi32>], vector<16xf32>,
    %add3A_2585 = arith.addf %add3A_2580, %gather3A_2584 : vector<16xf32>
    %add3A_2586 = arith.constant 14 : i32
    %add3A_2587 = vector.broadcast %add3A_2586 : i32 to vector<16xi32>
    %add3A_2588 = arith.addi %mul3A_2506, %add3A_2587 : vector<16xi32>
    %gather3A_2589 = tpu.vector_load_idx %arg15[%add3A_2588] : memref<8704xf32, #tpu.memory_space<vmem>>[vector<16xi32>], vector<16xf32>,
    %add3A_2590 = arith.addf %add3A_2585, %gather3A_2589 : vector<16xf32>
    %add3A_2591 = arith.constant 15 : i32
    %add3A_2592 = vector.broadcast %add3A_2591 : i32 to vector<16xi32>
    %add3A_2593 = arith.addi %mul3A_2506, %add3A_2592 : vector<16xi32>
    %gather3A_2594 = tpu.vector_load_idx %arg15[%add3A_2593] : memref<8704xf32, #tpu.memory_space<vmem>>[vector<16xi32>], vector<16xf32>,
    %add3A_2595 = arith.addf %add3A_2590, %gather3A_2594 : vector<16xf32>
    %swap3A_2596 = arith.constant 352 : index
    %swap3A_2597 = tpu.vector_load %arg16[%swap3A_2596] {strides = array<i32>} : memref<512xf32, #tpu.memory_space<vmem>>, vector<16xf32>,
    tpu.vector_store %arg16[%swap3A_2596], %add3A_2595 {strides = array<i32>} : memref<512xf32, #tpu.memory_space<vmem>>, vector<16xf32>,
    %add3A_2598 = arith.constant 368 : i32
    %add3A_2599 = vector.broadcast %add3A_2598 : i32 to vector<16xi32>
    %add3A_2600 = arith.addi %add3A_2599, %iota3A : vector<16xi32>
    %mul3A_2601 = arith.constant 17 : i32
    %mul3A_2602 = vector.broadcast %mul3A_2601 : i32 to vector<16xi32>
    %mul3A_2603 = arith.muli %add3A_2600, %mul3A_2602 : vector<16xi32>
    %get3A_2604 = arith.constant 2 : i32
    %get3A_2605 = arith.index_cast %get3A_2604 : i32 to index
    %get3A_2606 = arith.constant 112 : index
    %get3A_2607 = tpu.vector_load %arg13[%get3A_2605, %get3A_2606] {strides = array<i32>} : memref<4x128xf32, #tpu.memory_space<vmem>>, vector<16xf32>,
    %get3A_2608 = arith.constant 2 : i32
    %get3A_2609 = arith.index_cast %get3A_2608 : i32 to index
    %get3A_2610 = arith.constant 112 : index
    %get3A_2611 = tpu.vector_load %arg14[%get3A_2609, %get3A_2610] {strides = array<i32>} : memref<4x128xf32, #tpu.memory_space<vmem>>, vector<16xf32>,
    %add3A_2612 = arith.addf %get3A_2607, %get3A_2611 : vector<16xf32>
    %add3A_2613 = arith.constant 0 : i32
    %add3A_2614 = vector.broadcast %add3A_2613 : i32 to vector<16xi32>
    %add3A_2615 = arith.addi %mul3A_2603, %add3A_2614 : vector<16xi32>
    %gather3A_2616 = tpu.vector_load_idx %arg15[%add3A_2615] : memref<8704xf32, #tpu.memory_space<vmem>>[vector<16xi32>], vector<16xf32>,
    %add3A_2617 = arith.addf %add3A_2612, %gather3A_2616 : vector<16xf32>
    %add3A_2618 = arith.constant 1 : i32
    %add3A_2619 = vector.broadcast %add3A_2618 : i32 to vector<16xi32>
    %add3A_2620 = arith.addi %mul3A_2603, %add3A_2619 : vector<16xi32>
    %gather3A_2621 = tpu.vector_load_idx %arg15[%add3A_2620] : memref<8704xf32, #tpu.memory_space<vmem>>[vector<16xi32>], vector<16xf32>,
    %add3A_2622 = arith.addf %add3A_2617, %gather3A_2621 : vector<16xf32>
    %add3A_2623 = arith.constant 2 : i32
    %add3A_2624 = vector.broadcast %add3A_2623 : i32 to vector<16xi32>
    %add3A_2625 = arith.addi %mul3A_2603, %add3A_2624 : vector<16xi32>
    %gather3A_2626 = tpu.vector_load_idx %arg15[%add3A_2625] : memref<8704xf32, #tpu.memory_space<vmem>>[vector<16xi32>], vector<16xf32>,
    %add3A_2627 = arith.addf %add3A_2622, %gather3A_2626 : vector<16xf32>
    %add3A_2628 = arith.constant 3 : i32
    %add3A_2629 = vector.broadcast %add3A_2628 : i32 to vector<16xi32>
    %add3A_2630 = arith.addi %mul3A_2603, %add3A_2629 : vector<16xi32>
    %gather3A_2631 = tpu.vector_load_idx %arg15[%add3A_2630] : memref<8704xf32, #tpu.memory_space<vmem>>[vector<16xi32>], vector<16xf32>,
    %add3A_2632 = arith.addf %add3A_2627, %gather3A_2631 : vector<16xf32>
    %add3A_2633 = arith.constant 4 : i32
    %add3A_2634 = vector.broadcast %add3A_2633 : i32 to vector<16xi32>
    %add3A_2635 = arith.addi %mul3A_2603, %add3A_2634 : vector<16xi32>
    %gather3A_2636 = tpu.vector_load_idx %arg15[%add3A_2635] : memref<8704xf32, #tpu.memory_space<vmem>>[vector<16xi32>], vector<16xf32>,
    %add3A_2637 = arith.addf %add3A_2632, %gather3A_2636 : vector<16xf32>
    %add3A_2638 = arith.constant 5 : i32
    %add3A_2639 = vector.broadcast %add3A_2638 : i32 to vector<16xi32>
    %add3A_2640 = arith.addi %mul3A_2603, %add3A_2639 : vector<16xi32>
    %gather3A_2641 = tpu.vector_load_idx %arg15[%add3A_2640] : memref<8704xf32, #tpu.memory_space<vmem>>[vector<16xi32>], vector<16xf32>,
    %add3A_2642 = arith.addf %add3A_2637, %gather3A_2641 : vector<16xf32>
    %add3A_2643 = arith.constant 6 : i32
    %add3A_2644 = vector.broadcast %add3A_2643 : i32 to vector<16xi32>
    %add3A_2645 = arith.addi %mul3A_2603, %add3A_2644 : vector<16xi32>
    %gather3A_2646 = tpu.vector_load_idx %arg15[%add3A_2645] : memref<8704xf32, #tpu.memory_space<vmem>>[vector<16xi32>], vector<16xf32>,
    %add3A_2647 = arith.addf %add3A_2642, %gather3A_2646 : vector<16xf32>
    %add3A_2648 = arith.constant 7 : i32
    %add3A_2649 = vector.broadcast %add3A_2648 : i32 to vector<16xi32>
    %add3A_2650 = arith.addi %mul3A_2603, %add3A_2649 : vector<16xi32>
    %gather3A_2651 = tpu.vector_load_idx %arg15[%add3A_2650] : memref<8704xf32, #tpu.memory_space<vmem>>[vector<16xi32>], vector<16xf32>,
    %add3A_2652 = arith.addf %add3A_2647, %gather3A_2651 : vector<16xf32>
    %add3A_2653 = arith.constant 8 : i32
    %add3A_2654 = vector.broadcast %add3A_2653 : i32 to vector<16xi32>
    %add3A_2655 = arith.addi %mul3A_2603, %add3A_2654 : vector<16xi32>
    %gather3A_2656 = tpu.vector_load_idx %arg15[%add3A_2655] : memref<8704xf32, #tpu.memory_space<vmem>>[vector<16xi32>], vector<16xf32>,
    %add3A_2657 = arith.addf %add3A_2652, %gather3A_2656 : vector<16xf32>
    %add3A_2658 = arith.constant 9 : i32
    %add3A_2659 = vector.broadcast %add3A_2658 : i32 to vector<16xi32>
    %add3A_2660 = arith.addi %mul3A_2603, %add3A_2659 : vector<16xi32>
    %gather3A_2661 = tpu.vector_load_idx %arg15[%add3A_2660] : memref<8704xf32, #tpu.memory_space<vmem>>[vector<16xi32>], vector<16xf32>,
    %add3A_2662 = arith.addf %add3A_2657, %gather3A_2661 : vector<16xf32>
    %add3A_2663 = arith.constant 10 : i32
    %add3A_2664 = vector.broadcast %add3A_2663 : i32 to vector<16xi32>
    %add3A_2665 = arith.addi %mul3A_2603, %add3A_2664 : vector<16xi32>
    %gather3A_2666 = tpu.vector_load_idx %arg15[%add3A_2665] : memref<8704xf32, #tpu.memory_space<vmem>>[vector<16xi32>], vector<16xf32>,
    %add3A_2667 = arith.addf %add3A_2662, %gather3A_2666 : vector<16xf32>
    %add3A_2668 = arith.constant 11 : i32
    %add3A_2669 = vector.broadcast %add3A_2668 : i32 to vector<16xi32>
    %add3A_2670 = arith.addi %mul3A_2603, %add3A_2669 : vector<16xi32>
    %gather3A_2671 = tpu.vector_load_idx %arg15[%add3A_2670] : memref<8704xf32, #tpu.memory_space<vmem>>[vector<16xi32>], vector<16xf32>,
    %add3A_2672 = arith.addf %add3A_2667, %gather3A_2671 : vector<16xf32>
    %add3A_2673 = arith.constant 12 : i32
    %add3A_2674 = vector.broadcast %add3A_2673 : i32 to vector<16xi32>
    %add3A_2675 = arith.addi %mul3A_2603, %add3A_2674 : vector<16xi32>
    %gather3A_2676 = tpu.vector_load_idx %arg15[%add3A_2675] : memref<8704xf32, #tpu.memory_space<vmem>>[vector<16xi32>], vector<16xf32>,
    %add3A_2677 = arith.addf %add3A_2672, %gather3A_2676 : vector<16xf32>
    %add3A_2678 = arith.constant 13 : i32
    %add3A_2679 = vector.broadcast %add3A_2678 : i32 to vector<16xi32>
    %add3A_2680 = arith.addi %mul3A_2603, %add3A_2679 : vector<16xi32>
    %gather3A_2681 = tpu.vector_load_idx %arg15[%add3A_2680] : memref<8704xf32, #tpu.memory_space<vmem>>[vector<16xi32>], vector<16xf32>,
    %add3A_2682 = arith.addf %add3A_2677, %gather3A_2681 : vector<16xf32>
    %add3A_2683 = arith.constant 14 : i32
    %add3A_2684 = vector.broadcast %add3A_2683 : i32 to vector<16xi32>
    %add3A_2685 = arith.addi %mul3A_2603, %add3A_2684 : vector<16xi32>
    %gather3A_2686 = tpu.vector_load_idx %arg15[%add3A_2685] : memref<8704xf32, #tpu.memory_space<vmem>>[vector<16xi32>], vector<16xf32>,
    %add3A_2687 = arith.addf %add3A_2682, %gather3A_2686 : vector<16xf32>
    %add3A_2688 = arith.constant 15 : i32
    %add3A_2689 = vector.broadcast %add3A_2688 : i32 to vector<16xi32>
    %add3A_2690 = arith.addi %mul3A_2603, %add3A_2689 : vector<16xi32>
    %gather3A_2691 = tpu.vector_load_idx %arg15[%add3A_2690] : memref<8704xf32, #tpu.memory_space<vmem>>[vector<16xi32>], vector<16xf32>,
    %add3A_2692 = arith.addf %add3A_2687, %gather3A_2691 : vector<16xf32>
    %swap3A_2693 = arith.constant 368 : index
    %swap3A_2694 = tpu.vector_load %arg16[%swap3A_2693] {strides = array<i32>} : memref<512xf32, #tpu.memory_space<vmem>>, vector<16xf32>,
    tpu.vector_store %arg16[%swap3A_2693], %add3A_2692 {strides = array<i32>} : memref<512xf32, #tpu.memory_space<vmem>>, vector<16xf32>,
    %add3A_2695 = arith.constant 384 : i32
    %add3A_2696 = vector.broadcast %add3A_2695 : i32 to vector<16xi32>
    %add3A_2697 = arith.addi %add3A_2696, %iota3A : vector<16xi32>
    %mul3A_2698 = arith.constant 17 : i32
    %mul3A_2699 = vector.broadcast %mul3A_2698 : i32 to vector<16xi32>
    %mul3A_2700 = arith.muli %add3A_2697, %mul3A_2699 : vector<16xi32>
    %get3A_2701 = arith.constant 3 : i32
    %get3A_2702 = arith.index_cast %get3A_2701 : i32 to index
    %get3A_2703 = arith.constant 0 : index
    %get3A_2704 = tpu.vector_load %arg13[%get3A_2702, %get3A_2703] {strides = array<i32>} : memref<4x128xf32, #tpu.memory_space<vmem>>, vector<16xf32>,
    %get3A_2705 = arith.constant 3 : i32
    %get3A_2706 = arith.index_cast %get3A_2705 : i32 to index
    %get3A_2707 = arith.constant 0 : index
    %get3A_2708 = tpu.vector_load %arg14[%get3A_2706, %get3A_2707] {strides = array<i32>} : memref<4x128xf32, #tpu.memory_space<vmem>>, vector<16xf32>,
    %add3A_2709 = arith.addf %get3A_2704, %get3A_2708 : vector<16xf32>
    %add3A_2710 = arith.constant 0 : i32
    %add3A_2711 = vector.broadcast %add3A_2710 : i32 to vector<16xi32>
    %add3A_2712 = arith.addi %mul3A_2700, %add3A_2711 : vector<16xi32>
    %gather3A_2713 = tpu.vector_load_idx %arg15[%add3A_2712] : memref<8704xf32, #tpu.memory_space<vmem>>[vector<16xi32>], vector<16xf32>,
    %add3A_2714 = arith.addf %add3A_2709, %gather3A_2713 : vector<16xf32>
    %add3A_2715 = arith.constant 1 : i32
    %add3A_2716 = vector.broadcast %add3A_2715 : i32 to vector<16xi32>
    %add3A_2717 = arith.addi %mul3A_2700, %add3A_2716 : vector<16xi32>
    %gather3A_2718 = tpu.vector_load_idx %arg15[%add3A_2717] : memref<8704xf32, #tpu.memory_space<vmem>>[vector<16xi32>], vector<16xf32>,
    %add3A_2719 = arith.addf %add3A_2714, %gather3A_2718 : vector<16xf32>
    %add3A_2720 = arith.constant 2 : i32
    %add3A_2721 = vector.broadcast %add3A_2720 : i32 to vector<16xi32>
    %add3A_2722 = arith.addi %mul3A_2700, %add3A_2721 : vector<16xi32>
    %gather3A_2723 = tpu.vector_load_idx %arg15[%add3A_2722] : memref<8704xf32, #tpu.memory_space<vmem>>[vector<16xi32>], vector<16xf32>,
    %add3A_2724 = arith.addf %add3A_2719, %gather3A_2723 : vector<16xf32>
    %add3A_2725 = arith.constant 3 : i32
    %add3A_2726 = vector.broadcast %add3A_2725 : i32 to vector<16xi32>
    %add3A_2727 = arith.addi %mul3A_2700, %add3A_2726 : vector<16xi32>
    %gather3A_2728 = tpu.vector_load_idx %arg15[%add3A_2727] : memref<8704xf32, #tpu.memory_space<vmem>>[vector<16xi32>], vector<16xf32>,
    %add3A_2729 = arith.addf %add3A_2724, %gather3A_2728 : vector<16xf32>
    %add3A_2730 = arith.constant 4 : i32
    %add3A_2731 = vector.broadcast %add3A_2730 : i32 to vector<16xi32>
    %add3A_2732 = arith.addi %mul3A_2700, %add3A_2731 : vector<16xi32>
    %gather3A_2733 = tpu.vector_load_idx %arg15[%add3A_2732] : memref<8704xf32, #tpu.memory_space<vmem>>[vector<16xi32>], vector<16xf32>,
    %add3A_2734 = arith.addf %add3A_2729, %gather3A_2733 : vector<16xf32>
    %add3A_2735 = arith.constant 5 : i32
    %add3A_2736 = vector.broadcast %add3A_2735 : i32 to vector<16xi32>
    %add3A_2737 = arith.addi %mul3A_2700, %add3A_2736 : vector<16xi32>
    %gather3A_2738 = tpu.vector_load_idx %arg15[%add3A_2737] : memref<8704xf32, #tpu.memory_space<vmem>>[vector<16xi32>], vector<16xf32>,
    %add3A_2739 = arith.addf %add3A_2734, %gather3A_2738 : vector<16xf32>
    %add3A_2740 = arith.constant 6 : i32
    %add3A_2741 = vector.broadcast %add3A_2740 : i32 to vector<16xi32>
    %add3A_2742 = arith.addi %mul3A_2700, %add3A_2741 : vector<16xi32>
    %gather3A_2743 = tpu.vector_load_idx %arg15[%add3A_2742] : memref<8704xf32, #tpu.memory_space<vmem>>[vector<16xi32>], vector<16xf32>,
    %add3A_2744 = arith.addf %add3A_2739, %gather3A_2743 : vector<16xf32>
    %add3A_2745 = arith.constant 7 : i32
    %add3A_2746 = vector.broadcast %add3A_2745 : i32 to vector<16xi32>
    %add3A_2747 = arith.addi %mul3A_2700, %add3A_2746 : vector<16xi32>
    %gather3A_2748 = tpu.vector_load_idx %arg15[%add3A_2747] : memref<8704xf32, #tpu.memory_space<vmem>>[vector<16xi32>], vector<16xf32>,
    %add3A_2749 = arith.addf %add3A_2744, %gather3A_2748 : vector<16xf32>
    %add3A_2750 = arith.constant 8 : i32
    %add3A_2751 = vector.broadcast %add3A_2750 : i32 to vector<16xi32>
    %add3A_2752 = arith.addi %mul3A_2700, %add3A_2751 : vector<16xi32>
    %gather3A_2753 = tpu.vector_load_idx %arg15[%add3A_2752] : memref<8704xf32, #tpu.memory_space<vmem>>[vector<16xi32>], vector<16xf32>,
    %add3A_2754 = arith.addf %add3A_2749, %gather3A_2753 : vector<16xf32>
    %add3A_2755 = arith.constant 9 : i32
    %add3A_2756 = vector.broadcast %add3A_2755 : i32 to vector<16xi32>
    %add3A_2757 = arith.addi %mul3A_2700, %add3A_2756 : vector<16xi32>
    %gather3A_2758 = tpu.vector_load_idx %arg15[%add3A_2757] : memref<8704xf32, #tpu.memory_space<vmem>>[vector<16xi32>], vector<16xf32>,
    %add3A_2759 = arith.addf %add3A_2754, %gather3A_2758 : vector<16xf32>
    %add3A_2760 = arith.constant 10 : i32
    %add3A_2761 = vector.broadcast %add3A_2760 : i32 to vector<16xi32>
    %add3A_2762 = arith.addi %mul3A_2700, %add3A_2761 : vector<16xi32>
    %gather3A_2763 = tpu.vector_load_idx %arg15[%add3A_2762] : memref<8704xf32, #tpu.memory_space<vmem>>[vector<16xi32>], vector<16xf32>,
    %add3A_2764 = arith.addf %add3A_2759, %gather3A_2763 : vector<16xf32>
    %add3A_2765 = arith.constant 11 : i32
    %add3A_2766 = vector.broadcast %add3A_2765 : i32 to vector<16xi32>
    %add3A_2767 = arith.addi %mul3A_2700, %add3A_2766 : vector<16xi32>
    %gather3A_2768 = tpu.vector_load_idx %arg15[%add3A_2767] : memref<8704xf32, #tpu.memory_space<vmem>>[vector<16xi32>], vector<16xf32>,
    %add3A_2769 = arith.addf %add3A_2764, %gather3A_2768 : vector<16xf32>
    %add3A_2770 = arith.constant 12 : i32
    %add3A_2771 = vector.broadcast %add3A_2770 : i32 to vector<16xi32>
    %add3A_2772 = arith.addi %mul3A_2700, %add3A_2771 : vector<16xi32>
    %gather3A_2773 = tpu.vector_load_idx %arg15[%add3A_2772] : memref<8704xf32, #tpu.memory_space<vmem>>[vector<16xi32>], vector<16xf32>,
    %add3A_2774 = arith.addf %add3A_2769, %gather3A_2773 : vector<16xf32>
    %add3A_2775 = arith.constant 13 : i32
    %add3A_2776 = vector.broadcast %add3A_2775 : i32 to vector<16xi32>
    %add3A_2777 = arith.addi %mul3A_2700, %add3A_2776 : vector<16xi32>
    %gather3A_2778 = tpu.vector_load_idx %arg15[%add3A_2777] : memref<8704xf32, #tpu.memory_space<vmem>>[vector<16xi32>], vector<16xf32>,
    %add3A_2779 = arith.addf %add3A_2774, %gather3A_2778 : vector<16xf32>
    %add3A_2780 = arith.constant 14 : i32
    %add3A_2781 = vector.broadcast %add3A_2780 : i32 to vector<16xi32>
    %add3A_2782 = arith.addi %mul3A_2700, %add3A_2781 : vector<16xi32>
    %gather3A_2783 = tpu.vector_load_idx %arg15[%add3A_2782] : memref<8704xf32, #tpu.memory_space<vmem>>[vector<16xi32>], vector<16xf32>,
    %add3A_2784 = arith.addf %add3A_2779, %gather3A_2783 : vector<16xf32>
    %add3A_2785 = arith.constant 15 : i32
    %add3A_2786 = vector.broadcast %add3A_2785 : i32 to vector<16xi32>
    %add3A_2787 = arith.addi %mul3A_2700, %add3A_2786 : vector<16xi32>
    %gather3A_2788 = tpu.vector_load_idx %arg15[%add3A_2787] : memref<8704xf32, #tpu.memory_space<vmem>>[vector<16xi32>], vector<16xf32>,
    %add3A_2789 = arith.addf %add3A_2784, %gather3A_2788 : vector<16xf32>
    %swap3A_2790 = arith.constant 384 : index
    %swap3A_2791 = tpu.vector_load %arg16[%swap3A_2790] {strides = array<i32>} : memref<512xf32, #tpu.memory_space<vmem>>, vector<16xf32>,
    tpu.vector_store %arg16[%swap3A_2790], %add3A_2789 {strides = array<i32>} : memref<512xf32, #tpu.memory_space<vmem>>, vector<16xf32>,
    %add3A_2792 = arith.constant 400 : i32
    %add3A_2793 = vector.broadcast %add3A_2792 : i32 to vector<16xi32>
    %add3A_2794 = arith.addi %add3A_2793, %iota3A : vector<16xi32>
    %mul3A_2795 = arith.constant 17 : i32
    %mul3A_2796 = vector.broadcast %mul3A_2795 : i32 to vector<16xi32>
    %mul3A_2797 = arith.muli %add3A_2794, %mul3A_2796 : vector<16xi32>
    %get3A_2798 = arith.constant 3 : i32
    %get3A_2799 = arith.index_cast %get3A_2798 : i32 to index
    %get3A_2800 = arith.constant 16 : index
    %get3A_2801 = tpu.vector_load %arg13[%get3A_2799, %get3A_2800] {strides = array<i32>} : memref<4x128xf32, #tpu.memory_space<vmem>>, vector<16xf32>,
    %get3A_2802 = arith.constant 3 : i32
    %get3A_2803 = arith.index_cast %get3A_2802 : i32 to index
    %get3A_2804 = arith.constant 16 : index
    %get3A_2805 = tpu.vector_load %arg14[%get3A_2803, %get3A_2804] {strides = array<i32>} : memref<4x128xf32, #tpu.memory_space<vmem>>, vector<16xf32>,
    %add3A_2806 = arith.addf %get3A_2801, %get3A_2805 : vector<16xf32>
    %add3A_2807 = arith.constant 0 : i32
    %add3A_2808 = vector.broadcast %add3A_2807 : i32 to vector<16xi32>
    %add3A_2809 = arith.addi %mul3A_2797, %add3A_2808 : vector<16xi32>
    %gather3A_2810 = tpu.vector_load_idx %arg15[%add3A_2809] : memref<8704xf32, #tpu.memory_space<vmem>>[vector<16xi32>], vector<16xf32>,
    %add3A_2811 = arith.addf %add3A_2806, %gather3A_2810 : vector<16xf32>
    %add3A_2812 = arith.constant 1 : i32
    %add3A_2813 = vector.broadcast %add3A_2812 : i32 to vector<16xi32>
    %add3A_2814 = arith.addi %mul3A_2797, %add3A_2813 : vector<16xi32>
    %gather3A_2815 = tpu.vector_load_idx %arg15[%add3A_2814] : memref<8704xf32, #tpu.memory_space<vmem>>[vector<16xi32>], vector<16xf32>,
    %add3A_2816 = arith.addf %add3A_2811, %gather3A_2815 : vector<16xf32>
    %add3A_2817 = arith.constant 2 : i32
    %add3A_2818 = vector.broadcast %add3A_2817 : i32 to vector<16xi32>
    %add3A_2819 = arith.addi %mul3A_2797, %add3A_2818 : vector<16xi32>
    %gather3A_2820 = tpu.vector_load_idx %arg15[%add3A_2819] : memref<8704xf32, #tpu.memory_space<vmem>>[vector<16xi32>], vector<16xf32>,
    %add3A_2821 = arith.addf %add3A_2816, %gather3A_2820 : vector<16xf32>
    %add3A_2822 = arith.constant 3 : i32
    %add3A_2823 = vector.broadcast %add3A_2822 : i32 to vector<16xi32>
    %add3A_2824 = arith.addi %mul3A_2797, %add3A_2823 : vector<16xi32>
    %gather3A_2825 = tpu.vector_load_idx %arg15[%add3A_2824] : memref<8704xf32, #tpu.memory_space<vmem>>[vector<16xi32>], vector<16xf32>,
    %add3A_2826 = arith.addf %add3A_2821, %gather3A_2825 : vector<16xf32>
    %add3A_2827 = arith.constant 4 : i32
    %add3A_2828 = vector.broadcast %add3A_2827 : i32 to vector<16xi32>
    %add3A_2829 = arith.addi %mul3A_2797, %add3A_2828 : vector<16xi32>
    %gather3A_2830 = tpu.vector_load_idx %arg15[%add3A_2829] : memref<8704xf32, #tpu.memory_space<vmem>>[vector<16xi32>], vector<16xf32>,
    %add3A_2831 = arith.addf %add3A_2826, %gather3A_2830 : vector<16xf32>
    %add3A_2832 = arith.constant 5 : i32
    %add3A_2833 = vector.broadcast %add3A_2832 : i32 to vector<16xi32>
    %add3A_2834 = arith.addi %mul3A_2797, %add3A_2833 : vector<16xi32>
    %gather3A_2835 = tpu.vector_load_idx %arg15[%add3A_2834] : memref<8704xf32, #tpu.memory_space<vmem>>[vector<16xi32>], vector<16xf32>,
    %add3A_2836 = arith.addf %add3A_2831, %gather3A_2835 : vector<16xf32>
    %add3A_2837 = arith.constant 6 : i32
    %add3A_2838 = vector.broadcast %add3A_2837 : i32 to vector<16xi32>
    %add3A_2839 = arith.addi %mul3A_2797, %add3A_2838 : vector<16xi32>
    %gather3A_2840 = tpu.vector_load_idx %arg15[%add3A_2839] : memref<8704xf32, #tpu.memory_space<vmem>>[vector<16xi32>], vector<16xf32>,
    %add3A_2841 = arith.addf %add3A_2836, %gather3A_2840 : vector<16xf32>
    %add3A_2842 = arith.constant 7 : i32
    %add3A_2843 = vector.broadcast %add3A_2842 : i32 to vector<16xi32>
    %add3A_2844 = arith.addi %mul3A_2797, %add3A_2843 : vector<16xi32>
    %gather3A_2845 = tpu.vector_load_idx %arg15[%add3A_2844] : memref<8704xf32, #tpu.memory_space<vmem>>[vector<16xi32>], vector<16xf32>,
    %add3A_2846 = arith.addf %add3A_2841, %gather3A_2845 : vector<16xf32>
    %add3A_2847 = arith.constant 8 : i32
    %add3A_2848 = vector.broadcast %add3A_2847 : i32 to vector<16xi32>
    %add3A_2849 = arith.addi %mul3A_2797, %add3A_2848 : vector<16xi32>
    %gather3A_2850 = tpu.vector_load_idx %arg15[%add3A_2849] : memref<8704xf32, #tpu.memory_space<vmem>>[vector<16xi32>], vector<16xf32>,
    %add3A_2851 = arith.addf %add3A_2846, %gather3A_2850 : vector<16xf32>
    %add3A_2852 = arith.constant 9 : i32
    %add3A_2853 = vector.broadcast %add3A_2852 : i32 to vector<16xi32>
    %add3A_2854 = arith.addi %mul3A_2797, %add3A_2853 : vector<16xi32>
    %gather3A_2855 = tpu.vector_load_idx %arg15[%add3A_2854] : memref<8704xf32, #tpu.memory_space<vmem>>[vector<16xi32>], vector<16xf32>,
    %add3A_2856 = arith.addf %add3A_2851, %gather3A_2855 : vector<16xf32>
    %add3A_2857 = arith.constant 10 : i32
    %add3A_2858 = vector.broadcast %add3A_2857 : i32 to vector<16xi32>
    %add3A_2859 = arith.addi %mul3A_2797, %add3A_2858 : vector<16xi32>
    %gather3A_2860 = tpu.vector_load_idx %arg15[%add3A_2859] : memref<8704xf32, #tpu.memory_space<vmem>>[vector<16xi32>], vector<16xf32>,
    %add3A_2861 = arith.addf %add3A_2856, %gather3A_2860 : vector<16xf32>
    %add3A_2862 = arith.constant 11 : i32
    %add3A_2863 = vector.broadcast %add3A_2862 : i32 to vector<16xi32>
    %add3A_2864 = arith.addi %mul3A_2797, %add3A_2863 : vector<16xi32>
    %gather3A_2865 = tpu.vector_load_idx %arg15[%add3A_2864] : memref<8704xf32, #tpu.memory_space<vmem>>[vector<16xi32>], vector<16xf32>,
    %add3A_2866 = arith.addf %add3A_2861, %gather3A_2865 : vector<16xf32>
    %add3A_2867 = arith.constant 12 : i32
    %add3A_2868 = vector.broadcast %add3A_2867 : i32 to vector<16xi32>
    %add3A_2869 = arith.addi %mul3A_2797, %add3A_2868 : vector<16xi32>
    %gather3A_2870 = tpu.vector_load_idx %arg15[%add3A_2869] : memref<8704xf32, #tpu.memory_space<vmem>>[vector<16xi32>], vector<16xf32>,
    %add3A_2871 = arith.addf %add3A_2866, %gather3A_2870 : vector<16xf32>
    %add3A_2872 = arith.constant 13 : i32
    %add3A_2873 = vector.broadcast %add3A_2872 : i32 to vector<16xi32>
    %add3A_2874 = arith.addi %mul3A_2797, %add3A_2873 : vector<16xi32>
    %gather3A_2875 = tpu.vector_load_idx %arg15[%add3A_2874] : memref<8704xf32, #tpu.memory_space<vmem>>[vector<16xi32>], vector<16xf32>,
    %add3A_2876 = arith.addf %add3A_2871, %gather3A_2875 : vector<16xf32>
    %add3A_2877 = arith.constant 14 : i32
    %add3A_2878 = vector.broadcast %add3A_2877 : i32 to vector<16xi32>
    %add3A_2879 = arith.addi %mul3A_2797, %add3A_2878 : vector<16xi32>
    %gather3A_2880 = tpu.vector_load_idx %arg15[%add3A_2879] : memref<8704xf32, #tpu.memory_space<vmem>>[vector<16xi32>], vector<16xf32>,
    %add3A_2881 = arith.addf %add3A_2876, %gather3A_2880 : vector<16xf32>
    %add3A_2882 = arith.constant 15 : i32
    %add3A_2883 = vector.broadcast %add3A_2882 : i32 to vector<16xi32>
    %add3A_2884 = arith.addi %mul3A_2797, %add3A_2883 : vector<16xi32>
    %gather3A_2885 = tpu.vector_load_idx %arg15[%add3A_2884] : memref<8704xf32, #tpu.memory_space<vmem>>[vector<16xi32>], vector<16xf32>,
    %add3A_2886 = arith.addf %add3A_2881, %gather3A_2885 : vector<16xf32>
    %swap3A_2887 = arith.constant 400 : index
    %swap3A_2888 = tpu.vector_load %arg16[%swap3A_2887] {strides = array<i32>} : memref<512xf32, #tpu.memory_space<vmem>>, vector<16xf32>,
    tpu.vector_store %arg16[%swap3A_2887], %add3A_2886 {strides = array<i32>} : memref<512xf32, #tpu.memory_space<vmem>>, vector<16xf32>,
    %add3A_2889 = arith.constant 416 : i32
    %add3A_2890 = vector.broadcast %add3A_2889 : i32 to vector<16xi32>
    %add3A_2891 = arith.addi %add3A_2890, %iota3A : vector<16xi32>
    %mul3A_2892 = arith.constant 17 : i32
    %mul3A_2893 = vector.broadcast %mul3A_2892 : i32 to vector<16xi32>
    %mul3A_2894 = arith.muli %add3A_2891, %mul3A_2893 : vector<16xi32>
    %get3A_2895 = arith.constant 3 : i32
    %get3A_2896 = arith.index_cast %get3A_2895 : i32 to index
    %get3A_2897 = arith.constant 32 : index
    %get3A_2898 = tpu.vector_load %arg13[%get3A_2896, %get3A_2897] {strides = array<i32>} : memref<4x128xf32, #tpu.memory_space<vmem>>, vector<16xf32>,
    %get3A_2899 = arith.constant 3 : i32
    %get3A_2900 = arith.index_cast %get3A_2899 : i32 to index
    %get3A_2901 = arith.constant 32 : index
    %get3A_2902 = tpu.vector_load %arg14[%get3A_2900, %get3A_2901] {strides = array<i32>} : memref<4x128xf32, #tpu.memory_space<vmem>>, vector<16xf32>,
    %add3A_2903 = arith.addf %get3A_2898, %get3A_2902 : vector<16xf32>
    %add3A_2904 = arith.constant 0 : i32
    %add3A_2905 = vector.broadcast %add3A_2904 : i32 to vector<16xi32>
    %add3A_2906 = arith.addi %mul3A_2894, %add3A_2905 : vector<16xi32>
    %gather3A_2907 = tpu.vector_load_idx %arg15[%add3A_2906] : memref<8704xf32, #tpu.memory_space<vmem>>[vector<16xi32>], vector<16xf32>,
    %add3A_2908 = arith.addf %add3A_2903, %gather3A_2907 : vector<16xf32>
    %add3A_2909 = arith.constant 1 : i32
    %add3A_2910 = vector.broadcast %add3A_2909 : i32 to vector<16xi32>
    %add3A_2911 = arith.addi %mul3A_2894, %add3A_2910 : vector<16xi32>
    %gather3A_2912 = tpu.vector_load_idx %arg15[%add3A_2911] : memref<8704xf32, #tpu.memory_space<vmem>>[vector<16xi32>], vector<16xf32>,
    %add3A_2913 = arith.addf %add3A_2908, %gather3A_2912 : vector<16xf32>
    %add3A_2914 = arith.constant 2 : i32
    %add3A_2915 = vector.broadcast %add3A_2914 : i32 to vector<16xi32>
    %add3A_2916 = arith.addi %mul3A_2894, %add3A_2915 : vector<16xi32>
    %gather3A_2917 = tpu.vector_load_idx %arg15[%add3A_2916] : memref<8704xf32, #tpu.memory_space<vmem>>[vector<16xi32>], vector<16xf32>,
    %add3A_2918 = arith.addf %add3A_2913, %gather3A_2917 : vector<16xf32>
    %add3A_2919 = arith.constant 3 : i32
    %add3A_2920 = vector.broadcast %add3A_2919 : i32 to vector<16xi32>
    %add3A_2921 = arith.addi %mul3A_2894, %add3A_2920 : vector<16xi32>
    %gather3A_2922 = tpu.vector_load_idx %arg15[%add3A_2921] : memref<8704xf32, #tpu.memory_space<vmem>>[vector<16xi32>], vector<16xf32>,
    %add3A_2923 = arith.addf %add3A_2918, %gather3A_2922 : vector<16xf32>
    %add3A_2924 = arith.constant 4 : i32
    %add3A_2925 = vector.broadcast %add3A_2924 : i32 to vector<16xi32>
    %add3A_2926 = arith.addi %mul3A_2894, %add3A_2925 : vector<16xi32>
    %gather3A_2927 = tpu.vector_load_idx %arg15[%add3A_2926] : memref<8704xf32, #tpu.memory_space<vmem>>[vector<16xi32>], vector<16xf32>,
    %add3A_2928 = arith.addf %add3A_2923, %gather3A_2927 : vector<16xf32>
    %add3A_2929 = arith.constant 5 : i32
    %add3A_2930 = vector.broadcast %add3A_2929 : i32 to vector<16xi32>
    %add3A_2931 = arith.addi %mul3A_2894, %add3A_2930 : vector<16xi32>
    %gather3A_2932 = tpu.vector_load_idx %arg15[%add3A_2931] : memref<8704xf32, #tpu.memory_space<vmem>>[vector<16xi32>], vector<16xf32>,
    %add3A_2933 = arith.addf %add3A_2928, %gather3A_2932 : vector<16xf32>
    %add3A_2934 = arith.constant 6 : i32
    %add3A_2935 = vector.broadcast %add3A_2934 : i32 to vector<16xi32>
    %add3A_2936 = arith.addi %mul3A_2894, %add3A_2935 : vector<16xi32>
    %gather3A_2937 = tpu.vector_load_idx %arg15[%add3A_2936] : memref<8704xf32, #tpu.memory_space<vmem>>[vector<16xi32>], vector<16xf32>,
    %add3A_2938 = arith.addf %add3A_2933, %gather3A_2937 : vector<16xf32>
    %add3A_2939 = arith.constant 7 : i32
    %add3A_2940 = vector.broadcast %add3A_2939 : i32 to vector<16xi32>
    %add3A_2941 = arith.addi %mul3A_2894, %add3A_2940 : vector<16xi32>
    %gather3A_2942 = tpu.vector_load_idx %arg15[%add3A_2941] : memref<8704xf32, #tpu.memory_space<vmem>>[vector<16xi32>], vector<16xf32>,
    %add3A_2943 = arith.addf %add3A_2938, %gather3A_2942 : vector<16xf32>
    %add3A_2944 = arith.constant 8 : i32
    %add3A_2945 = vector.broadcast %add3A_2944 : i32 to vector<16xi32>
    %add3A_2946 = arith.addi %mul3A_2894, %add3A_2945 : vector<16xi32>
    %gather3A_2947 = tpu.vector_load_idx %arg15[%add3A_2946] : memref<8704xf32, #tpu.memory_space<vmem>>[vector<16xi32>], vector<16xf32>,
    %add3A_2948 = arith.addf %add3A_2943, %gather3A_2947 : vector<16xf32>
    %add3A_2949 = arith.constant 9 : i32
    %add3A_2950 = vector.broadcast %add3A_2949 : i32 to vector<16xi32>
    %add3A_2951 = arith.addi %mul3A_2894, %add3A_2950 : vector<16xi32>
    %gather3A_2952 = tpu.vector_load_idx %arg15[%add3A_2951] : memref<8704xf32, #tpu.memory_space<vmem>>[vector<16xi32>], vector<16xf32>,
    %add3A_2953 = arith.addf %add3A_2948, %gather3A_2952 : vector<16xf32>
    %add3A_2954 = arith.constant 10 : i32
    %add3A_2955 = vector.broadcast %add3A_2954 : i32 to vector<16xi32>
    %add3A_2956 = arith.addi %mul3A_2894, %add3A_2955 : vector<16xi32>
    %gather3A_2957 = tpu.vector_load_idx %arg15[%add3A_2956] : memref<8704xf32, #tpu.memory_space<vmem>>[vector<16xi32>], vector<16xf32>,
    %add3A_2958 = arith.addf %add3A_2953, %gather3A_2957 : vector<16xf32>
    %add3A_2959 = arith.constant 11 : i32
    %add3A_2960 = vector.broadcast %add3A_2959 : i32 to vector<16xi32>
    %add3A_2961 = arith.addi %mul3A_2894, %add3A_2960 : vector<16xi32>
    %gather3A_2962 = tpu.vector_load_idx %arg15[%add3A_2961] : memref<8704xf32, #tpu.memory_space<vmem>>[vector<16xi32>], vector<16xf32>,
    %add3A_2963 = arith.addf %add3A_2958, %gather3A_2962 : vector<16xf32>
    %add3A_2964 = arith.constant 12 : i32
    %add3A_2965 = vector.broadcast %add3A_2964 : i32 to vector<16xi32>
    %add3A_2966 = arith.addi %mul3A_2894, %add3A_2965 : vector<16xi32>
    %gather3A_2967 = tpu.vector_load_idx %arg15[%add3A_2966] : memref<8704xf32, #tpu.memory_space<vmem>>[vector<16xi32>], vector<16xf32>,
    %add3A_2968 = arith.addf %add3A_2963, %gather3A_2967 : vector<16xf32>
    %add3A_2969 = arith.constant 13 : i32
    %add3A_2970 = vector.broadcast %add3A_2969 : i32 to vector<16xi32>
    %add3A_2971 = arith.addi %mul3A_2894, %add3A_2970 : vector<16xi32>
    %gather3A_2972 = tpu.vector_load_idx %arg15[%add3A_2971] : memref<8704xf32, #tpu.memory_space<vmem>>[vector<16xi32>], vector<16xf32>,
    %add3A_2973 = arith.addf %add3A_2968, %gather3A_2972 : vector<16xf32>
    %add3A_2974 = arith.constant 14 : i32
    %add3A_2975 = vector.broadcast %add3A_2974 : i32 to vector<16xi32>
    %add3A_2976 = arith.addi %mul3A_2894, %add3A_2975 : vector<16xi32>
    %gather3A_2977 = tpu.vector_load_idx %arg15[%add3A_2976] : memref<8704xf32, #tpu.memory_space<vmem>>[vector<16xi32>], vector<16xf32>,
    %add3A_2978 = arith.addf %add3A_2973, %gather3A_2977 : vector<16xf32>
    %add3A_2979 = arith.constant 15 : i32
    %add3A_2980 = vector.broadcast %add3A_2979 : i32 to vector<16xi32>
    %add3A_2981 = arith.addi %mul3A_2894, %add3A_2980 : vector<16xi32>
    %gather3A_2982 = tpu.vector_load_idx %arg15[%add3A_2981] : memref<8704xf32, #tpu.memory_space<vmem>>[vector<16xi32>], vector<16xf32>,
    %add3A_2983 = arith.addf %add3A_2978, %gather3A_2982 : vector<16xf32>
    %swap3A_2984 = arith.constant 416 : index
    %swap3A_2985 = tpu.vector_load %arg16[%swap3A_2984] {strides = array<i32>} : memref<512xf32, #tpu.memory_space<vmem>>, vector<16xf32>,
    tpu.vector_store %arg16[%swap3A_2984], %add3A_2983 {strides = array<i32>} : memref<512xf32, #tpu.memory_space<vmem>>, vector<16xf32>,
    %add3A_2986 = arith.constant 432 : i32
    %add3A_2987 = vector.broadcast %add3A_2986 : i32 to vector<16xi32>
    %add3A_2988 = arith.addi %add3A_2987, %iota3A : vector<16xi32>
    %mul3A_2989 = arith.constant 17 : i32
    %mul3A_2990 = vector.broadcast %mul3A_2989 : i32 to vector<16xi32>
    %mul3A_2991 = arith.muli %add3A_2988, %mul3A_2990 : vector<16xi32>
    %get3A_2992 = arith.constant 3 : i32
    %get3A_2993 = arith.index_cast %get3A_2992 : i32 to index
    %get3A_2994 = arith.constant 48 : index
    %get3A_2995 = tpu.vector_load %arg13[%get3A_2993, %get3A_2994] {strides = array<i32>} : memref<4x128xf32, #tpu.memory_space<vmem>>, vector<16xf32>,
    %get3A_2996 = arith.constant 3 : i32
    %get3A_2997 = arith.index_cast %get3A_2996 : i32 to index
    %get3A_2998 = arith.constant 48 : index
    %get3A_2999 = tpu.vector_load %arg14[%get3A_2997, %get3A_2998] {strides = array<i32>} : memref<4x128xf32, #tpu.memory_space<vmem>>, vector<16xf32>,
    %add3A_3000 = arith.addf %get3A_2995, %get3A_2999 : vector<16xf32>
    %add3A_3001 = arith.constant 0 : i32
    %add3A_3002 = vector.broadcast %add3A_3001 : i32 to vector<16xi32>
    %add3A_3003 = arith.addi %mul3A_2991, %add3A_3002 : vector<16xi32>
    %gather3A_3004 = tpu.vector_load_idx %arg15[%add3A_3003] : memref<8704xf32, #tpu.memory_space<vmem>>[vector<16xi32>], vector<16xf32>,
    %add3A_3005 = arith.addf %add3A_3000, %gather3A_3004 : vector<16xf32>
    %add3A_3006 = arith.constant 1 : i32
    %add3A_3007 = vector.broadcast %add3A_3006 : i32 to vector<16xi32>
    %add3A_3008 = arith.addi %mul3A_2991, %add3A_3007 : vector<16xi32>
    %gather3A_3009 = tpu.vector_load_idx %arg15[%add3A_3008] : memref<8704xf32, #tpu.memory_space<vmem>>[vector<16xi32>], vector<16xf32>,
    %add3A_3010 = arith.addf %add3A_3005, %gather3A_3009 : vector<16xf32>
    %add3A_3011 = arith.constant 2 : i32
    %add3A_3012 = vector.broadcast %add3A_3011 : i32 to vector<16xi32>
    %add3A_3013 = arith.addi %mul3A_2991, %add3A_3012 : vector<16xi32>
    %gather3A_3014 = tpu.vector_load_idx %arg15[%add3A_3013] : memref<8704xf32, #tpu.memory_space<vmem>>[vector<16xi32>], vector<16xf32>,
    %add3A_3015 = arith.addf %add3A_3010, %gather3A_3014 : vector<16xf32>
    %add3A_3016 = arith.constant 3 : i32
    %add3A_3017 = vector.broadcast %add3A_3016 : i32 to vector<16xi32>
    %add3A_3018 = arith.addi %mul3A_2991, %add3A_3017 : vector<16xi32>
    %gather3A_3019 = tpu.vector_load_idx %arg15[%add3A_3018] : memref<8704xf32, #tpu.memory_space<vmem>>[vector<16xi32>], vector<16xf32>,
    %add3A_3020 = arith.addf %add3A_3015, %gather3A_3019 : vector<16xf32>
    %add3A_3021 = arith.constant 4 : i32
    %add3A_3022 = vector.broadcast %add3A_3021 : i32 to vector<16xi32>
    %add3A_3023 = arith.addi %mul3A_2991, %add3A_3022 : vector<16xi32>
    %gather3A_3024 = tpu.vector_load_idx %arg15[%add3A_3023] : memref<8704xf32, #tpu.memory_space<vmem>>[vector<16xi32>], vector<16xf32>,
    %add3A_3025 = arith.addf %add3A_3020, %gather3A_3024 : vector<16xf32>
    %add3A_3026 = arith.constant 5 : i32
    %add3A_3027 = vector.broadcast %add3A_3026 : i32 to vector<16xi32>
    %add3A_3028 = arith.addi %mul3A_2991, %add3A_3027 : vector<16xi32>
    %gather3A_3029 = tpu.vector_load_idx %arg15[%add3A_3028] : memref<8704xf32, #tpu.memory_space<vmem>>[vector<16xi32>], vector<16xf32>,
    %add3A_3030 = arith.addf %add3A_3025, %gather3A_3029 : vector<16xf32>
    %add3A_3031 = arith.constant 6 : i32
    %add3A_3032 = vector.broadcast %add3A_3031 : i32 to vector<16xi32>
    %add3A_3033 = arith.addi %mul3A_2991, %add3A_3032 : vector<16xi32>
    %gather3A_3034 = tpu.vector_load_idx %arg15[%add3A_3033] : memref<8704xf32, #tpu.memory_space<vmem>>[vector<16xi32>], vector<16xf32>,
    %add3A_3035 = arith.addf %add3A_3030, %gather3A_3034 : vector<16xf32>
    %add3A_3036 = arith.constant 7 : i32
    %add3A_3037 = vector.broadcast %add3A_3036 : i32 to vector<16xi32>
    %add3A_3038 = arith.addi %mul3A_2991, %add3A_3037 : vector<16xi32>
    %gather3A_3039 = tpu.vector_load_idx %arg15[%add3A_3038] : memref<8704xf32, #tpu.memory_space<vmem>>[vector<16xi32>], vector<16xf32>,
    %add3A_3040 = arith.addf %add3A_3035, %gather3A_3039 : vector<16xf32>
    %add3A_3041 = arith.constant 8 : i32
    %add3A_3042 = vector.broadcast %add3A_3041 : i32 to vector<16xi32>
    %add3A_3043 = arith.addi %mul3A_2991, %add3A_3042 : vector<16xi32>
    %gather3A_3044 = tpu.vector_load_idx %arg15[%add3A_3043] : memref<8704xf32, #tpu.memory_space<vmem>>[vector<16xi32>], vector<16xf32>,
    %add3A_3045 = arith.addf %add3A_3040, %gather3A_3044 : vector<16xf32>
    %add3A_3046 = arith.constant 9 : i32
    %add3A_3047 = vector.broadcast %add3A_3046 : i32 to vector<16xi32>
    %add3A_3048 = arith.addi %mul3A_2991, %add3A_3047 : vector<16xi32>
    %gather3A_3049 = tpu.vector_load_idx %arg15[%add3A_3048] : memref<8704xf32, #tpu.memory_space<vmem>>[vector<16xi32>], vector<16xf32>,
    %add3A_3050 = arith.addf %add3A_3045, %gather3A_3049 : vector<16xf32>
    %add3A_3051 = arith.constant 10 : i32
    %add3A_3052 = vector.broadcast %add3A_3051 : i32 to vector<16xi32>
    %add3A_3053 = arith.addi %mul3A_2991, %add3A_3052 : vector<16xi32>
    %gather3A_3054 = tpu.vector_load_idx %arg15[%add3A_3053] : memref<8704xf32, #tpu.memory_space<vmem>>[vector<16xi32>], vector<16xf32>,
    %add3A_3055 = arith.addf %add3A_3050, %gather3A_3054 : vector<16xf32>
    %add3A_3056 = arith.constant 11 : i32
    %add3A_3057 = vector.broadcast %add3A_3056 : i32 to vector<16xi32>
    %add3A_3058 = arith.addi %mul3A_2991, %add3A_3057 : vector<16xi32>
    %gather3A_3059 = tpu.vector_load_idx %arg15[%add3A_3058] : memref<8704xf32, #tpu.memory_space<vmem>>[vector<16xi32>], vector<16xf32>,
    %add3A_3060 = arith.addf %add3A_3055, %gather3A_3059 : vector<16xf32>
    %add3A_3061 = arith.constant 12 : i32
    %add3A_3062 = vector.broadcast %add3A_3061 : i32 to vector<16xi32>
    %add3A_3063 = arith.addi %mul3A_2991, %add3A_3062 : vector<16xi32>
    %gather3A_3064 = tpu.vector_load_idx %arg15[%add3A_3063] : memref<8704xf32, #tpu.memory_space<vmem>>[vector<16xi32>], vector<16xf32>,
    %add3A_3065 = arith.addf %add3A_3060, %gather3A_3064 : vector<16xf32>
    %add3A_3066 = arith.constant 13 : i32
    %add3A_3067 = vector.broadcast %add3A_3066 : i32 to vector<16xi32>
    %add3A_3068 = arith.addi %mul3A_2991, %add3A_3067 : vector<16xi32>
    %gather3A_3069 = tpu.vector_load_idx %arg15[%add3A_3068] : memref<8704xf32, #tpu.memory_space<vmem>>[vector<16xi32>], vector<16xf32>,
    %add3A_3070 = arith.addf %add3A_3065, %gather3A_3069 : vector<16xf32>
    %add3A_3071 = arith.constant 14 : i32
    %add3A_3072 = vector.broadcast %add3A_3071 : i32 to vector<16xi32>
    %add3A_3073 = arith.addi %mul3A_2991, %add3A_3072 : vector<16xi32>
    %gather3A_3074 = tpu.vector_load_idx %arg15[%add3A_3073] : memref<8704xf32, #tpu.memory_space<vmem>>[vector<16xi32>], vector<16xf32>,
    %add3A_3075 = arith.addf %add3A_3070, %gather3A_3074 : vector<16xf32>
    %add3A_3076 = arith.constant 15 : i32
    %add3A_3077 = vector.broadcast %add3A_3076 : i32 to vector<16xi32>
    %add3A_3078 = arith.addi %mul3A_2991, %add3A_3077 : vector<16xi32>
    %gather3A_3079 = tpu.vector_load_idx %arg15[%add3A_3078] : memref<8704xf32, #tpu.memory_space<vmem>>[vector<16xi32>], vector<16xf32>,
    %add3A_3080 = arith.addf %add3A_3075, %gather3A_3079 : vector<16xf32>
    %swap3A_3081 = arith.constant 432 : index
    %swap3A_3082 = tpu.vector_load %arg16[%swap3A_3081] {strides = array<i32>} : memref<512xf32, #tpu.memory_space<vmem>>, vector<16xf32>,
    tpu.vector_store %arg16[%swap3A_3081], %add3A_3080 {strides = array<i32>} : memref<512xf32, #tpu.memory_space<vmem>>, vector<16xf32>,
    %add3A_3083 = arith.constant 448 : i32
    %add3A_3084 = vector.broadcast %add3A_3083 : i32 to vector<16xi32>
    %add3A_3085 = arith.addi %add3A_3084, %iota3A : vector<16xi32>
    %mul3A_3086 = arith.constant 17 : i32
    %mul3A_3087 = vector.broadcast %mul3A_3086 : i32 to vector<16xi32>
    %mul3A_3088 = arith.muli %add3A_3085, %mul3A_3087 : vector<16xi32>
    %get3A_3089 = arith.constant 3 : i32
    %get3A_3090 = arith.index_cast %get3A_3089 : i32 to index
    %get3A_3091 = arith.constant 64 : index
    %get3A_3092 = tpu.vector_load %arg13[%get3A_3090, %get3A_3091] {strides = array<i32>} : memref<4x128xf32, #tpu.memory_space<vmem>>, vector<16xf32>,
    %get3A_3093 = arith.constant 3 : i32
    %get3A_3094 = arith.index_cast %get3A_3093 : i32 to index
    %get3A_3095 = arith.constant 64 : index
    %get3A_3096 = tpu.vector_load %arg14[%get3A_3094, %get3A_3095] {strides = array<i32>} : memref<4x128xf32, #tpu.memory_space<vmem>>, vector<16xf32>,
    %add3A_3097 = arith.addf %get3A_3092, %get3A_3096 : vector<16xf32>
    %add3A_3098 = arith.constant 0 : i32
    %add3A_3099 = vector.broadcast %add3A_3098 : i32 to vector<16xi32>
    %add3A_3100 = arith.addi %mul3A_3088, %add3A_3099 : vector<16xi32>
    %gather3A_3101 = tpu.vector_load_idx %arg15[%add3A_3100] : memref<8704xf32, #tpu.memory_space<vmem>>[vector<16xi32>], vector<16xf32>,
    %add3A_3102 = arith.addf %add3A_3097, %gather3A_3101 : vector<16xf32>
    %add3A_3103 = arith.constant 1 : i32
    %add3A_3104 = vector.broadcast %add3A_3103 : i32 to vector<16xi32>
    %add3A_3105 = arith.addi %mul3A_3088, %add3A_3104 : vector<16xi32>
    %gather3A_3106 = tpu.vector_load_idx %arg15[%add3A_3105] : memref<8704xf32, #tpu.memory_space<vmem>>[vector<16xi32>], vector<16xf32>,
    %add3A_3107 = arith.addf %add3A_3102, %gather3A_3106 : vector<16xf32>
    %add3A_3108 = arith.constant 2 : i32
    %add3A_3109 = vector.broadcast %add3A_3108 : i32 to vector<16xi32>
    %add3A_3110 = arith.addi %mul3A_3088, %add3A_3109 : vector<16xi32>
    %gather3A_3111 = tpu.vector_load_idx %arg15[%add3A_3110] : memref<8704xf32, #tpu.memory_space<vmem>>[vector<16xi32>], vector<16xf32>,
    %add3A_3112 = arith.addf %add3A_3107, %gather3A_3111 : vector<16xf32>
    %add3A_3113 = arith.constant 3 : i32
    %add3A_3114 = vector.broadcast %add3A_3113 : i32 to vector<16xi32>
    %add3A_3115 = arith.addi %mul3A_3088, %add3A_3114 : vector<16xi32>
    %gather3A_3116 = tpu.vector_load_idx %arg15[%add3A_3115] : memref<8704xf32, #tpu.memory_space<vmem>>[vector<16xi32>], vector<16xf32>,
    %add3A_3117 = arith.addf %add3A_3112, %gather3A_3116 : vector<16xf32>
    %add3A_3118 = arith.constant 4 : i32
    %add3A_3119 = vector.broadcast %add3A_3118 : i32 to vector<16xi32>
    %add3A_3120 = arith.addi %mul3A_3088, %add3A_3119 : vector<16xi32>
    %gather3A_3121 = tpu.vector_load_idx %arg15[%add3A_3120] : memref<8704xf32, #tpu.memory_space<vmem>>[vector<16xi32>], vector<16xf32>,
    %add3A_3122 = arith.addf %add3A_3117, %gather3A_3121 : vector<16xf32>
    %add3A_3123 = arith.constant 5 : i32
    %add3A_3124 = vector.broadcast %add3A_3123 : i32 to vector<16xi32>
    %add3A_3125 = arith.addi %mul3A_3088, %add3A_3124 : vector<16xi32>
    %gather3A_3126 = tpu.vector_load_idx %arg15[%add3A_3125] : memref<8704xf32, #tpu.memory_space<vmem>>[vector<16xi32>], vector<16xf32>,
    %add3A_3127 = arith.addf %add3A_3122, %gather3A_3126 : vector<16xf32>
    %add3A_3128 = arith.constant 6 : i32
    %add3A_3129 = vector.broadcast %add3A_3128 : i32 to vector<16xi32>
    %add3A_3130 = arith.addi %mul3A_3088, %add3A_3129 : vector<16xi32>
    %gather3A_3131 = tpu.vector_load_idx %arg15[%add3A_3130] : memref<8704xf32, #tpu.memory_space<vmem>>[vector<16xi32>], vector<16xf32>,
    %add3A_3132 = arith.addf %add3A_3127, %gather3A_3131 : vector<16xf32>
    %add3A_3133 = arith.constant 7 : i32
    %add3A_3134 = vector.broadcast %add3A_3133 : i32 to vector<16xi32>
    %add3A_3135 = arith.addi %mul3A_3088, %add3A_3134 : vector<16xi32>
    %gather3A_3136 = tpu.vector_load_idx %arg15[%add3A_3135] : memref<8704xf32, #tpu.memory_space<vmem>>[vector<16xi32>], vector<16xf32>,
    %add3A_3137 = arith.addf %add3A_3132, %gather3A_3136 : vector<16xf32>
    %add3A_3138 = arith.constant 8 : i32
    %add3A_3139 = vector.broadcast %add3A_3138 : i32 to vector<16xi32>
    %add3A_3140 = arith.addi %mul3A_3088, %add3A_3139 : vector<16xi32>
    %gather3A_3141 = tpu.vector_load_idx %arg15[%add3A_3140] : memref<8704xf32, #tpu.memory_space<vmem>>[vector<16xi32>], vector<16xf32>,
    %add3A_3142 = arith.addf %add3A_3137, %gather3A_3141 : vector<16xf32>
    %add3A_3143 = arith.constant 9 : i32
    %add3A_3144 = vector.broadcast %add3A_3143 : i32 to vector<16xi32>
    %add3A_3145 = arith.addi %mul3A_3088, %add3A_3144 : vector<16xi32>
    %gather3A_3146 = tpu.vector_load_idx %arg15[%add3A_3145] : memref<8704xf32, #tpu.memory_space<vmem>>[vector<16xi32>], vector<16xf32>,
    %add3A_3147 = arith.addf %add3A_3142, %gather3A_3146 : vector<16xf32>
    %add3A_3148 = arith.constant 10 : i32
    %add3A_3149 = vector.broadcast %add3A_3148 : i32 to vector<16xi32>
    %add3A_3150 = arith.addi %mul3A_3088, %add3A_3149 : vector<16xi32>
    %gather3A_3151 = tpu.vector_load_idx %arg15[%add3A_3150] : memref<8704xf32, #tpu.memory_space<vmem>>[vector<16xi32>], vector<16xf32>,
    %add3A_3152 = arith.addf %add3A_3147, %gather3A_3151 : vector<16xf32>
    %add3A_3153 = arith.constant 11 : i32
    %add3A_3154 = vector.broadcast %add3A_3153 : i32 to vector<16xi32>
    %add3A_3155 = arith.addi %mul3A_3088, %add3A_3154 : vector<16xi32>
    %gather3A_3156 = tpu.vector_load_idx %arg15[%add3A_3155] : memref<8704xf32, #tpu.memory_space<vmem>>[vector<16xi32>], vector<16xf32>,
    %add3A_3157 = arith.addf %add3A_3152, %gather3A_3156 : vector<16xf32>
    %add3A_3158 = arith.constant 12 : i32
    %add3A_3159 = vector.broadcast %add3A_3158 : i32 to vector<16xi32>
    %add3A_3160 = arith.addi %mul3A_3088, %add3A_3159 : vector<16xi32>
    %gather3A_3161 = tpu.vector_load_idx %arg15[%add3A_3160] : memref<8704xf32, #tpu.memory_space<vmem>>[vector<16xi32>], vector<16xf32>,
    %add3A_3162 = arith.addf %add3A_3157, %gather3A_3161 : vector<16xf32>
    %add3A_3163 = arith.constant 13 : i32
    %add3A_3164 = vector.broadcast %add3A_3163 : i32 to vector<16xi32>
    %add3A_3165 = arith.addi %mul3A_3088, %add3A_3164 : vector<16xi32>
    %gather3A_3166 = tpu.vector_load_idx %arg15[%add3A_3165] : memref<8704xf32, #tpu.memory_space<vmem>>[vector<16xi32>], vector<16xf32>,
    %add3A_3167 = arith.addf %add3A_3162, %gather3A_3166 : vector<16xf32>
    %add3A_3168 = arith.constant 14 : i32
    %add3A_3169 = vector.broadcast %add3A_3168 : i32 to vector<16xi32>
    %add3A_3170 = arith.addi %mul3A_3088, %add3A_3169 : vector<16xi32>
    %gather3A_3171 = tpu.vector_load_idx %arg15[%add3A_3170] : memref<8704xf32, #tpu.memory_space<vmem>>[vector<16xi32>], vector<16xf32>,
    %add3A_3172 = arith.addf %add3A_3167, %gather3A_3171 : vector<16xf32>
    %add3A_3173 = arith.constant 15 : i32
    %add3A_3174 = vector.broadcast %add3A_3173 : i32 to vector<16xi32>
    %add3A_3175 = arith.addi %mul3A_3088, %add3A_3174 : vector<16xi32>
    %gather3A_3176 = tpu.vector_load_idx %arg15[%add3A_3175] : memref<8704xf32, #tpu.memory_space<vmem>>[vector<16xi32>], vector<16xf32>,
    %add3A_3177 = arith.addf %add3A_3172, %gather3A_3176 : vector<16xf32>
    %swap3A_3178 = arith.constant 448 : index
    %swap3A_3179 = tpu.vector_load %arg16[%swap3A_3178] {strides = array<i32>} : memref<512xf32, #tpu.memory_space<vmem>>, vector<16xf32>,
    tpu.vector_store %arg16[%swap3A_3178], %add3A_3177 {strides = array<i32>} : memref<512xf32, #tpu.memory_space<vmem>>, vector<16xf32>,
    %add3A_3180 = arith.constant 464 : i32
    %add3A_3181 = vector.broadcast %add3A_3180 : i32 to vector<16xi32>
    %add3A_3182 = arith.addi %add3A_3181, %iota3A : vector<16xi32>
    %mul3A_3183 = arith.constant 17 : i32
    %mul3A_3184 = vector.broadcast %mul3A_3183 : i32 to vector<16xi32>
    %mul3A_3185 = arith.muli %add3A_3182, %mul3A_3184 : vector<16xi32>
    %get3A_3186 = arith.constant 3 : i32
    %get3A_3187 = arith.index_cast %get3A_3186 : i32 to index
    %get3A_3188 = arith.constant 80 : index
    %get3A_3189 = tpu.vector_load %arg13[%get3A_3187, %get3A_3188] {strides = array<i32>} : memref<4x128xf32, #tpu.memory_space<vmem>>, vector<16xf32>,
    %get3A_3190 = arith.constant 3 : i32
    %get3A_3191 = arith.index_cast %get3A_3190 : i32 to index
    %get3A_3192 = arith.constant 80 : index
    %get3A_3193 = tpu.vector_load %arg14[%get3A_3191, %get3A_3192] {strides = array<i32>} : memref<4x128xf32, #tpu.memory_space<vmem>>, vector<16xf32>,
    %add3A_3194 = arith.addf %get3A_3189, %get3A_3193 : vector<16xf32>
    %add3A_3195 = arith.constant 0 : i32
    %add3A_3196 = vector.broadcast %add3A_3195 : i32 to vector<16xi32>
    %add3A_3197 = arith.addi %mul3A_3185, %add3A_3196 : vector<16xi32>
    %gather3A_3198 = tpu.vector_load_idx %arg15[%add3A_3197] : memref<8704xf32, #tpu.memory_space<vmem>>[vector<16xi32>], vector<16xf32>,
    %add3A_3199 = arith.addf %add3A_3194, %gather3A_3198 : vector<16xf32>
    %add3A_3200 = arith.constant 1 : i32
    %add3A_3201 = vector.broadcast %add3A_3200 : i32 to vector<16xi32>
    %add3A_3202 = arith.addi %mul3A_3185, %add3A_3201 : vector<16xi32>
    %gather3A_3203 = tpu.vector_load_idx %arg15[%add3A_3202] : memref<8704xf32, #tpu.memory_space<vmem>>[vector<16xi32>], vector<16xf32>,
    %add3A_3204 = arith.addf %add3A_3199, %gather3A_3203 : vector<16xf32>
    %add3A_3205 = arith.constant 2 : i32
    %add3A_3206 = vector.broadcast %add3A_3205 : i32 to vector<16xi32>
    %add3A_3207 = arith.addi %mul3A_3185, %add3A_3206 : vector<16xi32>
    %gather3A_3208 = tpu.vector_load_idx %arg15[%add3A_3207] : memref<8704xf32, #tpu.memory_space<vmem>>[vector<16xi32>], vector<16xf32>,
    %add3A_3209 = arith.addf %add3A_3204, %gather3A_3208 : vector<16xf32>
    %add3A_3210 = arith.constant 3 : i32
    %add3A_3211 = vector.broadcast %add3A_3210 : i32 to vector<16xi32>
    %add3A_3212 = arith.addi %mul3A_3185, %add3A_3211 : vector<16xi32>
    %gather3A_3213 = tpu.vector_load_idx %arg15[%add3A_3212] : memref<8704xf32, #tpu.memory_space<vmem>>[vector<16xi32>], vector<16xf32>,
    %add3A_3214 = arith.addf %add3A_3209, %gather3A_3213 : vector<16xf32>
    %add3A_3215 = arith.constant 4 : i32
    %add3A_3216 = vector.broadcast %add3A_3215 : i32 to vector<16xi32>
    %add3A_3217 = arith.addi %mul3A_3185, %add3A_3216 : vector<16xi32>
    %gather3A_3218 = tpu.vector_load_idx %arg15[%add3A_3217] : memref<8704xf32, #tpu.memory_space<vmem>>[vector<16xi32>], vector<16xf32>,
    %add3A_3219 = arith.addf %add3A_3214, %gather3A_3218 : vector<16xf32>
    %add3A_3220 = arith.constant 5 : i32
    %add3A_3221 = vector.broadcast %add3A_3220 : i32 to vector<16xi32>
    %add3A_3222 = arith.addi %mul3A_3185, %add3A_3221 : vector<16xi32>
    %gather3A_3223 = tpu.vector_load_idx %arg15[%add3A_3222] : memref<8704xf32, #tpu.memory_space<vmem>>[vector<16xi32>], vector<16xf32>,
    %add3A_3224 = arith.addf %add3A_3219, %gather3A_3223 : vector<16xf32>
    %add3A_3225 = arith.constant 6 : i32
    %add3A_3226 = vector.broadcast %add3A_3225 : i32 to vector<16xi32>
    %add3A_3227 = arith.addi %mul3A_3185, %add3A_3226 : vector<16xi32>
    %gather3A_3228 = tpu.vector_load_idx %arg15[%add3A_3227] : memref<8704xf32, #tpu.memory_space<vmem>>[vector<16xi32>], vector<16xf32>,
    %add3A_3229 = arith.addf %add3A_3224, %gather3A_3228 : vector<16xf32>
    %add3A_3230 = arith.constant 7 : i32
    %add3A_3231 = vector.broadcast %add3A_3230 : i32 to vector<16xi32>
    %add3A_3232 = arith.addi %mul3A_3185, %add3A_3231 : vector<16xi32>
    %gather3A_3233 = tpu.vector_load_idx %arg15[%add3A_3232] : memref<8704xf32, #tpu.memory_space<vmem>>[vector<16xi32>], vector<16xf32>,
    %add3A_3234 = arith.addf %add3A_3229, %gather3A_3233 : vector<16xf32>
    %add3A_3235 = arith.constant 8 : i32
    %add3A_3236 = vector.broadcast %add3A_3235 : i32 to vector<16xi32>
    %add3A_3237 = arith.addi %mul3A_3185, %add3A_3236 : vector<16xi32>
    %gather3A_3238 = tpu.vector_load_idx %arg15[%add3A_3237] : memref<8704xf32, #tpu.memory_space<vmem>>[vector<16xi32>], vector<16xf32>,
    %add3A_3239 = arith.addf %add3A_3234, %gather3A_3238 : vector<16xf32>
    %add3A_3240 = arith.constant 9 : i32
    %add3A_3241 = vector.broadcast %add3A_3240 : i32 to vector<16xi32>
    %add3A_3242 = arith.addi %mul3A_3185, %add3A_3241 : vector<16xi32>
    %gather3A_3243 = tpu.vector_load_idx %arg15[%add3A_3242] : memref<8704xf32, #tpu.memory_space<vmem>>[vector<16xi32>], vector<16xf32>,
    %add3A_3244 = arith.addf %add3A_3239, %gather3A_3243 : vector<16xf32>
    %add3A_3245 = arith.constant 10 : i32
    %add3A_3246 = vector.broadcast %add3A_3245 : i32 to vector<16xi32>
    %add3A_3247 = arith.addi %mul3A_3185, %add3A_3246 : vector<16xi32>
    %gather3A_3248 = tpu.vector_load_idx %arg15[%add3A_3247] : memref<8704xf32, #tpu.memory_space<vmem>>[vector<16xi32>], vector<16xf32>,
    %add3A_3249 = arith.addf %add3A_3244, %gather3A_3248 : vector<16xf32>
    %add3A_3250 = arith.constant 11 : i32
    %add3A_3251 = vector.broadcast %add3A_3250 : i32 to vector<16xi32>
    %add3A_3252 = arith.addi %mul3A_3185, %add3A_3251 : vector<16xi32>
    %gather3A_3253 = tpu.vector_load_idx %arg15[%add3A_3252] : memref<8704xf32, #tpu.memory_space<vmem>>[vector<16xi32>], vector<16xf32>,
    %add3A_3254 = arith.addf %add3A_3249, %gather3A_3253 : vector<16xf32>
    %add3A_3255 = arith.constant 12 : i32
    %add3A_3256 = vector.broadcast %add3A_3255 : i32 to vector<16xi32>
    %add3A_3257 = arith.addi %mul3A_3185, %add3A_3256 : vector<16xi32>
    %gather3A_3258 = tpu.vector_load_idx %arg15[%add3A_3257] : memref<8704xf32, #tpu.memory_space<vmem>>[vector<16xi32>], vector<16xf32>,
    %add3A_3259 = arith.addf %add3A_3254, %gather3A_3258 : vector<16xf32>
    %add3A_3260 = arith.constant 13 : i32
    %add3A_3261 = vector.broadcast %add3A_3260 : i32 to vector<16xi32>
    %add3A_3262 = arith.addi %mul3A_3185, %add3A_3261 : vector<16xi32>
    %gather3A_3263 = tpu.vector_load_idx %arg15[%add3A_3262] : memref<8704xf32, #tpu.memory_space<vmem>>[vector<16xi32>], vector<16xf32>,
    %add3A_3264 = arith.addf %add3A_3259, %gather3A_3263 : vector<16xf32>
    %add3A_3265 = arith.constant 14 : i32
    %add3A_3266 = vector.broadcast %add3A_3265 : i32 to vector<16xi32>
    %add3A_3267 = arith.addi %mul3A_3185, %add3A_3266 : vector<16xi32>
    %gather3A_3268 = tpu.vector_load_idx %arg15[%add3A_3267] : memref<8704xf32, #tpu.memory_space<vmem>>[vector<16xi32>], vector<16xf32>,
    %add3A_3269 = arith.addf %add3A_3264, %gather3A_3268 : vector<16xf32>
    %add3A_3270 = arith.constant 15 : i32
    %add3A_3271 = vector.broadcast %add3A_3270 : i32 to vector<16xi32>
    %add3A_3272 = arith.addi %mul3A_3185, %add3A_3271 : vector<16xi32>
    %gather3A_3273 = tpu.vector_load_idx %arg15[%add3A_3272] : memref<8704xf32, #tpu.memory_space<vmem>>[vector<16xi32>], vector<16xf32>,
    %add3A_3274 = arith.addf %add3A_3269, %gather3A_3273 : vector<16xf32>
    %swap3A_3275 = arith.constant 464 : index
    %swap3A_3276 = tpu.vector_load %arg16[%swap3A_3275] {strides = array<i32>} : memref<512xf32, #tpu.memory_space<vmem>>, vector<16xf32>,
    tpu.vector_store %arg16[%swap3A_3275], %add3A_3274 {strides = array<i32>} : memref<512xf32, #tpu.memory_space<vmem>>, vector<16xf32>,
    %add3A_3277 = arith.constant 480 : i32
    %add3A_3278 = vector.broadcast %add3A_3277 : i32 to vector<16xi32>
    %add3A_3279 = arith.addi %add3A_3278, %iota3A : vector<16xi32>
    %mul3A_3280 = arith.constant 17 : i32
    %mul3A_3281 = vector.broadcast %mul3A_3280 : i32 to vector<16xi32>
    %mul3A_3282 = arith.muli %add3A_3279, %mul3A_3281 : vector<16xi32>
    %get3A_3283 = arith.constant 3 : i32
    %get3A_3284 = arith.index_cast %get3A_3283 : i32 to index
    %get3A_3285 = arith.constant 96 : index
    %get3A_3286 = tpu.vector_load %arg13[%get3A_3284, %get3A_3285] {strides = array<i32>} : memref<4x128xf32, #tpu.memory_space<vmem>>, vector<16xf32>,
    %get3A_3287 = arith.constant 3 : i32
    %get3A_3288 = arith.index_cast %get3A_3287 : i32 to index
    %get3A_3289 = arith.constant 96 : index
    %get3A_3290 = tpu.vector_load %arg14[%get3A_3288, %get3A_3289] {strides = array<i32>} : memref<4x128xf32, #tpu.memory_space<vmem>>, vector<16xf32>,
    %add3A_3291 = arith.addf %get3A_3286, %get3A_3290 : vector<16xf32>
    %add3A_3292 = arith.constant 0 : i32
    %add3A_3293 = vector.broadcast %add3A_3292 : i32 to vector<16xi32>
    %add3A_3294 = arith.addi %mul3A_3282, %add3A_3293 : vector<16xi32>
    %gather3A_3295 = tpu.vector_load_idx %arg15[%add3A_3294] : memref<8704xf32, #tpu.memory_space<vmem>>[vector<16xi32>], vector<16xf32>,
    %add3A_3296 = arith.addf %add3A_3291, %gather3A_3295 : vector<16xf32>
    %add3A_3297 = arith.constant 1 : i32
    %add3A_3298 = vector.broadcast %add3A_3297 : i32 to vector<16xi32>
    %add3A_3299 = arith.addi %mul3A_3282, %add3A_3298 : vector<16xi32>
    %gather3A_3300 = tpu.vector_load_idx %arg15[%add3A_3299] : memref<8704xf32, #tpu.memory_space<vmem>>[vector<16xi32>], vector<16xf32>,
    %add3A_3301 = arith.addf %add3A_3296, %gather3A_3300 : vector<16xf32>
    %add3A_3302 = arith.constant 2 : i32
    %add3A_3303 = vector.broadcast %add3A_3302 : i32 to vector<16xi32>
    %add3A_3304 = arith.addi %mul3A_3282, %add3A_3303 : vector<16xi32>
    %gather3A_3305 = tpu.vector_load_idx %arg15[%add3A_3304] : memref<8704xf32, #tpu.memory_space<vmem>>[vector<16xi32>], vector<16xf32>,
    %add3A_3306 = arith.addf %add3A_3301, %gather3A_3305 : vector<16xf32>
    %add3A_3307 = arith.constant 3 : i32
    %add3A_3308 = vector.broadcast %add3A_3307 : i32 to vector<16xi32>
    %add3A_3309 = arith.addi %mul3A_3282, %add3A_3308 : vector<16xi32>
    %gather3A_3310 = tpu.vector_load_idx %arg15[%add3A_3309] : memref<8704xf32, #tpu.memory_space<vmem>>[vector<16xi32>], vector<16xf32>,
    %add3A_3311 = arith.addf %add3A_3306, %gather3A_3310 : vector<16xf32>
    %add3A_3312 = arith.constant 4 : i32
    %add3A_3313 = vector.broadcast %add3A_3312 : i32 to vector<16xi32>
    %add3A_3314 = arith.addi %mul3A_3282, %add3A_3313 : vector<16xi32>
    %gather3A_3315 = tpu.vector_load_idx %arg15[%add3A_3314] : memref<8704xf32, #tpu.memory_space<vmem>>[vector<16xi32>], vector<16xf32>,
    %add3A_3316 = arith.addf %add3A_3311, %gather3A_3315 : vector<16xf32>
    %add3A_3317 = arith.constant 5 : i32
    %add3A_3318 = vector.broadcast %add3A_3317 : i32 to vector<16xi32>
    %add3A_3319 = arith.addi %mul3A_3282, %add3A_3318 : vector<16xi32>
    %gather3A_3320 = tpu.vector_load_idx %arg15[%add3A_3319] : memref<8704xf32, #tpu.memory_space<vmem>>[vector<16xi32>], vector<16xf32>,
    %add3A_3321 = arith.addf %add3A_3316, %gather3A_3320 : vector<16xf32>
    %add3A_3322 = arith.constant 6 : i32
    %add3A_3323 = vector.broadcast %add3A_3322 : i32 to vector<16xi32>
    %add3A_3324 = arith.addi %mul3A_3282, %add3A_3323 : vector<16xi32>
    %gather3A_3325 = tpu.vector_load_idx %arg15[%add3A_3324] : memref<8704xf32, #tpu.memory_space<vmem>>[vector<16xi32>], vector<16xf32>,
    %add3A_3326 = arith.addf %add3A_3321, %gather3A_3325 : vector<16xf32>
    %add3A_3327 = arith.constant 7 : i32
    %add3A_3328 = vector.broadcast %add3A_3327 : i32 to vector<16xi32>
    %add3A_3329 = arith.addi %mul3A_3282, %add3A_3328 : vector<16xi32>
    %gather3A_3330 = tpu.vector_load_idx %arg15[%add3A_3329] : memref<8704xf32, #tpu.memory_space<vmem>>[vector<16xi32>], vector<16xf32>,
    %add3A_3331 = arith.addf %add3A_3326, %gather3A_3330 : vector<16xf32>
    %add3A_3332 = arith.constant 8 : i32
    %add3A_3333 = vector.broadcast %add3A_3332 : i32 to vector<16xi32>
    %add3A_3334 = arith.addi %mul3A_3282, %add3A_3333 : vector<16xi32>
    %gather3A_3335 = tpu.vector_load_idx %arg15[%add3A_3334] : memref<8704xf32, #tpu.memory_space<vmem>>[vector<16xi32>], vector<16xf32>,
    %add3A_3336 = arith.addf %add3A_3331, %gather3A_3335 : vector<16xf32>
    %add3A_3337 = arith.constant 9 : i32
    %add3A_3338 = vector.broadcast %add3A_3337 : i32 to vector<16xi32>
    %add3A_3339 = arith.addi %mul3A_3282, %add3A_3338 : vector<16xi32>
    %gather3A_3340 = tpu.vector_load_idx %arg15[%add3A_3339] : memref<8704xf32, #tpu.memory_space<vmem>>[vector<16xi32>], vector<16xf32>,
    %add3A_3341 = arith.addf %add3A_3336, %gather3A_3340 : vector<16xf32>
    %add3A_3342 = arith.constant 10 : i32
    %add3A_3343 = vector.broadcast %add3A_3342 : i32 to vector<16xi32>
    %add3A_3344 = arith.addi %mul3A_3282, %add3A_3343 : vector<16xi32>
    %gather3A_3345 = tpu.vector_load_idx %arg15[%add3A_3344] : memref<8704xf32, #tpu.memory_space<vmem>>[vector<16xi32>], vector<16xf32>,
    %add3A_3346 = arith.addf %add3A_3341, %gather3A_3345 : vector<16xf32>
    %add3A_3347 = arith.constant 11 : i32
    %add3A_3348 = vector.broadcast %add3A_3347 : i32 to vector<16xi32>
    %add3A_3349 = arith.addi %mul3A_3282, %add3A_3348 : vector<16xi32>
    %gather3A_3350 = tpu.vector_load_idx %arg15[%add3A_3349] : memref<8704xf32, #tpu.memory_space<vmem>>[vector<16xi32>], vector<16xf32>,
    %add3A_3351 = arith.addf %add3A_3346, %gather3A_3350 : vector<16xf32>
    %add3A_3352 = arith.constant 12 : i32
    %add3A_3353 = vector.broadcast %add3A_3352 : i32 to vector<16xi32>
    %add3A_3354 = arith.addi %mul3A_3282, %add3A_3353 : vector<16xi32>
    %gather3A_3355 = tpu.vector_load_idx %arg15[%add3A_3354] : memref<8704xf32, #tpu.memory_space<vmem>>[vector<16xi32>], vector<16xf32>,
    %add3A_3356 = arith.addf %add3A_3351, %gather3A_3355 : vector<16xf32>
    %add3A_3357 = arith.constant 13 : i32
    %add3A_3358 = vector.broadcast %add3A_3357 : i32 to vector<16xi32>
    %add3A_3359 = arith.addi %mul3A_3282, %add3A_3358 : vector<16xi32>
    %gather3A_3360 = tpu.vector_load_idx %arg15[%add3A_3359] : memref<8704xf32, #tpu.memory_space<vmem>>[vector<16xi32>], vector<16xf32>,
    %add3A_3361 = arith.addf %add3A_3356, %gather3A_3360 : vector<16xf32>
    %add3A_3362 = arith.constant 14 : i32
    %add3A_3363 = vector.broadcast %add3A_3362 : i32 to vector<16xi32>
    %add3A_3364 = arith.addi %mul3A_3282, %add3A_3363 : vector<16xi32>
    %gather3A_3365 = tpu.vector_load_idx %arg15[%add3A_3364] : memref<8704xf32, #tpu.memory_space<vmem>>[vector<16xi32>], vector<16xf32>,
    %add3A_3366 = arith.addf %add3A_3361, %gather3A_3365 : vector<16xf32>
    %add3A_3367 = arith.constant 15 : i32
    %add3A_3368 = vector.broadcast %add3A_3367 : i32 to vector<16xi32>
    %add3A_3369 = arith.addi %mul3A_3282, %add3A_3368 : vector<16xi32>
    %gather3A_3370 = tpu.vector_load_idx %arg15[%add3A_3369] : memref<8704xf32, #tpu.memory_space<vmem>>[vector<16xi32>], vector<16xf32>,
    %add3A_3371 = arith.addf %add3A_3366, %gather3A_3370 : vector<16xf32>
    %swap3A_3372 = arith.constant 480 : index
    %swap3A_3373 = tpu.vector_load %arg16[%swap3A_3372] {strides = array<i32>} : memref<512xf32, #tpu.memory_space<vmem>>, vector<16xf32>,
    tpu.vector_store %arg16[%swap3A_3372], %add3A_3371 {strides = array<i32>} : memref<512xf32, #tpu.memory_space<vmem>>, vector<16xf32>,
    %add3A_3374 = arith.constant 496 : i32
    %add3A_3375 = vector.broadcast %add3A_3374 : i32 to vector<16xi32>
    %add3A_3376 = arith.addi %add3A_3375, %iota3A : vector<16xi32>
    %mul3A_3377 = arith.constant 17 : i32
    %mul3A_3378 = vector.broadcast %mul3A_3377 : i32 to vector<16xi32>
    %mul3A_3379 = arith.muli %add3A_3376, %mul3A_3378 : vector<16xi32>
    %get3A_3380 = arith.constant 3 : i32
    %get3A_3381 = arith.index_cast %get3A_3380 : i32 to index
    %get3A_3382 = arith.constant 112 : index
    %get3A_3383 = tpu.vector_load %arg13[%get3A_3381, %get3A_3382] {strides = array<i32>} : memref<4x128xf32, #tpu.memory_space<vmem>>, vector<16xf32>,
    %get3A_3384 = arith.constant 3 : i32
    %get3A_3385 = arith.index_cast %get3A_3384 : i32 to index
    %get3A_3386 = arith.constant 112 : index
    %get3A_3387 = tpu.vector_load %arg14[%get3A_3385, %get3A_3386] {strides = array<i32>} : memref<4x128xf32, #tpu.memory_space<vmem>>, vector<16xf32>,
    %add3A_3388 = arith.addf %get3A_3383, %get3A_3387 : vector<16xf32>
    %add3A_3389 = arith.constant 0 : i32
    %add3A_3390 = vector.broadcast %add3A_3389 : i32 to vector<16xi32>
    %add3A_3391 = arith.addi %mul3A_3379, %add3A_3390 : vector<16xi32>
    %gather3A_3392 = tpu.vector_load_idx %arg15[%add3A_3391] : memref<8704xf32, #tpu.memory_space<vmem>>[vector<16xi32>], vector<16xf32>,
    %add3A_3393 = arith.addf %add3A_3388, %gather3A_3392 : vector<16xf32>
    %add3A_3394 = arith.constant 1 : i32
    %add3A_3395 = vector.broadcast %add3A_3394 : i32 to vector<16xi32>
    %add3A_3396 = arith.addi %mul3A_3379, %add3A_3395 : vector<16xi32>
    %gather3A_3397 = tpu.vector_load_idx %arg15[%add3A_3396] : memref<8704xf32, #tpu.memory_space<vmem>>[vector<16xi32>], vector<16xf32>,
    %add3A_3398 = arith.addf %add3A_3393, %gather3A_3397 : vector<16xf32>
    %add3A_3399 = arith.constant 2 : i32
    %add3A_3400 = vector.broadcast %add3A_3399 : i32 to vector<16xi32>
    %add3A_3401 = arith.addi %mul3A_3379, %add3A_3400 : vector<16xi32>
    %gather3A_3402 = tpu.vector_load_idx %arg15[%add3A_3401] : memref<8704xf32, #tpu.memory_space<vmem>>[vector<16xi32>], vector<16xf32>,
    %add3A_3403 = arith.addf %add3A_3398, %gather3A_3402 : vector<16xf32>
    %add3A_3404 = arith.constant 3 : i32
    %add3A_3405 = vector.broadcast %add3A_3404 : i32 to vector<16xi32>
    %add3A_3406 = arith.addi %mul3A_3379, %add3A_3405 : vector<16xi32>
    %gather3A_3407 = tpu.vector_load_idx %arg15[%add3A_3406] : memref<8704xf32, #tpu.memory_space<vmem>>[vector<16xi32>], vector<16xf32>,
    %add3A_3408 = arith.addf %add3A_3403, %gather3A_3407 : vector<16xf32>
    %add3A_3409 = arith.constant 4 : i32
    %add3A_3410 = vector.broadcast %add3A_3409 : i32 to vector<16xi32>
    %add3A_3411 = arith.addi %mul3A_3379, %add3A_3410 : vector<16xi32>
    %gather3A_3412 = tpu.vector_load_idx %arg15[%add3A_3411] : memref<8704xf32, #tpu.memory_space<vmem>>[vector<16xi32>], vector<16xf32>,
    %add3A_3413 = arith.addf %add3A_3408, %gather3A_3412 : vector<16xf32>
    %add3A_3414 = arith.constant 5 : i32
    %add3A_3415 = vector.broadcast %add3A_3414 : i32 to vector<16xi32>
    %add3A_3416 = arith.addi %mul3A_3379, %add3A_3415 : vector<16xi32>
    %gather3A_3417 = tpu.vector_load_idx %arg15[%add3A_3416] : memref<8704xf32, #tpu.memory_space<vmem>>[vector<16xi32>], vector<16xf32>,
    %add3A_3418 = arith.addf %add3A_3413, %gather3A_3417 : vector<16xf32>
    %add3A_3419 = arith.constant 6 : i32
    %add3A_3420 = vector.broadcast %add3A_3419 : i32 to vector<16xi32>
    %add3A_3421 = arith.addi %mul3A_3379, %add3A_3420 : vector<16xi32>
    %gather3A_3422 = tpu.vector_load_idx %arg15[%add3A_3421] : memref<8704xf32, #tpu.memory_space<vmem>>[vector<16xi32>], vector<16xf32>,
    %add3A_3423 = arith.addf %add3A_3418, %gather3A_3422 : vector<16xf32>
    %add3A_3424 = arith.constant 7 : i32
    %add3A_3425 = vector.broadcast %add3A_3424 : i32 to vector<16xi32>
    %add3A_3426 = arith.addi %mul3A_3379, %add3A_3425 : vector<16xi32>
    %gather3A_3427 = tpu.vector_load_idx %arg15[%add3A_3426] : memref<8704xf32, #tpu.memory_space<vmem>>[vector<16xi32>], vector<16xf32>,
    %add3A_3428 = arith.addf %add3A_3423, %gather3A_3427 : vector<16xf32>
    %add3A_3429 = arith.constant 8 : i32
    %add3A_3430 = vector.broadcast %add3A_3429 : i32 to vector<16xi32>
    %add3A_3431 = arith.addi %mul3A_3379, %add3A_3430 : vector<16xi32>
    %gather3A_3432 = tpu.vector_load_idx %arg15[%add3A_3431] : memref<8704xf32, #tpu.memory_space<vmem>>[vector<16xi32>], vector<16xf32>,
    %add3A_3433 = arith.addf %add3A_3428, %gather3A_3432 : vector<16xf32>
    %add3A_3434 = arith.constant 9 : i32
    %add3A_3435 = vector.broadcast %add3A_3434 : i32 to vector<16xi32>
    %add3A_3436 = arith.addi %mul3A_3379, %add3A_3435 : vector<16xi32>
    %gather3A_3437 = tpu.vector_load_idx %arg15[%add3A_3436] : memref<8704xf32, #tpu.memory_space<vmem>>[vector<16xi32>], vector<16xf32>,
    %add3A_3438 = arith.addf %add3A_3433, %gather3A_3437 : vector<16xf32>
    %add3A_3439 = arith.constant 10 : i32
    %add3A_3440 = vector.broadcast %add3A_3439 : i32 to vector<16xi32>
    %add3A_3441 = arith.addi %mul3A_3379, %add3A_3440 : vector<16xi32>
    %gather3A_3442 = tpu.vector_load_idx %arg15[%add3A_3441] : memref<8704xf32, #tpu.memory_space<vmem>>[vector<16xi32>], vector<16xf32>,
    %add3A_3443 = arith.addf %add3A_3438, %gather3A_3442 : vector<16xf32>
    %add3A_3444 = arith.constant 11 : i32
    %add3A_3445 = vector.broadcast %add3A_3444 : i32 to vector<16xi32>
    %add3A_3446 = arith.addi %mul3A_3379, %add3A_3445 : vector<16xi32>
    %gather3A_3447 = tpu.vector_load_idx %arg15[%add3A_3446] : memref<8704xf32, #tpu.memory_space<vmem>>[vector<16xi32>], vector<16xf32>,
    %add3A_3448 = arith.addf %add3A_3443, %gather3A_3447 : vector<16xf32>
    %add3A_3449 = arith.constant 12 : i32
    %add3A_3450 = vector.broadcast %add3A_3449 : i32 to vector<16xi32>
    %add3A_3451 = arith.addi %mul3A_3379, %add3A_3450 : vector<16xi32>
    %gather3A_3452 = tpu.vector_load_idx %arg15[%add3A_3451] : memref<8704xf32, #tpu.memory_space<vmem>>[vector<16xi32>], vector<16xf32>,
    %add3A_3453 = arith.addf %add3A_3448, %gather3A_3452 : vector<16xf32>
    %add3A_3454 = arith.constant 13 : i32
    %add3A_3455 = vector.broadcast %add3A_3454 : i32 to vector<16xi32>
    %add3A_3456 = arith.addi %mul3A_3379, %add3A_3455 : vector<16xi32>
    %gather3A_3457 = tpu.vector_load_idx %arg15[%add3A_3456] : memref<8704xf32, #tpu.memory_space<vmem>>[vector<16xi32>], vector<16xf32>,
    %add3A_3458 = arith.addf %add3A_3453, %gather3A_3457 : vector<16xf32>
    %add3A_3459 = arith.constant 14 : i32
    %add3A_3460 = vector.broadcast %add3A_3459 : i32 to vector<16xi32>
    %add3A_3461 = arith.addi %mul3A_3379, %add3A_3460 : vector<16xi32>
    %gather3A_3462 = tpu.vector_load_idx %arg15[%add3A_3461] : memref<8704xf32, #tpu.memory_space<vmem>>[vector<16xi32>], vector<16xf32>,
    %add3A_3463 = arith.addf %add3A_3458, %gather3A_3462 : vector<16xf32>
    %add3A_3464 = arith.constant 15 : i32
    %add3A_3465 = vector.broadcast %add3A_3464 : i32 to vector<16xi32>
    %add3A_3466 = arith.addi %mul3A_3379, %add3A_3465 : vector<16xi32>
    %gather3A_3467 = tpu.vector_load_idx %arg15[%add3A_3466] : memref<8704xf32, #tpu.memory_space<vmem>>[vector<16xi32>], vector<16xf32>,
    %add3A_3468 = arith.addf %add3A_3463, %gather3A_3467 : vector<16xf32>
    %swap3A_3469 = arith.constant 496 : index
    %swap3A_3470 = tpu.vector_load %arg16[%swap3A_3469] {strides = array<i32>} : memref<512xf32, #tpu.memory_space<vmem>>, vector<16xf32>,
    tpu.vector_store %arg16[%swap3A_3469], %add3A_3468 {strides = array<i32>} : memref<512xf32, #tpu.memory_space<vmem>>, vector<16xf32>,
    %mul3A_3471 = arith.constant 512 : i32
    %mul3A_3472 = arith.muli %add3A, %mul3A_3471 : i32
    "tpu.region"() ({
      %run_scoped3A = tpu.sem_alloc : memref<!tpu.dma_semaphore, #tpu.memory_space<semaphore_mem>>
      %dma_start3A_3473 = tpu.memref_slice %arg8[%mul3A_3472] : memref<16384xf32, #tpu.memory_space<hbm>> -> memref<512xf32, #tpu.memory_space<hbm>>
      %dma_start3A_3474 = tpu.memref_slice %arg8[%mul3A_3472] : memref<16384xf32, #tpu.memory_space<hbm>> -> memref<512xf32, #tpu.memory_space<hbm>>
      tpu.enqueue_dma source(%arg16 : memref<512xf32, #tpu.memory_space<vmem>>) target(%dma_start3A_3474 : memref<512xf32, #tpu.memory_space<hbm>>) target_semaphore(%run_scoped3A : memref<!tpu.dma_semaphore, #tpu.memory_space<semaphore_mem>>)
      %dma_wait3A_3475 = tpu.memref_slice %arg8[%mul3A_3472] : memref<16384xf32, #tpu.memory_space<hbm>> -> memref<512xf32, #tpu.memory_space<hbm>>
      %dma_wait3A_3476 = tpu.memref_slice %arg8[%mul3A_3472] : memref<16384xf32, #tpu.memory_space<hbm>> -> memref<512xf32, #tpu.memory_space<hbm>>
      tpu.wait_dma2 semaphore(%run_scoped3A : memref<!tpu.dma_semaphore, #tpu.memory_space<semaphore_mem>>) src(%arg16 : memref<512xf32, #tpu.memory_space<vmem>>) dst(%dma_wait3A_3476 : memref<512xf32, #tpu.memory_space<hbm>>)
      tpu.yield
    }) : () -> ()
    return
  }
}

</mosaic_0001>

<sc_bundles>
// kernel: _mf.3.cloned.1.call-start
scs
__scs_entry_jumppad:
0x0: {  	(pc) =	sbr.rel $0x88, $3  }
0x1: {  	(tag) =	ssettag $0x0;
	lr =	simm.s32 $0x1  }
0x2: {  	[smem:$0x3F9B] =	sst lr;
	_ =	strace $0xD0000000  }
0x3: {  	_ = 	snop  }
0x4: {  	_ = 	snop  }
0x5: {  	_ = 	snop  }
0x6: {  	_ = 	snop  }
0x7: {  	_ = 	snop  }
__scs_overlays_trampoline_lowered:
0x8: {  	[smem:$0x3FAA] =	sst s0  }
0x9: {  	[smem:$0x3FAB] =	sst s1  }
0xa: {  	[smem:$0x3FAC] =	sst s2  }
0xb: {  	[smem:$0x3FAD] =	sst s3  }
0xc: {  	[smem:$0x3FAE] =	sst s4  }
0xd: {  	[smem:$0x3FAF] =	sst s5  }
0xe: {  	[smem:$0x3FB0] =	sst s6  }
0xf: {  	[smem:$0x3FB1] =	sst s7  }
0x10: {  	[smem:$0x3FB2] =	sst s8  }
0x11: {  	[smem:$0x3FB3] =	sst s9;
	s0 =	simm.s32 @!p0 $0x0  }
0x12: {  	s1 =	sld [smem:$0x3F99];
	s0 =	simm.s32 @p0 $0x1  }
0x13: {  	[smem:$0x3FB4] =	sst s0;
	s0 =	simm.s32 @!p1 $0x0  }
0x14: {  	s2 =	sld [smem:$0x3F98];
	s0 =	simm.s32 @p1 $0x1  }
0x15: {  	[smem:$0x3FB5] =	sst s0;
	s0 =	simm.s32 @!p2 $0x0  }
0x16: {  	s3 =	sld [smem:$0x3FDB];
	s0 =	simm.s32 @p2 $0x1  }
0x17: {  	s4 =	simm.s32 $0x1BF5;
	[smem:$0x3FB7] =	sst s0  }
0x18: {  	s0 =	sld [smem:$0x3F9A];
	_ =	swait.ge [sflag:s4], $0x0  }
0x19: {  	s7 =	sld [smem:$0x3F9B]  }
0x1a: {  	s8 =	sadd.s32 $0xFFFFE003, lr  }
0x1b: {  	s9 =	sadd.s32 $0xFFFFFEF7, lr;
	s5 =	simm.s32 $0xFFFFFFFF;
	p2 =	slt.u32 s8, $0xFFFFF086  }
0x1c: {  	p1 =	slt.u32 s9, $0xF7A;
	s5 =	simm.s32 @!p2 $0x0  }
0x1d: {  	s5 =	simm.s32 @p1 $0x1;
	p0 =	seq.s32 s7, s2  }
0x1e: {  	s7 =	smul.u32 @!p0 $0xF7A, s2;
	p2 =	seq.s32 @!p0 s5, $0x0  }
0x1f: {  	s9 =	smul.u32 $0xF7A, s1;
	s8 =	simm.s32 @!p0 $0x1BF5;
	p2 =	por !p2, p0  }
0x20: {  	[sflag:s8] =	ssyncset.s32 @!p0 $0xFFFFF086;
	s6 =	sadd.s32 @!p0 s3, s7;
	s7 =	simm.s32 @!p0 $0x108  }
0x21: {  	s3 =	sadd.s32 s3, s9;
	s6 =	sadd.s32 @!p0 $0x88, s6;
	s7 =	simm.s32 @p2 $0x1082  }
0x22: {  	[simem:s7], [sflag:s8] =	dma.local @!p0 [hbm:s6], $0xF7A  }
0x23: {  	s9 =	sor.u32 $0xD0000000, s2;
	s6 =	simm.s32 $0x108;
	_ =	swait.ge @!p0 [sflag:s8], $0x0  }
0x24: {  	s3 =	sadd.s32 $0x88, s3;
	s6 =	simm.s32 @!p1 $0x1082;
	[sflag:s4] =	ssyncset.s32 $0xFFFFF086  }
0x25: {  	[simem:s6], [sflag:s4] =	dma.local [hbm:s3], $0xF7A  }
0x26: {  	[smem:$0x3F9B] =	sst s1;
	(tag) =	ssettag s2;
	_ =	strace s9  }
0x27: {  	s1 =	sld [smem:$0x3FAB]  }
0x28: {  	s2 =	sld [smem:$0x3FAC]  }
0x29: {  	s4 =	sld [smem:$0x3FAE]  }
0x2a: {  	p0 =	seq.s32 s5, $0x0;
	s5 =	sld [smem:$0x3FAF]  }
0x2b: {  	s6 =	sld [smem:$0x3FB0]  }
0x2c: {  	s7 =	sld [smem:$0x3FB1]  }
0x2d: {  	s3 =	simm.s32 $0x108;
	s8 =	sld [smem:$0x3FB2]  }
0x2e: {  	s3 =	simm.s32 @!p0 $0x1082;
	s9 =	sld [smem:$0x3FB3]  }
0x2f: {  	lr =	sadd.s32 s0, s3;
	s0 =	sld [smem:$0x3FAA]  }
0x30: {  	s3 =	sld [smem:$0x3FAD]  }
0x31: {  	[smem:$0x3FB6] =	sst s10  }
0x32: {  	s10 =	sld [smem:$0x3FB4];
	_ =	sdelay $0x3  }
0x33: {  	p0 =	seq.s32 s10, $0x1;
	s10 =	sld [smem:$0x3FB6];
	_ =	sdelay $0x3  }
0x34: {  	[smem:$0x3FB6] =	sst s10  }
0x35: {  	s10 =	sld [smem:$0x3FB5];
	_ =	sdelay $0x3  }
0x36: {  	p1 =	seq.s32 s10, $0x1;
	s10 =	sld [smem:$0x3FB6];
	_ =	sdelay $0x3  }
0x37: {  	[smem:$0x3FB6] =	sst s10  }
0x38: {  	s10 =	sld [smem:$0x3FB7]  }
0x39: {  	_ = 	snop;
	(pc) =	sbr.ind lr, $3  }
0x3a: {  	_ = 	snop  }
0x3b: {  	_ = 	snop  }
0x3c: {  	p2 =	seq.s32 s10, $0x1;
	s10 =	sld [smem:$0x3FB6]  }
0x3d: {  	_ =	shalt  }
0x3e: {  	_ =	shalt  }
0x3f: {  	_ =	shalt  }
0x40: {  	_ =	shalt  }
0x41: {  	_ =	shalt  }
0x42: {  	_ =	shalt  }
0x43: {  	_ =	shalt  }
0x44: {  	_ =	shalt  }
0x45: {  	_ =	shalt  }
0x46: {  	_ =	shalt  }
0x47: {  	_ =	shalt  }
0x48: {  	_ =	shalt  }
0x49: {  	_ =	shalt  }
0x4a: {  	_ =	shalt  }
0x4b: {  	_ =	shalt  }
0x4c: {  	_ =	shalt  }
0x4d: {  	_ =	shalt  }
0x4e: {  	_ =	shalt  }
0x4f: {  	_ =	shalt  }
0x50: {  	_ =	shalt  }
0x51: {  	_ =	shalt  }
0x52: {  	_ =	shalt  }
0x53: {  	_ =	shalt  }
0x54: {  	_ =	shalt  }
0x55: {  	_ =	shalt  }
0x56: {  	_ =	shalt  }
0x57: {  	_ =	shalt  }
0x58: {  	_ =	shalt  }
0x59: {  	_ =	shalt  }
0x5a: {  	_ =	shalt  }
0x5b: {  	_ =	shalt  }
0x5c: {  	_ =	shalt  }
0x5d: {  	_ =	shalt  }
0x5e: {  	_ =	shalt  }
0x5f: {  	_ =	shalt  }
0x60: {  	_ =	shalt  }
0x61: {  	_ =	shalt  }
0x62: {  	_ =	shalt  }
0x63: {  	_ =	shalt  }
0x64: {  	_ =	shalt  }
0x65: {  	_ =	shalt  }
0x66: {  	_ =	shalt  }
0x67: {  	_ =	shalt  }
0x68: {  	_ =	shalt  }
0x69: {  	_ =	shalt  }
0x6a: {  	_ =	shalt  }
0x6b: {  	_ =	shalt  }
0x6c: {  	_ =	shalt  }
0x6d: {  	_ =	shalt  }
0x6e: {  	_ =	shalt  }
0x6f: {  	_ =	shalt  }
0x70: {  	_ =	shalt  }
0x71: {  	_ =	shalt  }
0x72: {  	_ =	shalt  }
0x73: {  	_ =	shalt  }
0x74: {  	_ =	shalt  }
0x75: {  	_ =	shalt  }
0x76: {  	_ =	shalt  }
0x77: {  	_ =	shalt  }
0x78: {  	_ =	shalt  }
0x79: {  	_ =	shalt  }
0x7a: {  	_ =	shalt  }
0x7b: {  	_ =	shalt  }
0x7c: {  	_ =	shalt  }
0x7d: {  	_ =	shalt  }
0x7e: {  	_ =	shalt  }
0x7f: {  	_ =	shalt  }
0x80: {  	_ =	shalt  }
0x81: {  	_ =	shalt  }
0x82: {  	_ =	shalt  }
0x83: {  	_ =	shalt  }
0x84: {  	_ =	shalt  }
0x85: {  	_ =	shalt  }
0x86: {  	_ =	shalt  }
0x87: {  	_ =	shalt  }
.Lfunc_end0:
.L_simem_size_0:
called_computation_lowered:
.L_overlay_start_0:
0x88: {  	s2 =	sld [smem:$0x3FD9]  }
0x89: {  	s3 =	sld [smem:$0x3FFE];
	_ =	sdelay $0x1  }
0x8a: {  	s1 =	srdreg.scid  }
0x8b: {  	s0 =	sand.u32 $0x1, s1  }
0x8c: {  	s17 =	sshll.u32 s0, $0xA;
	s2 =	sadd.s32 s3, s2  }
0x8d: {  	s2 =	sadd.s32 s2, s17  }
0x8e: {  	[smem:$0x3FC2] =	sst s2  }
0x8f: {  	_ = 	snop  }
0x90: {  	s2 =	sld [smem:$0x3FC9]  }
0x91: {  	s18 =	sld [smem:$0x3FC8]  }
0x92: {  	s4 =	sld [smem:$0x3FC5]  }
0x93: {  	s5 =	sld [smem:$0x3FC4]  }
0x94: {  	s6 =	sld [smem:$0x3FD0];
	(tm) =	ssettm $0x1  }
0x95: {  	s7 =	sld [smem:$0x3FFB];
	_ =	sdelay $0x3  }
0x96: {  	_ =	strace s7  }
0x97: {  	s7 =	sld [smem:$0x3FFC];
	_ =	sdelay $0x3  }
0x98: {  	_ =	strace s7  }
0x99: {  	s7 =	sld [smem:$0x3FFD];
	_ =	sdelay $0x3  }
0x9a: {  	_ =	strace s7  }
0x9b: {  	_ =	strace $0x8FFFFFFF  }
0x9c: {  	s19 =	sld [smem:$0x3FDB];
	_ =	sdelay $0x1  }
0x9d: {  	s8 =	simm.s32 $_scs_section_size  }
0x9e: {  	s9 =	simm.s32 $_size__tile_overlayer_lowered;
	s10 =	simm.s32 $_tile_overlayer_lowered  }
0x9f: {  	s22 =	simm.s32 $0x1BFF;
	s21 =	sshll.u32 s10, $0x1;
	s7 =	sadd.s32 s8, s19  }
0xa0: {  	s11 =	simm.s32 $0x0;
	s20 =	sshll.u32 s9, $0x1;
	s9 =	sadd.s32 s21, s7  }
0xa1: {  	[timem:s11], [sflag:s22] =	dma.local [hbm:s9], s20  }
0xa2: {  	_ =	swait.ge [sflag:s22], s20  }
0xa3: {  	s8 =	ssub.s32 $0x0, s20;
	[sflag:s22] =	ssyncset.done $0x0  }
0xa4: {  	[sflag:s22] =	ssyncadd.s32 s8;
	_ =	sdelay $0x1  }
0xa5: {  	s23 =	simm.s32 $0x1B8B  }
0xa6: {  	_ =	swait.ge [sflag:s23], $0x1  }
0xa7: {  	[sflag:s23] =	ssyncset.done $0x0  }
0xa8: {  	s25 =	simm.s32 $0x1B8E;
	s24 =	sld [smem:$0x3FFE];
	[sflag:s23] =	ssyncadd.s32 $0xFFFFFFFF  }
0xa9: {  	s26 =	simm.s32 $execute0_lowered;
	[smem:$0x3FD2] =	sst s25  }
0xaa: {  	s9 =	sshll.u32 s26, $0x1;
	_ =	strace $0x80000046;
	[dreg:$0x1] =	wrdreg $0xFFFFFFFF  }
0xab: {  	s28 =	simm.s32 $_size_execute0_lowered;
	s7 =	sadd.s32 s7, s9;
	[dreg:$0x0] =	wrdreg $0x0  }
0xac: {  	s9 =	sshll.u32 s28, $0x1;
	[dreg:$0x2] =	wrdreg s7  }
0xad: {  	[dreg:$0x3] =	wrdreg s9  }
0xae: {  	[dreg:$0x4] =	wrdreg $0xC0  }
0xaf: {  	_ =	task [dreg:s11], $0x5FFFF  }
0xb0: {  	[dreg:$0x1] =	wrdreg $0xFFFFFFFF  }
0xb1: {  	[dreg:$0x0] =	wrdreg $0x60  }
0xb2: {  	[dreg:$0x2] =	wrdreg s2  }
0xb3: {  	[dreg:$0x3] =	wrdreg s18  }
0xb4: {  	[dreg:$0x4] =	wrdreg s24  }
0xb5: {  	[dreg:$0x5] =	wrdreg s4  }
0xb6: {  	[dreg:$0x6] =	wrdreg s5  }
0xb7: {  	[dreg:$0x7] =	wrdreg s6  }
0xb8: {  	[dreg:$0x8] =	wrdreg $0x9  }
0xb9: {  	_ =	task.clear_ibuf [dreg:s11], $0x9FFFF;
	_ =	strace $0x90000046  }
0xba: {  	s29 =	simm.s32 $0x9;
	_ =	strace $0x80000048  }
0xbb: {  	_ =	swait.ge [sflag:s29], $0x1  }
0xbc: {  	[sflag:s29] =	ssyncadd.s32 $0xFFFFFFFF  }
0xbd: {  	_ =	strace $0x90000048  }
0xbe: {  	_ =	sfence  }
0xbf: {  	s30 =	sld [smem:$0x0];
	_ =	sdelay $0x2  }
0xc0: {  	s31 =	sshll.u32 s1, $0xD;
	s1 =	sshrl.u32 s1, $0x2  }
0xc1: {  	s3 =	sand.u32 $0x4000, s31;
	s1 =	sadd.s32 s1, s30  }
0xc2: {  	s0 =	sor.u32 s3, s0;
	s1 =	sshll.u32 s1, $0x11  }
0xc3: {  	s0 =	sor.u32 s1, s0  }
0xc4: {  	s0 =	sadd.s32 $0x8F2B, s0  }
0xc5: {  	[sflag:s0] =	ssyncadd.remote.s32 $0x1  }
0xc6: {  	_ =	sfence.sel $0xFFFF  }
0xc7: {  	[dreg:$0x0] =	wrdreg $0xFFFFFFFF;
	(pc) =	sbr.abs _section_cstart, $3  }
0xc8: {  	[dreg:$0x1] =	wrdreg $0xFFFFFFFF  }
0xc9: {  	_ =	task.clear_ibuf [dreg:s11], $0x2FFFF;
	_ =	strace $0x9FFFFFFF  }
0xca: {  	(tm) =	ssettm $0x7FFFFFFF  }
0xcb: {  	_ =	shalt  }
tec
execute0_lowered:
.L_overlay_start_1:
0x0: {  	(tag) =	ssettag $0x1  }
0x1: {  	v0 =	vlaneseq.u32  }
0x2: {  	v1 =	vmul.u32 $0x11, v0;
	_ =	sdelay $0x1  }
0x3: {  	v2 =	vadd.s32 $0x1, v1;
	v8 =	vadd.s32 $0x7, v1  }
0x4: {  	v9 =	vadd.s32 $0x8, v1;
	v10 =	vadd.s32 $0x9, v1;
	v11 =	vadd.s32 $0xA, v1  }
0x5: {  	v12 =	vadd.s32 $0xB, v1;
	v13 =	vadd.s32 $0xC, v1;
	v14 =	vadd.s32 $0xD, v1  }
0x6: {  	v15 =	vadd.s32 $0xE, v1;
	v16 =	vadd.s32 $0xF, v1;
	v17 =	vadd.s32 $0x110, v1  }
0x7: {  	v18 =	vadd.s32 $0x111, v1;
	v19 =	vadd.s32 $0x112, v1;
	v20 =	vadd.s32 $0x113, v1  }
0x8: {  	s2 =	rddreg [dreg:$0x0];
	v21 =	vadd.s32 $0x114, v1;
	v22 =	vadd.s32 $0x115, v1;
	v23 =	vadd.s32 $0x116, v1  }
0x9: {  	s4 =	rddreg [dreg:$0x1];
	v24 =	vadd.s32 $0x117, v1;
	v25 =	vadd.s32 $0x118, v1;
	v26 =	vadd.s32 $0x119, v1  }
0xa: {  	s6 =	rddreg [dreg:$0x2];
	v27 =	vadd.s32 $0x11A, v1;
	v28 =	vadd.s32 $0x11B, v1;
	v29 =	vadd.s32 $0x11C, v1  }
0xb: {  	s0 =	rddreg [dreg:$0x3];
	v30 =	vadd.s32 $0x11D, v1;
	v31 =	vadd.s32 $0x11E, v1;
	v32 =	vadd.s32 $0x11F, v1  }
0xc: {  	s1 =	rddreg [dreg:$0x4];
	v33 =	vadd.s32 $0x220, v1;
	v34 =	vadd.s32 $0x221, v1;
	v35 =	vadd.s32 $0x222, v1  }
0xd: {  	s9 =	rddreg [dreg:$0x5];
	s3 =	simm.s32 $0x0;
	v36 =	vadd.s32 $0x223, v1;
	v37 =	vadd.s32 $0x224, v1;
	v38 =	vadd.s32 $0x225, v1  }
0xe: {  	s7 =	srdreg.scid;
	s10 =	stileid.u32;
	s12 =	simm.s32 $0x200;
	v39 =	vadd.s32 $0x226, v1;
	v40 =	vadd.s32 $0x227, v1;
	v41 =	vadd.s32 $0x228, v1  }
0xf: {  	s13 =	simm.s32 $0x80;
	s19 =	simm.s32 $0x280;
	s23 =	simm.s32 $0x100;
	v42 =	vadd.s32 $0x229, v1;
	v43 =	vadd.s32 $0x22A, v1;
	v44 =	vadd.s32 $0x22B, v1  }
0x10: {  	s25 =	simm.s32 $0x300;
	s30 =	simm.s32 $0x180;
	s15 =	simm.s32 $0x8780;
	v45 =	vadd.s32 $0x22C, v1;
	v46 =	vadd.s32 $0x22D, v1;
	v47 =	vadd.s32 $0x22E, v1  }
0x11: {  	s16 =	simm.s32 $0x1;
	s17 =	simm.s32 $0x8800;
	s18 =	simm.s32 $0xAA00;
	v48 =	vadd.s32 $0x22F, v1;
	v49 =	vadd.s32 $0x330, v1;
	[tilespmem:$0x1FFA0] =	vst v2;
	v2 =	vadd.s32 $0x2, v1  }
0x12: {  	s20 =	simm.s32 $0x0;
	[smem:$0x7FF] =	sst s3;
	s7 =	sand.u32 $0x1, s7;
	v50 =	vadd.s32 $0x331, v1;
	v51 =	vadd.s32 $0x332, v1;
	[tilespmem:$0x1FFB0] =	vst v2;
	v2 =	vadd.s32 $0x3, v1  }
0x13: {  	s10 =	sshll.u32 s10, $0x7;
	s8 =	ssub.s32 $0x2, s7;
	s7 =	sshll.u32 s7, $0x6;
	v52 =	vadd.s32 $0x333, v1;
	v53 =	vadd.s32 $0x334, v1;
	[tilespmem:$0x1FFC0] =	vst v2;
	v2 =	vadd.s32 $0x4, v1  }
0x14: {  	s5 =	sadd.s32 $0xF42800, s6;
	s11 =	sshrl.u32 s8, $0x1;
	s10 =	sor.u32 s7, s10;
	v54 =	vadd.s32 $0x335, v1;
	v55 =	vadd.s32 $0x336, v1;
	[tilespmem:$0x1FFD0] =	vst v2;
	v2 =	vadd.s32 $0x5, v1  }
0x15: {  	s6 =	sadd.s32 $0x1313200, s6;
	v56 =	vadd.s32 $0x337, v1;
	v57 =	vadd.s32 $0x338, v1;
	s11 =	ssub.s32 s8, s11;
	s7 =	sadd.s32 s2, s10;
	[tilespmem:$0x1FFE0] =	vst v2;
	v2 =	vadd.s32 $0x6, v1  }
0x16: {  	v58 =	vadd.s32 $0x339, v1;
	v59 =	vadd.s32 $0x33A, v1;
	v60 =	vadd.s32 $0x33B, v1;
	s8 =	sadd.s32 s4, s10;
	s9 =	sadd.s32 s9, s10;
	s2 =	simm.s32 $0x380;
	[tilespmem:$0x1FFF0] =	vst v2  }
0x17: {  	v61 =	vadd.s32 $0x33C, v1;
	v62 =	vadd.s32 $0x33D, v1;
	v63 =	vadd.s32 $0x33E, v1;
	s10 =	smax.u32 s11, $0x1;
	s11 =	simm.s32 $0x2;
	_ =	strace $0x80000047  }
.LBB2_1:
0x18: {  	[tilespmem:s3], [sflag:$0x2] =	stream.linear.gather [hbm4b:s7+s3], $0x200, $0x38;
	[tilespmem:$0xAC00] =	vst v63  }
0x19: {  	_ =	swait.ge [sflag:s11], $0x200  }
0x1a: {  	[sflag:s11] =	ssyncset.done $0x0  }
0x1b: {  	[sflag:s11] =	ssyncadd.s32 $0xFFFFFE00  }
0x1c: {  	[tilespmem:s12], [sflag:$0x2] =	stream.linear.gather [hbm4b:s8+s3], $0x200, $0x38;
	[tilespmem:$0xAC00] =	vst v63  }
0x1d: {  	_ =	swait.ge [sflag:s11], $0x200  }
0x1e: {  	[sflag:s11] =	ssyncset.done $0x0  }
0x1f: {  	s4 =	simm.s32 $0x400;
	[sflag:s11] =	ssyncadd.s32 $0xFFFFFE00  }
0x20: {  	[tilespmem:s4], [sflag:$0x1] =	stream.indirect.gather [hbm4b:s5+s13], $0x20, s3, s13, $0xb8;
	[tilespmem:$0xAC00] =	vst v63  }
0x21: {  	s24 =	simm.s32 $0x4400  }
0x22: {  	[tilespmem:s24], [sflag:$0x1] =	stream.indirect.gather [hbm4b:s6+s13], $0x20, s12, s13, $0xb8;
	[tilespmem:$0xAC00] =	vst v63  }
0x23: {  	s26 =	simm.s32 $0x8400  }
0x24: {  	[tilespmem:s26], [sflag:$0x1] =	stream.indirect.gather [hbm4b:s0+s13], $0x1, s3, s13, $0xb8;
	[tilespmem:$0xAC00] =	vst v63  }
0x25: {  	s14 =	simm.s32 $0x8600  }
0x26: {  	[tilespmem:s14], [sflag:$0x1] =	stream.indirect.gather [hbm4b:s1+s13], $0x1, s12, s13, $0xb8;
	[tilespmem:$0xAC00] =	vst v63  }
0x27: {  	s21 =	simm.s32 $0x1400  }
0x28: {  	[tilespmem:s21], [sflag:$0x1] =	stream.indirect.gather [hbm4b:s5+s13], $0x20, s13, s13, $0xb8;
	[tilespmem:$0xAC00] =	vst v63  }
0x29: {  	s22 =	simm.s32 $0x5400  }
0x2a: {  	[tilespmem:s22], [sflag:$0x1] =	stream.indirect.gather [hbm4b:s6+s13], $0x20, s19, s13, $0xb8;
	[tilespmem:$0xAC00] =	vst v63  }
0x2b: {  	s24 =	simm.s32 $0x8480  }
0x2c: {  	[tilespmem:s24], [sflag:$0x1] =	stream.indirect.gather [hbm4b:s0+s13], $0x1, s13, s13, $0xb8;
	[tilespmem:$0xAC00] =	vst v63  }
0x2d: {  	s26 =	simm.s32 $0x8680  }
0x2e: {  	[tilespmem:s26], [sflag:$0x1] =	stream.indirect.gather [hbm4b:s1+s13], $0x1, s19, s13, $0xb8;
	[tilespmem:$0xAC00] =	vst v63  }
0x2f: {  	s14 =	simm.s32 $0x2400  }
0x30: {  	[tilespmem:s14], [sflag:$0x1] =	stream.indirect.gather [hbm4b:s5+s13], $0x20, s23, s13, $0xb8;
	[tilespmem:$0xAC00] =	vst v63  }
0x31: {  	s21 =	simm.s32 $0x6400  }
0x32: {  	[tilespmem:s21], [sflag:$0x1] =	stream.indirect.gather [hbm4b:s6+s13], $0x20, s25, s13, $0xb8;
	[tilespmem:$0xAC00] =	vst v63  }
0x33: {  	s22 =	simm.s32 $0x8500  }
0x34: {  	[tilespmem:s22], [sflag:$0x1] =	stream.indirect.gather [hbm4b:s0+s13], $0x1, s23, s13, $0xb8;
	[tilespmem:$0xAC00] =	vst v63  }
0x35: {  	s24 =	simm.s32 $0x8700  }
0x36: {  	[tilespmem:s24], [sflag:$0x1] =	stream.indirect.gather [hbm4b:s1+s13], $0x1, s25, s13, $0xb8;
	[tilespmem:$0xAC00] =	vst v63  }
0x37: {  	s26 =	simm.s32 $0x3400  }
0x38: {  	[tilespmem:s26], [sflag:$0x1] =	stream.indirect.gather [hbm4b:s5+s13], $0x20, s30, s13, $0xb8;
	[tilespmem:$0xAC00] =	vst v63  }
0x39: {  	s14 =	simm.s32 $0x7400  }
0x3a: {  	[tilespmem:s14], [sflag:$0x1] =	stream.indirect.gather [hbm4b:s6+s13], $0x20, s2, s13, $0xb8;
	[tilespmem:$0xAC00] =	vst v63  }
0x3b: {  	s21 =	simm.s32 $0x8580  }
0x3c: {  	[tilespmem:s21], [sflag:$0x1] =	stream.indirect.gather [hbm4b:s0+s13], $0x1, s30, s13, $0xb8;
	[tilespmem:$0xAC00] =	vst v63  }
0x3d: {  	_ = 	snop  }
0x3e: {  	[tilespmem:s15], [sflag:$0x1] =	stream.indirect.gather [hbm4b:s1+s13], $0x1, s2, s13, $0xb8;
	[tilespmem:$0xAC00] =	vst v63  }
0x3f: {  	_ =	swait.ge [sflag:s16], $0x1000  }
0x40: {  	[sflag:s16] =	ssyncset.done $0x0  }
0x41: {  	[sflag:s16] =	ssyncadd.s32 $0xFFFFF000  }
0x42: {  	_ =	swait.ge [sflag:s16], $0x1000  }
0x43: {  	[sflag:s16] =	ssyncset.done $0x0  }
0x44: {  	[sflag:s16] =	ssyncadd.s32 $0xFFFFF000  }
0x45: {  	_ =	swait.ge [sflag:s16], $0x80  }
0x46: {  	[sflag:s16] =	ssyncset.done $0x0  }
0x47: {  	[sflag:s16] =	ssyncadd.s32 $0xFFFFFF80  }
0x48: {  	_ =	swait.ge [sflag:s16], $0x80  }
0x49: {  	[sflag:s16] =	ssyncset.done $0x0  }
0x4a: {  	[sflag:s16] =	ssyncadd.s32 $0xFFFFFF80  }
0x4b: {  	_ =	swait.ge [sflag:s16], $0x1000  }
0x4c: {  	[sflag:s16] =	ssyncset.done $0x0  }
0x4d: {  	[sflag:s16] =	ssyncadd.s32 $0xFFFFF000  }
0x4e: {  	_ =	swait.ge [sflag:s16], $0x1000  }
0x4f: {  	[sflag:s16] =	ssyncset.done $0x0  }
0x50: {  	[sflag:s16] =	ssyncadd.s32 $0xFFFFF000  }
0x51: {  	_ =	swait.ge [sflag:s16], $0x80  }
0x52: {  	[sflag:s16] =	ssyncset.done $0x0  }
0x53: {  	[sflag:s16] =	ssyncadd.s32 $0xFFFFFF80  }
0x54: {  	_ =	swait.ge [sflag:s16], $0x80  }
0x55: {  	[sflag:s16] =	ssyncset.done $0x0  }
0x56: {  	[sflag:s16] =	ssyncadd.s32 $0xFFFFFF80  }
0x57: {  	_ =	swait.ge [sflag:s16], $0x1000  }
0x58: {  	[sflag:s16] =	ssyncset.done $0x0  }
0x59: {  	[sflag:s16] =	ssyncadd.s32 $0xFFFFF000  }
0x5a: {  	_ =	swait.ge [sflag:s16], $0x1000  }
0x5b: {  	[sflag:s16] =	ssyncset.done $0x0  }
0x5c: {  	[sflag:s16] =	ssyncadd.s32 $0xFFFFF000  }
0x5d: {  	_ =	swait.ge [sflag:s16], $0x80  }
0x5e: {  	[sflag:s16] =	ssyncset.done $0x0  }
0x5f: {  	[sflag:s16] =	ssyncadd.s32 $0xFFFFFF80  }
0x60: {  	_ =	swait.ge [sflag:s16], $0x80  }
0x61: {  	[sflag:s16] =	ssyncset.done $0x0  }
0x62: {  	[sflag:s16] =	ssyncadd.s32 $0xFFFFFF80  }
0x63: {  	_ =	swait.ge [sflag:s16], $0x1000  }
0x64: {  	[sflag:s16] =	ssyncset.done $0x0  }
0x65: {  	[sflag:s16] =	ssyncadd.s32 $0xFFFFF000  }
0x66: {  	_ =	swait.ge [sflag:s16], $0x1000  }
0x67: {  	[sflag:s16] =	ssyncset.done $0x0  }
0x68: {  	[sflag:s16] =	ssyncadd.s32 $0xFFFFF000  }
0x69: {  	_ =	swait.ge [sflag:s16], $0x80  }
0x6a: {  	[sflag:s16] =	ssyncset.done $0x0  }
0x6b: {  	[sflag:s16] =	ssyncadd.s32 $0xFFFFFF80  }
0x6c: {  	_ =	swait.ge [sflag:s16], $0x80  }
0x6d: {  	[sflag:s16] =	ssyncset.done $0x0  }
0x6e: {  	s22 =	simm.s32 $0x440;
	[sflag:s16] =	ssyncadd.s32 $0xFFFFFF80  }
0x6f: {  	s26 =	simm.s32 $0x4440;
	v2 =	vld [tilespmem:s22+$0xFFFFFFC0]  }
0x70: {  	v3 =	vld [tilespmem:s26+$0xFFFFFFD0]  }
0x71: {  	v4 =	vld [tilespmem:s26+$0xFFFFFFC0]  }
0x72: {  	v5 =	vld [tilespmem:s22+$0xFFFFFFD0];
	_ =	sdelay $0x3  }
0x73: {  	v6 =	vadd.s32 s3, v0  }
0x74: {  	v2 =	vmul.f32 v4, v2;
	v3 =	vmul.f32 v3, v5;
	_ =	sdelay $0x1  }
0x75: {  	v2 =	vadd.f32 v3, v2;
	_ =	sdelay $0x1  }
0x76: {  	[tilespmem:v6+s17+$0x0] =	vst.idx.msk $0xffff, v2  }
0x77: {  	v2 =	vld [tilespmem:s26+$0xFFFFFFE0]  }
0x78: {  	v3 =	vld [tilespmem:s22+$0xFFFFFFF0]  }
0x79: {  	v4 =	vld [tilespmem:s26+$0xFFFFFFF0]  }
0x7a: {  	v5 =	vld [tilespmem:s22+$0xFFFFFFE0];
	_ =	sdelay $0x2  }
0x7b: {  	s21 =	simm.s32 $0x11  }
0x7c: {  	v6 =	vadd.s32 s21, v0  }
0x7d: {  	v3 =	vmul.f32 v4, v3;
	v2 =	vmul.f32 v2, v5;
	_ =	sdelay $0x1  }
0x7e: {  	v2 =	vadd.f32 v3, v2;
	_ =	sdelay $0x1  }
0x7f: {  	[tilespmem:v6+s17+$0x0] =	vst.idx.msk $0xffff, v2  }
0x80: {  	v2 =	vld [tilespmem:s26+$0x10]  }
0x81: {  	v3 =	vld [tilespmem:s22+$0x10]  }
0x82: {  	v4 =	vld [tilespmem:s26+$0x0]  }
0x83: {  	v5 =	vld [tilespmem:s22+$0x0];
	_ =	sdelay $0x2  }
0x84: {  	s24 =	simm.s32 $0x22  }
0x85: {  	v6 =	vadd.s32 s24, v0  }
0x86: {  	v2 =	vmul.f32 v2, v3;
	v3 =	vmul.f32 v4, v5;
	_ =	sdelay $0x1  }
0x87: {  	v2 =	vadd.f32 v2, v3;
	_ =	sdelay $0x1  }
0x88: {  	[tilespmem:v6+s17+$0x0] =	vst.idx.msk $0xffff, v2  }
0x89: {  	s28 =	simm.s32 $0x0;
	v2 =	vld [tilespmem:s22+$0x20]  }
0x8a: {  	s29 =	simm.s32 $0x33;
	s31 =	simm.s32 $0x4C0;
	s4 =	simm.s32 $0x0;
	v3 =	vld [tilespmem:s26+$0x30]  }
0x8b: {  	s21 =	simm.s32 $0x1470;
	s24 =	simm.s32 $0x8B3;
	v4 =	vld [tilespmem:s22+$0x30];
	s22 =	simm.s32 $0x5470  }
.LBB2_2:
0x8c: {  	s28 =	sadd.s32 $0x4, s28;
	v5 =	vld [tilespmem:s26+$0x20];
	s4 =	sadd.s32 $0x44, s4;
	s26 =	sadd.s32 $0x80, s26  }
0x8d: {  	s14 =	sadd.s32 $0x33, s4;
	p0 =	slt.u32 s28, $0x7C;
	_ =	sdelay $0x1  }
0x8e: {  	v6 =	vadd.s32 s29, v0;
	s29 =	smov.u32 s14  }
0x8f: {  	v3 =	vmul.f32 v3, v4  }
0x90: {  	v2 =	vmul.f32 v5, v2;
	_ =	sdelay $0x1  }
0x91: {  	v2 =	vadd.f32 v3, v2;
	_ =	sdelay $0x1  }
0x92: {  	[tilespmem:v6+s17+$0x0] =	vst.idx.msk $0xffff, v2  }
0x93: {  	v2 =	vld [tilespmem:s31+$0xFFFFFFC0]  }
0x94: {  	v3 =	vld [tilespmem:s26+$0xFFFFFFD0]  }
0x95: {  	v4 =	vld [tilespmem:s26+$0xFFFFFFC0]  }
0x96: {  	v5 =	vld [tilespmem:s31+$0xFFFFFFD0];
	_ =	sdelay $0x3  }
0x97: {  	v2 =	vmul.f32 v4, v2;
	v4 =	vadd.s32 s4, v0  }
0x98: {  	v3 =	vmul.f32 v3, v5;
	_ =	sdelay $0x1  }
0x99: {  	v2 =	vadd.f32 v3, v2;
	_ =	sdelay $0x1  }
0x9a: {  	[tilespmem:v4+s17+$0x0] =	vst.idx.msk $0xffff, v2  }
0x9b: {  	v2 =	vld [tilespmem:s26+$0xFFFFFFE0]  }
0x9c: {  	v3 =	vld [tilespmem:s31+$0xFFFFFFF0]  }
0x9d: {  	v4 =	vld [tilespmem:s26+$0xFFFFFFF0]  }
0x9e: {  	v5 =	vld [tilespmem:s31+$0xFFFFFFE0];
	_ =	sdelay $0x2  }
0x9f: {  	s14 =	sadd.s32 $0x11, s4  }
0xa0: {  	v3 =	vmul.f32 v4, v3;
	v4 =	vadd.s32 s14, v0  }
0xa1: {  	v2 =	vmul.f32 v2, v5;
	_ =	sdelay $0x1  }
0xa2: {  	v2 =	vadd.f32 v3, v2;
	_ =	sdelay $0x1  }
0xa3: {  	[tilespmem:v4+s17+$0x0] =	vst.idx.msk $0xffff, v2  }
0xa4: {  	v2 =	vld [tilespmem:s26+$0x10]  }
0xa5: {  	v3 =	vld [tilespmem:s31+$0x10]  }
0xa6: {  	v4 =	vld [tilespmem:s26+$0x0]  }
0xa7: {  	v5 =	vld [tilespmem:s31+$0x0];
	_ =	sdelay $0x2  }
0xa8: {  	s14 =	sadd.s32 $0x22, s4;
	v2 =	vmul.f32 v2, v3  }
0xa9: {  	v3 =	vadd.s32 s14, v0  }
0xaa: {  	v4 =	vmul.f32 v4, v5;
	_ =	sdelay $0x1  }
0xab: {  	v2 =	vadd.f32 v2, v4  }
.Ltmp0:
0xac: {  	(pc) =	sbr.rel @p0 .LBB2_2-.Ltmp0, $4  }
0xad: {  	[tilespmem:v3+s17+$0x0] =	vst.idx.msk $0xffff, v2  }
0xae: {  	v2 =	vld [tilespmem:s31+$0x20]  }
0xaf: {  	v3 =	vld [tilespmem:s26+$0x30]  }
0xb0: {  	v4 =	vld [tilespmem:s31+$0x30];
	s31 =	sadd.s32 $0x80, s31  }
0xb1: {  	v5 =	vld [tilespmem:s26+$0x20];
	_ =	sdelay $0x3  }
0xb2: {  	v6 =	vadd.s32 s29, v0  }
0xb3: {  	v3 =	vmul.f32 v3, v4;
	v2 =	vmul.f32 v5, v2;
	_ =	sdelay $0x1  }
0xb4: {  	v2 =	vadd.f32 v3, v2;
	_ =	sdelay $0x1  }
0xb5: {  	[tilespmem:v6+s17+$0x0] =	vst.idx.msk $0xffff, v2  }
0xb6: {  	v2 =	vld [tilespmem:s21+$0xFFFFFF90]  }
0xb7: {  	v3 =	vld [tilespmem:s22+$0xFFFFFFA0]  }
0xb8: {  	v4 =	vld [tilespmem:s22+$0xFFFFFF90]  }
0xb9: {  	v5 =	vld [tilespmem:s21+$0xFFFFFFA0];
	_ =	sdelay $0x2  }
0xba: {  	s4 =	simm.s32 $0x880  }
0xbb: {  	v6 =	vadd.s32 s4, v0  }
0xbc: {  	v2 =	vmul.f32 v4, v2;
	v3 =	vmul.f32 v3, v5;
	_ =	sdelay $0x1  }
0xbd: {  	v2 =	vadd.f32 v3, v2;
	_ =	sdelay $0x1  }
0xbe: {  	[tilespmem:v6+s17+$0x0] =	vst.idx.msk $0xffff, v2  }
0xbf: {  	v2 =	vld [tilespmem:s22+$0xFFFFFFC0]  }
0xc0: {  	v3 =	vld [tilespmem:s21+$0xFFFFFFC0]  }
0xc1: {  	v4 =	vld [tilespmem:s22+$0xFFFFFFB0]  }
0xc2: {  	v5 =	vld [tilespmem:s21+$0xFFFFFFB0];
	_ =	sdelay $0x2  }
0xc3: {  	s14 =	simm.s32 $0x891  }
0xc4: {  	v6 =	vadd.s32 s14, v0  }
0xc5: {  	v2 =	vmul.f32 v2, v3;
	v3 =	vmul.f32 v4, v5;
	_ =	sdelay $0x1  }
0xc6: {  	v2 =	vadd.f32 v2, v3;
	_ =	sdelay $0x1  }
0xc7: {  	[tilespmem:v6+s17+$0x0] =	vst.idx.msk $0xffff, v2  }
0xc8: {  	v2 =	vld [tilespmem:s21+$0xFFFFFFD0]  }
0xc9: {  	v3 =	vld [tilespmem:s21+$0xFFFFFFE0]  }
0xca: {  	v4 =	vld [tilespmem:s22+$0xFFFFFFD0]  }
0xcb: {  	v5 =	vld [tilespmem:s22+$0xFFFFFFE0];
	_ =	sdelay $0x2  }
0xcc: {  	s26 =	simm.s32 $0x8A2  }
0xcd: {  	v6 =	vadd.s32 s26, v0  }
0xce: {  	v2 =	vmul.f32 v4, v2;
	v3 =	vmul.f32 v5, v3;
	_ =	sdelay $0x1  }
0xcf: {  	v2 =	vadd.f32 v3, v2;
	_ =	sdelay $0x1  }
0xd0: {  	[tilespmem:v6+s17+$0x0] =	vst.idx.msk $0xffff, v2  }
0xd1: {  	v2 =	vld [tilespmem:s21+$0xFFFFFFF0]  }
0xd2: {  	s29 =	simm.s32 $0x0;
	s28 =	simm.s32 $0x2470;
	s31 =	simm.s32 $0x14F0;
	v3 =	vld [tilespmem:s21+$0x0]  }
0xd3: {  	s4 =	simm.s32 $0x8B3;
	s26 =	simm.s32 $0x1133;
	s21 =	simm.s32 $0x6470;
	v4 =	vld [tilespmem:s22+$0x0]  }
.LBB2_4:
0xd4: {  	s29 =	sadd.s32 $0x4, s29;
	v5 =	vld [tilespmem:s22+$0xFFFFFFF0];
	s24 =	sadd.s32 $0x44, s24;
	s22 =	sadd.s32 $0x80, s22  }
0xd5: {  	p0 =	slt.u32 s29, $0x7C;
	_ =	sdelay $0x1  }
0xd6: {  	v6 =	vadd.s32 s4, v0;
	s4 =	smov.u32 s24  }
0xd7: {  	v3 =	vmul.f32 v4, v3  }
0xd8: {  	v2 =	vmul.f32 v5, v2;
	_ =	sdelay $0x1  }
0xd9: {  	v2 =	vadd.f32 v3, v2;
	_ =	sdelay $0x1  }
0xda: {  	[tilespmem:v6+s17+$0x0] =	vst.idx.msk $0xffff, v2  }
0xdb: {  	v2 =	vld [tilespmem:s31+$0xFFFFFF90]  }
0xdc: {  	v3 =	vld [tilespmem:s22+$0xFFFFFFA0]  }
0xdd: {  	v4 =	vld [tilespmem:s22+$0xFFFFFF90]  }
0xde: {  	v5 =	vld [tilespmem:s31+$0xFFFFFFA0];
	_ =	sdelay $0x2  }
0xdf: {  	s14 =	sadd.s32 $0xFFFFFFCD, s24  }
0xe0: {  	v2 =	vmul.f32 v4, v2;
	v4 =	vadd.s32 s14, v0  }
0xe1: {  	v3 =	vmul.f32 v3, v5;
	_ =	sdelay $0x1  }
0xe2: {  	v2 =	vadd.f32 v3, v2;
	_ =	sdelay $0x1  }
0xe3: {  	[tilespmem:v4+s17+$0x0] =	vst.idx.msk $0xffff, v2  }
0xe4: {  	v2 =	vld [tilespmem:s22+$0xFFFFFFC0]  }
0xe5: {  	v3 =	vld [tilespmem:s31+$0xFFFFFFC0]  }
0xe6: {  	v4 =	vld [tilespmem:s22+$0xFFFFFFB0]  }
0xe7: {  	v5 =	vld [tilespmem:s31+$0xFFFFFFB0];
	_ =	sdelay $0x2  }
0xe8: {  	s14 =	sadd.s32 $0xFFFFFFDE, s24;
	v2 =	vmul.f32 v2, v3  }
0xe9: {  	v3 =	vadd.s32 s14, v0  }
0xea: {  	v4 =	vmul.f32 v4, v5;
	_ =	sdelay $0x1  }
0xeb: {  	v2 =	vadd.f32 v2, v4;
	_ =	sdelay $0x1  }
0xec: {  	[tilespmem:v3+s17+$0x0] =	vst.idx.msk $0xffff, v2  }
0xed: {  	v2 =	vld [tilespmem:s31+$0xFFFFFFD0]  }
0xee: {  	v3 =	vld [tilespmem:s31+$0xFFFFFFE0]  }
0xef: {  	v4 =	vld [tilespmem:s22+$0xFFFFFFD0]  }
0xf0: {  	v5 =	vld [tilespmem:s22+$0xFFFFFFE0];
	_ =	sdelay $0x2  }
0xf1: {  	s14 =	sadd.s32 $0xFFFFFFEF, s24  }
0xf2: {  	v2 =	vmul.f32 v4, v2;
	v4 =	vadd.s32 s14, v0  }
0xf3: {  	v3 =	vmul.f32 v5, v3;
	_ =	sdelay $0x1  }
0xf4: {  	v2 =	vadd.f32 v3, v2  }
.Ltmp1:
0xf5: {  	(pc) =	sbr.rel @p0 .LBB2_4-.Ltmp1, $4  }
0xf6: {  	[tilespmem:v4+s17+$0x0] =	vst.idx.msk $0xffff, v2  }
0xf7: {  	v2 =	vld [tilespmem:s31+$0xFFFFFFF0]  }
0xf8: {  	v3 =	vld [tilespmem:s31+$0x0]  }
0xf9: {  	s31 =	sadd.s32 $0x80, s31;
	v4 =	vld [tilespmem:s22+$0x0]  }
0xfa: {  	v5 =	vld [tilespmem:s22+$0xFFFFFFF0];
	_ =	sdelay $0x3  }
0xfb: {  	v6 =	vadd.s32 s4, v0  }
0xfc: {  	v3 =	vmul.f32 v4, v3;
	v2 =	vmul.f32 v5, v2;
	_ =	sdelay $0x1  }
0xfd: {  	v2 =	vadd.f32 v3, v2;
	_ =	sdelay $0x1  }
0xfe: {  	[tilespmem:v6+s17+$0x0] =	vst.idx.msk $0xffff, v2  }
0xff: {  	v2 =	vld [tilespmem:s28+$0xFFFFFF90]  }
0x100: {  	v3 =	vld [tilespmem:s21+$0xFFFFFFA0]  }
0x101: {  	v4 =	vld [tilespmem:s21+$0xFFFFFF90]  }
0x102: {  	v5 =	vld [tilespmem:s28+$0xFFFFFFA0];
	_ =	sdelay $0x2  }
0x103: {  	s14 =	simm.s32 $0x1100  }
0x104: {  	v6 =	vadd.s32 s14, v0  }
0x105: {  	v2 =	vmul.f32 v4, v2;
	v3 =	vmul.f32 v3, v5;
	_ =	sdelay $0x1  }
0x106: {  	v2 =	vadd.f32 v3, v2;
	_ =	sdelay $0x1  }
0x107: {  	[tilespmem:v6+s17+$0x0] =	vst.idx.msk $0xffff, v2  }
0x108: {  	v2 =	vld [tilespmem:s21+$0xFFFFFFC0]  }
0x109: {  	v3 =	vld [tilespmem:s28+$0xFFFFFFC0]  }
0x10a: {  	v4 =	vld [tilespmem:s21+$0xFFFFFFB0]  }
0x10b: {  	v5 =	vld [tilespmem:s28+$0xFFFFFFB0];
	_ =	sdelay $0x2  }
0x10c: {  	s22 =	simm.s32 $0x1111  }
0x10d: {  	v6 =	vadd.s32 s22, v0  }
0x10e: {  	v2 =	vmul.f32 v2, v3;
	v3 =	vmul.f32 v4, v5;
	_ =	sdelay $0x1  }
0x10f: {  	v2 =	vadd.f32 v2, v3;
	_ =	sdelay $0x1  }
0x110: {  	[tilespmem:v6+s17+$0x0] =	vst.idx.msk $0xffff, v2  }
0x111: {  	v2 =	vld [tilespmem:s28+$0xFFFFFFD0]  }
0x112: {  	v3 =	vld [tilespmem:s28+$0xFFFFFFE0]  }
0x113: {  	v4 =	vld [tilespmem:s21+$0xFFFFFFD0]  }
0x114: {  	v5 =	vld [tilespmem:s21+$0xFFFFFFE0];
	_ =	sdelay $0x2  }
0x115: {  	s24 =	simm.s32 $0x1122  }
0x116: {  	v6 =	vadd.s32 s24, v0  }
0x117: {  	v2 =	vmul.f32 v4, v2;
	v3 =	vmul.f32 v5, v3;
	_ =	sdelay $0x1  }
0x118: {  	v2 =	vadd.f32 v3, v2;
	_ =	sdelay $0x1  }
0x119: {  	[tilespmem:v6+s17+$0x0] =	vst.idx.msk $0xffff, v2  }
0x11a: {  	v2 =	vld [tilespmem:s28+$0xFFFFFFF0]  }
0x11b: {  	s29 =	simm.s32 $0x0;
	s31 =	simm.s32 $0x24F0;
	s4 =	simm.s32 $0x1133;
	v3 =	vld [tilespmem:s28+$0x0]  }
0x11c: {  	s22 =	simm.s32 $0x7470;
	s24 =	simm.s32 $0x19B3;
	s28 =	simm.s32 $0x3470;
	v4 =	vld [tilespmem:s21+$0x0]  }
.LBB2_6:
0x11d: {  	s29 =	sadd.s32 $0x4, s29;
	v5 =	vld [tilespmem:s21+$0xFFFFFFF0];
	s26 =	sadd.s32 $0x44, s26;
	s21 =	sadd.s32 $0x80, s21  }
0x11e: {  	p0 =	slt.u32 s29, $0x7C;
	_ =	sdelay $0x1  }
0x11f: {  	v6 =	vadd.s32 s4, v0;
	s4 =	smov.u32 s26  }
0x120: {  	v3 =	vmul.f32 v4, v3  }
0x121: {  	v2 =	vmul.f32 v5, v2;
	_ =	sdelay $0x1  }
0x122: {  	v2 =	vadd.f32 v3, v2;
	_ =	sdelay $0x1  }
0x123: {  	[tilespmem:v6+s17+$0x0] =	vst.idx.msk $0xffff, v2  }
0x124: {  	v2 =	vld [tilespmem:s31+$0xFFFFFF90]  }
0x125: {  	v3 =	vld [tilespmem:s21+$0xFFFFFFA0]  }
0x126: {  	v4 =	vld [tilespmem:s21+$0xFFFFFF90]  }
0x127: {  	v5 =	vld [tilespmem:s31+$0xFFFFFFA0];
	_ =	sdelay $0x2  }
0x128: {  	s14 =	sadd.s32 $0xFFFFFFCD, s26  }
0x129: {  	v2 =	vmul.f32 v4, v2;
	v4 =	vadd.s32 s14, v0  }
0x12a: {  	v3 =	vmul.f32 v3, v5;
	_ =	sdelay $0x1  }
0x12b: {  	v2 =	vadd.f32 v3, v2;
	_ =	sdelay $0x1  }
0x12c: {  	[tilespmem:v4+s17+$0x0] =	vst.idx.msk $0xffff, v2  }
0x12d: {  	v2 =	vld [tilespmem:s21+$0xFFFFFFC0]  }
0x12e: {  	v3 =	vld [tilespmem:s31+$0xFFFFFFC0]  }
0x12f: {  	v4 =	vld [tilespmem:s21+$0xFFFFFFB0]  }
0x130: {  	v5 =	vld [tilespmem:s31+$0xFFFFFFB0];
	_ =	sdelay $0x2  }
0x131: {  	s14 =	sadd.s32 $0xFFFFFFDE, s26;
	v2 =	vmul.f32 v2, v3  }
0x132: {  	v3 =	vadd.s32 s14, v0  }
0x133: {  	v4 =	vmul.f32 v4, v5;
	_ =	sdelay $0x1  }
0x134: {  	v2 =	vadd.f32 v2, v4;
	_ =	sdelay $0x1  }
0x135: {  	[tilespmem:v3+s17+$0x0] =	vst.idx.msk $0xffff, v2  }
0x136: {  	v2 =	vld [tilespmem:s31+$0xFFFFFFD0]  }
0x137: {  	v3 =	vld [tilespmem:s31+$0xFFFFFFE0]  }
0x138: {  	v4 =	vld [tilespmem:s21+$0xFFFFFFD0]  }
0x139: {  	v5 =	vld [tilespmem:s21+$0xFFFFFFE0];
	_ =	sdelay $0x2  }
0x13a: {  	s14 =	sadd.s32 $0xFFFFFFEF, s26  }
0x13b: {  	v2 =	vmul.f32 v4, v2;
	v4 =	vadd.s32 s14, v0  }
0x13c: {  	v3 =	vmul.f32 v5, v3;
	_ =	sdelay $0x1  }
0x13d: {  	v2 =	vadd.f32 v3, v2  }
.Ltmp2:
0x13e: {  	(pc) =	sbr.rel @p0 .LBB2_6-.Ltmp2, $4  }
0x13f: {  	[tilespmem:v4+s17+$0x0] =	vst.idx.msk $0xffff, v2  }
0x140: {  	v2 =	vld [tilespmem:s31+$0xFFFFFFF0]  }
0x141: {  	v3 =	vld [tilespmem:s31+$0x0]  }
0x142: {  	s31 =	sadd.s32 $0x80, s31;
	v4 =	vld [tilespmem:s21+$0x0]  }
0x143: {  	v5 =	vld [tilespmem:s21+$0xFFFFFFF0];
	_ =	sdelay $0x3  }
0x144: {  	v6 =	vadd.s32 s4, v0  }
0x145: {  	v3 =	vmul.f32 v4, v3;
	v2 =	vmul.f32 v5, v2;
	_ =	sdelay $0x1  }
0x146: {  	v2 =	vadd.f32 v3, v2;
	_ =	sdelay $0x1  }
0x147: {  	[tilespmem:v6+s17+$0x0] =	vst.idx.msk $0xffff, v2  }
0x148: {  	v2 =	vld [tilespmem:s28+$0xFFFFFF90]  }
0x149: {  	v3 =	vld [tilespmem:s22+$0xFFFFFFA0]  }
0x14a: {  	v4 =	vld [tilespmem:s22+$0xFFFFFF90]  }
0x14b: {  	v5 =	vld [tilespmem:s28+$0xFFFFFFA0];
	_ =	sdelay $0x2  }
0x14c: {  	s26 =	simm.s32 $0x1980  }
0x14d: {  	v6 =	vadd.s32 s26, v0  }
0x14e: {  	v2 =	vmul.f32 v4, v2;
	v3 =	vmul.f32 v3, v5;
	_ =	sdelay $0x1  }
0x14f: {  	v2 =	vadd.f32 v3, v2;
	_ =	sdelay $0x1  }
0x150: {  	[tilespmem:v6+s17+$0x0] =	vst.idx.msk $0xffff, v2  }
0x151: {  	v2 =	vld [tilespmem:s22+$0xFFFFFFC0]  }
0x152: {  	v3 =	vld [tilespmem:s28+$0xFFFFFFC0]  }
0x153: {  	v4 =	vld [tilespmem:s22+$0xFFFFFFB0]  }
0x154: {  	v5 =	vld [tilespmem:s28+$0xFFFFFFB0];
	_ =	sdelay $0x2  }
0x155: {  	s29 =	simm.s32 $0x1991  }
0x156: {  	v6 =	vadd.s32 s29, v0  }
0x157: {  	v2 =	vmul.f32 v2, v3;
	v3 =	vmul.f32 v4, v5;
	_ =	sdelay $0x1  }
0x158: {  	v2 =	vadd.f32 v2, v3;
	_ =	sdelay $0x1  }
0x159: {  	[tilespmem:v6+s17+$0x0] =	vst.idx.msk $0xffff, v2  }
0x15a: {  	v2 =	vld [tilespmem:s28+$0xFFFFFFD0]  }
0x15b: {  	v3 =	vld [tilespmem:s28+$0xFFFFFFE0]  }
0x15c: {  	v4 =	vld [tilespmem:s22+$0xFFFFFFD0]  }
0x15d: {  	v5 =	vld [tilespmem:s22+$0xFFFFFFE0];
	_ =	sdelay $0x2  }
0x15e: {  	s31 =	simm.s32 $0x19A2  }
0x15f: {  	v6 =	vadd.s32 s31, v0  }
0x160: {  	v2 =	vmul.f32 v4, v2;
	v3 =	vmul.f32 v5, v3;
	_ =	sdelay $0x1  }
0x161: {  	v2 =	vadd.f32 v3, v2;
	_ =	sdelay $0x1  }
0x162: {  	[tilespmem:v6+s17+$0x0] =	vst.idx.msk $0xffff, v2  }
0x163: {  	v2 =	vld [tilespmem:s28+$0xFFFFFFF0]  }
0x164: {  	v3 =	vld [tilespmem:s28+$0x0]  }
0x165: {  	s21 =	simm.s32 $0x0;
	s4 =	simm.s32 $0x19B3;
	s26 =	simm.s32 $0x34F0;
	v4 =	vld [tilespmem:s22+$0x0]  }
.LBB2_8:
0x166: {  	s21 =	sadd.s32 $0x4, s21;
	v5 =	vld [tilespmem:s22+$0xFFFFFFF0];
	s24 =	sadd.s32 $0x44, s24;
	s22 =	sadd.s32 $0x80, s22  }
0x167: {  	p0 =	slt.u32 s21, $0x7C;
	_ =	sdelay $0x1  }
0x168: {  	v6 =	vadd.s32 s4, v0;
	s4 =	smov.u32 s24  }
0x169: {  	v3 =	vmul.f32 v4, v3  }
0x16a: {  	v2 =	vmul.f32 v5, v2;
	_ =	sdelay $0x1  }
0x16b: {  	v2 =	vadd.f32 v3, v2;
	_ =	sdelay $0x1  }
0x16c: {  	[tilespmem:v6+s17+$0x0] =	vst.idx.msk $0xffff, v2  }
0x16d: {  	v2 =	vld [tilespmem:s26+$0xFFFFFF90]  }
0x16e: {  	v3 =	vld [tilespmem:s22+$0xFFFFFFA0]  }
0x16f: {  	v4 =	vld [tilespmem:s22+$0xFFFFFF90]  }
0x170: {  	v5 =	vld [tilespmem:s26+$0xFFFFFFA0];
	_ =	sdelay $0x2  }
0x171: {  	s14 =	sadd.s32 $0xFFFFFFCD, s24  }
0x172: {  	v2 =	vmul.f32 v4, v2;
	v4 =	vadd.s32 s14, v0  }
0x173: {  	v3 =	vmul.f32 v3, v5;
	_ =	sdelay $0x1  }
0x174: {  	v2 =	vadd.f32 v3, v2;
	_ =	sdelay $0x1  }
0x175: {  	[tilespmem:v4+s17+$0x0] =	vst.idx.msk $0xffff, v2  }
0x176: {  	v2 =	vld [tilespmem:s22+$0xFFFFFFC0]  }
0x177: {  	v3 =	vld [tilespmem:s26+$0xFFFFFFC0]  }
0x178: {  	v4 =	vld [tilespmem:s22+$0xFFFFFFB0]  }
0x179: {  	v5 =	vld [tilespmem:s26+$0xFFFFFFB0];
	_ =	sdelay $0x2  }
0x17a: {  	s14 =	sadd.s32 $0xFFFFFFDE, s24;
	v2 =	vmul.f32 v2, v3  }
0x17b: {  	v3 =	vadd.s32 s14, v0  }
0x17c: {  	v4 =	vmul.f32 v4, v5;
	_ =	sdelay $0x1  }
0x17d: {  	v2 =	vadd.f32 v2, v4;
	_ =	sdelay $0x1  }
0x17e: {  	[tilespmem:v3+s17+$0x0] =	vst.idx.msk $0xffff, v2  }
0x17f: {  	v2 =	vld [tilespmem:s26+$0xFFFFFFD0]  }
0x180: {  	v3 =	vld [tilespmem:s26+$0xFFFFFFE0]  }
0x181: {  	v4 =	vld [tilespmem:s22+$0xFFFFFFD0]  }
0x182: {  	v5 =	vld [tilespmem:s22+$0xFFFFFFE0];
	_ =	sdelay $0x2  }
0x183: {  	s14 =	sadd.s32 $0xFFFFFFEF, s24  }
0x184: {  	v2 =	vmul.f32 v4, v2;
	v4 =	vadd.s32 s14, v0  }
0x185: {  	v3 =	vmul.f32 v5, v3;
	_ =	sdelay $0x1  }
0x186: {  	v2 =	vadd.f32 v3, v2  }
.Ltmp3:
0x187: {  	(pc) =	sbr.rel @p0 .LBB2_8-.Ltmp3, $4  }
0x188: {  	[tilespmem:v4+s17+$0x0] =	vst.idx.msk $0xffff, v2  }
0x189: {  	v2 =	vld [tilespmem:s26+$0xFFFFFFF0]  }
0x18a: {  	v3 =	vld [tilespmem:s26+$0x0]  }
0x18b: {  	s26 =	sadd.s32 $0x80, s26;
	v4 =	vld [tilespmem:s22+$0x0]  }
0x18c: {  	v5 =	vld [tilespmem:s22+$0xFFFFFFF0];
	_ =	sdelay $0x3  }
0x18d: {  	v6 =	vadd.s32 s4, v0  }
0x18e: {  	v3 =	vmul.f32 v4, v3;
	v2 =	vmul.f32 v5, v2;
	_ =	sdelay $0x1  }
0x18f: {  	v2 =	vadd.f32 v3, v2;
	_ =	sdelay $0x1  }
0x190: {  	[tilespmem:v6+s17+$0x0] =	vst.idx.msk $0xffff, v2  }
0x191: {  	v2 =	vld [tilespmem:$0x8400]  }
0x192: {  	v3 =	vld [tilespmem:$0x8600];
	_ =	sdelay $0x1  }
0x193: {  	v4 =	vld.idx.msk [tilespmem:v1+s17+$0x0], $0xffff  }
0x194: {  	v5 =	vld [tilespmem:$0x1FFA0];
	_ =	sdelay $0x1  }
0x195: {  	v2 =	vadd.f32 v3, v2;
	v3 =	vld [tilespmem:$0x1FFB0];
	_ =	sdelay $0x1  }
0x196: {  	v2 =	vadd.f32 v4, v2;
	v4 =	vld [tilespmem:$0x1FFC0];
	_ =	sdelay $0x3  }
0x197: {  	v5 =	vld.idx.msk [tilespmem:v5+s17+$0x0], $0xffff;
	_ =	sdelay $0x1  }
0x198: {  	v3 =	vld.idx.msk [tilespmem:v3+s17+$0x0], $0xffff;
	_ =	sdelay $0x1  }
0x199: {  	v4 =	vld.idx.msk [tilespmem:v4+s17+$0x0], $0xffff  }
0x19a: {  	v2 =	vadd.f32 v5, v2;
	v5 =	vld [tilespmem:$0x1FFD0];
	_ =	sdelay $0x1  }
0x19b: {  	v2 =	vadd.f32 v3, v2;
	v3 =	vld [tilespmem:$0x1FFE0];
	_ =	sdelay $0x1  }
0x19c: {  	v2 =	vadd.f32 v4, v2;
	v4 =	vld [tilespmem:$0x1FFF0];
	_ =	sdelay $0x3  }
0x19d: {  	v5 =	vld.idx.msk [tilespmem:v5+s17+$0x0], $0xffff;
	_ =	sdelay $0x1  }
0x19e: {  	v3 =	vld.idx.msk [tilespmem:v3+s17+$0x0], $0xffff;
	_ =	sdelay $0x1  }
0x19f: {  	v4 =	vld.idx.msk [tilespmem:v4+s17+$0x0], $0xffff  }
0x1a0: {  	v2 =	vadd.f32 v5, v2  }
0x1a1: {  	v5 =	vld.idx.msk [tilespmem:v8+s17+$0x0], $0xffff  }
0x1a2: {  	v2 =	vadd.f32 v3, v2  }
0x1a3: {  	v3 =	vld.idx.msk [tilespmem:v9+s17+$0x0], $0xffff  }
0x1a4: {  	v2 =	vadd.f32 v4, v2  }
0x1a5: {  	v4 =	vld.idx.msk [tilespmem:v10+s17+$0x0], $0xffff  }
0x1a6: {  	v2 =	vadd.f32 v5, v2  }
0x1a7: {  	v5 =	vld.idx.msk [tilespmem:v11+s17+$0x0], $0xffff  }
0x1a8: {  	v2 =	vadd.f32 v3, v2  }
0x1a9: {  	v3 =	vld.idx.msk [tilespmem:v12+s17+$0x0], $0xffff  }
0x1aa: {  	v2 =	vadd.f32 v4, v2  }
0x1ab: {  	v4 =	vld.idx.msk [tilespmem:v13+s17+$0x0], $0xffff  }
0x1ac: {  	v2 =	vadd.f32 v5, v2  }
0x1ad: {  	v5 =	vld.idx.msk [tilespmem:v14+s17+$0x0], $0xffff  }
0x1ae: {  	v2 =	vadd.f32 v3, v2  }
0x1af: {  	v3 =	vld.idx.msk [tilespmem:v15+s17+$0x0], $0xffff  }
0x1b0: {  	v2 =	vadd.f32 v4, v2  }
0x1b1: {  	v4 =	vld.idx.msk [tilespmem:v16+s17+$0x0], $0xffff  }
0x1b2: {  	v2 =	vadd.f32 v5, v2;
	_ =	sdelay $0x1  }
0x1b3: {  	v2 =	vadd.f32 v3, v2;
	_ =	sdelay $0x1  }
0x1b4: {  	v3 =	vld [tilespmem:$0x8410];
	v2 =	vadd.f32 v4, v2  }
0x1b5: {  	v4 =	vld [tilespmem:$0x8610]  }
0x1b6: {  	[tilespmem:$0xAA00] =	vst v2  }
0x1b7: {  	v2 =	vld.idx.msk [tilespmem:v17+s17+$0x0], $0xffff;
	_ =	sdelay $0x1  }
0x1b8: {  	v5 =	vld.idx.msk [tilespmem:v18+s17+$0x0], $0xffff  }
0x1b9: {  	v3 =	vadd.f32 v4, v3  }
0x1ba: {  	v4 =	vld.idx.msk [tilespmem:v19+s17+$0x0], $0xffff  }
0x1bb: {  	v2 =	vadd.f32 v2, v3  }
0x1bc: {  	v3 =	vld.idx.msk [tilespmem:v20+s17+$0x0], $0xffff  }
0x1bd: {  	v2 =	vadd.f32 v5, v2  }
0x1be: {  	v5 =	vld.idx.msk [tilespmem:v21+s17+$0x0], $0xffff  }
0x1bf: {  	v2 =	vadd.f32 v4, v2  }
0x1c0: {  	v4 =	vld.idx.msk [tilespmem:v22+s17+$0x0], $0xffff  }
0x1c1: {  	v2 =	vadd.f32 v3, v2  }
0x1c2: {  	v3 =	vld.idx.msk [tilespmem:v23+s17+$0x0], $0xffff  }
0x1c3: {  	v2 =	vadd.f32 v5, v2  }
0x1c4: {  	v5 =	vld.idx.msk [tilespmem:v24+s17+$0x0], $0xffff  }
0x1c5: {  	v2 =	vadd.f32 v4, v2  }
0x1c6: {  	v4 =	vld.idx.msk [tilespmem:v25+s17+$0x0], $0xffff  }
0x1c7: {  	v2 =	vadd.f32 v3, v2  }
0x1c8: {  	v3 =	vld.idx.msk [tilespmem:v26+s17+$0x0], $0xffff  }
0x1c9: {  	v2 =	vadd.f32 v5, v2  }
0x1ca: {  	v5 =	vld.idx.msk [tilespmem:v27+s17+$0x0], $0xffff  }
0x1cb: {  	v2 =	vadd.f32 v4, v2  }
0x1cc: {  	v4 =	vld.idx.msk [tilespmem:v28+s17+$0x0], $0xffff  }
0x1cd: {  	v2 =	vadd.f32 v3, v2  }
0x1ce: {  	v3 =	vld.idx.msk [tilespmem:v29+s17+$0x0], $0xffff  }
0x1cf: {  	v2 =	vadd.f32 v5, v2  }
0x1d0: {  	v5 =	vld.idx.msk [tilespmem:v30+s17+$0x0], $0xffff  }
0x1d1: {  	v2 =	vadd.f32 v4, v2  }
0x1d2: {  	v4 =	vld.idx.msk [tilespmem:v31+s17+$0x0], $0xffff  }
0x1d3: {  	v2 =	vadd.f32 v3, v2  }
0x1d4: {  	v3 =	vld.idx.msk [tilespmem:v32+s17+$0x0], $0xffff  }
0x1d5: {  	v2 =	vadd.f32 v5, v2;
	_ =	sdelay $0x1  }
0x1d6: {  	v2 =	vadd.f32 v4, v2;
	_ =	sdelay $0x1  }
0x1d7: {  	v4 =	vld [tilespmem:$0x8620];
	v2 =	vadd.f32 v3, v2  }
0x1d8: {  	v3 =	vld [tilespmem:$0x8420]  }
0x1d9: {  	[tilespmem:$0xAA10] =	vst v2  }
0x1da: {  	v2 =	vld.idx.msk [tilespmem:v33+s17+$0x0], $0xffff;
	_ =	sdelay $0x1  }
0x1db: {  	v5 =	vld.idx.msk [tilespmem:v34+s17+$0x0], $0xffff  }
0x1dc: {  	v3 =	vadd.f32 v4, v3  }
0x1dd: {  	v4 =	vld.idx.msk [tilespmem:v35+s17+$0x0], $0xffff  }
0x1de: {  	v2 =	vadd.f32 v2, v3  }
0x1df: {  	v3 =	vld.idx.msk [tilespmem:v36+s17+$0x0], $0xffff  }
0x1e0: {  	v2 =	vadd.f32 v5, v2  }
0x1e1: {  	v5 =	vld.idx.msk [tilespmem:v37+s17+$0x0], $0xffff  }
0x1e2: {  	v2 =	vadd.f32 v4, v2  }
0x1e3: {  	v4 =	vld.idx.msk [tilespmem:v38+s17+$0x0], $0xffff  }
0x1e4: {  	v2 =	vadd.f32 v3, v2  }
0x1e5: {  	v3 =	vld.idx.msk [tilespmem:v39+s17+$0x0], $0xffff  }
0x1e6: {  	v2 =	vadd.f32 v5, v2  }
0x1e7: {  	v5 =	vld.idx.msk [tilespmem:v40+s17+$0x0], $0xffff  }
0x1e8: {  	v2 =	vadd.f32 v4, v2  }
0x1e9: {  	v4 =	vld.idx.msk [tilespmem:v41+s17+$0x0], $0xffff  }
0x1ea: {  	v2 =	vadd.f32 v3, v2  }
0x1eb: {  	v3 =	vld.idx.msk [tilespmem:v42+s17+$0x0], $0xffff  }
0x1ec: {  	v2 =	vadd.f32 v5, v2  }
0x1ed: {  	v5 =	vld.idx.msk [tilespmem:v43+s17+$0x0], $0xffff  }
0x1ee: {  	v2 =	vadd.f32 v4, v2  }
0x1ef: {  	v4 =	vld.idx.msk [tilespmem:v44+s17+$0x0], $0xffff  }
0x1f0: {  	v2 =	vadd.f32 v3, v2  }
0x1f1: {  	v3 =	vld.idx.msk [tilespmem:v45+s17+$0x0], $0xffff  }
0x1f2: {  	v2 =	vadd.f32 v5, v2  }
0x1f3: {  	v5 =	vld.idx.msk [tilespmem:v46+s17+$0x0], $0xffff  }
0x1f4: {  	v2 =	vadd.f32 v4, v2  }
0x1f5: {  	v4 =	vld.idx.msk [tilespmem:v47+s17+$0x0], $0xffff  }
0x1f6: {  	v2 =	vadd.f32 v3, v2  }
0x1f7: {  	v3 =	vld.idx.msk [tilespmem:v48+s17+$0x0], $0xffff  }
0x1f8: {  	v2 =	vadd.f32 v5, v2;
	_ =	sdelay $0x1  }
0x1f9: {  	v2 =	vadd.f32 v4, v2;
	_ =	sdelay $0x1  }
0x1fa: {  	v4 =	vld [tilespmem:$0x8630];
	v2 =	vadd.f32 v3, v2  }
0x1fb: {  	v3 =	vld [tilespmem:$0x8430]  }
0x1fc: {  	[tilespmem:$0xAA20] =	vst v2  }
0x1fd: {  	v2 =	vld.idx.msk [tilespmem:v49+s17+$0x0], $0xffff;
	_ =	sdelay $0x1  }
0x1fe: {  	v5 =	vld.idx.msk [tilespmem:v50+s17+$0x0], $0xffff  }
0x1ff: {  	v3 =	vadd.f32 v4, v3  }
0x200: {  	v4 =	vld.idx.msk [tilespmem:v51+s17+$0x0], $0xffff  }
0x201: {  	v2 =	vadd.f32 v2, v3  }
0x202: {  	v3 =	vld.idx.msk [tilespmem:v52+s17+$0x0], $0xffff  }
0x203: {  	v2 =	vadd.f32 v5, v2  }
0x204: {  	v5 =	vld.idx.msk [tilespmem:v53+s17+$0x0], $0xffff  }
0x205: {  	v2 =	vadd.f32 v4, v2  }
0x206: {  	v4 =	vld.idx.msk [tilespmem:v54+s17+$0x0], $0xffff  }
0x207: {  	v2 =	vadd.f32 v3, v2  }
0x208: {  	v3 =	vld.idx.msk [tilespmem:v55+s17+$0x0], $0xffff  }
0x209: {  	v2 =	vadd.f32 v5, v2  }
0x20a: {  	v5 =	vld.idx.msk [tilespmem:v56+s17+$0x0], $0xffff  }
0x20b: {  	v2 =	vadd.f32 v4, v2  }
0x20c: {  	v4 =	vld.idx.msk [tilespmem:v57+s17+$0x0], $0xffff  }
0x20d: {  	v2 =	vadd.f32 v3, v2  }
0x20e: {  	v3 =	vld.idx.msk [tilespmem:v58+s17+$0x0], $0xffff  }
0x20f: {  	v2 =	vadd.f32 v5, v2  }
0x210: {  	v5 =	vld.idx.msk [tilespmem:v59+s17+$0x0], $0xffff  }
0x211: {  	v2 =	vadd.f32 v4, v2  }
0x212: {  	v4 =	vld.idx.msk [tilespmem:v60+s17+$0x0], $0xffff  }
0x213: {  	v2 =	vadd.f32 v3, v2  }
0x214: {  	v3 =	vld.idx.msk [tilespmem:v61+s17+$0x0], $0xffff  }
0x215: {  	v2 =	vadd.f32 v5, v2;
	v5 =	vadd.s32 $0x33F, v1  }
0x216: {  	v6 =	vld.idx.msk [tilespmem:v62+s17+$0x0], $0xffff  }
0x217: {  	v2 =	vadd.f32 v4, v2  }
0x218: {  	v4 =	vld.idx.msk [tilespmem:v63+s17+$0x0], $0xffff  }
0x219: {  	v2 =	vadd.f32 v3, v2  }
0x21a: {  	v3 =	vld.idx.msk [tilespmem:v5+s17+$0x0], $0xffff  }
0x21b: {  	v2 =	vadd.f32 v6, v2;
	_ =	sdelay $0x1  }
0x21c: {  	v2 =	vadd.f32 v4, v2;
	v4 =	vadd.s32 $0x440, v1;
	_ =	sdelay $0x1  }
0x21d: {  	v5 =	vadd.s32 $0x441, v1;
	v6 =	vld [tilespmem:$0x8640];
	v2 =	vadd.f32 v3, v2  }
0x21e: {  	v3 =	vld [tilespmem:$0x8440]  }
0x21f: {  	[tilespmem:$0xAA30] =	vst v2;
	v2 =	vadd.s32 $0x442, v1  }
0x220: {  	v4 =	vld.idx.msk [tilespmem:v4+s17+$0x0], $0xffff  }
0x221: {  	v7 =	vadd.s32 $0x443, v1  }
0x222: {  	v5 =	vld.idx.msk [tilespmem:v5+s17+$0x0], $0xffff  }
0x223: {  	v3 =	vadd.f32 v6, v3;
	v6 =	vadd.s32 $0x444, v1  }
0x224: {  	v2 =	vld.idx.msk [tilespmem:v2+s17+$0x0], $0xffff  }
0x225: {  	v3 =	vadd.f32 v4, v3;
	v4 =	vadd.s32 $0x445, v1  }
0x226: {  	v7 =	vld.idx.msk [tilespmem:v7+s17+$0x0], $0xffff  }
0x227: {  	v3 =	vadd.f32 v5, v3;
	v5 =	vadd.s32 $0x446, v1  }
0x228: {  	v6 =	vld.idx.msk [tilespmem:v6+s17+$0x0], $0xffff  }
0x229: {  	v2 =	vadd.f32 v2, v3;
	v3 =	vadd.s32 $0x447, v1  }
0x22a: {  	v4 =	vld.idx.msk [tilespmem:v4+s17+$0x0], $0xffff  }
0x22b: {  	v2 =	vadd.f32 v7, v2;
	v7 =	vadd.s32 $0x448, v1  }
0x22c: {  	v5 =	vld.idx.msk [tilespmem:v5+s17+$0x0], $0xffff  }
0x22d: {  	v2 =	vadd.f32 v6, v2;
	v6 =	vadd.s32 $0x449, v1  }
0x22e: {  	v3 =	vld.idx.msk [tilespmem:v3+s17+$0x0], $0xffff  }
0x22f: {  	v2 =	vadd.f32 v4, v2;
	v4 =	vadd.s32 $0x44A, v1  }
0x230: {  	v7 =	vld.idx.msk [tilespmem:v7+s17+$0x0], $0xffff  }
0x231: {  	v2 =	vadd.f32 v5, v2;
	v5 =	vadd.s32 $0x44B, v1  }
0x232: {  	v6 =	vld.idx.msk [tilespmem:v6+s17+$0x0], $0xffff  }
0x233: {  	v2 =	vadd.f32 v3, v2;
	v3 =	vadd.s32 $0x44C, v1  }
0x234: {  	v4 =	vld.idx.msk [tilespmem:v4+s17+$0x0], $0xffff  }
0x235: {  	v2 =	vadd.f32 v7, v2;
	v7 =	vadd.s32 $0x44D, v1  }
0x236: {  	v5 =	vld.idx.msk [tilespmem:v5+s17+$0x0], $0xffff  }
0x237: {  	v2 =	vadd.f32 v6, v2;
	v6 =	vadd.s32 $0x44E, v1  }
0x238: {  	v3 =	vld.idx.msk [tilespmem:v3+s17+$0x0], $0xffff  }
0x239: {  	v2 =	vadd.f32 v4, v2;
	v4 =	vadd.s32 $0x44F, v1  }
0x23a: {  	v7 =	vld.idx.msk [tilespmem:v7+s17+$0x0], $0xffff  }
0x23b: {  	v2 =	vadd.f32 v5, v2  }
0x23c: {  	v5 =	vld.idx.msk [tilespmem:v6+s17+$0x0], $0xffff  }
0x23d: {  	v2 =	vadd.f32 v3, v2  }
0x23e: {  	v3 =	vld.idx.msk [tilespmem:v4+s17+$0x0], $0xffff  }
0x23f: {  	v2 =	vadd.f32 v7, v2;
	_ =	sdelay $0x1  }
0x240: {  	v4 =	vadd.s32 $0x550, v1;
	v2 =	vadd.f32 v5, v2;
	_ =	sdelay $0x1  }
0x241: {  	v6 =	vld [tilespmem:$0x8650];
	v5 =	vadd.s32 $0x551, v1;
	v2 =	vadd.f32 v3, v2  }
0x242: {  	v3 =	vld [tilespmem:$0x8450]  }
0x243: {  	[tilespmem:$0xAA40] =	vst v2;
	v2 =	vadd.s32 $0x552, v1  }
0x244: {  	v4 =	vld.idx.msk [tilespmem:v4+s17+$0x0], $0xffff  }
0x245: {  	v7 =	vadd.s32 $0x553, v1  }
0x246: {  	v5 =	vld.idx.msk [tilespmem:v5+s17+$0x0], $0xffff  }
0x247: {  	v3 =	vadd.f32 v6, v3;
	v6 =	vadd.s32 $0x554, v1  }
0x248: {  	v2 =	vld.idx.msk [tilespmem:v2+s17+$0x0], $0xffff  }
0x249: {  	v3 =	vadd.f32 v4, v3;
	v4 =	vadd.s32 $0x555, v1  }
0x24a: {  	v7 =	vld.idx.msk [tilespmem:v7+s17+$0x0], $0xffff  }
0x24b: {  	v3 =	vadd.f32 v5, v3;
	v5 =	vadd.s32 $0x556, v1  }
0x24c: {  	v6 =	vld.idx.msk [tilespmem:v6+s17+$0x0], $0xffff  }
0x24d: {  	v2 =	vadd.f32 v2, v3;
	v3 =	vadd.s32 $0x557, v1  }
0x24e: {  	v4 =	vld.idx.msk [tilespmem:v4+s17+$0x0], $0xffff  }
0x24f: {  	v2 =	vadd.f32 v7, v2;
	v7 =	vadd.s32 $0x558, v1  }
0x250: {  	v5 =	vld.idx.msk [tilespmem:v5+s17+$0x0], $0xffff  }
0x251: {  	v2 =	vadd.f32 v6, v2;
	v6 =	vadd.s32 $0x559, v1  }
0x252: {  	v3 =	vld.idx.msk [tilespmem:v3+s17+$0x0], $0xffff  }
0x253: {  	v2 =	vadd.f32 v4, v2;
	v4 =	vadd.s32 $0x55A, v1  }
0x254: {  	v7 =	vld.idx.msk [tilespmem:v7+s17+$0x0], $0xffff  }
0x255: {  	v2 =	vadd.f32 v5, v2;
	v5 =	vadd.s32 $0x55B, v1  }
0x256: {  	v6 =	vld.idx.msk [tilespmem:v6+s17+$0x0], $0xffff  }
0x257: {  	v2 =	vadd.f32 v3, v2;
	v3 =	vadd.s32 $0x55C, v1  }
0x258: {  	v4 =	vld.idx.msk [tilespmem:v4+s17+$0x0], $0xffff  }
0x259: {  	v2 =	vadd.f32 v7, v2;
	v7 =	vadd.s32 $0x55D, v1  }
0x25a: {  	v5 =	vld.idx.msk [tilespmem:v5+s17+$0x0], $0xffff  }
0x25b: {  	v2 =	vadd.f32 v6, v2;
	v6 =	vadd.s32 $0x55E, v1  }
0x25c: {  	v3 =	vld.idx.msk [tilespmem:v3+s17+$0x0], $0xffff  }
0x25d: {  	v2 =	vadd.f32 v4, v2;
	v4 =	vadd.s32 $0x55F, v1  }
0x25e: {  	v7 =	vld.idx.msk [tilespmem:v7+s17+$0x0], $0xffff  }
0x25f: {  	v2 =	vadd.f32 v5, v2  }
0x260: {  	v5 =	vld.idx.msk [tilespmem:v6+s17+$0x0], $0xffff  }
0x261: {  	v2 =	vadd.f32 v3, v2  }
0x262: {  	v3 =	vld.idx.msk [tilespmem:v4+s17+$0x0], $0xffff  }
0x263: {  	v2 =	vadd.f32 v7, v2;
	_ =	sdelay $0x1  }
0x264: {  	v4 =	vadd.s32 $0x660, v1;
	v2 =	vadd.f32 v5, v2;
	_ =	sdelay $0x1  }
0x265: {  	v6 =	vld [tilespmem:$0x8660];
	v5 =	vadd.s32 $0x661, v1;
	v2 =	vadd.f32 v3, v2  }
0x266: {  	v3 =	vld [tilespmem:$0x8460]  }
0x267: {  	[tilespmem:$0xAA50] =	vst v2;
	v2 =	vadd.s32 $0x662, v1  }
0x268: {  	v4 =	vld.idx.msk [tilespmem:v4+s17+$0x0], $0xffff  }
0x269: {  	v7 =	vadd.s32 $0x663, v1  }
0x26a: {  	v5 =	vld.idx.msk [tilespmem:v5+s17+$0x0], $0xffff  }
0x26b: {  	v3 =	vadd.f32 v6, v3;
	v6 =	vadd.s32 $0x664, v1  }
0x26c: {  	v2 =	vld.idx.msk [tilespmem:v2+s17+$0x0], $0xffff  }
0x26d: {  	v3 =	vadd.f32 v4, v3;
	v4 =	vadd.s32 $0x665, v1  }
0x26e: {  	v7 =	vld.idx.msk [tilespmem:v7+s17+$0x0], $0xffff  }
0x26f: {  	v3 =	vadd.f32 v5, v3;
	v5 =	vadd.s32 $0x666, v1  }
0x270: {  	v6 =	vld.idx.msk [tilespmem:v6+s17+$0x0], $0xffff  }
0x271: {  	v2 =	vadd.f32 v2, v3;
	v3 =	vadd.s32 $0x667, v1  }
0x272: {  	v4 =	vld.idx.msk [tilespmem:v4+s17+$0x0], $0xffff  }
0x273: {  	v2 =	vadd.f32 v7, v2;
	v7 =	vadd.s32 $0x668, v1  }
0x274: {  	v5 =	vld.idx.msk [tilespmem:v5+s17+$0x0], $0xffff  }
0x275: {  	v2 =	vadd.f32 v6, v2;
	v6 =	vadd.s32 $0x669, v1  }
0x276: {  	v3 =	vld.idx.msk [tilespmem:v3+s17+$0x0], $0xffff  }
0x277: {  	v2 =	vadd.f32 v4, v2;
	v4 =	vadd.s32 $0x66A, v1  }
0x278: {  	v7 =	vld.idx.msk [tilespmem:v7+s17+$0x0], $0xffff  }
0x279: {  	v2 =	vadd.f32 v5, v2;
	v5 =	vadd.s32 $0x66B, v1  }
0x27a: {  	v6 =	vld.idx.msk [tilespmem:v6+s17+$0x0], $0xffff  }
0x27b: {  	v2 =	vadd.f32 v3, v2;
	v3 =	vadd.s32 $0x66C, v1  }
0x27c: {  	v4 =	vld.idx.msk [tilespmem:v4+s17+$0x0], $0xffff  }
0x27d: {  	v2 =	vadd.f32 v7, v2;
	v7 =	vadd.s32 $0x66D, v1  }
0x27e: {  	v5 =	vld.idx.msk [tilespmem:v5+s17+$0x0], $0xffff  }
0x27f: {  	v2 =	vadd.f32 v6, v2;
	v6 =	vadd.s32 $0x66E, v1  }
0x280: {  	v3 =	vld.idx.msk [tilespmem:v3+s17+$0x0], $0xffff  }
0x281: {  	v2 =	vadd.f32 v4, v2;
	v4 =	vadd.s32 $0x66F, v1  }
0x282: {  	v7 =	vld.idx.msk [tilespmem:v7+s17+$0x0], $0xffff  }
0x283: {  	v2 =	vadd.f32 v5, v2  }
0x284: {  	v5 =	vld.idx.msk [tilespmem:v6+s17+$0x0], $0xffff  }
0x285: {  	v2 =	vadd.f32 v3, v2  }
0x286: {  	v3 =	vld.idx.msk [tilespmem:v4+s17+$0x0], $0xffff  }
0x287: {  	v2 =	vadd.f32 v7, v2;
	_ =	sdelay $0x1  }
0x288: {  	v4 =	vadd.s32 $0x770, v1;
	v2 =	vadd.f32 v5, v2;
	_ =	sdelay $0x1  }
0x289: {  	v6 =	vld [tilespmem:$0x8670];
	v5 =	vadd.s32 $0x771, v1;
	v2 =	vadd.f32 v3, v2  }
0x28a: {  	v3 =	vld [tilespmem:$0x8470]  }
0x28b: {  	[tilespmem:$0xAA60] =	vst v2;
	v2 =	vadd.s32 $0x772, v1  }
0x28c: {  	v4 =	vld.idx.msk [tilespmem:v4+s17+$0x0], $0xffff  }
0x28d: {  	v7 =	vadd.s32 $0x773, v1  }
0x28e: {  	v5 =	vld.idx.msk [tilespmem:v5+s17+$0x0], $0xffff  }
0x28f: {  	v3 =	vadd.f32 v6, v3;
	v6 =	vadd.s32 $0x774, v1  }
0x290: {  	v2 =	vld.idx.msk [tilespmem:v2+s17+$0x0], $0xffff  }
0x291: {  	v3 =	vadd.f32 v4, v3;
	v4 =	vadd.s32 $0x775, v1  }
0x292: {  	v7 =	vld.idx.msk [tilespmem:v7+s17+$0x0], $0xffff  }
0x293: {  	v3 =	vadd.f32 v5, v3;
	v5 =	vadd.s32 $0x776, v1  }
0x294: {  	v6 =	vld.idx.msk [tilespmem:v6+s17+$0x0], $0xffff  }
0x295: {  	v2 =	vadd.f32 v2, v3;
	v3 =	vadd.s32 $0x777, v1  }
0x296: {  	v4 =	vld.idx.msk [tilespmem:v4+s17+$0x0], $0xffff  }
0x297: {  	v2 =	vadd.f32 v7, v2;
	v7 =	vadd.s32 $0x778, v1  }
0x298: {  	v5 =	vld.idx.msk [tilespmem:v5+s17+$0x0], $0xffff  }
0x299: {  	v2 =	vadd.f32 v6, v2;
	v6 =	vadd.s32 $0x779, v1  }
0x29a: {  	v3 =	vld.idx.msk [tilespmem:v3+s17+$0x0], $0xffff  }
0x29b: {  	v2 =	vadd.f32 v4, v2;
	v4 =	vadd.s32 $0x77A, v1  }
0x29c: {  	v7 =	vld.idx.msk [tilespmem:v7+s17+$0x0], $0xffff  }
0x29d: {  	v2 =	vadd.f32 v5, v2;
	v5 =	vadd.s32 $0x77B, v1  }
0x29e: {  	v6 =	vld.idx.msk [tilespmem:v6+s17+$0x0], $0xffff  }
0x29f: {  	v2 =	vadd.f32 v3, v2;
	v3 =	vadd.s32 $0x77C, v1  }
0x2a0: {  	v4 =	vld.idx.msk [tilespmem:v4+s17+$0x0], $0xffff  }
0x2a1: {  	v2 =	vadd.f32 v7, v2;
	v7 =	vadd.s32 $0x77D, v1  }
0x2a2: {  	v5 =	vld.idx.msk [tilespmem:v5+s17+$0x0], $0xffff  }
0x2a3: {  	v2 =	vadd.f32 v6, v2;
	v6 =	vadd.s32 $0x77E, v1  }
0x2a4: {  	v3 =	vld.idx.msk [tilespmem:v3+s17+$0x0], $0xffff  }
0x2a5: {  	v2 =	vadd.f32 v4, v2;
	v4 =	vadd.s32 $0x77F, v1  }
0x2a6: {  	v7 =	vld.idx.msk [tilespmem:v7+s17+$0x0], $0xffff  }
0x2a7: {  	v2 =	vadd.f32 v5, v2  }
0x2a8: {  	v5 =	vld.idx.msk [tilespmem:v6+s17+$0x0], $0xffff  }
0x2a9: {  	v2 =	vadd.f32 v3, v2  }
0x2aa: {  	v3 =	vld.idx.msk [tilespmem:v4+s17+$0x0], $0xffff  }
0x2ab: {  	v2 =	vadd.f32 v7, v2;
	_ =	sdelay $0x1  }
0x2ac: {  	v4 =	vadd.s32 $0x880, v1;
	v2 =	vadd.f32 v5, v2;
	_ =	sdelay $0x1  }
0x2ad: {  	v6 =	vld [tilespmem:$0x8680];
	v5 =	vadd.s32 $0x881, v1;
	v2 =	vadd.f32 v3, v2  }
0x2ae: {  	v3 =	vld [tilespmem:$0x8480]  }
0x2af: {  	[tilespmem:$0xAA70] =	vst v2;
	v2 =	vadd.s32 $0x882, v1  }
0x2b0: {  	v4 =	vld.idx.msk [tilespmem:v4+s17+$0x0], $0xffff  }
0x2b1: {  	v7 =	vadd.s32 $0x883, v1  }
0x2b2: {  	v5 =	vld.idx.msk [tilespmem:v5+s17+$0x0], $0xffff  }
0x2b3: {  	v3 =	vadd.f32 v6, v3;
	v6 =	vadd.s32 $0x884, v1  }
0x2b4: {  	v2 =	vld.idx.msk [tilespmem:v2+s17+$0x0], $0xffff  }
0x2b5: {  	v3 =	vadd.f32 v4, v3;
	v4 =	vadd.s32 $0x885, v1  }
0x2b6: {  	v7 =	vld.idx.msk [tilespmem:v7+s17+$0x0], $0xffff  }
0x2b7: {  	v3 =	vadd.f32 v5, v3;
	v5 =	vadd.s32 $0x886, v1  }
0x2b8: {  	v6 =	vld.idx.msk [tilespmem:v6+s17+$0x0], $0xffff  }
0x2b9: {  	v2 =	vadd.f32 v2, v3;
	v3 =	vadd.s32 $0x887, v1  }
0x2ba: {  	v4 =	vld.idx.msk [tilespmem:v4+s17+$0x0], $0xffff  }
0x2bb: {  	v2 =	vadd.f32 v7, v2;
	v7 =	vadd.s32 $0x888, v1  }
0x2bc: {  	v5 =	vld.idx.msk [tilespmem:v5+s17+$0x0], $0xffff  }
0x2bd: {  	v2 =	vadd.f32 v6, v2;
	v6 =	vadd.s32 $0x889, v1  }
0x2be: {  	v3 =	vld.idx.msk [tilespmem:v3+s17+$0x0], $0xffff  }
0x2bf: {  	v2 =	vadd.f32 v4, v2;
	v4 =	vadd.s32 $0x88A, v1  }
0x2c0: {  	v7 =	vld.idx.msk [tilespmem:v7+s17+$0x0], $0xffff  }
0x2c1: {  	v2 =	vadd.f32 v5, v2;
	v5 =	vadd.s32 $0x88B, v1  }
0x2c2: {  	v6 =	vld.idx.msk [tilespmem:v6+s17+$0x0], $0xffff  }
0x2c3: {  	v2 =	vadd.f32 v3, v2;
	v3 =	vadd.s32 $0x88C, v1  }
0x2c4: {  	v4 =	vld.idx.msk [tilespmem:v4+s17+$0x0], $0xffff  }
0x2c5: {  	v2 =	vadd.f32 v7, v2;
	v7 =	vadd.s32 $0x88D, v1  }
0x2c6: {  	v5 =	vld.idx.msk [tilespmem:v5+s17+$0x0], $0xffff  }
0x2c7: {  	v2 =	vadd.f32 v6, v2;
	v6 =	vadd.s32 $0x88E, v1  }
0x2c8: {  	v3 =	vld.idx.msk [tilespmem:v3+s17+$0x0], $0xffff  }
0x2c9: {  	v2 =	vadd.f32 v4, v2;
	v4 =	vadd.s32 $0x88F, v1  }
0x2ca: {  	v7 =	vld.idx.msk [tilespmem:v7+s17+$0x0], $0xffff  }
0x2cb: {  	v2 =	vadd.f32 v5, v2  }
0x2cc: {  	v5 =	vld.idx.msk [tilespmem:v6+s17+$0x0], $0xffff  }
0x2cd: {  	v2 =	vadd.f32 v3, v2  }
0x2ce: {  	v3 =	vld.idx.msk [tilespmem:v4+s17+$0x0], $0xffff  }
0x2cf: {  	v2 =	vadd.f32 v7, v2;
	_ =	sdelay $0x1  }
0x2d0: {  	v4 =	vadd.s32 $0x990, v1;
	v2 =	vadd.f32 v5, v2;
	_ =	sdelay $0x1  }
0x2d1: {  	v6 =	vld [tilespmem:$0x8690];
	v5 =	vadd.s32 $0x991, v1;
	v2 =	vadd.f32 v3, v2  }
0x2d2: {  	v3 =	vld [tilespmem:$0x8490]  }
0x2d3: {  	[tilespmem:$0xAA80] =	vst v2;
	v2 =	vadd.s32 $0x992, v1  }
0x2d4: {  	v4 =	vld.idx.msk [tilespmem:v4+s17+$0x0], $0xffff  }
0x2d5: {  	v7 =	vadd.s32 $0x993, v1  }
0x2d6: {  	v5 =	vld.idx.msk [tilespmem:v5+s17+$0x0], $0xffff  }
0x2d7: {  	v3 =	vadd.f32 v6, v3;
	v6 =	vadd.s32 $0x994, v1  }
0x2d8: {  	v2 =	vld.idx.msk [tilespmem:v2+s17+$0x0], $0xffff  }
0x2d9: {  	v3 =	vadd.f32 v4, v3;
	v4 =	vadd.s32 $0x995, v1  }
0x2da: {  	v7 =	vld.idx.msk [tilespmem:v7+s17+$0x0], $0xffff  }
0x2db: {  	v3 =	vadd.f32 v5, v3;
	v5 =	vadd.s32 $0x996, v1  }
0x2dc: {  	v6 =	vld.idx.msk [tilespmem:v6+s17+$0x0], $0xffff  }
0x2dd: {  	v2 =	vadd.f32 v2, v3;
	v3 =	vadd.s32 $0x997, v1  }
0x2de: {  	v4 =	vld.idx.msk [tilespmem:v4+s17+$0x0], $0xffff  }
0x2df: {  	v2 =	vadd.f32 v7, v2;
	v7 =	vadd.s32 $0x998, v1  }
0x2e0: {  	v5 =	vld.idx.msk [tilespmem:v5+s17+$0x0], $0xffff  }
0x2e1: {  	v2 =	vadd.f32 v6, v2;
	v6 =	vadd.s32 $0x999, v1  }
0x2e2: {  	v3 =	vld.idx.msk [tilespmem:v3+s17+$0x0], $0xffff  }
0x2e3: {  	v2 =	vadd.f32 v4, v2;
	v4 =	vadd.s32 $0x99A, v1  }
0x2e4: {  	v7 =	vld.idx.msk [tilespmem:v7+s17+$0x0], $0xffff  }
0x2e5: {  	v2 =	vadd.f32 v5, v2;
	v5 =	vadd.s32 $0x99B, v1  }
0x2e6: {  	v6 =	vld.idx.msk [tilespmem:v6+s17+$0x0], $0xffff  }
0x2e7: {  	v2 =	vadd.f32 v3, v2;
	v3 =	vadd.s32 $0x99C, v1  }
0x2e8: {  	v4 =	vld.idx.msk [tilespmem:v4+s17+$0x0], $0xffff  }
0x2e9: {  	v2 =	vadd.f32 v7, v2;
	v7 =	vadd.s32 $0x99D, v1  }
0x2ea: {  	v5 =	vld.idx.msk [tilespmem:v5+s17+$0x0], $0xffff  }
0x2eb: {  	v2 =	vadd.f32 v6, v2;
	v6 =	vadd.s32 $0x99E, v1  }
0x2ec: {  	v3 =	vld.idx.msk [tilespmem:v3+s17+$0x0], $0xffff  }
0x2ed: {  	v2 =	vadd.f32 v4, v2;
	v4 =	vadd.s32 $0x99F, v1  }
0x2ee: {  	v7 =	vld.idx.msk [tilespmem:v7+s17+$0x0], $0xffff  }
0x2ef: {  	v2 =	vadd.f32 v5, v2  }
0x2f0: {  	v5 =	vld.idx.msk [tilespmem:v6+s17+$0x0], $0xffff  }
0x2f1: {  	v2 =	vadd.f32 v3, v2  }
0x2f2: {  	v3 =	vld.idx.msk [tilespmem:v4+s17+$0x0], $0xffff  }
0x2f3: {  	v2 =	vadd.f32 v7, v2;
	_ =	sdelay $0x1  }
0x2f4: {  	v4 =	vadd.s32 $0xAA0, v1;
	v2 =	vadd.f32 v5, v2;
	_ =	sdelay $0x1  }
0x2f5: {  	v6 =	vld [tilespmem:$0x86A0];
	v5 =	vadd.s32 $0xAA1, v1;
	v2 =	vadd.f32 v3, v2  }
0x2f6: {  	v3 =	vld [tilespmem:$0x84A0]  }
0x2f7: {  	[tilespmem:$0xAA90] =	vst v2;
	v2 =	vadd.s32 $0xAA2, v1  }
0x2f8: {  	v4 =	vld.idx.msk [tilespmem:v4+s17+$0x0], $0xffff  }
0x2f9: {  	v7 =	vadd.s32 $0xAA3, v1  }
0x2fa: {  	v5 =	vld.idx.msk [tilespmem:v5+s17+$0x0], $0xffff  }
0x2fb: {  	v3 =	vadd.f32 v6, v3;
	v6 =	vadd.s32 $0xAA4, v1  }
0x2fc: {  	v2 =	vld.idx.msk [tilespmem:v2+s17+$0x0], $0xffff  }
0x2fd: {  	v3 =	vadd.f32 v4, v3;
	v4 =	vadd.s32 $0xAA5, v1  }
0x2fe: {  	v7 =	vld.idx.msk [tilespmem:v7+s17+$0x0], $0xffff  }
0x2ff: {  	v3 =	vadd.f32 v5, v3;
	v5 =	vadd.s32 $0xAA6, v1  }
0x300: {  	v6 =	vld.idx.msk [tilespmem:v6+s17+$0x0], $0xffff  }
0x301: {  	v2 =	vadd.f32 v2, v3;
	v3 =	vadd.s32 $0xAA7, v1  }
0x302: {  	v4 =	vld.idx.msk [tilespmem:v4+s17+$0x0], $0xffff  }
0x303: {  	v2 =	vadd.f32 v7, v2;
	v7 =	vadd.s32 $0xAA8, v1  }
0x304: {  	v5 =	vld.idx.msk [tilespmem:v5+s17+$0x0], $0xffff  }
0x305: {  	v2 =	vadd.f32 v6, v2;
	v6 =	vadd.s32 $0xAA9, v1  }
0x306: {  	v3 =	vld.idx.msk [tilespmem:v3+s17+$0x0], $0xffff  }
0x307: {  	v2 =	vadd.f32 v4, v2;
	v4 =	vadd.s32 $0xAAA, v1  }
0x308: {  	v7 =	vld.idx.msk [tilespmem:v7+s17+$0x0], $0xffff  }
0x309: {  	v2 =	vadd.f32 v5, v2;
	v5 =	vadd.s32 $0xAAB, v1  }
0x30a: {  	v6 =	vld.idx.msk [tilespmem:v6+s17+$0x0], $0xffff  }
0x30b: {  	v2 =	vadd.f32 v3, v2;
	v3 =	vadd.s32 $0xAAC, v1  }
0x30c: {  	v4 =	vld.idx.msk [tilespmem:v4+s17+$0x0], $0xffff  }
0x30d: {  	v2 =	vadd.f32 v7, v2;
	v7 =	vadd.s32 $0xAAD, v1  }
0x30e: {  	v5 =	vld.idx.msk [tilespmem:v5+s17+$0x0], $0xffff  }
0x30f: {  	v2 =	vadd.f32 v6, v2;
	v6 =	vadd.s32 $0xAAE, v1  }
0x310: {  	v3 =	vld.idx.msk [tilespmem:v3+s17+$0x0], $0xffff  }
0x311: {  	v2 =	vadd.f32 v4, v2;
	v4 =	vadd.s32 $0xAAF, v1  }
0x312: {  	v7 =	vld.idx.msk [tilespmem:v7+s17+$0x0], $0xffff  }
0x313: {  	v2 =	vadd.f32 v5, v2  }
0x314: {  	v5 =	vld.idx.msk [tilespmem:v6+s17+$0x0], $0xffff  }
0x315: {  	v2 =	vadd.f32 v3, v2  }
0x316: {  	v3 =	vld.idx.msk [tilespmem:v4+s17+$0x0], $0xffff  }
0x317: {  	v2 =	vadd.f32 v7, v2;
	_ =	sdelay $0x1  }
0x318: {  	v4 =	vadd.s32 $0xBB0, v1;
	v2 =	vadd.f32 v5, v2;
	_ =	sdelay $0x1  }
0x319: {  	v6 =	vld [tilespmem:$0x86B0];
	v5 =	vadd.s32 $0xBB1, v1;
	v2 =	vadd.f32 v3, v2  }
0x31a: {  	v3 =	vld [tilespmem:$0x84B0]  }
0x31b: {  	[tilespmem:$0xAAA0] =	vst v2;
	v2 =	vadd.s32 $0xBB2, v1  }
0x31c: {  	v4 =	vld.idx.msk [tilespmem:v4+s17+$0x0], $0xffff  }
0x31d: {  	v7 =	vadd.s32 $0xBB3, v1  }
0x31e: {  	v5 =	vld.idx.msk [tilespmem:v5+s17+$0x0], $0xffff  }
0x31f: {  	v3 =	vadd.f32 v6, v3;
	v6 =	vadd.s32 $0xBB4, v1  }
0x320: {  	v2 =	vld.idx.msk [tilespmem:v2+s17+$0x0], $0xffff  }
0x321: {  	v3 =	vadd.f32 v4, v3;
	v4 =	vadd.s32 $0xBB5, v1  }
0x322: {  	v7 =	vld.idx.msk [tilespmem:v7+s17+$0x0], $0xffff  }
0x323: {  	v3 =	vadd.f32 v5, v3;
	v5 =	vadd.s32 $0xBB6, v1  }
0x324: {  	v6 =	vld.idx.msk [tilespmem:v6+s17+$0x0], $0xffff  }
0x325: {  	v2 =	vadd.f32 v2, v3;
	v3 =	vadd.s32 $0xBB7, v1  }
0x326: {  	v4 =	vld.idx.msk [tilespmem:v4+s17+$0x0], $0xffff  }
0x327: {  	v2 =	vadd.f32 v7, v2;
	v7 =	vadd.s32 $0xBB8, v1  }
0x328: {  	v5 =	vld.idx.msk [tilespmem:v5+s17+$0x0], $0xffff  }
0x329: {  	v2 =	vadd.f32 v6, v2;
	v6 =	vadd.s32 $0xBB9, v1  }
0x32a: {  	v3 =	vld.idx.msk [tilespmem:v3+s17+$0x0], $0xffff  }
0x32b: {  	v2 =	vadd.f32 v4, v2;
	v4 =	vadd.s32 $0xBBA, v1  }
0x32c: {  	v7 =	vld.idx.msk [tilespmem:v7+s17+$0x0], $0xffff  }
0x32d: {  	v2 =	vadd.f32 v5, v2;
	v5 =	vadd.s32 $0xBBB, v1  }
0x32e: {  	v6 =	vld.idx.msk [tilespmem:v6+s17+$0x0], $0xffff  }
0x32f: {  	v2 =	vadd.f32 v3, v2;
	v3 =	vadd.s32 $0xBBC, v1  }
0x330: {  	v4 =	vld.idx.msk [tilespmem:v4+s17+$0x0], $0xffff  }
0x331: {  	v2 =	vadd.f32 v7, v2;
	v7 =	vadd.s32 $0xBBD, v1  }
0x332: {  	v5 =	vld.idx.msk [tilespmem:v5+s17+$0x0], $0xffff  }
0x333: {  	v2 =	vadd.f32 v6, v2;
	v6 =	vadd.s32 $0xBBE, v1  }
0x334: {  	v3 =	vld.idx.msk [tilespmem:v3+s17+$0x0], $0xffff  }
0x335: {  	v2 =	vadd.f32 v4, v2;
	v4 =	vadd.s32 $0xBBF, v1  }
0x336: {  	v7 =	vld.idx.msk [tilespmem:v7+s17+$0x0], $0xffff  }
0x337: {  	v2 =	vadd.f32 v5, v2  }
0x338: {  	v5 =	vld.idx.msk [tilespmem:v6+s17+$0x0], $0xffff  }
0x339: {  	v2 =	vadd.f32 v3, v2  }
0x33a: {  	v3 =	vld.idx.msk [tilespmem:v4+s17+$0x0], $0xffff  }
0x33b: {  	v2 =	vadd.f32 v7, v2;
	_ =	sdelay $0x1  }
0x33c: {  	v4 =	vadd.s32 $0xCC0, v1;
	v2 =	vadd.f32 v5, v2;
	_ =	sdelay $0x1  }
0x33d: {  	v6 =	vld [tilespmem:$0x86C0];
	v5 =	vadd.s32 $0xCC1, v1;
	v2 =	vadd.f32 v3, v2  }
0x33e: {  	v3 =	vld [tilespmem:$0x84C0]  }
0x33f: {  	[tilespmem:$0xAAB0] =	vst v2;
	v2 =	vadd.s32 $0xCC2, v1  }
0x340: {  	v4 =	vld.idx.msk [tilespmem:v4+s17+$0x0], $0xffff  }
0x341: {  	v7 =	vadd.s32 $0xCC3, v1  }
0x342: {  	v5 =	vld.idx.msk [tilespmem:v5+s17+$0x0], $0xffff  }
0x343: {  	v3 =	vadd.f32 v6, v3;
	v6 =	vadd.s32 $0xCC4, v1  }
0x344: {  	v2 =	vld.idx.msk [tilespmem:v2+s17+$0x0], $0xffff  }
0x345: {  	v3 =	vadd.f32 v4, v3;
	v4 =	vadd.s32 $0xCC5, v1  }
0x346: {  	v7 =	vld.idx.msk [tilespmem:v7+s17+$0x0], $0xffff  }
0x347: {  	v3 =	vadd.f32 v5, v3;
	v5 =	vadd.s32 $0xCC6, v1  }
0x348: {  	v6 =	vld.idx.msk [tilespmem:v6+s17+$0x0], $0xffff  }
0x349: {  	v2 =	vadd.f32 v2, v3;
	v3 =	vadd.s32 $0xCC7, v1  }
0x34a: {  	v4 =	vld.idx.msk [tilespmem:v4+s17+$0x0], $0xffff  }
0x34b: {  	v2 =	vadd.f32 v7, v2;
	v7 =	vadd.s32 $0xCC8, v1  }
0x34c: {  	v5 =	vld.idx.msk [tilespmem:v5+s17+$0x0], $0xffff  }
0x34d: {  	v2 =	vadd.f32 v6, v2;
	v6 =	vadd.s32 $0xCC9, v1  }
0x34e: {  	v3 =	vld.idx.msk [tilespmem:v3+s17+$0x0], $0xffff  }
0x34f: {  	v2 =	vadd.f32 v4, v2;
	v4 =	vadd.s32 $0xCCA, v1  }
0x350: {  	v7 =	vld.idx.msk [tilespmem:v7+s17+$0x0], $0xffff  }
0x351: {  	v2 =	vadd.f32 v5, v2;
	v5 =	vadd.s32 $0xCCB, v1  }
0x352: {  	v6 =	vld.idx.msk [tilespmem:v6+s17+$0x0], $0xffff  }
0x353: {  	v2 =	vadd.f32 v3, v2;
	v3 =	vadd.s32 $0xCCC, v1  }
0x354: {  	v4 =	vld.idx.msk [tilespmem:v4+s17+$0x0], $0xffff  }
0x355: {  	v2 =	vadd.f32 v7, v2;
	v7 =	vadd.s32 $0xCCD, v1  }
0x356: {  	v5 =	vld.idx.msk [tilespmem:v5+s17+$0x0], $0xffff  }
0x357: {  	v2 =	vadd.f32 v6, v2;
	v6 =	vadd.s32 $0xCCE, v1  }
0x358: {  	v3 =	vld.idx.msk [tilespmem:v3+s17+$0x0], $0xffff  }
0x359: {  	v2 =	vadd.f32 v4, v2;
	v4 =	vadd.s32 $0xCCF, v1  }
0x35a: {  	v7 =	vld.idx.msk [tilespmem:v7+s17+$0x0], $0xffff  }
0x35b: {  	v2 =	vadd.f32 v5, v2  }
0x35c: {  	v5 =	vld.idx.msk [tilespmem:v6+s17+$0x0], $0xffff  }
0x35d: {  	v2 =	vadd.f32 v3, v2  }
0x35e: {  	v3 =	vld.idx.msk [tilespmem:v4+s17+$0x0], $0xffff  }
0x35f: {  	v2 =	vadd.f32 v7, v2;
	_ =	sdelay $0x1  }
0x360: {  	v4 =	vadd.s32 $0xDD0, v1;
	v2 =	vadd.f32 v5, v2;
	_ =	sdelay $0x1  }
0x361: {  	v6 =	vld [tilespmem:$0x86D0];
	v5 =	vadd.s32 $0xDD1, v1;
	v2 =	vadd.f32 v3, v2  }
0x362: {  	v3 =	vld [tilespmem:$0x84D0]  }
0x363: {  	[tilespmem:$0xAAC0] =	vst v2;
	v2 =	vadd.s32 $0xDD2, v1  }
0x364: {  	v4 =	vld.idx.msk [tilespmem:v4+s17+$0x0], $0xffff  }
0x365: {  	v7 =	vadd.s32 $0xDD3, v1  }
0x366: {  	v5 =	vld.idx.msk [tilespmem:v5+s17+$0x0], $0xffff  }
0x367: {  	v3 =	vadd.f32 v6, v3;
	v6 =	vadd.s32 $0xDD4, v1  }
0x368: {  	v2 =	vld.idx.msk [tilespmem:v2+s17+$0x0], $0xffff  }
0x369: {  	v3 =	vadd.f32 v4, v3;
	v4 =	vadd.s32 $0xDD5, v1  }
0x36a: {  	v7 =	vld.idx.msk [tilespmem:v7+s17+$0x0], $0xffff  }
0x36b: {  	v3 =	vadd.f32 v5, v3;
	v5 =	vadd.s32 $0xDD6, v1  }
0x36c: {  	v6 =	vld.idx.msk [tilespmem:v6+s17+$0x0], $0xffff  }
0x36d: {  	v2 =	vadd.f32 v2, v3;
	v3 =	vadd.s32 $0xDD7, v1  }
0x36e: {  	v4 =	vld.idx.msk [tilespmem:v4+s17+$0x0], $0xffff  }
0x36f: {  	v2 =	vadd.f32 v7, v2;
	v7 =	vadd.s32 $0xDD8, v1  }
0x370: {  	v5 =	vld.idx.msk [tilespmem:v5+s17+$0x0], $0xffff  }
0x371: {  	v2 =	vadd.f32 v6, v2;
	v6 =	vadd.s32 $0xDD9, v1  }
0x372: {  	v3 =	vld.idx.msk [tilespmem:v3+s17+$0x0], $0xffff  }
0x373: {  	v2 =	vadd.f32 v4, v2;
	v4 =	vadd.s32 $0xDDA, v1  }
0x374: {  	v7 =	vld.idx.msk [tilespmem:v7+s17+$0x0], $0xffff  }
0x375: {  	v2 =	vadd.f32 v5, v2;
	v5 =	vadd.s32 $0xDDB, v1  }
0x376: {  	v6 =	vld.idx.msk [tilespmem:v6+s17+$0x0], $0xffff  }
0x377: {  	v2 =	vadd.f32 v3, v2;
	v3 =	vadd.s32 $0xDDC, v1  }
0x378: {  	v4 =	vld.idx.msk [tilespmem:v4+s17+$0x0], $0xffff  }
0x379: {  	v2 =	vadd.f32 v7, v2;
	v7 =	vadd.s32 $0xDDD, v1  }
0x37a: {  	v5 =	vld.idx.msk [tilespmem:v5+s17+$0x0], $0xffff  }
0x37b: {  	v2 =	vadd.f32 v6, v2;
	v6 =	vadd.s32 $0xDDE, v1  }
0x37c: {  	v3 =	vld.idx.msk [tilespmem:v3+s17+$0x0], $0xffff  }
0x37d: {  	v2 =	vadd.f32 v4, v2;
	v4 =	vadd.s32 $0xDDF, v1  }
0x37e: {  	v7 =	vld.idx.msk [tilespmem:v7+s17+$0x0], $0xffff  }
0x37f: {  	v2 =	vadd.f32 v5, v2  }
0x380: {  	v5 =	vld.idx.msk [tilespmem:v6+s17+$0x0], $0xffff  }
0x381: {  	v2 =	vadd.f32 v3, v2  }
0x382: {  	v3 =	vld.idx.msk [tilespmem:v4+s17+$0x0], $0xffff  }
0x383: {  	v2 =	vadd.f32 v7, v2;
	_ =	sdelay $0x1  }
0x384: {  	v4 =	vadd.s32 $0xEE0, v1;
	v2 =	vadd.f32 v5, v2;
	_ =	sdelay $0x1  }
0x385: {  	v6 =	vld [tilespmem:$0x86E0];
	v5 =	vadd.s32 $0xEE1, v1;
	v2 =	vadd.f32 v3, v2  }
0x386: {  	v3 =	vld [tilespmem:$0x84E0]  }
0x387: {  	[tilespmem:$0xAAD0] =	vst v2;
	v2 =	vadd.s32 $0xEE2, v1  }
0x388: {  	v4 =	vld.idx.msk [tilespmem:v4+s17+$0x0], $0xffff  }
0x389: {  	v7 =	vadd.s32 $0xEE3, v1  }
0x38a: {  	v5 =	vld.idx.msk [tilespmem:v5+s17+$0x0], $0xffff  }
0x38b: {  	v3 =	vadd.f32 v6, v3;
	v6 =	vadd.s32 $0xEE4, v1  }
0x38c: {  	v2 =	vld.idx.msk [tilespmem:v2+s17+$0x0], $0xffff  }
0x38d: {  	v3 =	vadd.f32 v4, v3;
	v4 =	vadd.s32 $0xEE5, v1  }
0x38e: {  	v7 =	vld.idx.msk [tilespmem:v7+s17+$0x0], $0xffff  }
0x38f: {  	v3 =	vadd.f32 v5, v3;
	v5 =	vadd.s32 $0xEE6, v1  }
0x390: {  	v6 =	vld.idx.msk [tilespmem:v6+s17+$0x0], $0xffff  }
0x391: {  	v2 =	vadd.f32 v2, v3;
	v3 =	vadd.s32 $0xEE7, v1  }
0x392: {  	v4 =	vld.idx.msk [tilespmem:v4+s17+$0x0], $0xffff  }
0x393: {  	v2 =	vadd.f32 v7, v2;
	v7 =	vadd.s32 $0xEE8, v1  }
0x394: {  	v5 =	vld.idx.msk [tilespmem:v5+s17+$0x0], $0xffff  }
0x395: {  	v2 =	vadd.f32 v6, v2;
	v6 =	vadd.s32 $0xEE9, v1  }
0x396: {  	v3 =	vld.idx.msk [tilespmem:v3+s17+$0x0], $0xffff  }
0x397: {  	v2 =	vadd.f32 v4, v2;
	v4 =	vadd.s32 $0xEEA, v1  }
0x398: {  	v7 =	vld.idx.msk [tilespmem:v7+s17+$0x0], $0xffff  }
0x399: {  	v2 =	vadd.f32 v5, v2;
	v5 =	vadd.s32 $0xEEB, v1  }
0x39a: {  	v6 =	vld.idx.msk [tilespmem:v6+s17+$0x0], $0xffff  }
0x39b: {  	v2 =	vadd.f32 v3, v2;
	v3 =	vadd.s32 $0xEEC, v1  }
0x39c: {  	v4 =	vld.idx.msk [tilespmem:v4+s17+$0x0], $0xffff  }
0x39d: {  	v2 =	vadd.f32 v7, v2;
	v7 =	vadd.s32 $0xEED, v1  }
0x39e: {  	v5 =	vld.idx.msk [tilespmem:v5+s17+$0x0], $0xffff  }
0x39f: {  	v2 =	vadd.f32 v6, v2;
	v6 =	vadd.s32 $0xEEE, v1  }
0x3a0: {  	v3 =	vld.idx.msk [tilespmem:v3+s17+$0x0], $0xffff  }
0x3a1: {  	v2 =	vadd.f32 v4, v2;
	v4 =	vadd.s32 $0xEEF, v1  }
0x3a2: {  	v7 =	vld.idx.msk [tilespmem:v7+s17+$0x0], $0xffff  }
0x3a3: {  	v2 =	vadd.f32 v5, v2  }
0x3a4: {  	v5 =	vld.idx.msk [tilespmem:v6+s17+$0x0], $0xffff  }
0x3a5: {  	v2 =	vadd.f32 v3, v2  }
0x3a6: {  	v3 =	vld.idx.msk [tilespmem:v4+s17+$0x0], $0xffff  }
0x3a7: {  	v2 =	vadd.f32 v7, v2;
	_ =	sdelay $0x1  }
0x3a8: {  	v4 =	vadd.s32 $0xFF0, v1;
	v2 =	vadd.f32 v5, v2;
	_ =	sdelay $0x1  }
0x3a9: {  	v6 =	vld [tilespmem:$0x86F0];
	v5 =	vadd.s32 $0xFF1, v1;
	v2 =	vadd.f32 v3, v2  }
0x3aa: {  	v3 =	vld [tilespmem:$0x84F0]  }
0x3ab: {  	[tilespmem:$0xAAE0] =	vst v2;
	v2 =	vadd.s32 $0xFF2, v1  }
0x3ac: {  	v4 =	vld.idx.msk [tilespmem:v4+s17+$0x0], $0xffff  }
0x3ad: {  	v7 =	vadd.s32 $0xFF3, v1  }
0x3ae: {  	v5 =	vld.idx.msk [tilespmem:v5+s17+$0x0], $0xffff  }
0x3af: {  	v3 =	vadd.f32 v6, v3;
	v6 =	vadd.s32 $0xFF4, v1  }
0x3b0: {  	v2 =	vld.idx.msk [tilespmem:v2+s17+$0x0], $0xffff  }
0x3b1: {  	v3 =	vadd.f32 v4, v3;
	v4 =	vadd.s32 $0xFF5, v1  }
0x3b2: {  	v7 =	vld.idx.msk [tilespmem:v7+s17+$0x0], $0xffff  }
0x3b3: {  	v3 =	vadd.f32 v5, v3;
	v5 =	vadd.s32 $0xFF6, v1  }
0x3b4: {  	v6 =	vld.idx.msk [tilespmem:v6+s17+$0x0], $0xffff  }
0x3b5: {  	v2 =	vadd.f32 v2, v3;
	v3 =	vadd.s32 $0xFF7, v1  }
0x3b6: {  	v4 =	vld.idx.msk [tilespmem:v4+s17+$0x0], $0xffff  }
0x3b7: {  	v2 =	vadd.f32 v7, v2;
	v7 =	vadd.s32 $0xFF8, v1  }
0x3b8: {  	v5 =	vld.idx.msk [tilespmem:v5+s17+$0x0], $0xffff  }
0x3b9: {  	v2 =	vadd.f32 v6, v2;
	v6 =	vadd.s32 $0xFF9, v1  }
0x3ba: {  	v3 =	vld.idx.msk [tilespmem:v3+s17+$0x0], $0xffff  }
0x3bb: {  	v2 =	vadd.f32 v4, v2;
	v4 =	vadd.s32 $0xFFA, v1  }
0x3bc: {  	v7 =	vld.idx.msk [tilespmem:v7+s17+$0x0], $0xffff  }
0x3bd: {  	v2 =	vadd.f32 v5, v2;
	v5 =	vadd.s32 $0xFFB, v1  }
0x3be: {  	v6 =	vld.idx.msk [tilespmem:v6+s17+$0x0], $0xffff  }
0x3bf: {  	v2 =	vadd.f32 v3, v2;
	v3 =	vadd.s32 $0xFFC, v1  }
0x3c0: {  	v4 =	vld.idx.msk [tilespmem:v4+s17+$0x0], $0xffff  }
0x3c1: {  	v2 =	vadd.f32 v7, v2;
	v7 =	vadd.s32 $0xFFD, v1  }
0x3c2: {  	v5 =	vld.idx.msk [tilespmem:v5+s17+$0x0], $0xffff  }
0x3c3: {  	v2 =	vadd.f32 v6, v2;
	v6 =	vadd.s32 $0xFFE, v1  }
0x3c4: {  	v3 =	vld.idx.msk [tilespmem:v3+s17+$0x0], $0xffff  }
0x3c5: {  	v2 =	vadd.f32 v4, v2;
	v4 =	vadd.s32 $0xFFF, v1  }
0x3c6: {  	v7 =	vld.idx.msk [tilespmem:v7+s17+$0x0], $0xffff  }
0x3c7: {  	v2 =	vadd.f32 v5, v2  }
0x3c8: {  	v5 =	vld.idx.msk [tilespmem:v6+s17+$0x0], $0xffff  }
0x3c9: {  	v2 =	vadd.f32 v3, v2  }
0x3ca: {  	v3 =	vld.idx.msk [tilespmem:v4+s17+$0x0], $0xffff  }
0x3cb: {  	v2 =	vadd.f32 v7, v2;
	_ =	sdelay $0x1  }
0x3cc: {  	v4 =	vor.u32 $0x1100, v1;
	v2 =	vadd.f32 v5, v2;
	_ =	sdelay $0x1  }
0x3cd: {  	v6 =	vld [tilespmem:$0x8700];
	v5 =	vadd.s32 $0x1101, v1;
	v2 =	vadd.f32 v3, v2  }
0x3ce: {  	v3 =	vld [tilespmem:$0x8500]  }
0x3cf: {  	[tilespmem:$0xAAF0] =	vst v2;
	v2 =	vadd.s32 $0x1102, v1  }
0x3d0: {  	v4 =	vld.idx.msk [tilespmem:v4+s17+$0x0], $0xffff  }
0x3d1: {  	v7 =	vadd.s32 $0x1103, v1  }
0x3d2: {  	v5 =	vld.idx.msk [tilespmem:v5+s17+$0x0], $0xffff  }
0x3d3: {  	v3 =	vadd.f32 v6, v3;
	v6 =	vadd.s32 $0x1104, v1  }
0x3d4: {  	v2 =	vld.idx.msk [tilespmem:v2+s17+$0x0], $0xffff  }
0x3d5: {  	v3 =	vadd.f32 v4, v3;
	v4 =	vadd.s32 $0x1105, v1  }
0x3d6: {  	v7 =	vld.idx.msk [tilespmem:v7+s17+$0x0], $0xffff  }
0x3d7: {  	v3 =	vadd.f32 v5, v3;
	v5 =	vadd.s32 $0x1106, v1  }
0x3d8: {  	v6 =	vld.idx.msk [tilespmem:v6+s17+$0x0], $0xffff  }
0x3d9: {  	v2 =	vadd.f32 v2, v3;
	v3 =	vadd.s32 $0x1107, v1  }
0x3da: {  	v4 =	vld.idx.msk [tilespmem:v4+s17+$0x0], $0xffff  }
0x3db: {  	v2 =	vadd.f32 v7, v2;
	v7 =	vadd.s32 $0x1108, v1  }
0x3dc: {  	v5 =	vld.idx.msk [tilespmem:v5+s17+$0x0], $0xffff  }
0x3dd: {  	v2 =	vadd.f32 v6, v2;
	v6 =	vadd.s32 $0x1109, v1  }
0x3de: {  	v3 =	vld.idx.msk [tilespmem:v3+s17+$0x0], $0xffff  }
0x3df: {  	v2 =	vadd.f32 v4, v2;
	v4 =	vadd.s32 $0x110A, v1  }
0x3e0: {  	v7 =	vld.idx.msk [tilespmem:v7+s17+$0x0], $0xffff  }
0x3e1: {  	v2 =	vadd.f32 v5, v2;
	v5 =	vadd.s32 $0x110B, v1  }
0x3e2: {  	v6 =	vld.idx.msk [tilespmem:v6+s17+$0x0], $0xffff  }
0x3e3: {  	v2 =	vadd.f32 v3, v2;
	v3 =	vadd.s32 $0x110C, v1  }
0x3e4: {  	v4 =	vld.idx.msk [tilespmem:v4+s17+$0x0], $0xffff  }
0x3e5: {  	v2 =	vadd.f32 v7, v2;
	v7 =	vadd.s32 $0x110D, v1  }
0x3e6: {  	v5 =	vld.idx.msk [tilespmem:v5+s17+$0x0], $0xffff  }
0x3e7: {  	v2 =	vadd.f32 v6, v2;
	v6 =	vadd.s32 $0x110E, v1  }
0x3e8: {  	v3 =	vld.idx.msk [tilespmem:v3+s17+$0x0], $0xffff  }
0x3e9: {  	v2 =	vadd.f32 v4, v2;
	v4 =	vadd.s32 $0x110F, v1  }
0x3ea: {  	v7 =	vld.idx.msk [tilespmem:v7+s17+$0x0], $0xffff  }
0x3eb: {  	v2 =	vadd.f32 v5, v2  }
0x3ec: {  	v5 =	vld.idx.msk [tilespmem:v6+s17+$0x0], $0xffff  }
0x3ed: {  	v2 =	vadd.f32 v3, v2  }
0x3ee: {  	v3 =	vld.idx.msk [tilespmem:v4+s17+$0x0], $0xffff  }
0x3ef: {  	v2 =	vadd.f32 v7, v2;
	_ =	sdelay $0x1  }
0x3f0: {  	v4 =	vadd.s32 $0x1210, v1;
	v2 =	vadd.f32 v5, v2;
	_ =	sdelay $0x1  }
0x3f1: {  	v6 =	vld [tilespmem:$0x8710];
	v5 =	vadd.s32 $0x1211, v1;
	v2 =	vadd.f32 v3, v2  }
0x3f2: {  	v3 =	vld [tilespmem:$0x8510]  }
0x3f3: {  	[tilespmem:$0xAB00] =	vst v2;
	v2 =	vadd.s32 $0x1212, v1  }
0x3f4: {  	v4 =	vld.idx.msk [tilespmem:v4+s17+$0x0], $0xffff  }
0x3f5: {  	v7 =	vadd.s32 $0x1213, v1  }
0x3f6: {  	v5 =	vld.idx.msk [tilespmem:v5+s17+$0x0], $0xffff  }
0x3f7: {  	v3 =	vadd.f32 v6, v3;
	v6 =	vadd.s32 $0x1214, v1  }
0x3f8: {  	v2 =	vld.idx.msk [tilespmem:v2+s17+$0x0], $0xffff  }
0x3f9: {  	v3 =	vadd.f32 v4, v3;
	v4 =	vadd.s32 $0x1215, v1  }
0x3fa: {  	v7 =	vld.idx.msk [tilespmem:v7+s17+$0x0], $0xffff  }
0x3fb: {  	v3 =	vadd.f32 v5, v3;
	v5 =	vadd.s32 $0x1216, v1  }
0x3fc: {  	v6 =	vld.idx.msk [tilespmem:v6+s17+$0x0], $0xffff  }
0x3fd: {  	v2 =	vadd.f32 v2, v3;
	v3 =	vadd.s32 $0x1217, v1  }
0x3fe: {  	v4 =	vld.idx.msk [tilespmem:v4+s17+$0x0], $0xffff  }
0x3ff: {  	v2 =	vadd.f32 v7, v2;
	v7 =	vadd.s32 $0x1218, v1  }
0x400: {  	v5 =	vld.idx.msk [tilespmem:v5+s17+$0x0], $0xffff  }
0x401: {  	v2 =	vadd.f32 v6, v2;
	v6 =	vadd.s32 $0x1219, v1  }
0x402: {  	v3 =	vld.idx.msk [tilespmem:v3+s17+$0x0], $0xffff  }
0x403: {  	v2 =	vadd.f32 v4, v2;
	v4 =	vadd.s32 $0x121A, v1  }
0x404: {  	v7 =	vld.idx.msk [tilespmem:v7+s17+$0x0], $0xffff  }
0x405: {  	v2 =	vadd.f32 v5, v2;
	v5 =	vadd.s32 $0x121B, v1  }
0x406: {  	v6 =	vld.idx.msk [tilespmem:v6+s17+$0x0], $0xffff  }
0x407: {  	v2 =	vadd.f32 v3, v2;
	v3 =	vadd.s32 $0x121C, v1  }
0x408: {  	v4 =	vld.idx.msk [tilespmem:v4+s17+$0x0], $0xffff  }
0x409: {  	v2 =	vadd.f32 v7, v2;
	v7 =	vadd.s32 $0x121D, v1  }
0x40a: {  	v5 =	vld.idx.msk [tilespmem:v5+s17+$0x0], $0xffff  }
0x40b: {  	v2 =	vadd.f32 v6, v2;
	v6 =	vadd.s32 $0x121E, v1  }
0x40c: {  	v3 =	vld.idx.msk [tilespmem:v3+s17+$0x0], $0xffff  }
0x40d: {  	v2 =	vadd.f32 v4, v2;
	v4 =	vadd.s32 $0x121F, v1  }
0x40e: {  	v7 =	vld.idx.msk [tilespmem:v7+s17+$0x0], $0xffff  }
0x40f: {  	v2 =	vadd.f32 v5, v2  }
0x410: {  	v5 =	vld.idx.msk [tilespmem:v6+s17+$0x0], $0xffff  }
0x411: {  	v2 =	vadd.f32 v3, v2  }
0x412: {  	v3 =	vld.idx.msk [tilespmem:v4+s17+$0x0], $0xffff  }
0x413: {  	v2 =	vadd.f32 v7, v2;
	_ =	sdelay $0x1  }
0x414: {  	v4 =	vadd.s32 $0x1320, v1;
	v2 =	vadd.f32 v5, v2;
	_ =	sdelay $0x1  }
0x415: {  	v6 =	vld [tilespmem:$0x8720];
	v5 =	vadd.s32 $0x1321, v1;
	v2 =	vadd.f32 v3, v2  }
0x416: {  	v3 =	vld [tilespmem:$0x8520]  }
0x417: {  	[tilespmem:$0xAB10] =	vst v2;
	v2 =	vadd.s32 $0x1322, v1  }
0x418: {  	v4 =	vld.idx.msk [tilespmem:v4+s17+$0x0], $0xffff  }
0x419: {  	v7 =	vadd.s32 $0x1323, v1  }
0x41a: {  	v5 =	vld.idx.msk [tilespmem:v5+s17+$0x0], $0xffff  }
0x41b: {  	v3 =	vadd.f32 v6, v3;
	v6 =	vadd.s32 $0x1324, v1  }
0x41c: {  	v2 =	vld.idx.msk [tilespmem:v2+s17+$0x0], $0xffff  }
0x41d: {  	v3 =	vadd.f32 v4, v3;
	v4 =	vadd.s32 $0x1325, v1  }
0x41e: {  	v7 =	vld.idx.msk [tilespmem:v7+s17+$0x0], $0xffff  }
0x41f: {  	v3 =	vadd.f32 v5, v3;
	v5 =	vadd.s32 $0x1326, v1  }
0x420: {  	v6 =	vld.idx.msk [tilespmem:v6+s17+$0x0], $0xffff  }
0x421: {  	v2 =	vadd.f32 v2, v3;
	v3 =	vadd.s32 $0x1327, v1  }
0x422: {  	v4 =	vld.idx.msk [tilespmem:v4+s17+$0x0], $0xffff  }
0x423: {  	v2 =	vadd.f32 v7, v2;
	v7 =	vadd.s32 $0x1328, v1  }
0x424: {  	v5 =	vld.idx.msk [tilespmem:v5+s17+$0x0], $0xffff  }
0x425: {  	v2 =	vadd.f32 v6, v2;
	v6 =	vadd.s32 $0x1329, v1  }
0x426: {  	v3 =	vld.idx.msk [tilespmem:v3+s17+$0x0], $0xffff  }
0x427: {  	v2 =	vadd.f32 v4, v2;
	v4 =	vadd.s32 $0x132A, v1  }
0x428: {  	v7 =	vld.idx.msk [tilespmem:v7+s17+$0x0], $0xffff  }
0x429: {  	v2 =	vadd.f32 v5, v2;
	v5 =	vadd.s32 $0x132B, v1  }
0x42a: {  	v6 =	vld.idx.msk [tilespmem:v6+s17+$0x0], $0xffff  }
0x42b: {  	v2 =	vadd.f32 v3, v2;
	v3 =	vadd.s32 $0x132C, v1  }
0x42c: {  	v4 =	vld.idx.msk [tilespmem:v4+s17+$0x0], $0xffff  }
0x42d: {  	v2 =	vadd.f32 v7, v2;
	v7 =	vadd.s32 $0x132D, v1  }
0x42e: {  	v5 =	vld.idx.msk [tilespmem:v5+s17+$0x0], $0xffff  }
0x42f: {  	v2 =	vadd.f32 v6, v2;
	v6 =	vadd.s32 $0x132E, v1  }
0x430: {  	v3 =	vld.idx.msk [tilespmem:v3+s17+$0x0], $0xffff  }
0x431: {  	v2 =	vadd.f32 v4, v2;
	v4 =	vadd.s32 $0x132F, v1  }
0x432: {  	v7 =	vld.idx.msk [tilespmem:v7+s17+$0x0], $0xffff  }
0x433: {  	v2 =	vadd.f32 v5, v2  }
0x434: {  	v5 =	vld.idx.msk [tilespmem:v6+s17+$0x0], $0xffff  }
0x435: {  	v2 =	vadd.f32 v3, v2  }
0x436: {  	v3 =	vld.idx.msk [tilespmem:v4+s17+$0x0], $0xffff  }
0x437: {  	v2 =	vadd.f32 v7, v2;
	_ =	sdelay $0x1  }
0x438: {  	v4 =	vadd.s32 $0x1430, v1;
	v2 =	vadd.f32 v5, v2;
	_ =	sdelay $0x1  }
0x439: {  	v6 =	vld [tilespmem:$0x8730];
	v5 =	vadd.s32 $0x1431, v1;
	v2 =	vadd.f32 v3, v2  }
0x43a: {  	v3 =	vld [tilespmem:$0x8530]  }
0x43b: {  	[tilespmem:$0xAB20] =	vst v2;
	v2 =	vadd.s32 $0x1432, v1  }
0x43c: {  	v4 =	vld.idx.msk [tilespmem:v4+s17+$0x0], $0xffff  }
0x43d: {  	v7 =	vadd.s32 $0x1433, v1  }
0x43e: {  	v5 =	vld.idx.msk [tilespmem:v5+s17+$0x0], $0xffff  }
0x43f: {  	v3 =	vadd.f32 v6, v3;
	v6 =	vadd.s32 $0x1434, v1  }
0x440: {  	v2 =	vld.idx.msk [tilespmem:v2+s17+$0x0], $0xffff  }
0x441: {  	v3 =	vadd.f32 v4, v3;
	v4 =	vadd.s32 $0x1435, v1  }
0x442: {  	v7 =	vld.idx.msk [tilespmem:v7+s17+$0x0], $0xffff  }
0x443: {  	v3 =	vadd.f32 v5, v3;
	v5 =	vadd.s32 $0x1436, v1  }
0x444: {  	v6 =	vld.idx.msk [tilespmem:v6+s17+$0x0], $0xffff  }
0x445: {  	v2 =	vadd.f32 v2, v3;
	v3 =	vadd.s32 $0x1437, v1  }
0x446: {  	v4 =	vld.idx.msk [tilespmem:v4+s17+$0x0], $0xffff  }
0x447: {  	v2 =	vadd.f32 v7, v2;
	v7 =	vadd.s32 $0x1438, v1  }
0x448: {  	v5 =	vld.idx.msk [tilespmem:v5+s17+$0x0], $0xffff  }
0x449: {  	v2 =	vadd.f32 v6, v2;
	v6 =	vadd.s32 $0x1439, v1  }
0x44a: {  	v3 =	vld.idx.msk [tilespmem:v3+s17+$0x0], $0xffff  }
0x44b: {  	v2 =	vadd.f32 v4, v2;
	v4 =	vadd.s32 $0x143A, v1  }
0x44c: {  	v7 =	vld.idx.msk [tilespmem:v7+s17+$0x0], $0xffff  }
0x44d: {  	v2 =	vadd.f32 v5, v2;
	v5 =	vadd.s32 $0x143B, v1  }
0x44e: {  	v6 =	vld.idx.msk [tilespmem:v6+s17+$0x0], $0xffff  }
0x44f: {  	v2 =	vadd.f32 v3, v2;
	v3 =	vadd.s32 $0x143C, v1  }
0x450: {  	v4 =	vld.idx.msk [tilespmem:v4+s17+$0x0], $0xffff  }
0x451: {  	v2 =	vadd.f32 v7, v2;
	v7 =	vadd.s32 $0x143D, v1  }
0x452: {  	v5 =	vld.idx.msk [tilespmem:v5+s17+$0x0], $0xffff  }
0x453: {  	v2 =	vadd.f32 v6, v2;
	v6 =	vadd.s32 $0x143E, v1  }
0x454: {  	v3 =	vld.idx.msk [tilespmem:v3+s17+$0x0], $0xffff  }
0x455: {  	v2 =	vadd.f32 v4, v2;
	v4 =	vadd.s32 $0x143F, v1  }
0x456: {  	v7 =	vld.idx.msk [tilespmem:v7+s17+$0x0], $0xffff  }
0x457: {  	v2 =	vadd.f32 v5, v2  }
0x458: {  	v5 =	vld.idx.msk [tilespmem:v6+s17+$0x0], $0xffff  }
0x459: {  	v2 =	vadd.f32 v3, v2  }
0x45a: {  	v3 =	vld.idx.msk [tilespmem:v4+s17+$0x0], $0xffff  }
0x45b: {  	v2 =	vadd.f32 v7, v2;
	_ =	sdelay $0x1  }
0x45c: {  	v4 =	vadd.s32 $0x1540, v1;
	v2 =	vadd.f32 v5, v2;
	_ =	sdelay $0x1  }
0x45d: {  	v6 =	vld [tilespmem:$0x8740];
	v5 =	vadd.s32 $0x1541, v1;
	v2 =	vadd.f32 v3, v2  }
0x45e: {  	v3 =	vld [tilespmem:$0x8540]  }
0x45f: {  	[tilespmem:$0xAB30] =	vst v2;
	v2 =	vadd.s32 $0x1542, v1  }
0x460: {  	v4 =	vld.idx.msk [tilespmem:v4+s17+$0x0], $0xffff  }
0x461: {  	v7 =	vadd.s32 $0x1543, v1  }
0x462: {  	v5 =	vld.idx.msk [tilespmem:v5+s17+$0x0], $0xffff  }
0x463: {  	v3 =	vadd.f32 v6, v3;
	v6 =	vadd.s32 $0x1544, v1  }
0x464: {  	v2 =	vld.idx.msk [tilespmem:v2+s17+$0x0], $0xffff  }
0x465: {  	v3 =	vadd.f32 v4, v3;
	v4 =	vadd.s32 $0x1545, v1  }
0x466: {  	v7 =	vld.idx.msk [tilespmem:v7+s17+$0x0], $0xffff  }
0x467: {  	v3 =	vadd.f32 v5, v3;
	v5 =	vadd.s32 $0x1546, v1  }
0x468: {  	v6 =	vld.idx.msk [tilespmem:v6+s17+$0x0], $0xffff  }
0x469: {  	v2 =	vadd.f32 v2, v3;
	v3 =	vadd.s32 $0x1547, v1  }
0x46a: {  	v4 =	vld.idx.msk [tilespmem:v4+s17+$0x0], $0xffff  }
0x46b: {  	v2 =	vadd.f32 v7, v2;
	v7 =	vadd.s32 $0x1548, v1  }
0x46c: {  	v5 =	vld.idx.msk [tilespmem:v5+s17+$0x0], $0xffff  }
0x46d: {  	v2 =	vadd.f32 v6, v2;
	v6 =	vadd.s32 $0x1549, v1  }
0x46e: {  	v3 =	vld.idx.msk [tilespmem:v3+s17+$0x0], $0xffff  }
0x46f: {  	v2 =	vadd.f32 v4, v2;
	v4 =	vadd.s32 $0x154A, v1  }
0x470: {  	v7 =	vld.idx.msk [tilespmem:v7+s17+$0x0], $0xffff  }
0x471: {  	v2 =	vadd.f32 v5, v2;
	v5 =	vadd.s32 $0x154B, v1  }
0x472: {  	v6 =	vld.idx.msk [tilespmem:v6+s17+$0x0], $0xffff  }
0x473: {  	v2 =	vadd.f32 v3, v2;
	v3 =	vadd.s32 $0x154C, v1  }
0x474: {  	v4 =	vld.idx.msk [tilespmem:v4+s17+$0x0], $0xffff  }
0x475: {  	v2 =	vadd.f32 v7, v2;
	v7 =	vadd.s32 $0x154D, v1  }
0x476: {  	v5 =	vld.idx.msk [tilespmem:v5+s17+$0x0], $0xffff  }
0x477: {  	v2 =	vadd.f32 v6, v2;
	v6 =	vadd.s32 $0x154E, v1  }
0x478: {  	v3 =	vld.idx.msk [tilespmem:v3+s17+$0x0], $0xffff  }
0x479: {  	v2 =	vadd.f32 v4, v2;
	v4 =	vadd.s32 $0x154F, v1  }
0x47a: {  	v7 =	vld.idx.msk [tilespmem:v7+s17+$0x0], $0xffff  }
0x47b: {  	v2 =	vadd.f32 v5, v2  }
0x47c: {  	v5 =	vld.idx.msk [tilespmem:v6+s17+$0x0], $0xffff  }
0x47d: {  	v2 =	vadd.f32 v3, v2  }
0x47e: {  	v3 =	vld.idx.msk [tilespmem:v4+s17+$0x0], $0xffff  }
0x47f: {  	v2 =	vadd.f32 v7, v2;
	_ =	sdelay $0x1  }
0x480: {  	v4 =	vadd.s32 $0x1650, v1;
	v2 =	vadd.f32 v5, v2;
	_ =	sdelay $0x1  }
0x481: {  	v6 =	vld [tilespmem:$0x8750];
	v5 =	vadd.s32 $0x1651, v1;
	v2 =	vadd.f32 v3, v2  }
0x482: {  	v3 =	vld [tilespmem:$0x8550]  }
0x483: {  	[tilespmem:$0xAB40] =	vst v2;
	v2 =	vadd.s32 $0x1652, v1  }
0x484: {  	v4 =	vld.idx.msk [tilespmem:v4+s17+$0x0], $0xffff  }
0x485: {  	v7 =	vadd.s32 $0x1653, v1  }
0x486: {  	v5 =	vld.idx.msk [tilespmem:v5+s17+$0x0], $0xffff  }
0x487: {  	v3 =	vadd.f32 v6, v3;
	v6 =	vadd.s32 $0x1654, v1  }
0x488: {  	v2 =	vld.idx.msk [tilespmem:v2+s17+$0x0], $0xffff  }
0x489: {  	v3 =	vadd.f32 v4, v3;
	v4 =	vadd.s32 $0x1655, v1  }
0x48a: {  	v7 =	vld.idx.msk [tilespmem:v7+s17+$0x0], $0xffff  }
0x48b: {  	v3 =	vadd.f32 v5, v3;
	v5 =	vadd.s32 $0x1656, v1  }
0x48c: {  	v6 =	vld.idx.msk [tilespmem:v6+s17+$0x0], $0xffff  }
0x48d: {  	v2 =	vadd.f32 v2, v3;
	v3 =	vadd.s32 $0x1657, v1  }
0x48e: {  	v4 =	vld.idx.msk [tilespmem:v4+s17+$0x0], $0xffff  }
0x48f: {  	v2 =	vadd.f32 v7, v2;
	v7 =	vadd.s32 $0x1658, v1  }
0x490: {  	v5 =	vld.idx.msk [tilespmem:v5+s17+$0x0], $0xffff  }
0x491: {  	v2 =	vadd.f32 v6, v2;
	v6 =	vadd.s32 $0x1659, v1  }
0x492: {  	v3 =	vld.idx.msk [tilespmem:v3+s17+$0x0], $0xffff  }
0x493: {  	v2 =	vadd.f32 v4, v2;
	v4 =	vadd.s32 $0x165A, v1  }
0x494: {  	v7 =	vld.idx.msk [tilespmem:v7+s17+$0x0], $0xffff  }
0x495: {  	v2 =	vadd.f32 v5, v2;
	v5 =	vadd.s32 $0x165B, v1  }
0x496: {  	v6 =	vld.idx.msk [tilespmem:v6+s17+$0x0], $0xffff  }
0x497: {  	v2 =	vadd.f32 v3, v2;
	v3 =	vadd.s32 $0x165C, v1  }
0x498: {  	v4 =	vld.idx.msk [tilespmem:v4+s17+$0x0], $0xffff  }
0x499: {  	v2 =	vadd.f32 v7, v2;
	v7 =	vadd.s32 $0x165D, v1  }
0x49a: {  	v5 =	vld.idx.msk [tilespmem:v5+s17+$0x0], $0xffff  }
0x49b: {  	v2 =	vadd.f32 v6, v2;
	v6 =	vadd.s32 $0x165E, v1  }
0x49c: {  	v3 =	vld.idx.msk [tilespmem:v3+s17+$0x0], $0xffff  }
0x49d: {  	v2 =	vadd.f32 v4, v2;
	v4 =	vadd.s32 $0x165F, v1  }
0x49e: {  	v7 =	vld.idx.msk [tilespmem:v7+s17+$0x0], $0xffff  }
0x49f: {  	v2 =	vadd.f32 v5, v2  }
0x4a0: {  	v5 =	vld.idx.msk [tilespmem:v6+s17+$0x0], $0xffff  }
0x4a1: {  	v2 =	vadd.f32 v3, v2  }
0x4a2: {  	v3 =	vld.idx.msk [tilespmem:v4+s17+$0x0], $0xffff  }
0x4a3: {  	v2 =	vadd.f32 v7, v2;
	_ =	sdelay $0x1  }
0x4a4: {  	v4 =	vadd.s32 $0x1760, v1;
	v2 =	vadd.f32 v5, v2;
	_ =	sdelay $0x1  }
0x4a5: {  	v6 =	vld [tilespmem:$0x8760];
	v5 =	vadd.s32 $0x1761, v1;
	v2 =	vadd.f32 v3, v2  }
0x4a6: {  	v3 =	vld [tilespmem:$0x8560]  }
0x4a7: {  	[tilespmem:$0xAB50] =	vst v2;
	v2 =	vadd.s32 $0x1762, v1  }
0x4a8: {  	v4 =	vld.idx.msk [tilespmem:v4+s17+$0x0], $0xffff  }
0x4a9: {  	v7 =	vadd.s32 $0x1763, v1  }
0x4aa: {  	v5 =	vld.idx.msk [tilespmem:v5+s17+$0x0], $0xffff  }
0x4ab: {  	v3 =	vadd.f32 v6, v3;
	v6 =	vadd.s32 $0x1764, v1  }
0x4ac: {  	v2 =	vld.idx.msk [tilespmem:v2+s17+$0x0], $0xffff  }
0x4ad: {  	v3 =	vadd.f32 v4, v3;
	v4 =	vadd.s32 $0x1765, v1  }
0x4ae: {  	v7 =	vld.idx.msk [tilespmem:v7+s17+$0x0], $0xffff  }
0x4af: {  	v3 =	vadd.f32 v5, v3;
	v5 =	vadd.s32 $0x1766, v1  }
0x4b0: {  	v6 =	vld.idx.msk [tilespmem:v6+s17+$0x0], $0xffff  }
0x4b1: {  	v2 =	vadd.f32 v2, v3;
	v3 =	vadd.s32 $0x1767, v1  }
0x4b2: {  	v4 =	vld.idx.msk [tilespmem:v4+s17+$0x0], $0xffff  }
0x4b3: {  	v2 =	vadd.f32 v7, v2;
	v7 =	vadd.s32 $0x1768, v1  }
0x4b4: {  	v5 =	vld.idx.msk [tilespmem:v5+s17+$0x0], $0xffff  }
0x4b5: {  	v2 =	vadd.f32 v6, v2;
	v6 =	vadd.s32 $0x1769, v1  }
0x4b6: {  	v3 =	vld.idx.msk [tilespmem:v3+s17+$0x0], $0xffff  }
0x4b7: {  	v2 =	vadd.f32 v4, v2;
	v4 =	vadd.s32 $0x176A, v1  }
0x4b8: {  	v7 =	vld.idx.msk [tilespmem:v7+s17+$0x0], $0xffff  }
0x4b9: {  	v2 =	vadd.f32 v5, v2;
	v5 =	vadd.s32 $0x176B, v1  }
0x4ba: {  	v6 =	vld.idx.msk [tilespmem:v6+s17+$0x0], $0xffff  }
0x4bb: {  	v2 =	vadd.f32 v3, v2;
	v3 =	vadd.s32 $0x176C, v1  }
0x4bc: {  	v4 =	vld.idx.msk [tilespmem:v4+s17+$0x0], $0xffff  }
0x4bd: {  	v2 =	vadd.f32 v7, v2;
	v7 =	vadd.s32 $0x176D, v1  }
0x4be: {  	v5 =	vld.idx.msk [tilespmem:v5+s17+$0x0], $0xffff  }
0x4bf: {  	v2 =	vadd.f32 v6, v2;
	v6 =	vadd.s32 $0x176E, v1  }
0x4c0: {  	v3 =	vld.idx.msk [tilespmem:v3+s17+$0x0], $0xffff  }
0x4c1: {  	v2 =	vadd.f32 v4, v2;
	v4 =	vadd.s32 $0x176F, v1  }
0x4c2: {  	v7 =	vld.idx.msk [tilespmem:v7+s17+$0x0], $0xffff  }
0x4c3: {  	v2 =	vadd.f32 v5, v2  }
0x4c4: {  	v5 =	vld.idx.msk [tilespmem:v6+s17+$0x0], $0xffff  }
0x4c5: {  	v2 =	vadd.f32 v3, v2  }
0x4c6: {  	v3 =	vld.idx.msk [tilespmem:v4+s17+$0x0], $0xffff  }
0x4c7: {  	v2 =	vadd.f32 v7, v2;
	_ =	sdelay $0x1  }
0x4c8: {  	v4 =	vadd.s32 $0x1870, v1;
	v2 =	vadd.f32 v5, v2;
	_ =	sdelay $0x1  }
0x4c9: {  	v6 =	vld [tilespmem:$0x8770];
	v5 =	vadd.s32 $0x1871, v1;
	v2 =	vadd.f32 v3, v2  }
0x4ca: {  	v3 =	vld [tilespmem:$0x8570]  }
0x4cb: {  	[tilespmem:$0xAB60] =	vst v2;
	v2 =	vadd.s32 $0x1872, v1  }
0x4cc: {  	v4 =	vld.idx.msk [tilespmem:v4+s17+$0x0], $0xffff  }
0x4cd: {  	v7 =	vadd.s32 $0x1873, v1  }
0x4ce: {  	v5 =	vld.idx.msk [tilespmem:v5+s17+$0x0], $0xffff  }
0x4cf: {  	v3 =	vadd.f32 v6, v3;
	v6 =	vadd.s32 $0x1874, v1  }
0x4d0: {  	v2 =	vld.idx.msk [tilespmem:v2+s17+$0x0], $0xffff  }
0x4d1: {  	v3 =	vadd.f32 v4, v3;
	v4 =	vadd.s32 $0x1875, v1  }
0x4d2: {  	v7 =	vld.idx.msk [tilespmem:v7+s17+$0x0], $0xffff  }
0x4d3: {  	v3 =	vadd.f32 v5, v3;
	v5 =	vadd.s32 $0x1876, v1  }
0x4d4: {  	v6 =	vld.idx.msk [tilespmem:v6+s17+$0x0], $0xffff  }
0x4d5: {  	v2 =	vadd.f32 v2, v3;
	v3 =	vadd.s32 $0x1877, v1  }
0x4d6: {  	v4 =	vld.idx.msk [tilespmem:v4+s17+$0x0], $0xffff  }
0x4d7: {  	v2 =	vadd.f32 v7, v2;
	v7 =	vadd.s32 $0x1878, v1  }
0x4d8: {  	v5 =	vld.idx.msk [tilespmem:v5+s17+$0x0], $0xffff  }
0x4d9: {  	v2 =	vadd.f32 v6, v2;
	v6 =	vadd.s32 $0x1879, v1  }
0x4da: {  	v3 =	vld.idx.msk [tilespmem:v3+s17+$0x0], $0xffff  }
0x4db: {  	v2 =	vadd.f32 v4, v2;
	v4 =	vadd.s32 $0x187A, v1  }
0x4dc: {  	v7 =	vld.idx.msk [tilespmem:v7+s17+$0x0], $0xffff  }
0x4dd: {  	v2 =	vadd.f32 v5, v2;
	v5 =	vadd.s32 $0x187B, v1  }
0x4de: {  	v6 =	vld.idx.msk [tilespmem:v6+s17+$0x0], $0xffff  }
0x4df: {  	v2 =	vadd.f32 v3, v2;
	v3 =	vadd.s32 $0x187C, v1  }
0x4e0: {  	v4 =	vld.idx.msk [tilespmem:v4+s17+$0x0], $0xffff  }
0x4e1: {  	v2 =	vadd.f32 v7, v2;
	v7 =	vadd.s32 $0x187D, v1  }
0x4e2: {  	v5 =	vld.idx.msk [tilespmem:v5+s17+$0x0], $0xffff  }
0x4e3: {  	v2 =	vadd.f32 v6, v2;
	v6 =	vadd.s32 $0x187E, v1  }
0x4e4: {  	v3 =	vld.idx.msk [tilespmem:v3+s17+$0x0], $0xffff  }
0x4e5: {  	v2 =	vadd.f32 v4, v2;
	v4 =	vadd.s32 $0x187F, v1  }
0x4e6: {  	v7 =	vld.idx.msk [tilespmem:v7+s17+$0x0], $0xffff  }
0x4e7: {  	v2 =	vadd.f32 v5, v2  }
0x4e8: {  	v5 =	vld.idx.msk [tilespmem:v6+s17+$0x0], $0xffff  }
0x4e9: {  	v2 =	vadd.f32 v3, v2  }
0x4ea: {  	v3 =	vld.idx.msk [tilespmem:v4+s17+$0x0], $0xffff  }
0x4eb: {  	v2 =	vadd.f32 v7, v2;
	_ =	sdelay $0x1  }
0x4ec: {  	v4 =	vadd.s32 $0x1980, v1;
	v2 =	vadd.f32 v5, v2;
	_ =	sdelay $0x1  }
0x4ed: {  	v6 =	vld [tilespmem:$0x8780];
	v5 =	vadd.s32 $0x1981, v1;
	v2 =	vadd.f32 v3, v2  }
0x4ee: {  	v3 =	vld [tilespmem:$0x8580]  }
0x4ef: {  	[tilespmem:$0xAB70] =	vst v2;
	v2 =	vadd.s32 $0x1982, v1  }
0x4f0: {  	v4 =	vld.idx.msk [tilespmem:v4+s17+$0x0], $0xffff  }
0x4f1: {  	v7 =	vadd.s32 $0x1983, v1  }
0x4f2: {  	v5 =	vld.idx.msk [tilespmem:v5+s17+$0x0], $0xffff  }
0x4f3: {  	v3 =	vadd.f32 v6, v3;
	v6 =	vadd.s32 $0x1984, v1  }
0x4f4: {  	v2 =	vld.idx.msk [tilespmem:v2+s17+$0x0], $0xffff  }
0x4f5: {  	v3 =	vadd.f32 v4, v3;
	v4 =	vadd.s32 $0x1985, v1  }
0x4f6: {  	v7 =	vld.idx.msk [tilespmem:v7+s17+$0x0], $0xffff  }
0x4f7: {  	v3 =	vadd.f32 v5, v3;
	v5 =	vadd.s32 $0x1986, v1  }
0x4f8: {  	v6 =	vld.idx.msk [tilespmem:v6+s17+$0x0], $0xffff  }
0x4f9: {  	v2 =	vadd.f32 v2, v3;
	v3 =	vadd.s32 $0x1987, v1  }
0x4fa: {  	v4 =	vld.idx.msk [tilespmem:v4+s17+$0x0], $0xffff  }
0x4fb: {  	v2 =	vadd.f32 v7, v2;
	v7 =	vadd.s32 $0x1988, v1  }
0x4fc: {  	v5 =	vld.idx.msk [tilespmem:v5+s17+$0x0], $0xffff  }
0x4fd: {  	v2 =	vadd.f32 v6, v2;
	v6 =	vadd.s32 $0x1989, v1  }
0x4fe: {  	v3 =	vld.idx.msk [tilespmem:v3+s17+$0x0], $0xffff  }
0x4ff: {  	v2 =	vadd.f32 v4, v2;
	v4 =	vadd.s32 $0x198A, v1  }
0x500: {  	v7 =	vld.idx.msk [tilespmem:v7+s17+$0x0], $0xffff  }
0x501: {  	v2 =	vadd.f32 v5, v2;
	v5 =	vadd.s32 $0x198B, v1  }
0x502: {  	v6 =	vld.idx.msk [tilespmem:v6+s17+$0x0], $0xffff  }
0x503: {  	v2 =	vadd.f32 v3, v2;
	v3 =	vadd.s32 $0x198C, v1  }
0x504: {  	v4 =	vld.idx.msk [tilespmem:v4+s17+$0x0], $0xffff  }
0x505: {  	v2 =	vadd.f32 v7, v2;
	v7 =	vadd.s32 $0x198D, v1  }
0x506: {  	v5 =	vld.idx.msk [tilespmem:v5+s17+$0x0], $0xffff  }
0x507: {  	v2 =	vadd.f32 v6, v2;
	v6 =	vadd.s32 $0x198E, v1  }
0x508: {  	v3 =	vld.idx.msk [tilespmem:v3+s17+$0x0], $0xffff  }
0x509: {  	v2 =	vadd.f32 v4, v2;
	v4 =	vadd.s32 $0x198F, v1  }
0x50a: {  	v7 =	vld.idx.msk [tilespmem:v7+s17+$0x0], $0xffff  }
0x50b: {  	v2 =	vadd.f32 v5, v2  }
0x50c: {  	v5 =	vld.idx.msk [tilespmem:v6+s17+$0x0], $0xffff  }
0x50d: {  	v2 =	vadd.f32 v3, v2  }
0x50e: {  	v3 =	vld.idx.msk [tilespmem:v4+s17+$0x0], $0xffff  }
0x50f: {  	v2 =	vadd.f32 v7, v2;
	_ =	sdelay $0x1  }
0x510: {  	v4 =	vadd.s32 $0x1A90, v1;
	v2 =	vadd.f32 v5, v2;
	_ =	sdelay $0x1  }
0x511: {  	v6 =	vld [tilespmem:$0x8790];
	v5 =	vadd.s32 $0x1A91, v1;
	v2 =	vadd.f32 v3, v2  }
0x512: {  	v3 =	vld [tilespmem:$0x8590]  }
0x513: {  	[tilespmem:$0xAB80] =	vst v2;
	v2 =	vadd.s32 $0x1A92, v1  }
0x514: {  	v4 =	vld.idx.msk [tilespmem:v4+s17+$0x0], $0xffff  }
0x515: {  	v7 =	vadd.s32 $0x1A93, v1  }
0x516: {  	v5 =	vld.idx.msk [tilespmem:v5+s17+$0x0], $0xffff  }
0x517: {  	v3 =	vadd.f32 v6, v3;
	v6 =	vadd.s32 $0x1A94, v1  }
0x518: {  	v2 =	vld.idx.msk [tilespmem:v2+s17+$0x0], $0xffff  }
0x519: {  	v3 =	vadd.f32 v4, v3;
	v4 =	vadd.s32 $0x1A95, v1  }
0x51a: {  	v7 =	vld.idx.msk [tilespmem:v7+s17+$0x0], $0xffff  }
0x51b: {  	v3 =	vadd.f32 v5, v3;
	v5 =	vadd.s32 $0x1A96, v1  }
0x51c: {  	v6 =	vld.idx.msk [tilespmem:v6+s17+$0x0], $0xffff  }
0x51d: {  	v2 =	vadd.f32 v2, v3;
	v3 =	vadd.s32 $0x1A97, v1  }
0x51e: {  	v4 =	vld.idx.msk [tilespmem:v4+s17+$0x0], $0xffff  }
0x51f: {  	v2 =	vadd.f32 v7, v2;
	v7 =	vadd.s32 $0x1A98, v1  }
0x520: {  	v5 =	vld.idx.msk [tilespmem:v5+s17+$0x0], $0xffff  }
0x521: {  	v2 =	vadd.f32 v6, v2;
	v6 =	vadd.s32 $0x1A99, v1  }
0x522: {  	v3 =	vld.idx.msk [tilespmem:v3+s17+$0x0], $0xffff  }
0x523: {  	v2 =	vadd.f32 v4, v2;
	v4 =	vadd.s32 $0x1A9A, v1  }
0x524: {  	v7 =	vld.idx.msk [tilespmem:v7+s17+$0x0], $0xffff  }
0x525: {  	v2 =	vadd.f32 v5, v2;
	v5 =	vadd.s32 $0x1A9B, v1  }
0x526: {  	v6 =	vld.idx.msk [tilespmem:v6+s17+$0x0], $0xffff  }
0x527: {  	v2 =	vadd.f32 v3, v2;
	v3 =	vadd.s32 $0x1A9C, v1  }
0x528: {  	v4 =	vld.idx.msk [tilespmem:v4+s17+$0x0], $0xffff  }
0x529: {  	v2 =	vadd.f32 v7, v2;
	v7 =	vadd.s32 $0x1A9D, v1  }
0x52a: {  	v5 =	vld.idx.msk [tilespmem:v5+s17+$0x0], $0xffff  }
0x52b: {  	v2 =	vadd.f32 v6, v2;
	v6 =	vadd.s32 $0x1A9E, v1  }
0x52c: {  	v3 =	vld.idx.msk [tilespmem:v3+s17+$0x0], $0xffff  }
0x52d: {  	v2 =	vadd.f32 v4, v2;
	v4 =	vadd.s32 $0x1A9F, v1  }
0x52e: {  	v7 =	vld.idx.msk [tilespmem:v7+s17+$0x0], $0xffff  }
0x52f: {  	v2 =	vadd.f32 v5, v2  }
0x530: {  	v5 =	vld.idx.msk [tilespmem:v6+s17+$0x0], $0xffff  }
0x531: {  	v2 =	vadd.f32 v3, v2  }
0x532: {  	v3 =	vld.idx.msk [tilespmem:v4+s17+$0x0], $0xffff  }
0x533: {  	v2 =	vadd.f32 v7, v2;
	_ =	sdelay $0x1  }
0x534: {  	v4 =	vadd.s32 $0x1BA0, v1;
	v2 =	vadd.f32 v5, v2;
	_ =	sdelay $0x1  }
0x535: {  	v6 =	vld [tilespmem:$0x87A0];
	v5 =	vadd.s32 $0x1BA1, v1;
	v2 =	vadd.f32 v3, v2  }
0x536: {  	v3 =	vld [tilespmem:$0x85A0]  }
0x537: {  	[tilespmem:$0xAB90] =	vst v2;
	v2 =	vadd.s32 $0x1BA2, v1  }
0x538: {  	v4 =	vld.idx.msk [tilespmem:v4+s17+$0x0], $0xffff  }
0x539: {  	v7 =	vadd.s32 $0x1BA3, v1  }
0x53a: {  	v5 =	vld.idx.msk [tilespmem:v5+s17+$0x0], $0xffff  }
0x53b: {  	v3 =	vadd.f32 v6, v3;
	v6 =	vadd.s32 $0x1BA4, v1  }
0x53c: {  	v2 =	vld.idx.msk [tilespmem:v2+s17+$0x0], $0xffff  }
0x53d: {  	v3 =	vadd.f32 v4, v3;
	v4 =	vadd.s32 $0x1BA5, v1  }
0x53e: {  	v7 =	vld.idx.msk [tilespmem:v7+s17+$0x0], $0xffff  }
0x53f: {  	v3 =	vadd.f32 v5, v3;
	v5 =	vadd.s32 $0x1BA6, v1  }
0x540: {  	v6 =	vld.idx.msk [tilespmem:v6+s17+$0x0], $0xffff  }
0x541: {  	v2 =	vadd.f32 v2, v3;
	v3 =	vadd.s32 $0x1BA7, v1  }
0x542: {  	v4 =	vld.idx.msk [tilespmem:v4+s17+$0x0], $0xffff  }
0x543: {  	v2 =	vadd.f32 v7, v2;
	v7 =	vadd.s32 $0x1BA8, v1  }
0x544: {  	v5 =	vld.idx.msk [tilespmem:v5+s17+$0x0], $0xffff  }
0x545: {  	v2 =	vadd.f32 v6, v2;
	v6 =	vadd.s32 $0x1BA9, v1  }
0x546: {  	v3 =	vld.idx.msk [tilespmem:v3+s17+$0x0], $0xffff  }
0x547: {  	v2 =	vadd.f32 v4, v2;
	v4 =	vadd.s32 $0x1BAA, v1  }
0x548: {  	v7 =	vld.idx.msk [tilespmem:v7+s17+$0x0], $0xffff  }
0x549: {  	v2 =	vadd.f32 v5, v2;
	v5 =	vadd.s32 $0x1BAB, v1  }
0x54a: {  	v6 =	vld.idx.msk [tilespmem:v6+s17+$0x0], $0xffff  }
0x54b: {  	v2 =	vadd.f32 v3, v2;
	v3 =	vadd.s32 $0x1BAC, v1  }
0x54c: {  	v4 =	vld.idx.msk [tilespmem:v4+s17+$0x0], $0xffff  }
0x54d: {  	v2 =	vadd.f32 v7, v2;
	v7 =	vadd.s32 $0x1BAD, v1  }
0x54e: {  	v5 =	vld.idx.msk [tilespmem:v5+s17+$0x0], $0xffff  }
0x54f: {  	v2 =	vadd.f32 v6, v2;
	v6 =	vadd.s32 $0x1BAE, v1  }
0x550: {  	v3 =	vld.idx.msk [tilespmem:v3+s17+$0x0], $0xffff  }
0x551: {  	v2 =	vadd.f32 v4, v2;
	v4 =	vadd.s32 $0x1BAF, v1  }
0x552: {  	v7 =	vld.idx.msk [tilespmem:v7+s17+$0x0], $0xffff  }
0x553: {  	v2 =	vadd.f32 v5, v2  }
0x554: {  	v5 =	vld.idx.msk [tilespmem:v6+s17+$0x0], $0xffff  }
0x555: {  	v2 =	vadd.f32 v3, v2  }
0x556: {  	v3 =	vld.idx.msk [tilespmem:v4+s17+$0x0], $0xffff  }
0x557: {  	v2 =	vadd.f32 v7, v2;
	_ =	sdelay $0x1  }
0x558: {  	v4 =	vadd.s32 $0x1CB0, v1;
	v2 =	vadd.f32 v5, v2;
	_ =	sdelay $0x1  }
0x559: {  	v6 =	vld [tilespmem:$0x87B0];
	v5 =	vadd.s32 $0x1CB1, v1;
	v2 =	vadd.f32 v3, v2  }
0x55a: {  	v3 =	vld [tilespmem:$0x85B0]  }
0x55b: {  	[tilespmem:$0xABA0] =	vst v2;
	v2 =	vadd.s32 $0x1CB2, v1  }
0x55c: {  	v4 =	vld.idx.msk [tilespmem:v4+s17+$0x0], $0xffff  }
0x55d: {  	v7 =	vadd.s32 $0x1CB3, v1  }
0x55e: {  	v5 =	vld.idx.msk [tilespmem:v5+s17+$0x0], $0xffff  }
0x55f: {  	v3 =	vadd.f32 v6, v3;
	v6 =	vadd.s32 $0x1CB4, v1  }
0x560: {  	v2 =	vld.idx.msk [tilespmem:v2+s17+$0x0], $0xffff  }
0x561: {  	v3 =	vadd.f32 v4, v3;
	v4 =	vadd.s32 $0x1CB5, v1  }
0x562: {  	v7 =	vld.idx.msk [tilespmem:v7+s17+$0x0], $0xffff  }
0x563: {  	v3 =	vadd.f32 v5, v3;
	v5 =	vadd.s32 $0x1CB6, v1  }
0x564: {  	v6 =	vld.idx.msk [tilespmem:v6+s17+$0x0], $0xffff  }
0x565: {  	v2 =	vadd.f32 v2, v3;
	v3 =	vadd.s32 $0x1CB7, v1  }
0x566: {  	v4 =	vld.idx.msk [tilespmem:v4+s17+$0x0], $0xffff  }
0x567: {  	v2 =	vadd.f32 v7, v2;
	v7 =	vadd.s32 $0x1CB8, v1  }
0x568: {  	v5 =	vld.idx.msk [tilespmem:v5+s17+$0x0], $0xffff  }
0x569: {  	v2 =	vadd.f32 v6, v2;
	v6 =	vadd.s32 $0x1CB9, v1  }
0x56a: {  	v3 =	vld.idx.msk [tilespmem:v3+s17+$0x0], $0xffff  }
0x56b: {  	v2 =	vadd.f32 v4, v2;
	v4 =	vadd.s32 $0x1CBA, v1  }
0x56c: {  	v7 =	vld.idx.msk [tilespmem:v7+s17+$0x0], $0xffff  }
0x56d: {  	v2 =	vadd.f32 v5, v2;
	v5 =	vadd.s32 $0x1CBB, v1  }
0x56e: {  	v6 =	vld.idx.msk [tilespmem:v6+s17+$0x0], $0xffff  }
0x56f: {  	v2 =	vadd.f32 v3, v2;
	v3 =	vadd.s32 $0x1CBC, v1  }
0x570: {  	v4 =	vld.idx.msk [tilespmem:v4+s17+$0x0], $0xffff  }
0x571: {  	v2 =	vadd.f32 v7, v2;
	v7 =	vadd.s32 $0x1CBD, v1  }
0x572: {  	v5 =	vld.idx.msk [tilespmem:v5+s17+$0x0], $0xffff  }
0x573: {  	v2 =	vadd.f32 v6, v2;
	v6 =	vadd.s32 $0x1CBE, v1  }
0x574: {  	v3 =	vld.idx.msk [tilespmem:v3+s17+$0x0], $0xffff  }
0x575: {  	v2 =	vadd.f32 v4, v2;
	v4 =	vadd.s32 $0x1CBF, v1  }
0x576: {  	v7 =	vld.idx.msk [tilespmem:v7+s17+$0x0], $0xffff  }
0x577: {  	v2 =	vadd.f32 v5, v2  }
0x578: {  	v5 =	vld.idx.msk [tilespmem:v6+s17+$0x0], $0xffff  }
0x579: {  	v2 =	vadd.f32 v3, v2  }
0x57a: {  	v3 =	vld.idx.msk [tilespmem:v4+s17+$0x0], $0xffff  }
0x57b: {  	v2 =	vadd.f32 v7, v2;
	_ =	sdelay $0x1  }
0x57c: {  	v4 =	vadd.s32 $0x1DC0, v1;
	v2 =	vadd.f32 v5, v2;
	_ =	sdelay $0x1  }
0x57d: {  	v6 =	vld [tilespmem:$0x87C0];
	v5 =	vadd.s32 $0x1DC1, v1;
	v2 =	vadd.f32 v3, v2  }
0x57e: {  	v3 =	vld [tilespmem:$0x85C0]  }
0x57f: {  	[tilespmem:$0xABB0] =	vst v2;
	v2 =	vadd.s32 $0x1DC2, v1  }
0x580: {  	v4 =	vld.idx.msk [tilespmem:v4+s17+$0x0], $0xffff  }
0x581: {  	v7 =	vadd.s32 $0x1DC3, v1  }
0x582: {  	v5 =	vld.idx.msk [tilespmem:v5+s17+$0x0], $0xffff  }
0x583: {  	v3 =	vadd.f32 v6, v3;
	v6 =	vadd.s32 $0x1DC4, v1  }
0x584: {  	v2 =	vld.idx.msk [tilespmem:v2+s17+$0x0], $0xffff  }
0x585: {  	v3 =	vadd.f32 v4, v3;
	v4 =	vadd.s32 $0x1DC5, v1  }
0x586: {  	v7 =	vld.idx.msk [tilespmem:v7+s17+$0x0], $0xffff  }
0x587: {  	v3 =	vadd.f32 v5, v3;
	v5 =	vadd.s32 $0x1DC6, v1  }
0x588: {  	v6 =	vld.idx.msk [tilespmem:v6+s17+$0x0], $0xffff  }
0x589: {  	v2 =	vadd.f32 v2, v3;
	v3 =	vadd.s32 $0x1DC7, v1  }
0x58a: {  	v4 =	vld.idx.msk [tilespmem:v4+s17+$0x0], $0xffff  }
0x58b: {  	v2 =	vadd.f32 v7, v2;
	v7 =	vadd.s32 $0x1DC8, v1  }
0x58c: {  	v5 =	vld.idx.msk [tilespmem:v5+s17+$0x0], $0xffff  }
0x58d: {  	v2 =	vadd.f32 v6, v2;
	v6 =	vadd.s32 $0x1DC9, v1  }
0x58e: {  	v3 =	vld.idx.msk [tilespmem:v3+s17+$0x0], $0xffff  }
0x58f: {  	v2 =	vadd.f32 v4, v2;
	v4 =	vadd.s32 $0x1DCA, v1  }
0x590: {  	v7 =	vld.idx.msk [tilespmem:v7+s17+$0x0], $0xffff  }
0x591: {  	v2 =	vadd.f32 v5, v2;
	v5 =	vadd.s32 $0x1DCB, v1  }
0x592: {  	v6 =	vld.idx.msk [tilespmem:v6+s17+$0x0], $0xffff  }
0x593: {  	v2 =	vadd.f32 v3, v2;
	v3 =	vadd.s32 $0x1DCC, v1  }
0x594: {  	v4 =	vld.idx.msk [tilespmem:v4+s17+$0x0], $0xffff  }
0x595: {  	v2 =	vadd.f32 v7, v2;
	v7 =	vadd.s32 $0x1DCD, v1  }
0x596: {  	v5 =	vld.idx.msk [tilespmem:v5+s17+$0x0], $0xffff  }
0x597: {  	v2 =	vadd.f32 v6, v2;
	v6 =	vadd.s32 $0x1DCE, v1  }
0x598: {  	v3 =	vld.idx.msk [tilespmem:v3+s17+$0x0], $0xffff  }
0x599: {  	v2 =	vadd.f32 v4, v2;
	v4 =	vadd.s32 $0x1DCF, v1  }
0x59a: {  	v7 =	vld.idx.msk [tilespmem:v7+s17+$0x0], $0xffff  }
0x59b: {  	v2 =	vadd.f32 v5, v2  }
0x59c: {  	v5 =	vld.idx.msk [tilespmem:v6+s17+$0x0], $0xffff  }
0x59d: {  	v2 =	vadd.f32 v3, v2  }
0x59e: {  	v3 =	vld.idx.msk [tilespmem:v4+s17+$0x0], $0xffff  }
0x59f: {  	v2 =	vadd.f32 v7, v2;
	_ =	sdelay $0x1  }
0x5a0: {  	v4 =	vadd.s32 $0x1ED0, v1;
	v2 =	vadd.f32 v5, v2;
	_ =	sdelay $0x1  }
0x5a1: {  	v6 =	vld [tilespmem:$0x87D0];
	v5 =	vadd.s32 $0x1ED1, v1;
	v2 =	vadd.f32 v3, v2  }
0x5a2: {  	v3 =	vld [tilespmem:$0x85D0]  }
0x5a3: {  	[tilespmem:$0xABC0] =	vst v2;
	v2 =	vadd.s32 $0x1ED2, v1  }
0x5a4: {  	v4 =	vld.idx.msk [tilespmem:v4+s17+$0x0], $0xffff  }
0x5a5: {  	v7 =	vadd.s32 $0x1ED3, v1  }
0x5a6: {  	v5 =	vld.idx.msk [tilespmem:v5+s17+$0x0], $0xffff  }
0x5a7: {  	v3 =	vadd.f32 v6, v3;
	v6 =	vadd.s32 $0x1ED4, v1  }
0x5a8: {  	v2 =	vld.idx.msk [tilespmem:v2+s17+$0x0], $0xffff  }
0x5a9: {  	v3 =	vadd.f32 v4, v3;
	v4 =	vadd.s32 $0x1ED5, v1  }
0x5aa: {  	v7 =	vld.idx.msk [tilespmem:v7+s17+$0x0], $0xffff  }
0x5ab: {  	v3 =	vadd.f32 v5, v3;
	v5 =	vadd.s32 $0x1ED6, v1  }
0x5ac: {  	v6 =	vld.idx.msk [tilespmem:v6+s17+$0x0], $0xffff  }
0x5ad: {  	v2 =	vadd.f32 v2, v3;
	v3 =	vadd.s32 $0x1ED7, v1  }
0x5ae: {  	v4 =	vld.idx.msk [tilespmem:v4+s17+$0x0], $0xffff  }
0x5af: {  	v2 =	vadd.f32 v7, v2;
	v7 =	vadd.s32 $0x1ED8, v1  }
0x5b0: {  	v5 =	vld.idx.msk [tilespmem:v5+s17+$0x0], $0xffff  }
0x5b1: {  	v2 =	vadd.f32 v6, v2;
	v6 =	vadd.s32 $0x1ED9, v1  }
0x5b2: {  	v3 =	vld.idx.msk [tilespmem:v3+s17+$0x0], $0xffff  }
0x5b3: {  	v2 =	vadd.f32 v4, v2;
	v4 =	vadd.s32 $0x1EDA, v1  }
0x5b4: {  	v7 =	vld.idx.msk [tilespmem:v7+s17+$0x0], $0xffff  }
0x5b5: {  	v2 =	vadd.f32 v5, v2;
	v5 =	vadd.s32 $0x1EDB, v1  }
0x5b6: {  	v6 =	vld.idx.msk [tilespmem:v6+s17+$0x0], $0xffff  }
0x5b7: {  	v2 =	vadd.f32 v3, v2;
	v3 =	vadd.s32 $0x1EDC, v1  }
0x5b8: {  	v4 =	vld.idx.msk [tilespmem:v4+s17+$0x0], $0xffff  }
0x5b9: {  	v2 =	vadd.f32 v7, v2;
	v7 =	vadd.s32 $0x1EDD, v1  }
0x5ba: {  	v5 =	vld.idx.msk [tilespmem:v5+s17+$0x0], $0xffff  }
0x5bb: {  	v2 =	vadd.f32 v6, v2;
	v6 =	vadd.s32 $0x1EDE, v1  }
0x5bc: {  	v3 =	vld.idx.msk [tilespmem:v3+s17+$0x0], $0xffff  }
0x5bd: {  	v2 =	vadd.f32 v4, v2;
	v4 =	vadd.s32 $0x1EDF, v1  }
0x5be: {  	v7 =	vld.idx.msk [tilespmem:v7+s17+$0x0], $0xffff  }
0x5bf: {  	v2 =	vadd.f32 v5, v2  }
0x5c0: {  	v5 =	vld.idx.msk [tilespmem:v6+s17+$0x0], $0xffff  }
0x5c1: {  	v2 =	vadd.f32 v3, v2  }
0x5c2: {  	v3 =	vld.idx.msk [tilespmem:v4+s17+$0x0], $0xffff  }
0x5c3: {  	v2 =	vadd.f32 v7, v2;
	_ =	sdelay $0x1  }
0x5c4: {  	v4 =	vadd.s32 $0x1FE0, v1;
	v2 =	vadd.f32 v5, v2;
	_ =	sdelay $0x1  }
0x5c5: {  	v6 =	vld [tilespmem:$0x87E0];
	v5 =	vadd.s32 $0x1FE1, v1;
	v2 =	vadd.f32 v3, v2  }
0x5c6: {  	v3 =	vld [tilespmem:$0x85E0]  }
0x5c7: {  	[tilespmem:$0xABD0] =	vst v2;
	v2 =	vadd.s32 $0x1FE2, v1  }
0x5c8: {  	v4 =	vld.idx.msk [tilespmem:v4+s17+$0x0], $0xffff  }
0x5c9: {  	v7 =	vadd.s32 $0x1FE3, v1  }
0x5ca: {  	v5 =	vld.idx.msk [tilespmem:v5+s17+$0x0], $0xffff  }
0x5cb: {  	v3 =	vadd.f32 v6, v3;
	v6 =	vadd.s32 $0x1FE4, v1  }
0x5cc: {  	v2 =	vld.idx.msk [tilespmem:v2+s17+$0x0], $0xffff  }
0x5cd: {  	v3 =	vadd.f32 v4, v3;
	v4 =	vadd.s32 $0x1FE5, v1  }
0x5ce: {  	v7 =	vld.idx.msk [tilespmem:v7+s17+$0x0], $0xffff  }
0x5cf: {  	v3 =	vadd.f32 v5, v3;
	v5 =	vadd.s32 $0x1FE6, v1  }
0x5d0: {  	v6 =	vld.idx.msk [tilespmem:v6+s17+$0x0], $0xffff  }
0x5d1: {  	v2 =	vadd.f32 v2, v3;
	v3 =	vadd.s32 $0x1FE7, v1  }
0x5d2: {  	v4 =	vld.idx.msk [tilespmem:v4+s17+$0x0], $0xffff  }
0x5d3: {  	v2 =	vadd.f32 v7, v2;
	v7 =	vadd.s32 $0x1FE8, v1  }
0x5d4: {  	v5 =	vld.idx.msk [tilespmem:v5+s17+$0x0], $0xffff  }
0x5d5: {  	v2 =	vadd.f32 v6, v2;
	v6 =	vadd.s32 $0x1FE9, v1  }
0x5d6: {  	v3 =	vld.idx.msk [tilespmem:v3+s17+$0x0], $0xffff  }
0x5d7: {  	v2 =	vadd.f32 v4, v2;
	v4 =	vadd.s32 $0x1FEA, v1  }
0x5d8: {  	v7 =	vld.idx.msk [tilespmem:v7+s17+$0x0], $0xffff  }
0x5d9: {  	v2 =	vadd.f32 v5, v2;
	v5 =	vadd.s32 $0x1FEB, v1  }
0x5da: {  	v6 =	vld.idx.msk [tilespmem:v6+s17+$0x0], $0xffff  }
0x5db: {  	v2 =	vadd.f32 v3, v2;
	v3 =	vadd.s32 $0x1FEC, v1  }
0x5dc: {  	v4 =	vld.idx.msk [tilespmem:v4+s17+$0x0], $0xffff  }
0x5dd: {  	v2 =	vadd.f32 v7, v2;
	v7 =	vadd.s32 $0x1FED, v1  }
0x5de: {  	v5 =	vld.idx.msk [tilespmem:v5+s17+$0x0], $0xffff  }
0x5df: {  	v2 =	vadd.f32 v6, v2;
	v6 =	vadd.s32 $0x1FEE, v1  }
0x5e0: {  	v3 =	vld.idx.msk [tilespmem:v3+s17+$0x0], $0xffff  }
0x5e1: {  	v2 =	vadd.f32 v4, v2;
	v4 =	vadd.s32 $0x1FEF, v1  }
0x5e2: {  	v7 =	vld.idx.msk [tilespmem:v7+s17+$0x0], $0xffff  }
0x5e3: {  	v2 =	vadd.f32 v5, v2  }
0x5e4: {  	v5 =	vld.idx.msk [tilespmem:v6+s17+$0x0], $0xffff  }
0x5e5: {  	v2 =	vadd.f32 v3, v2  }
0x5e6: {  	v3 =	vld.idx.msk [tilespmem:v4+s17+$0x0], $0xffff  }
0x5e7: {  	v2 =	vadd.f32 v7, v2;
	_ =	sdelay $0x1  }
0x5e8: {  	v4 =	vadd.s32 $0x20F0, v1;
	v2 =	vadd.f32 v5, v2;
	_ =	sdelay $0x1  }
0x5e9: {  	v6 =	vld [tilespmem:$0x87F0];
	v5 =	vadd.s32 $0x20F1, v1;
	v2 =	vadd.f32 v3, v2  }
0x5ea: {  	v3 =	vld [tilespmem:$0x85F0]  }
0x5eb: {  	[tilespmem:$0xABE0] =	vst v2;
	v2 =	vadd.s32 $0x20F2, v1  }
0x5ec: {  	v4 =	vld.idx.msk [tilespmem:v4+s17+$0x0], $0xffff  }
0x5ed: {  	v7 =	vadd.s32 $0x20F3, v1  }
0x5ee: {  	v5 =	vld.idx.msk [tilespmem:v5+s17+$0x0], $0xffff  }
0x5ef: {  	v3 =	vadd.f32 v6, v3;
	v6 =	vadd.s32 $0x20F4, v1  }
0x5f0: {  	v2 =	vld.idx.msk [tilespmem:v2+s17+$0x0], $0xffff  }
0x5f1: {  	v3 =	vadd.f32 v4, v3;
	v4 =	vadd.s32 $0x20F5, v1  }
0x5f2: {  	v7 =	vld.idx.msk [tilespmem:v7+s17+$0x0], $0xffff  }
0x5f3: {  	v3 =	vadd.f32 v5, v3;
	v5 =	vadd.s32 $0x20F6, v1  }
0x5f4: {  	v6 =	vld.idx.msk [tilespmem:v6+s17+$0x0], $0xffff  }
0x5f5: {  	v2 =	vadd.f32 v2, v3;
	v3 =	vadd.s32 $0x20F7, v1  }
0x5f6: {  	v4 =	vld.idx.msk [tilespmem:v4+s17+$0x0], $0xffff  }
0x5f7: {  	v2 =	vadd.f32 v7, v2;
	v7 =	vadd.s32 $0x20F8, v1  }
0x5f8: {  	v5 =	vld.idx.msk [tilespmem:v5+s17+$0x0], $0xffff  }
0x5f9: {  	v2 =	vadd.f32 v6, v2;
	v6 =	vadd.s32 $0x20F9, v1  }
0x5fa: {  	v3 =	vld.idx.msk [tilespmem:v3+s17+$0x0], $0xffff  }
0x5fb: {  	v2 =	vadd.f32 v4, v2;
	v4 =	vadd.s32 $0x20FA, v1  }
0x5fc: {  	v7 =	vld.idx.msk [tilespmem:v7+s17+$0x0], $0xffff  }
0x5fd: {  	v2 =	vadd.f32 v5, v2;
	v5 =	vadd.s32 $0x20FB, v1  }
0x5fe: {  	v6 =	vld.idx.msk [tilespmem:v6+s17+$0x0], $0xffff  }
0x5ff: {  	v2 =	vadd.f32 v3, v2;
	v3 =	vadd.s32 $0x20FC, v1  }
0x600: {  	v4 =	vld.idx.msk [tilespmem:v4+s17+$0x0], $0xffff  }
0x601: {  	v2 =	vadd.f32 v7, v2;
	v7 =	vadd.s32 $0x20FD, v1  }
0x602: {  	v5 =	vld.idx.msk [tilespmem:v5+s17+$0x0], $0xffff  }
0x603: {  	v2 =	vadd.f32 v6, v2;
	v6 =	vadd.s32 $0x20FE, v1  }
0x604: {  	v3 =	vld.idx.msk [tilespmem:v3+s17+$0x0], $0xffff  }
0x605: {  	v2 =	vadd.f32 v4, v2;
	v4 =	vadd.s32 $0x20FF, v1  }
0x606: {  	v7 =	vld.idx.msk [tilespmem:v7+s17+$0x0], $0xffff  }
0x607: {  	v2 =	vadd.f32 v5, v2  }
0x608: {  	v5 =	vld.idx.msk [tilespmem:v6+s17+$0x0], $0xffff  }
0x609: {  	v2 =	vadd.f32 v3, v2  }
0x60a: {  	v3 =	vld.idx.msk [tilespmem:v4+s17+$0x0], $0xffff  }
0x60b: {  	v2 =	vadd.f32 v7, v2;
	_ =	sdelay $0x1  }
0x60c: {  	v2 =	vadd.f32 v5, v2;
	_ =	sdelay $0x1  }
0x60d: {  	s20 =	sadd.s32 $0x1, s20;
	v2 =	vadd.f32 v3, v2  }
0x60e: {  	p0 =	sne.s32 s20, s10  }
.Ltmp4:
0x60f: {  	[tilespmem:$0xABF0] =	vst v2;
	(pc) =	sbr.rel @p0 .LBB2_1-.Ltmp4, $4  }
0x610: {  	[hbm4b:s9+s3] =	stream.linear.scatter [tilespmem:s18], [sflag:$0x2], $0x200, $0x38;
	[tilespmem:$0xAC00] =	vst v63  }
0x611: {  	_ =	swait.ge [sflag:s11], $0x200  }
0x612: {  	[sflag:s11] =	ssyncset.done $0x0  }
0x613: {  	[sflag:s11] =	ssyncadd.s32 $0xFFFFFE00  }
0x614: {  	_ =	sfence.sel $0x180000  }
0x615: {  	[bflag:$0x0] =	sbarrier.arrive $0xFFFF  }
0x616: {  	_ =	strace $0x90000047  }
0x617: {  	s0 =	stileid.u32;
	[bflag:$0x2] =	sbarrier.arrive $0xFFFF  }
0x618: {  	p0 =	sne.s32 s0, $0x0;
	s0 =	rddreg [dreg:$0x6]  }
0x619: {  	s0 =	sadd.s32 @!p0 $0x100000, s0  }
0x61a: {  	[sflag:s0] =	ssyncadd.tile.s32 @!p0 $0x1;
	_ =	shalt  }
.Lfunc_end2:
_tile_overlayer_lowered:
.L_overlay_start_2:
0x61b: {  	(tag) =	ssettag $0x2  }
0x61c: {  	s0 =	rddreg [dreg:$0x0];
	s2 =	stileid.u32  }
0x61d: {  	s1 =	rddreg [dreg:$0x1];
	p0 =	sne.s32 s2, $0x0  }
0x61e: {  	s3 =	rddreg [dreg:$0x2];
	[bflag:$0x3] =	sbarrier.arrive $0xFFFF;
	s2 =	simm.s32 @!p0 $0x1C02  }
0x61f: {  	[timem:s3], [sflag:s2] =	dma.local @!p0 [hbm:s0], s1  }
0x620: {  	s0 =	simm.s32 @!p0 $0x2  }
0x621: {  	_ =	swait.ge @!p0 [sflag:s0], s1  }
0x622: {  	s1 =	ssub.s32 @!p0 $0x0, s1;
	[sflag:s0] =	ssyncset.done @!p0 $0x0  }
0x623: {  	[sflag:s0] =	ssyncadd.s32 @!p0 s1  }
0x624: {  	[bflag:$0x3] =	sbarrier.arrive $0xFFFF  }
0x625: {  	_ =	shalt  }

</sc_bundles>
